<compile_context>
chip_gen: v7x
topology: tpu7x:2x2x1
jax: 0.10.2.dev20260603
libtpu: 0.0.44.dev20260713+nightly
codegen_flags: <defaults>
</compile_context>

<pallas_src>
import functools

import jax
import jax.numpy as jnp
from jax import lax
from jax.experimental import pallas as pl
from jax.experimental.pallas import tpu as pltpu
from jax.experimental.pallas import tpu_sc as plsc

_NC = 2
_NS = 16
_NW = _NC * _NS
_CHUNK = 128
_R = 256


def _sc_mesh():
    return plsc.VectorSubcoreMesh(core_axis_name="c", subcore_axis_name="s")


def _make_deg_kernel(NP, CPW):
    rows_pt = NP // _NS
    zc = rows_pt // _CHUNK

    @functools.partial(
        pl.kernel,
        out_type=jax.ShapeDtypeStruct((_NC, NP), jnp.float32),
        mesh=_sc_mesh(),
        scratch_types=[
            pltpu.VMEM((CPW, _CHUNK), jnp.int32),
            pltpu.VMEM((_CHUNK,), jnp.float32),
            pltpu.VMEM((_CHUNK,), jnp.float32),
            pltpu.VMEM((rows_pt,), jnp.float32),
            pltpu.VMEM_SHARED((NP,), jnp.float32),
        ],
    )
    def deg_kernel(dst_hbm, out_hbm, didx, ones_v, zeros_v, stage_v, acc_sp):
        c = lax.axis_index("c")
        s = lax.axis_index("s")
        w = c * _NS + s
        for j in range(_CHUNK // 16):
            ones_v[pl.ds(j * 16, 16)] = jnp.full((16,), 1.0, jnp.float32)
            zeros_v[pl.ds(j * 16, 16)] = jnp.zeros((16,), jnp.float32)
        base = pl.multiple_of(s * rows_pt, _CHUNK)
        for t in range(zc):
            pltpu.sync_copy(zeros_v, acc_sp.at[pl.ds(base + t * _CHUNK, _CHUNK)])
        plsc.subcore_barrier()
        pltpu.sync_copy(dst_hbm.at[pl.ds(w * CPW, CPW)], didx)

        def body(ci, carry):
            pltpu.sync_copy(ones_v, acc_sp.at[didx.at[ci]], add=True)
            return carry

        lax.fori_loop(0, CPW, body, 0)
        plsc.subcore_barrier()
        pltpu.sync_copy(acc_sp.at[pl.ds(base, rows_pt)], stage_v)
        pltpu.sync_copy(stage_v, out_hbm.at[c, pl.ds(base, rows_pt)])

    return deg_kernel


def _make_agg_kernel(NP, H, CPW):
    rows_pt = NP // _NS
    zc = rows_pt // _CHUNK

    NB = 4

    @functools.partial(
        pl.kernel,
        out_type=jax.ShapeDtypeStruct((_NC, NP, H), jnp.float32),
        mesh=_sc_mesh(),
        compiler_params=pltpu.CompilerParams(use_tc_tiling_on_sc=False),
        scratch_types=[
            pltpu.VMEM((CPW, _CHUNK), jnp.int32),
            pltpu.VMEM((CPW, _CHUNK), jnp.int32),
            [pltpu.VMEM((_CHUNK, H), jnp.float32) for _ in range(NB)],
            pltpu.VMEM_SHARED((NP, H), jnp.float32),
            [pltpu.SemaphoreType.DMA for _ in range(NB)],
            [pltpu.SemaphoreType.DMA for _ in range(NB)],
        ],
    )
    def agg_kernel(u_hbm, src_hbm, dst_hbm, out_hbm,
                   sidx, didx, bufs, acc_sp, gsems, tsems):
        c = lax.axis_index("c")
        s = lax.axis_index("s")
        w = c * _NS + s

        def zrow(i, carry):
            for j in range(H // 16):
                bufs[0][i, pl.ds(j * 16, 16)] = jnp.zeros((16,), jnp.float32)
            return carry

        lax.fori_loop(0, _CHUNK, zrow, 0)
        base = pl.multiple_of(s * rows_pt, _CHUNK)
        for t in range(zc):
            pltpu.sync_copy(bufs[0],
                            acc_sp.at[pl.ds(base + t * _CHUNK, _CHUNK)])
        plsc.subcore_barrier()
        pltpu.sync_copy(src_hbm.at[pl.ds(w * CPW, CPW)], sidx)
        pltpu.sync_copy(dst_hbm.at[pl.ds(w * CPW, CPW)], didx)

        rounds = CPW // NB

        def gathers(p):
            for j in range(NB):
                pltpu.async_copy(u_hbm.at[sidx.at[p * NB + j]], bufs[j],
                                 gsems[j])

        def scatters(p):
            for j in range(NB):
                pltpu.make_async_copy(u_hbm.at[sidx.at[0]], bufs[j],
                                      gsems[j]).wait()
                pltpu.async_copy(bufs[j], acc_sp.at[didx.at[p * NB + j]],
                                 tsems[j], add=True)

        gathers(0)

        def body(p, carry):
            scatters(p)
            for j in range(NB):
                pltpu.make_async_copy(bufs[j], acc_sp.at[didx.at[0]],
                                      tsems[j]).wait()
                pltpu.async_copy(u_hbm.at[sidx.at[(p + 1) * NB + j]],
                                 bufs[j], gsems[j])
            return carry

        lax.fori_loop(0, rounds - 1, body, 0)
        scatters(rounds - 1)
        for j in range(NB):
            pltpu.make_async_copy(bufs[j], acc_sp.at[didx.at[0]],
                                  tsems[j]).wait()
        plsc.subcore_barrier()

        def copyout(t, carry):
            off = pl.multiple_of(base + t * _CHUNK, _CHUNK)
            pltpu.sync_copy(acc_sp.at[pl.ds(off, _CHUNK)], bufs[0])
            pltpu.sync_copy(bufs[0], out_hbm.at[c, pl.ds(off, _CHUNK)])
            return carry

        lax.fori_loop(0, zc, copyout, 0)

    return agg_kernel


def _tc_pre(xp, W1, deg0, deg1, NP, N):
    D = xp.shape[1]
    H = W1.shape[1]

    def body(x_ref, w_ref, d0_ref, d1_ref, dinv_ref, u_ref):
        i = pl.program_id(0)
        d = d0_ref[...] + d1_ref[...] + 1.0
        rows = lax.broadcasted_iota(jnp.int32, (_R, 1), 0) + i * _R
        dinv = jnp.where(rows < N, lax.rsqrt(d), 0.0)
        dinv_ref[...] = dinv
        u_ref[...] = dinv * jnp.dot(x_ref[...], w_ref[...],
                                    preferred_element_type=jnp.float32)

    return pl.pallas_call(
        body,
        grid=(NP // _R,),
        in_specs=[
            pl.BlockSpec((_R, D), lambda i: (i, 0)),
            pl.BlockSpec((D, H), lambda i: (0, 0)),
            pl.BlockSpec((_R, 1), lambda i: (i, 0)),
            pl.BlockSpec((_R, 1), lambda i: (i, 0)),
        ],
        out_specs=[
            pl.BlockSpec((_R, 1), lambda i: (i, 0)),
            pl.BlockSpec((_R, H), lambda i: (i, 0)),
        ],
        out_shape=[
            jax.ShapeDtypeStruct((NP, 1), jnp.float32),
            jax.ShapeDtypeStruct((NP, H), jnp.float32),
        ],
    )(xp, W1, deg0, deg1)


def _tc_layer(p, u, dinv, b, Wn, NP):
    H = u.shape[1]
    Hn = Wn.shape[1]

    def body(p0_ref, p1_ref, u_ref, dinv_ref, b_ref, w_ref, un_ref):
        dinv = dinv_ref[...]
        h = jnp.maximum((p0_ref[...] + p1_ref[...] + u_ref[...]) * dinv
                        + b_ref[...], 0.0)
        un_ref[...] = dinv * jnp.dot(h, w_ref[...],
                                     preferred_element_type=jnp.float32)

    return pl.pallas_call(
        body,
        grid=(NP // _R,),
        in_specs=[
            pl.BlockSpec((_R, H), lambda i: (i, 0)),
            pl.BlockSpec((_R, H), lambda i: (i, 0)),
            pl.BlockSpec((_R, H), lambda i: (i, 0)),
            pl.BlockSpec((_R, 1), lambda i: (i, 0)),
            pl.BlockSpec((1, H), lambda i: (0, 0)),
            pl.BlockSpec((H, Hn), lambda i: (0, 0)),
        ],
        out_specs=pl.BlockSpec((_R, Hn), lambda i: (i, 0)),
        out_shape=jax.ShapeDtypeStruct((NP, Hn), jnp.float32),
    )(p[0], p[1], u, dinv, b, Wn)


def _tc_head(p, u, dinv, b3, Wp1, bp1, Wp2, bp2, NP):
    H = u.shape[1]
    Hh = Wp1.shape[1]

    def body(p0_ref, p1_ref, u_ref, dinv_ref, b3_ref, w1_ref, b1_ref,
             w2_ref, b2_ref, out_ref):
        dinv = dinv_ref[...]
        h3 = jnp.maximum((p0_ref[...] + p1_ref[...] + u_ref[...]) * dinv
                         + b3_ref[...], 0.0)
        hp = jnp.maximum(jnp.dot(h3, w1_ref[...],
                                 preferred_element_type=jnp.float32)
                         + b1_ref[...], 0.0)
        out_ref[...] = jnp.dot(hp, w2_ref[...],
                               preferred_element_type=jnp.float32) + b2_ref[...]

    return pl.pallas_call(
        body,
        grid=(NP // _R,),
        in_specs=[
            pl.BlockSpec((_R, H), lambda i: (i, 0)),
            pl.BlockSpec((_R, H), lambda i: (i, 0)),
            pl.BlockSpec((_R, H), lambda i: (i, 0)),
            pl.BlockSpec((_R, 1), lambda i: (i, 0)),
            pl.BlockSpec((1, H), lambda i: (0, 0)),
            pl.BlockSpec((H, Hh), lambda i: (0, 0)),
            pl.BlockSpec((1, Hh), lambda i: (0, 0)),
            pl.BlockSpec((Hh, 1), lambda i: (0, 0)),
            pl.BlockSpec((1, 1), lambda i: (0, 0)),
        ],
        out_specs=pl.BlockSpec((_R, 1), lambda i: (i, 0)),
        out_shape=jax.ShapeDtypeStruct((NP, 1), jnp.float32),
    )(p[0], p[1], u, dinv, b3, Wp1, bp1, Wp2, bp2)


def kernel(x, edge_index, batch, W1, b1, W2, b2, W3, b3, Wp1, bp1, Wp2, bp2):
    N, D = x.shape
    H = W1.shape[1]
    E = edge_index.shape[1]

    NP = ((N + 1 + _R - 1) // _R) * _R
    grain = _NW * _CHUNK * 8
    EP = ((E + grain - 1) // grain) * grain
    CPW = EP // (_NW * _CHUNK)

    xp = jnp.pad(x, ((0, NP - N), (0, 0)))
    pad = EP - E
    pad_ids = N + jnp.arange(pad, dtype=jnp.int32) % (NP - N)
    srcp = jnp.concatenate(
        [edge_index[0], pad_ids]).reshape(EP // _CHUNK, _CHUNK)
    dstp = jnp.concatenate(
        [edge_index[1], pad_ids]).reshape(EP // _CHUNK, _CHUNK)
    b1r = b1.reshape(1, H)
    b2r = b2.reshape(1, H)
    b3r = b3.reshape(1, H)
    bp1r = bp1.reshape(1, -1)
    bp2r = bp2.reshape(1, 1)

    deg_p = _make_deg_kernel(NP, CPW)(dstp)
    deg01 = deg_p.reshape(_NC, NP, 1)

    dinv, u1 = _tc_pre(xp, W1, deg01[0], deg01[1], NP, N)

    agg = _make_agg_kernel(NP, H, CPW)

    p1_ = agg(u1, srcp, dstp)
    u2 = _tc_layer(p1_, u1, dinv, b1r, W2, NP)
    p2_ = agg(u2, srcp, dstp)
    u3 = _tc_layer(p2_, u2, dinv, b2r, W3, NP)
    p3_ = agg(u3, srcp, dstp)
    out = _tc_head(p3_, u3, dinv, b3r, Wp1, bp1r, Wp2, bp2r, NP)
    return out[:N]

# --- scband reference (transcript-rebuilt; emitter-appended) ---
"""Pipeline reference for scband-pdprediction-gnn-8624294331203 (READ-ONLY COPY).

The authoritative reference and input builder live on the scoring server;
editing this copy changes nothing except your own understanding.
"""

import jax, jax.numpy as jnp
import numpy as np

N = 10000
E = 640000
D_IN = 128
H = 64


def setup_inputs(seed: int = 0) -> dict:
    key = jax.random.key(seed)
    ks = jax.random.split(key, 16)
    x = jax.random.normal(ks[0], (N, D_IN), dtype=jnp.float32)
    edge_index = jax.random.randint(ks[1], (2, E), 0, N, dtype=jnp.int32)
    batch = jnp.zeros((N,), dtype=jnp.int32)
    # GCN layer weights (PyG GCNConv: y = norm_adj @ (x @ W) + b)
    W1 = jax.random.normal(ks[2], (D_IN, H), dtype=jnp.float32) * (1.0 / np.sqrt(D_IN))
    b1 = jnp.zeros((H,), dtype=jnp.float32)
    W2 = jax.random.normal(ks[3], (H, H), dtype=jnp.float32) * (1.0 / np.sqrt(H))
    b2 = jnp.zeros((H,), dtype=jnp.float32)
    W3 = jax.random.normal(ks[4], (H, H), dtype=jnp.float32) * (1.0 / np.sqrt(H))
    b3 = jnp.zeros((H,), dtype=jnp.float32)
    # predictor: Linear(H, H//2) -> ReLU -> Dropout -> Linear(H//2, 1)
    Wp1 = jax.random.normal(ks[5], (H, H // 2), dtype=jnp.float32) * (1.0 / np.sqrt(H))
    bp1 = jnp.zeros((H // 2,), dtype=jnp.float32)
    Wp2 = jax.random.normal(ks[6], (H // 2, 1), dtype=jnp.float32) * (1.0 / np.sqrt(H // 2))
    bp2 = jnp.zeros((1,), dtype=jnp.float32)
    return {"x": x, "edge_index": edge_index, "batch": batch,
            "W1": W1, "b1": b1, "W2": W2, "b2": b2, "W3": W3, "b3": b3,
            "Wp1": Wp1, "bp1": bp1, "Wp2": Wp2, "bp2": bp2}


def _gcn_conv(x, src, dst, W, b, n):
    # symmetric-normalized GCN aggregation with self-loops already in (src, dst)
    xw = x @ W
    deg = jnp.zeros((n,), dtype=x.dtype).at[dst].add(1.0)
    dinv = jnp.where(deg > 0, 1.0 / jnp.sqrt(deg), 0.0)
    norm = dinv[src] * dinv[dst]
    msg = xw[src] * norm[:, None]
    out = jax.ops.segment_sum(msg, dst, num_segments=n)
    return out + b


def reference(x, edge_index, batch, W1, b1, W2, b2, W3, b3, Wp1, bp1, Wp2, bp2):
    n = x.shape[0]
    loop = jnp.arange(n, dtype=edge_index.dtype)
    src = jnp.concatenate([edge_index[0], loop])
    dst = jnp.concatenate([edge_index[1], loop])
    h = jax.nn.relu(_gcn_conv(x, src, dst, W1, b1, n))
    # dropout is identity in eval mode
    h = jax.nn.relu(_gcn_conv(h, src, dst, W2, b2, n))
    h = jax.nn.relu(_gcn_conv(h, src, dst, W3, b3, n))
    h = jax.nn.relu(h @ Wp1 + bp1)
    out = h @ Wp2 + bp2
    return out

if __name__ == "__main__":
    import jax
    _d = setup_inputs()
    print(jax.jit(kernel)(*tuple(_d.values())))

</pallas_src>

<mosaic_0001>
#map = affine_map<(d0, d1) -> (0, 0)>
#map1 = affine_map<(d0, d1) -> (0, 0, 0)>
module attributes {stable_mosaic.version = 14 : i64} {
  func.func @agg_kernel(%arg0: i32, %arg1: i32, %arg2: memref<10240x64xf32, #tpu.memory_space<hbm>>, %arg3: memref<5120x128xi32, #tpu.memory_space<hbm>>, %arg4: memref<5120x128xi32, #tpu.memory_space<hbm>>, %arg5: memref<2x10240x64xf32, #tpu.memory_space<hbm>>, %arg6: memref<160x128xi32, #tpu.memory_space<vmem>>, %arg7: memref<160x128xi32, #tpu.memory_space<vmem>>, %arg8: memref<128x64xf32, #tpu.memory_space<vmem>>, %arg9: memref<128x64xf32, #tpu.memory_space<vmem>>, %arg10: memref<128x64xf32, #tpu.memory_space<vmem>>, %arg11: memref<128x64xf32, #tpu.memory_space<vmem>>, %arg12: memref<10240x64xf32, #tpu.memory_space<vmem_shared>>, %arg13: memref<!tpu.dma_semaphore, #tpu.memory_space<semaphore_mem>>, %arg14: memref<!tpu.dma_semaphore, #tpu.memory_space<semaphore_mem>>, %arg15: memref<!tpu.dma_semaphore, #tpu.memory_space<semaphore_mem>>, %arg16: memref<!tpu.dma_semaphore, #tpu.memory_space<semaphore_mem>>, %arg17: memref<!tpu.dma_semaphore, #tpu.memory_space<semaphore_mem>>, %arg18: memref<!tpu.dma_semaphore, #tpu.memory_space<semaphore_mem>>, %arg19: memref<!tpu.dma_semaphore, #tpu.memory_space<semaphore_mem>>, %arg20: memref<!tpu.dma_semaphore, #tpu.memory_space<semaphore_mem>>) attributes {dimension_semantics = [#tpu.dimension_semantics<core_parallel>, #tpu.dimension_semantics<subcore_parallel>], iteration_bounds = array<i64: 2, 16>, scalar_prefetch = 0 : i64, scratch_operands = 15 : i64, tpu.core_type = #tpu.core_type<sc_vector_subcore>, window_params = [{transform_indices = #map}, {transform_indices = #map}, {transform_indices = #map}, {transform_indices = #map1}]} {
    %mul3A = arith.constant 16 : i32
    %mul3A_0 = arith.muli %arg0, %mul3A : i32
    %add3A = arith.addi %mul3A_0, %arg1 : i32
    %scan3A = arith.constant 0 : i32
    %scan3A_1 = arith.constant 0 : i32
    %scan3A_2 = arith.constant 128 : i32
    %scan3A_3 = arith.addi %scan3A_1, %scan3A_2 : i32
    %scan3A_4 = arith.constant 1 : i32
    scf.for %scan3A_145 = %scan3A_1 to %scan3A_3 step %scan3A_4  : i32 {
      %broadcast_in_dim3A = arith.constant 0.000000e+00 : f32
      %broadcast_in_dim3A_146 = vector.broadcast %broadcast_in_dim3A : f32 to vector<16xf32>
      %swap3A = arith.index_cast %scan3A_145 : i32 to index
      %swap3A_147 = arith.constant 0 : index
      %swap3A_148 = tpu.vector_load %arg8[%swap3A, %swap3A_147] {strides = array<i32>} : memref<128x64xf32, #tpu.memory_space<vmem>>, vector<1x16xf32>,
      %swap3A_149 = vector.shape_cast %swap3A_148 : vector<1x16xf32> to vector<16xf32>
      %swap3A_150 = vector.shape_cast %broadcast_in_dim3A_146 : vector<16xf32> to vector<1x16xf32>
      tpu.vector_store %arg8[%swap3A, %swap3A_147], %swap3A_150 {strides = array<i32>} : memref<128x64xf32, #tpu.memory_space<vmem>>, vector<1x16xf32>,
      %broadcast_in_dim3A_151 = arith.constant 0.000000e+00 : f32
      %broadcast_in_dim3A_152 = vector.broadcast %broadcast_in_dim3A_151 : f32 to vector<16xf32>
      %swap3A_153 = arith.index_cast %scan3A_145 : i32 to index
      %swap3A_154 = arith.constant 16 : index
      %swap3A_155 = tpu.vector_load %arg8[%swap3A_153, %swap3A_154] {strides = array<i32>} : memref<128x64xf32, #tpu.memory_space<vmem>>, vector<1x16xf32>,
      %swap3A_156 = vector.shape_cast %swap3A_155 : vector<1x16xf32> to vector<16xf32>
      %swap3A_157 = vector.shape_cast %broadcast_in_dim3A_152 : vector<16xf32> to vector<1x16xf32>
      tpu.vector_store %arg8[%swap3A_153, %swap3A_154], %swap3A_157 {strides = array<i32>} : memref<128x64xf32, #tpu.memory_space<vmem>>, vector<1x16xf32>,
      %broadcast_in_dim3A_158 = arith.constant 0.000000e+00 : f32
      %broadcast_in_dim3A_159 = vector.broadcast %broadcast_in_dim3A_158 : f32 to vector<16xf32>
      %swap3A_160 = arith.index_cast %scan3A_145 : i32 to index
      %swap3A_161 = arith.constant 32 : index
      %swap3A_162 = tpu.vector_load %arg8[%swap3A_160, %swap3A_161] {strides = array<i32>} : memref<128x64xf32, #tpu.memory_space<vmem>>, vector<1x16xf32>,
      %swap3A_163 = vector.shape_cast %swap3A_162 : vector<1x16xf32> to vector<16xf32>
      %swap3A_164 = vector.shape_cast %broadcast_in_dim3A_159 : vector<16xf32> to vector<1x16xf32>
      tpu.vector_store %arg8[%swap3A_160, %swap3A_161], %swap3A_164 {strides = array<i32>} : memref<128x64xf32, #tpu.memory_space<vmem>>, vector<1x16xf32>,
      %broadcast_in_dim3A_165 = arith.constant 0.000000e+00 : f32
      %broadcast_in_dim3A_166 = vector.broadcast %broadcast_in_dim3A_165 : f32 to vector<16xf32>
      %swap3A_167 = arith.index_cast %scan3A_145 : i32 to index
      %swap3A_168 = arith.constant 48 : index
      %swap3A_169 = tpu.vector_load %arg8[%swap3A_167, %swap3A_168] {strides = array<i32>} : memref<128x64xf32, #tpu.memory_space<vmem>>, vector<1x16xf32>,
      %swap3A_170 = vector.shape_cast %swap3A_169 : vector<1x16xf32> to vector<16xf32>
      %swap3A_171 = vector.shape_cast %broadcast_in_dim3A_166 : vector<16xf32> to vector<1x16xf32>
      tpu.vector_store %arg8[%swap3A_167, %swap3A_168], %swap3A_171 {strides = array<i32>} : memref<128x64xf32, #tpu.memory_space<vmem>>, vector<1x16xf32>,
    }
    %scan3A_5 = arith.constant 128 : i32
    %mul3A_6 = arith.constant 640 : i32
    %mul3A_7 = arith.muli %arg1, %mul3A_6 : i32
    %multiple_of3A = tpu.assume_multiple %mul3A_7, 128 : i32
    %add3A_8 = arith.constant 0 : i32
    %add3A_9 = arith.addi %multiple_of3A, %add3A_8 : i32
    "tpu.region"() ({
      %run_scoped3A = tpu.sem_alloc : memref<!tpu.dma_semaphore, #tpu.memory_space<semaphore_mem>>
      %dma_start3A_145 = arith.constant 0 : i32
      %dma_start3A_146 = tpu.memref_slice %arg12[%add3A_9, %dma_start3A_145] : memref<10240x64xf32, #tpu.memory_space<vmem_shared>> -> memref<128x64xf32, #tpu.memory_space<vmem_shared>>
      %dma_start3A_147 = arith.constant 0 : i32
      %dma_start3A_148 = tpu.memref_slice %arg12[%add3A_9, %dma_start3A_147] : memref<10240x64xf32, #tpu.memory_space<vmem_shared>> -> memref<128x64xf32, #tpu.memory_space<vmem_shared>>
      tpu.enqueue_dma source(%arg8 : memref<128x64xf32, #tpu.memory_space<vmem>>) target(%dma_start3A_148 : memref<128x64xf32, #tpu.memory_space<vmem_shared>>) target_semaphore(%run_scoped3A : memref<!tpu.dma_semaphore, #tpu.memory_space<semaphore_mem>>)
      %dma_wait3A_149 = arith.constant 0 : i32
      %dma_wait3A_150 = tpu.memref_slice %arg12[%add3A_9, %dma_wait3A_149] : memref<10240x64xf32, #tpu.memory_space<vmem_shared>> -> memref<128x64xf32, #tpu.memory_space<vmem_shared>>
      %dma_wait3A_151 = arith.constant 0 : i32
      %dma_wait3A_152 = tpu.memref_slice %arg12[%add3A_9, %dma_wait3A_151] : memref<10240x64xf32, #tpu.memory_space<vmem_shared>> -> memref<128x64xf32, #tpu.memory_space<vmem_shared>>
      tpu.wait_dma2 semaphore(%run_scoped3A : memref<!tpu.dma_semaphore, #tpu.memory_space<semaphore_mem>>) src(%arg8 : memref<128x64xf32, #tpu.memory_space<vmem>>) dst(%dma_wait3A_152 : memref<128x64xf32, #tpu.memory_space<vmem_shared>>)
      tpu.yield
    }) : () -> ()
    %add3A_10 = arith.constant 128 : i32
    %add3A_11 = arith.addi %multiple_of3A, %add3A_10 : i32
    "tpu.region"() ({
      %run_scoped3A = tpu.sem_alloc : memref<!tpu.dma_semaphore, #tpu.memory_space<semaphore_mem>>
      %dma_start3A_145 = arith.constant 0 : i32
      %dma_start3A_146 = tpu.memref_slice %arg12[%add3A_11, %dma_start3A_145] : memref<10240x64xf32, #tpu.memory_space<vmem_shared>> -> memref<128x64xf32, #tpu.memory_space<vmem_shared>>
      %dma_start3A_147 = arith.constant 0 : i32
      %dma_start3A_148 = tpu.memref_slice %arg12[%add3A_11, %dma_start3A_147] : memref<10240x64xf32, #tpu.memory_space<vmem_shared>> -> memref<128x64xf32, #tpu.memory_space<vmem_shared>>
      tpu.enqueue_dma source(%arg8 : memref<128x64xf32, #tpu.memory_space<vmem>>) target(%dma_start3A_148 : memref<128x64xf32, #tpu.memory_space<vmem_shared>>) target_semaphore(%run_scoped3A : memref<!tpu.dma_semaphore, #tpu.memory_space<semaphore_mem>>)
      %dma_wait3A_149 = arith.constant 0 : i32
      %dma_wait3A_150 = tpu.memref_slice %arg12[%add3A_11, %dma_wait3A_149] : memref<10240x64xf32, #tpu.memory_space<vmem_shared>> -> memref<128x64xf32, #tpu.memory_space<vmem_shared>>
      %dma_wait3A_151 = arith.constant 0 : i32
      %dma_wait3A_152 = tpu.memref_slice %arg12[%add3A_11, %dma_wait3A_151] : memref<10240x64xf32, #tpu.memory_space<vmem_shared>> -> memref<128x64xf32, #tpu.memory_space<vmem_shared>>
      tpu.wait_dma2 semaphore(%run_scoped3A : memref<!tpu.dma_semaphore, #tpu.memory_space<semaphore_mem>>) src(%arg8 : memref<128x64xf32, #tpu.memory_space<vmem>>) dst(%dma_wait3A_152 : memref<128x64xf32, #tpu.memory_space<vmem_shared>>)
      tpu.yield
    }) : () -> ()
    %add3A_12 = arith.constant 256 : i32
    %add3A_13 = arith.addi %multiple_of3A, %add3A_12 : i32
    "tpu.region"() ({
      %run_scoped3A = tpu.sem_alloc : memref<!tpu.dma_semaphore, #tpu.memory_space<semaphore_mem>>
      %dma_start3A_145 = arith.constant 0 : i32
      %dma_start3A_146 = tpu.memref_slice %arg12[%add3A_13, %dma_start3A_145] : memref<10240x64xf32, #tpu.memory_space<vmem_shared>> -> memref<128x64xf32, #tpu.memory_space<vmem_shared>>
      %dma_start3A_147 = arith.constant 0 : i32
      %dma_start3A_148 = tpu.memref_slice %arg12[%add3A_13, %dma_start3A_147] : memref<10240x64xf32, #tpu.memory_space<vmem_shared>> -> memref<128x64xf32, #tpu.memory_space<vmem_shared>>
      tpu.enqueue_dma source(%arg8 : memref<128x64xf32, #tpu.memory_space<vmem>>) target(%dma_start3A_148 : memref<128x64xf32, #tpu.memory_space<vmem_shared>>) target_semaphore(%run_scoped3A : memref<!tpu.dma_semaphore, #tpu.memory_space<semaphore_mem>>)
      %dma_wait3A_149 = arith.constant 0 : i32
      %dma_wait3A_150 = tpu.memref_slice %arg12[%add3A_13, %dma_wait3A_149] : memref<10240x64xf32, #tpu.memory_space<vmem_shared>> -> memref<128x64xf32, #tpu.memory_space<vmem_shared>>
      %dma_wait3A_151 = arith.constant 0 : i32
      %dma_wait3A_152 = tpu.memref_slice %arg12[%add3A_13, %dma_wait3A_151] : memref<10240x64xf32, #tpu.memory_space<vmem_shared>> -> memref<128x64xf32, #tpu.memory_space<vmem_shared>>
      tpu.wait_dma2 semaphore(%run_scoped3A : memref<!tpu.dma_semaphore, #tpu.memory_space<semaphore_mem>>) src(%arg8 : memref<128x64xf32, #tpu.memory_space<vmem>>) dst(%dma_wait3A_152 : memref<128x64xf32, #tpu.memory_space<vmem_shared>>)
      tpu.yield
    }) : () -> ()
    %add3A_14 = arith.constant 384 : i32
    %add3A_15 = arith.addi %multiple_of3A, %add3A_14 : i32
    "tpu.region"() ({
      %run_scoped3A = tpu.sem_alloc : memref<!tpu.dma_semaphore, #tpu.memory_space<semaphore_mem>>
      %dma_start3A_145 = arith.constant 0 : i32
      %dma_start3A_146 = tpu.memref_slice %arg12[%add3A_15, %dma_start3A_145] : memref<10240x64xf32, #tpu.memory_space<vmem_shared>> -> memref<128x64xf32, #tpu.memory_space<vmem_shared>>
      %dma_start3A_147 = arith.constant 0 : i32
      %dma_start3A_148 = tpu.memref_slice %arg12[%add3A_15, %dma_start3A_147] : memref<10240x64xf32, #tpu.memory_space<vmem_shared>> -> memref<128x64xf32, #tpu.memory_space<vmem_shared>>
      tpu.enqueue_dma source(%arg8 : memref<128x64xf32, #tpu.memory_space<vmem>>) target(%dma_start3A_148 : memref<128x64xf32, #tpu.memory_space<vmem_shared>>) target_semaphore(%run_scoped3A : memref<!tpu.dma_semaphore, #tpu.memory_space<semaphore_mem>>)
      %dma_wait3A_149 = arith.constant 0 : i32
      %dma_wait3A_150 = tpu.memref_slice %arg12[%add3A_15, %dma_wait3A_149] : memref<10240x64xf32, #tpu.memory_space<vmem_shared>> -> memref<128x64xf32, #tpu.memory_space<vmem_shared>>
      %dma_wait3A_151 = arith.constant 0 : i32
      %dma_wait3A_152 = tpu.memref_slice %arg12[%add3A_15, %dma_wait3A_151] : memref<10240x64xf32, #tpu.memory_space<vmem_shared>> -> memref<128x64xf32, #tpu.memory_space<vmem_shared>>
      tpu.wait_dma2 semaphore(%run_scoped3A : memref<!tpu.dma_semaphore, #tpu.memory_space<semaphore_mem>>) src(%arg8 : memref<128x64xf32, #tpu.memory_space<vmem>>) dst(%dma_wait3A_152 : memref<128x64xf32, #tpu.memory_space<vmem_shared>>)
      tpu.yield
    }) : () -> ()
    %add3A_16 = arith.constant 512 : i32
    %add3A_17 = arith.addi %multiple_of3A, %add3A_16 : i32
    "tpu.region"() ({
      %run_scoped3A = tpu.sem_alloc : memref<!tpu.dma_semaphore, #tpu.memory_space<semaphore_mem>>
      %dma_start3A_145 = arith.constant 0 : i32
      %dma_start3A_146 = tpu.memref_slice %arg12[%add3A_17, %dma_start3A_145] : memref<10240x64xf32, #tpu.memory_space<vmem_shared>> -> memref<128x64xf32, #tpu.memory_space<vmem_shared>>
      %dma_start3A_147 = arith.constant 0 : i32
      %dma_start3A_148 = tpu.memref_slice %arg12[%add3A_17, %dma_start3A_147] : memref<10240x64xf32, #tpu.memory_space<vmem_shared>> -> memref<128x64xf32, #tpu.memory_space<vmem_shared>>
      tpu.enqueue_dma source(%arg8 : memref<128x64xf32, #tpu.memory_space<vmem>>) target(%dma_start3A_148 : memref<128x64xf32, #tpu.memory_space<vmem_shared>>) target_semaphore(%run_scoped3A : memref<!tpu.dma_semaphore, #tpu.memory_space<semaphore_mem>>)
      %dma_wait3A_149 = arith.constant 0 : i32
      %dma_wait3A_150 = tpu.memref_slice %arg12[%add3A_17, %dma_wait3A_149] : memref<10240x64xf32, #tpu.memory_space<vmem_shared>> -> memref<128x64xf32, #tpu.memory_space<vmem_shared>>
      %dma_wait3A_151 = arith.constant 0 : i32
      %dma_wait3A_152 = tpu.memref_slice %arg12[%add3A_17, %dma_wait3A_151] : memref<10240x64xf32, #tpu.memory_space<vmem_shared>> -> memref<128x64xf32, #tpu.memory_space<vmem_shared>>
      tpu.wait_dma2 semaphore(%run_scoped3A : memref<!tpu.dma_semaphore, #tpu.memory_space<semaphore_mem>>) src(%arg8 : memref<128x64xf32, #tpu.memory_space<vmem>>) dst(%dma_wait3A_152 : memref<128x64xf32, #tpu.memory_space<vmem_shared>>)
      tpu.yield
    }) : () -> ()
    %barrier3A = arith.constant 0 : index
    tpu.barrier barrier_id(%barrier3A)
    %mul3A_18 = arith.constant 160 : i32
    %mul3A_19 = arith.muli %add3A, %mul3A_18 : i32
    "tpu.region"() ({
      %run_scoped3A = tpu.sem_alloc : memref<!tpu.dma_semaphore, #tpu.memory_space<semaphore_mem>>
      %dma_start3A_145 = arith.constant 0 : i32
      %dma_start3A_146 = tpu.memref_slice %arg3[%mul3A_19, %dma_start3A_145] : memref<5120x128xi32, #tpu.memory_space<hbm>> -> memref<160x128xi32, #tpu.memory_space<hbm>>
      %dma_start3A_147 = arith.constant 0 : i32
      %dma_start3A_148 = tpu.memref_slice %arg3[%mul3A_19, %dma_start3A_147] : memref<5120x128xi32, #tpu.memory_space<hbm>> -> memref<160x128xi32, #tpu.memory_space<hbm>>
      tpu.enqueue_dma source(%dma_start3A_148 : memref<160x128xi32, #tpu.memory_space<hbm>>) target(%arg6 : memref<160x128xi32, #tpu.memory_space<vmem>>) target_semaphore(%run_scoped3A : memref<!tpu.dma_semaphore, #tpu.memory_space<semaphore_mem>>)
      %dma_wait3A_149 = arith.constant 0 : i32
      %dma_wait3A_150 = tpu.memref_slice %arg3[%mul3A_19, %dma_wait3A_149] : memref<5120x128xi32, #tpu.memory_space<hbm>> -> memref<160x128xi32, #tpu.memory_space<hbm>>
      %dma_wait3A_151 = arith.constant 0 : i32
      %dma_wait3A_152 = tpu.memref_slice %arg3[%mul3A_19, %dma_wait3A_151] : memref<5120x128xi32, #tpu.memory_space<hbm>> -> memref<160x128xi32, #tpu.memory_space<hbm>>
      tpu.wait_dma2 semaphore(%run_scoped3A : memref<!tpu.dma_semaphore, #tpu.memory_space<semaphore_mem>>) src(%dma_wait3A_152 : memref<160x128xi32, #tpu.memory_space<hbm>>) dst(%arg6 : memref<160x128xi32, #tpu.memory_space<vmem>>)
      tpu.yield
    }) : () -> ()
    %mul3A_20 = arith.constant 160 : i32
    %mul3A_21 = arith.muli %add3A, %mul3A_20 : i32
    "tpu.region"() ({
      %run_scoped3A = tpu.sem_alloc : memref<!tpu.dma_semaphore, #tpu.memory_space<semaphore_mem>>
      %dma_start3A_145 = arith.constant 0 : i32
      %dma_start3A_146 = tpu.memref_slice %arg4[%mul3A_21, %dma_start3A_145] : memref<5120x128xi32, #tpu.memory_space<hbm>> -> memref<160x128xi32, #tpu.memory_space<hbm>>
      %dma_start3A_147 = arith.constant 0 : i32
      %dma_start3A_148 = tpu.memref_slice %arg4[%mul3A_21, %dma_start3A_147] : memref<5120x128xi32, #tpu.memory_space<hbm>> -> memref<160x128xi32, #tpu.memory_space<hbm>>
      tpu.enqueue_dma source(%dma_start3A_148 : memref<160x128xi32, #tpu.memory_space<hbm>>) target(%arg7 : memref<160x128xi32, #tpu.memory_space<vmem>>) target_semaphore(%run_scoped3A : memref<!tpu.dma_semaphore, #tpu.memory_space<semaphore_mem>>)
      %dma_wait3A_149 = arith.constant 0 : i32
      %dma_wait3A_150 = tpu.memref_slice %arg4[%mul3A_21, %dma_wait3A_149] : memref<5120x128xi32, #tpu.memory_space<hbm>> -> memref<160x128xi32, #tpu.memory_space<hbm>>
      %dma_wait3A_151 = arith.constant 0 : i32
      %dma_wait3A_152 = tpu.memref_slice %arg4[%mul3A_21, %dma_wait3A_151] : memref<5120x128xi32, #tpu.memory_space<hbm>> -> memref<160x128xi32, #tpu.memory_space<hbm>>
      tpu.wait_dma2 semaphore(%run_scoped3A : memref<!tpu.dma_semaphore, #tpu.memory_space<semaphore_mem>>) src(%dma_wait3A_152 : memref<160x128xi32, #tpu.memory_space<hbm>>) dst(%arg7 : memref<160x128xi32, #tpu.memory_space<vmem>>)
      tpu.yield
    }) : () -> ()
    %dma_start3A = arith.constant 0 : i32
    %dma_start3A_22 = arith.constant 0 : i32
    %dma_start3A_23 = tpu.memref_slice %arg6[%dma_start3A, %dma_start3A_22] : memref<160x128xi32, #tpu.memory_space<vmem>> -> memref<1x128xi32, #tpu.memory_space<vmem>>
    %dma_start3A_24 = tpu.memref_squeeze %dma_start3A_23 : memref<1x128xi32, #tpu.memory_space<vmem>> -> memref<128xi32, #tpu.memory_space<vmem>>
    %dma_start3A_25 = arith.constant 0 : i32
    %dma_start3A_26 = arith.constant 0 : i32
    %dma_start3A_27 = tpu.memref_slice %arg2[%dma_start3A_25, %dma_start3A_26] : memref<10240x64xf32, #tpu.memory_space<hbm>> -> memref<10240x64xf32, #tpu.memory_space<hbm>>
    tpu.enqueue_indirect_dma source(%dma_start3A_27 : memref<10240x64xf32, #tpu.memory_space<hbm>>) target(%arg8 : memref<128x64xf32, #tpu.memory_space<vmem>>) offsets(%dma_start3A_24 : memref<128xi32, #tpu.memory_space<vmem>>) semaphore(%arg13 : memref<!tpu.dma_semaphore, #tpu.memory_space<semaphore_mem>>)
    %dma_start3A_28 = arith.constant 1 : i32
    %dma_start3A_29 = arith.constant 0 : i32
    %dma_start3A_30 = tpu.memref_slice %arg6[%dma_start3A_28, %dma_start3A_29] : memref<160x128xi32, #tpu.memory_space<vmem>> -> memref<1x128xi32, #tpu.memory_space<vmem>>
    %dma_start3A_31 = tpu.memref_squeeze %dma_start3A_30 : memref<1x128xi32, #tpu.memory_space<vmem>> -> memref<128xi32, #tpu.memory_space<vmem>>
    %dma_start3A_32 = arith.constant 0 : i32
    %dma_start3A_33 = arith.constant 0 : i32
    %dma_start3A_34 = tpu.memref_slice %arg2[%dma_start3A_32, %dma_start3A_33] : memref<10240x64xf32, #tpu.memory_space<hbm>> -> memref<10240x64xf32, #tpu.memory_space<hbm>>
    tpu.enqueue_indirect_dma source(%dma_start3A_34 : memref<10240x64xf32, #tpu.memory_space<hbm>>) target(%arg9 : memref<128x64xf32, #tpu.memory_space<vmem>>) offsets(%dma_start3A_31 : memref<128xi32, #tpu.memory_space<vmem>>) semaphore(%arg14 : memref<!tpu.dma_semaphore, #tpu.memory_space<semaphore_mem>>)
    %dma_start3A_35 = arith.constant 2 : i32
    %dma_start3A_36 = arith.constant 0 : i32
    %dma_start3A_37 = tpu.memref_slice %arg6[%dma_start3A_35, %dma_start3A_36] : memref<160x128xi32, #tpu.memory_space<vmem>> -> memref<1x128xi32, #tpu.memory_space<vmem>>
    %dma_start3A_38 = tpu.memref_squeeze %dma_start3A_37 : memref<1x128xi32, #tpu.memory_space<vmem>> -> memref<128xi32, #tpu.memory_space<vmem>>
    %dma_start3A_39 = arith.constant 0 : i32
    %dma_start3A_40 = arith.constant 0 : i32
    %dma_start3A_41 = tpu.memref_slice %arg2[%dma_start3A_39, %dma_start3A_40] : memref<10240x64xf32, #tpu.memory_space<hbm>> -> memref<10240x64xf32, #tpu.memory_space<hbm>>
    tpu.enqueue_indirect_dma source(%dma_start3A_41 : memref<10240x64xf32, #tpu.memory_space<hbm>>) target(%arg10 : memref<128x64xf32, #tpu.memory_space<vmem>>) offsets(%dma_start3A_38 : memref<128xi32, #tpu.memory_space<vmem>>) semaphore(%arg15 : memref<!tpu.dma_semaphore, #tpu.memory_space<semaphore_mem>>)
    %dma_start3A_42 = arith.constant 3 : i32
    %dma_start3A_43 = arith.constant 0 : i32
    %dma_start3A_44 = tpu.memref_slice %arg6[%dma_start3A_42, %dma_start3A_43] : memref<160x128xi32, #tpu.memory_space<vmem>> -> memref<1x128xi32, #tpu.memory_space<vmem>>
    %dma_start3A_45 = tpu.memref_squeeze %dma_start3A_44 : memref<1x128xi32, #tpu.memory_space<vmem>> -> memref<128xi32, #tpu.memory_space<vmem>>
    %dma_start3A_46 = arith.constant 0 : i32
    %dma_start3A_47 = arith.constant 0 : i32
    %dma_start3A_48 = tpu.memref_slice %arg2[%dma_start3A_46, %dma_start3A_47] : memref<10240x64xf32, #tpu.memory_space<hbm>> -> memref<10240x64xf32, #tpu.memory_space<hbm>>
    tpu.enqueue_indirect_dma source(%dma_start3A_48 : memref<10240x64xf32, #tpu.memory_space<hbm>>) target(%arg11 : memref<128x64xf32, #tpu.memory_space<vmem>>) offsets(%dma_start3A_45 : memref<128xi32, #tpu.memory_space<vmem>>) semaphore(%arg16 : memref<!tpu.dma_semaphore, #tpu.memory_space<semaphore_mem>>)
    %scan3A_49 = arith.constant 0 : i32
    %scan3A_50 = arith.constant 0 : i32
    %scan3A_51 = arith.constant 39 : i32
    %scan3A_52 = arith.addi %scan3A_50, %scan3A_51 : i32
    %scan3A_53 = arith.constant 1 : i32
    scf.for %scan3A_145 = %scan3A_50 to %scan3A_52 step %scan3A_53  : i32 {
      %dma_wait3A_146 = arith.constant 0 : i32
      %dma_wait3A_147 = arith.constant 0 : i32
      %dma_wait3A_148 = tpu.memref_slice %arg6[%dma_wait3A_146, %dma_wait3A_147] : memref<160x128xi32, #tpu.memory_space<vmem>> -> memref<1x128xi32, #tpu.memory_space<vmem>>
      %dma_wait3A_149 = tpu.memref_squeeze %dma_wait3A_148 : memref<1x128xi32, #tpu.memory_space<vmem>> -> memref<128xi32, #tpu.memory_space<vmem>>
      %dma_wait3A_150 = arith.constant 0 : i32
      %dma_wait3A_151 = arith.constant 0 : i32
      %dma_wait3A_152 = tpu.memref_slice %arg2[%dma_wait3A_150, %dma_wait3A_151] : memref<10240x64xf32, #tpu.memory_space<hbm>> -> memref<10240x64xf32, #tpu.memory_space<hbm>>
      tpu.wait_indirect_dma semaphore(%arg13 : memref<!tpu.dma_semaphore, #tpu.memory_space<semaphore_mem>>) src(%dma_wait3A_152 : memref<10240x64xf32, #tpu.memory_space<hbm>>) dst(%arg8 : memref<128x64xf32, #tpu.memory_space<vmem>>)
      %mul3A_153 = arith.constant 4 : i32
      %mul3A_154 = arith.muli %scan3A_145, %mul3A_153 : i32
      %add3A_155 = arith.constant 0 : i32
      %add3A_156 = arith.addi %mul3A_154, %add3A_155 : i32
      %dma_start3A_157 = arith.constant 0 : i32
      %dma_start3A_158 = tpu.memref_slice %arg7[%add3A_156, %dma_start3A_157] : memref<160x128xi32, #tpu.memory_space<vmem>> -> memref<1x128xi32, #tpu.memory_space<vmem>>
      %dma_start3A_159 = tpu.memref_squeeze %dma_start3A_158 : memref<1x128xi32, #tpu.memory_space<vmem>> -> memref<128xi32, #tpu.memory_space<vmem>>
      %dma_start3A_160 = arith.constant 0 : i32
      %dma_start3A_161 = arith.constant 0 : i32
      %dma_start3A_162 = tpu.memref_slice %arg12[%dma_start3A_160, %dma_start3A_161] : memref<10240x64xf32, #tpu.memory_space<vmem_shared>> -> memref<10240x64xf32, #tpu.memory_space<vmem_shared>>
      tpu.enqueue_indirect_dma source(%arg8 : memref<128x64xf32, #tpu.memory_space<vmem>>) target(%dma_start3A_162 : memref<10240x64xf32, #tpu.memory_space<vmem_shared>>) offsets(%dma_start3A_159 : memref<128xi32, #tpu.memory_space<vmem>>) semaphore(%arg17 : memref<!tpu.dma_semaphore, #tpu.memory_space<semaphore_mem>>) {add = true}
      %dma_wait3A_163 = arith.constant 0 : i32
      %dma_wait3A_164 = arith.constant 0 : i32
      %dma_wait3A_165 = tpu.memref_slice %arg6[%dma_wait3A_163, %dma_wait3A_164] : memref<160x128xi32, #tpu.memory_space<vmem>> -> memref<1x128xi32, #tpu.memory_space<vmem>>
      %dma_wait3A_166 = tpu.memref_squeeze %dma_wait3A_165 : memref<1x128xi32, #tpu.memory_space<vmem>> -> memref<128xi32, #tpu.memory_space<vmem>>
      %dma_wait3A_167 = arith.constant 0 : i32
      %dma_wait3A_168 = arith.constant 0 : i32
      %dma_wait3A_169 = tpu.memref_slice %arg2[%dma_wait3A_167, %dma_wait3A_168] : memref<10240x64xf32, #tpu.memory_space<hbm>> -> memref<10240x64xf32, #tpu.memory_space<hbm>>
      tpu.wait_indirect_dma semaphore(%arg14 : memref<!tpu.dma_semaphore, #tpu.memory_space<semaphore_mem>>) src(%dma_wait3A_169 : memref<10240x64xf32, #tpu.memory_space<hbm>>) dst(%arg9 : memref<128x64xf32, #tpu.memory_space<vmem>>)
      %mul3A_170 = arith.constant 4 : i32
      %mul3A_171 = arith.muli %scan3A_145, %mul3A_170 : i32
      %add3A_172 = arith.constant 1 : i32
      %add3A_173 = arith.addi %mul3A_171, %add3A_172 : i32
      %dma_start3A_174 = arith.constant 0 : i32
      %dma_start3A_175 = tpu.memref_slice %arg7[%add3A_173, %dma_start3A_174] : memref<160x128xi32, #tpu.memory_space<vmem>> -> memref<1x128xi32, #tpu.memory_space<vmem>>
      %dma_start3A_176 = tpu.memref_squeeze %dma_start3A_175 : memref<1x128xi32, #tpu.memory_space<vmem>> -> memref<128xi32, #tpu.memory_space<vmem>>
      %dma_start3A_177 = arith.constant 0 : i32
      %dma_start3A_178 = arith.constant 0 : i32
      %dma_start3A_179 = tpu.memref_slice %arg12[%dma_start3A_177, %dma_start3A_178] : memref<10240x64xf32, #tpu.memory_space<vmem_shared>> -> memref<10240x64xf32, #tpu.memory_space<vmem_shared>>
      tpu.enqueue_indirect_dma source(%arg9 : memref<128x64xf32, #tpu.memory_space<vmem>>) target(%dma_start3A_179 : memref<10240x64xf32, #tpu.memory_space<vmem_shared>>) offsets(%dma_start3A_176 : memref<128xi32, #tpu.memory_space<vmem>>) semaphore(%arg18 : memref<!tpu.dma_semaphore, #tpu.memory_space<semaphore_mem>>) {add = true}
      %dma_wait3A_180 = arith.constant 0 : i32
      %dma_wait3A_181 = arith.constant 0 : i32
      %dma_wait3A_182 = tpu.memref_slice %arg6[%dma_wait3A_180, %dma_wait3A_181] : memref<160x128xi32, #tpu.memory_space<vmem>> -> memref<1x128xi32, #tpu.memory_space<vmem>>
      %dma_wait3A_183 = tpu.memref_squeeze %dma_wait3A_182 : memref<1x128xi32, #tpu.memory_space<vmem>> -> memref<128xi32, #tpu.memory_space<vmem>>
      %dma_wait3A_184 = arith.constant 0 : i32
      %dma_wait3A_185 = arith.constant 0 : i32
      %dma_wait3A_186 = tpu.memref_slice %arg2[%dma_wait3A_184, %dma_wait3A_185] : memref<10240x64xf32, #tpu.memory_space<hbm>> -> memref<10240x64xf32, #tpu.memory_space<hbm>>
      tpu.wait_indirect_dma semaphore(%arg15 : memref<!tpu.dma_semaphore, #tpu.memory_space<semaphore_mem>>) src(%dma_wait3A_186 : memref<10240x64xf32, #tpu.memory_space<hbm>>) dst(%arg10 : memref<128x64xf32, #tpu.memory_space<vmem>>)
      %mul3A_187 = arith.constant 4 : i32
      %mul3A_188 = arith.muli %scan3A_145, %mul3A_187 : i32
      %add3A_189 = arith.constant 2 : i32
      %add3A_190 = arith.addi %mul3A_188, %add3A_189 : i32
      %dma_start3A_191 = arith.constant 0 : i32
      %dma_start3A_192 = tpu.memref_slice %arg7[%add3A_190, %dma_start3A_191] : memref<160x128xi32, #tpu.memory_space<vmem>> -> memref<1x128xi32, #tpu.memory_space<vmem>>
      %dma_start3A_193 = tpu.memref_squeeze %dma_start3A_192 : memref<1x128xi32, #tpu.memory_space<vmem>> -> memref<128xi32, #tpu.memory_space<vmem>>
      %dma_start3A_194 = arith.constant 0 : i32
      %dma_start3A_195 = arith.constant 0 : i32
      %dma_start3A_196 = tpu.memref_slice %arg12[%dma_start3A_194, %dma_start3A_195] : memref<10240x64xf32, #tpu.memory_space<vmem_shared>> -> memref<10240x64xf32, #tpu.memory_space<vmem_shared>>
      tpu.enqueue_indirect_dma source(%arg10 : memref<128x64xf32, #tpu.memory_space<vmem>>) target(%dma_start3A_196 : memref<10240x64xf32, #tpu.memory_space<vmem_shared>>) offsets(%dma_start3A_193 : memref<128xi32, #tpu.memory_space<vmem>>) semaphore(%arg19 : memref<!tpu.dma_semaphore, #tpu.memory_space<semaphore_mem>>) {add = true}
      %dma_wait3A_197 = arith.constant 0 : i32
      %dma_wait3A_198 = arith.constant 0 : i32
      %dma_wait3A_199 = tpu.memref_slice %arg6[%dma_wait3A_197, %dma_wait3A_198] : memref<160x128xi32, #tpu.memory_space<vmem>> -> memref<1x128xi32, #tpu.memory_space<vmem>>
      %dma_wait3A_200 = tpu.memref_squeeze %dma_wait3A_199 : memref<1x128xi32, #tpu.memory_space<vmem>> -> memref<128xi32, #tpu.memory_space<vmem>>
      %dma_wait3A_201 = arith.constant 0 : i32
      %dma_wait3A_202 = arith.constant 0 : i32
      %dma_wait3A_203 = tpu.memref_slice %arg2[%dma_wait3A_201, %dma_wait3A_202] : memref<10240x64xf32, #tpu.memory_space<hbm>> -> memref<10240x64xf32, #tpu.memory_space<hbm>>
      tpu.wait_indirect_dma semaphore(%arg16 : memref<!tpu.dma_semaphore, #tpu.memory_space<semaphore_mem>>) src(%dma_wait3A_203 : memref<10240x64xf32, #tpu.memory_space<hbm>>) dst(%arg11 : memref<128x64xf32, #tpu.memory_space<vmem>>)
      %mul3A_204 = arith.constant 4 : i32
      %mul3A_205 = arith.muli %scan3A_145, %mul3A_204 : i32
      %add3A_206 = arith.constant 3 : i32
      %add3A_207 = arith.addi %mul3A_205, %add3A_206 : i32
      %dma_start3A_208 = arith.constant 0 : i32
      %dma_start3A_209 = tpu.memref_slice %arg7[%add3A_207, %dma_start3A_208] : memref<160x128xi32, #tpu.memory_space<vmem>> -> memref<1x128xi32, #tpu.memory_space<vmem>>
      %dma_start3A_210 = tpu.memref_squeeze %dma_start3A_209 : memref<1x128xi32, #tpu.memory_space<vmem>> -> memref<128xi32, #tpu.memory_space<vmem>>
      %dma_start3A_211 = arith.constant 0 : i32
      %dma_start3A_212 = arith.constant 0 : i32
      %dma_start3A_213 = tpu.memref_slice %arg12[%dma_start3A_211, %dma_start3A_212] : memref<10240x64xf32, #tpu.memory_space<vmem_shared>> -> memref<10240x64xf32, #tpu.memory_space<vmem_shared>>
      tpu.enqueue_indirect_dma source(%arg11 : memref<128x64xf32, #tpu.memory_space<vmem>>) target(%dma_start3A_213 : memref<10240x64xf32, #tpu.memory_space<vmem_shared>>) offsets(%dma_start3A_210 : memref<128xi32, #tpu.memory_space<vmem>>) semaphore(%arg20 : memref<!tpu.dma_semaphore, #tpu.memory_space<semaphore_mem>>) {add = true}
      %dma_wait3A_214 = arith.constant 0 : i32
      %dma_wait3A_215 = arith.constant 0 : i32
      %dma_wait3A_216 = tpu.memref_slice %arg7[%dma_wait3A_214, %dma_wait3A_215] : memref<160x128xi32, #tpu.memory_space<vmem>> -> memref<1x128xi32, #tpu.memory_space<vmem>>
      %dma_wait3A_217 = tpu.memref_squeeze %dma_wait3A_216 : memref<1x128xi32, #tpu.memory_space<vmem>> -> memref<128xi32, #tpu.memory_space<vmem>>
      %dma_wait3A_218 = arith.constant 0 : i32
      %dma_wait3A_219 = arith.constant 0 : i32
      %dma_wait3A_220 = tpu.memref_slice %arg12[%dma_wait3A_218, %dma_wait3A_219] : memref<10240x64xf32, #tpu.memory_space<vmem_shared>> -> memref<10240x64xf32, #tpu.memory_space<vmem_shared>>
      tpu.wait_indirect_dma semaphore(%arg17 : memref<!tpu.dma_semaphore, #tpu.memory_space<semaphore_mem>>) src(%arg8 : memref<128x64xf32, #tpu.memory_space<vmem>>) dst(%dma_wait3A_220 : memref<10240x64xf32, #tpu.memory_space<vmem_shared>>)
      %add3A_221 = arith.constant 1 : i32
      %add3A_222 = arith.addi %scan3A_145, %add3A_221 : i32
      %mul3A_223 = arith.constant 4 : i32
      %mul3A_224 = arith.muli %add3A_222, %mul3A_223 : i32
      %add3A_225 = arith.constant 0 : i32
      %add3A_226 = arith.addi %mul3A_224, %add3A_225 : i32
      %dma_start3A_227 = arith.constant 0 : i32
      %dma_start3A_228 = tpu.memref_slice %arg6[%add3A_226, %dma_start3A_227] : memref<160x128xi32, #tpu.memory_space<vmem>> -> memref<1x128xi32, #tpu.memory_space<vmem>>
      %dma_start3A_229 = tpu.memref_squeeze %dma_start3A_228 : memref<1x128xi32, #tpu.memory_space<vmem>> -> memref<128xi32, #tpu.memory_space<vmem>>
      %dma_start3A_230 = arith.constant 0 : i32
      %dma_start3A_231 = arith.constant 0 : i32
      %dma_start3A_232 = tpu.memref_slice %arg2[%dma_start3A_230, %dma_start3A_231] : memref<10240x64xf32, #tpu.memory_space<hbm>> -> memref<10240x64xf32, #tpu.memory_space<hbm>>
      tpu.enqueue_indirect_dma source(%dma_start3A_232 : memref<10240x64xf32, #tpu.memory_space<hbm>>) target(%arg8 : memref<128x64xf32, #tpu.memory_space<vmem>>) offsets(%dma_start3A_229 : memref<128xi32, #tpu.memory_space<vmem>>) semaphore(%arg13 : memref<!tpu.dma_semaphore, #tpu.memory_space<semaphore_mem>>)
      %dma_wait3A_233 = arith.constant 0 : i32
      %dma_wait3A_234 = arith.constant 0 : i32
      %dma_wait3A_235 = tpu.memref_slice %arg7[%dma_wait3A_233, %dma_wait3A_234] : memref<160x128xi32, #tpu.memory_space<vmem>> -> memref<1x128xi32, #tpu.memory_space<vmem>>
      %dma_wait3A_236 = tpu.memref_squeeze %dma_wait3A_235 : memref<1x128xi32, #tpu.memory_space<vmem>> -> memref<128xi32, #tpu.memory_space<vmem>>
      %dma_wait3A_237 = arith.constant 0 : i32
      %dma_wait3A_238 = arith.constant 0 : i32
      %dma_wait3A_239 = tpu.memref_slice %arg12[%dma_wait3A_237, %dma_wait3A_238] : memref<10240x64xf32, #tpu.memory_space<vmem_shared>> -> memref<10240x64xf32, #tpu.memory_space<vmem_shared>>
      tpu.wait_indirect_dma semaphore(%arg18 : memref<!tpu.dma_semaphore, #tpu.memory_space<semaphore_mem>>) src(%arg9 : memref<128x64xf32, #tpu.memory_space<vmem>>) dst(%dma_wait3A_239 : memref<10240x64xf32, #tpu.memory_space<vmem_shared>>)
      %add3A_240 = arith.constant 1 : i32
      %add3A_241 = arith.addi %scan3A_145, %add3A_240 : i32
      %mul3A_242 = arith.constant 4 : i32
      %mul3A_243 = arith.muli %add3A_241, %mul3A_242 : i32
      %add3A_244 = arith.constant 1 : i32
      %add3A_245 = arith.addi %mul3A_243, %add3A_244 : i32
      %dma_start3A_246 = arith.constant 0 : i32
      %dma_start3A_247 = tpu.memref_slice %arg6[%add3A_245, %dma_start3A_246] : memref<160x128xi32, #tpu.memory_space<vmem>> -> memref<1x128xi32, #tpu.memory_space<vmem>>
      %dma_start3A_248 = tpu.memref_squeeze %dma_start3A_247 : memref<1x128xi32, #tpu.memory_space<vmem>> -> memref<128xi32, #tpu.memory_space<vmem>>
      %dma_start3A_249 = arith.constant 0 : i32
      %dma_start3A_250 = arith.constant 0 : i32
      %dma_start3A_251 = tpu.memref_slice %arg2[%dma_start3A_249, %dma_start3A_250] : memref<10240x64xf32, #tpu.memory_space<hbm>> -> memref<10240x64xf32, #tpu.memory_space<hbm>>
      tpu.enqueue_indirect_dma source(%dma_start3A_251 : memref<10240x64xf32, #tpu.memory_space<hbm>>) target(%arg9 : memref<128x64xf32, #tpu.memory_space<vmem>>) offsets(%dma_start3A_248 : memref<128xi32, #tpu.memory_space<vmem>>) semaphore(%arg14 : memref<!tpu.dma_semaphore, #tpu.memory_space<semaphore_mem>>)
      %dma_wait3A_252 = arith.constant 0 : i32
      %dma_wait3A_253 = arith.constant 0 : i32
      %dma_wait3A_254 = tpu.memref_slice %arg7[%dma_wait3A_252, %dma_wait3A_253] : memref<160x128xi32, #tpu.memory_space<vmem>> -> memref<1x128xi32, #tpu.memory_space<vmem>>
      %dma_wait3A_255 = tpu.memref_squeeze %dma_wait3A_254 : memref<1x128xi32, #tpu.memory_space<vmem>> -> memref<128xi32, #tpu.memory_space<vmem>>
      %dma_wait3A_256 = arith.constant 0 : i32
      %dma_wait3A_257 = arith.constant 0 : i32
      %dma_wait3A_258 = tpu.memref_slice %arg12[%dma_wait3A_256, %dma_wait3A_257] : memref<10240x64xf32, #tpu.memory_space<vmem_shared>> -> memref<10240x64xf32, #tpu.memory_space<vmem_shared>>
      tpu.wait_indirect_dma semaphore(%arg19 : memref<!tpu.dma_semaphore, #tpu.memory_space<semaphore_mem>>) src(%arg10 : memref<128x64xf32, #tpu.memory_space<vmem>>) dst(%dma_wait3A_258 : memref<10240x64xf32, #tpu.memory_space<vmem_shared>>)
      %add3A_259 = arith.constant 1 : i32
      %add3A_260 = arith.addi %scan3A_145, %add3A_259 : i32
      %mul3A_261 = arith.constant 4 : i32
      %mul3A_262 = arith.muli %add3A_260, %mul3A_261 : i32
      %add3A_263 = arith.constant 2 : i32
      %add3A_264 = arith.addi %mul3A_262, %add3A_263 : i32
      %dma_start3A_265 = arith.constant 0 : i32
      %dma_start3A_266 = tpu.memref_slice %arg6[%add3A_264, %dma_start3A_265] : memref<160x128xi32, #tpu.memory_space<vmem>> -> memref<1x128xi32, #tpu.memory_space<vmem>>
      %dma_start3A_267 = tpu.memref_squeeze %dma_start3A_266 : memref<1x128xi32, #tpu.memory_space<vmem>> -> memref<128xi32, #tpu.memory_space<vmem>>
      %dma_start3A_268 = arith.constant 0 : i32
      %dma_start3A_269 = arith.constant 0 : i32
      %dma_start3A_270 = tpu.memref_slice %arg2[%dma_start3A_268, %dma_start3A_269] : memref<10240x64xf32, #tpu.memory_space<hbm>> -> memref<10240x64xf32, #tpu.memory_space<hbm>>
      tpu.enqueue_indirect_dma source(%dma_start3A_270 : memref<10240x64xf32, #tpu.memory_space<hbm>>) target(%arg10 : memref<128x64xf32, #tpu.memory_space<vmem>>) offsets(%dma_start3A_267 : memref<128xi32, #tpu.memory_space<vmem>>) semaphore(%arg15 : memref<!tpu.dma_semaphore, #tpu.memory_space<semaphore_mem>>)
      %dma_wait3A_271 = arith.constant 0 : i32
      %dma_wait3A_272 = arith.constant 0 : i32
      %dma_wait3A_273 = tpu.memref_slice %arg7[%dma_wait3A_271, %dma_wait3A_272] : memref<160x128xi32, #tpu.memory_space<vmem>> -> memref<1x128xi32, #tpu.memory_space<vmem>>
      %dma_wait3A_274 = tpu.memref_squeeze %dma_wait3A_273 : memref<1x128xi32, #tpu.memory_space<vmem>> -> memref<128xi32, #tpu.memory_space<vmem>>
      %dma_wait3A_275 = arith.constant 0 : i32
      %dma_wait3A_276 = arith.constant 0 : i32
      %dma_wait3A_277 = tpu.memref_slice %arg12[%dma_wait3A_275, %dma_wait3A_276] : memref<10240x64xf32, #tpu.memory_space<vmem_shared>> -> memref<10240x64xf32, #tpu.memory_space<vmem_shared>>
      tpu.wait_indirect_dma semaphore(%arg20 : memref<!tpu.dma_semaphore, #tpu.memory_space<semaphore_mem>>) src(%arg11 : memref<128x64xf32, #tpu.memory_space<vmem>>) dst(%dma_wait3A_277 : memref<10240x64xf32, #tpu.memory_space<vmem_shared>>)
      %add3A_278 = arith.constant 1 : i32
      %add3A_279 = arith.addi %scan3A_145, %add3A_278 : i32
      %mul3A_280 = arith.constant 4 : i32
      %mul3A_281 = arith.muli %add3A_279, %mul3A_280 : i32
      %add3A_282 = arith.constant 3 : i32
      %add3A_283 = arith.addi %mul3A_281, %add3A_282 : i32
      %dma_start3A_284 = arith.constant 0 : i32
      %dma_start3A_285 = tpu.memref_slice %arg6[%add3A_283, %dma_start3A_284] : memref<160x128xi32, #tpu.memory_space<vmem>> -> memref<1x128xi32, #tpu.memory_space<vmem>>
      %dma_start3A_286 = tpu.memref_squeeze %dma_start3A_285 : memref<1x128xi32, #tpu.memory_space<vmem>> -> memref<128xi32, #tpu.memory_space<vmem>>
      %dma_start3A_287 = arith.constant 0 : i32
      %dma_start3A_288 = arith.constant 0 : i32
      %dma_start3A_289 = tpu.memref_slice %arg2[%dma_start3A_287, %dma_start3A_288] : memref<10240x64xf32, #tpu.memory_space<hbm>> -> memref<10240x64xf32, #tpu.memory_space<hbm>>
      tpu.enqueue_indirect_dma source(%dma_start3A_289 : memref<10240x64xf32, #tpu.memory_space<hbm>>) target(%arg11 : memref<128x64xf32, #tpu.memory_space<vmem>>) offsets(%dma_start3A_286 : memref<128xi32, #tpu.memory_space<vmem>>) semaphore(%arg16 : memref<!tpu.dma_semaphore, #tpu.memory_space<semaphore_mem>>)
    }
    %scan3A_54 = arith.constant 39 : i32
    %dma_wait3A = arith.constant 0 : i32
    %dma_wait3A_55 = arith.constant 0 : i32
    %dma_wait3A_56 = tpu.memref_slice %arg6[%dma_wait3A, %dma_wait3A_55] : memref<160x128xi32, #tpu.memory_space<vmem>> -> memref<1x128xi32, #tpu.memory_space<vmem>>
    %dma_wait3A_57 = tpu.memref_squeeze %dma_wait3A_56 : memref<1x128xi32, #tpu.memory_space<vmem>> -> memref<128xi32, #tpu.memory_space<vmem>>
    %dma_wait3A_58 = arith.constant 0 : i32
    %dma_wait3A_59 = arith.constant 0 : i32
    %dma_wait3A_60 = tpu.memref_slice %arg2[%dma_wait3A_58, %dma_wait3A_59] : memref<10240x64xf32, #tpu.memory_space<hbm>> -> memref<10240x64xf32, #tpu.memory_space<hbm>>
    tpu.wait_indirect_dma semaphore(%arg13 : memref<!tpu.dma_semaphore, #tpu.memory_space<semaphore_mem>>) src(%dma_wait3A_60 : memref<10240x64xf32, #tpu.memory_space<hbm>>) dst(%arg8 : memref<128x64xf32, #tpu.memory_space<vmem>>)
    %dma_start3A_61 = arith.constant 156 : i32
    %dma_start3A_62 = arith.constant 0 : i32
    %dma_start3A_63 = tpu.memref_slice %arg7[%dma_start3A_61, %dma_start3A_62] : memref<160x128xi32, #tpu.memory_space<vmem>> -> memref<1x128xi32, #tpu.memory_space<vmem>>
    %dma_start3A_64 = tpu.memref_squeeze %dma_start3A_63 : memref<1x128xi32, #tpu.memory_space<vmem>> -> memref<128xi32, #tpu.memory_space<vmem>>
    %dma_start3A_65 = arith.constant 0 : i32
    %dma_start3A_66 = arith.constant 0 : i32
    %dma_start3A_67 = tpu.memref_slice %arg12[%dma_start3A_65, %dma_start3A_66] : memref<10240x64xf32, #tpu.memory_space<vmem_shared>> -> memref<10240x64xf32, #tpu.memory_space<vmem_shared>>
    tpu.enqueue_indirect_dma source(%arg8 : memref<128x64xf32, #tpu.memory_space<vmem>>) target(%dma_start3A_67 : memref<10240x64xf32, #tpu.memory_space<vmem_shared>>) offsets(%dma_start3A_64 : memref<128xi32, #tpu.memory_space<vmem>>) semaphore(%arg17 : memref<!tpu.dma_semaphore, #tpu.memory_space<semaphore_mem>>) {add = true}
    %dma_wait3A_68 = arith.constant 0 : i32
    %dma_wait3A_69 = arith.constant 0 : i32
    %dma_wait3A_70 = tpu.memref_slice %arg6[%dma_wait3A_68, %dma_wait3A_69] : memref<160x128xi32, #tpu.memory_space<vmem>> -> memref<1x128xi32, #tpu.memory_space<vmem>>
    %dma_wait3A_71 = tpu.memref_squeeze %dma_wait3A_70 : memref<1x128xi32, #tpu.memory_space<vmem>> -> memref<128xi32, #tpu.memory_space<vmem>>
    %dma_wait3A_72 = arith.constant 0 : i32
    %dma_wait3A_73 = arith.constant 0 : i32
    %dma_wait3A_74 = tpu.memref_slice %arg2[%dma_wait3A_72, %dma_wait3A_73] : memref<10240x64xf32, #tpu.memory_space<hbm>> -> memref<10240x64xf32, #tpu.memory_space<hbm>>
    tpu.wait_indirect_dma semaphore(%arg14 : memref<!tpu.dma_semaphore, #tpu.memory_space<semaphore_mem>>) src(%dma_wait3A_74 : memref<10240x64xf32, #tpu.memory_space<hbm>>) dst(%arg9 : memref<128x64xf32, #tpu.memory_space<vmem>>)
    %dma_start3A_75 = arith.constant 157 : i32
    %dma_start3A_76 = arith.constant 0 : i32
    %dma_start3A_77 = tpu.memref_slice %arg7[%dma_start3A_75, %dma_start3A_76] : memref<160x128xi32, #tpu.memory_space<vmem>> -> memref<1x128xi32, #tpu.memory_space<vmem>>
    %dma_start3A_78 = tpu.memref_squeeze %dma_start3A_77 : memref<1x128xi32, #tpu.memory_space<vmem>> -> memref<128xi32, #tpu.memory_space<vmem>>
    %dma_start3A_79 = arith.constant 0 : i32
    %dma_start3A_80 = arith.constant 0 : i32
    %dma_start3A_81 = tpu.memref_slice %arg12[%dma_start3A_79, %dma_start3A_80] : memref<10240x64xf32, #tpu.memory_space<vmem_shared>> -> memref<10240x64xf32, #tpu.memory_space<vmem_shared>>
    tpu.enqueue_indirect_dma source(%arg9 : memref<128x64xf32, #tpu.memory_space<vmem>>) target(%dma_start3A_81 : memref<10240x64xf32, #tpu.memory_space<vmem_shared>>) offsets(%dma_start3A_78 : memref<128xi32, #tpu.memory_space<vmem>>) semaphore(%arg18 : memref<!tpu.dma_semaphore, #tpu.memory_space<semaphore_mem>>) {add = true}
    %dma_wait3A_82 = arith.constant 0 : i32
    %dma_wait3A_83 = arith.constant 0 : i32
    %dma_wait3A_84 = tpu.memref_slice %arg6[%dma_wait3A_82, %dma_wait3A_83] : memref<160x128xi32, #tpu.memory_space<vmem>> -> memref<1x128xi32, #tpu.memory_space<vmem>>
    %dma_wait3A_85 = tpu.memref_squeeze %dma_wait3A_84 : memref<1x128xi32, #tpu.memory_space<vmem>> -> memref<128xi32, #tpu.memory_space<vmem>>
    %dma_wait3A_86 = arith.constant 0 : i32
    %dma_wait3A_87 = arith.constant 0 : i32
    %dma_wait3A_88 = tpu.memref_slice %arg2[%dma_wait3A_86, %dma_wait3A_87] : memref<10240x64xf32, #tpu.memory_space<hbm>> -> memref<10240x64xf32, #tpu.memory_space<hbm>>
    tpu.wait_indirect_dma semaphore(%arg15 : memref<!tpu.dma_semaphore, #tpu.memory_space<semaphore_mem>>) src(%dma_wait3A_88 : memref<10240x64xf32, #tpu.memory_space<hbm>>) dst(%arg10 : memref<128x64xf32, #tpu.memory_space<vmem>>)
    %dma_start3A_89 = arith.constant 158 : i32
    %dma_start3A_90 = arith.constant 0 : i32
    %dma_start3A_91 = tpu.memref_slice %arg7[%dma_start3A_89, %dma_start3A_90] : memref<160x128xi32, #tpu.memory_space<vmem>> -> memref<1x128xi32, #tpu.memory_space<vmem>>
    %dma_start3A_92 = tpu.memref_squeeze %dma_start3A_91 : memref<1x128xi32, #tpu.memory_space<vmem>> -> memref<128xi32, #tpu.memory_space<vmem>>
    %dma_start3A_93 = arith.constant 0 : i32
    %dma_start3A_94 = arith.constant 0 : i32
    %dma_start3A_95 = tpu.memref_slice %arg12[%dma_start3A_93, %dma_start3A_94] : memref<10240x64xf32, #tpu.memory_space<vmem_shared>> -> memref<10240x64xf32, #tpu.memory_space<vmem_shared>>
    tpu.enqueue_indirect_dma source(%arg10 : memref<128x64xf32, #tpu.memory_space<vmem>>) target(%dma_start3A_95 : memref<10240x64xf32, #tpu.memory_space<vmem_shared>>) offsets(%dma_start3A_92 : memref<128xi32, #tpu.memory_space<vmem>>) semaphore(%arg19 : memref<!tpu.dma_semaphore, #tpu.memory_space<semaphore_mem>>) {add = true}
    %dma_wait3A_96 = arith.constant 0 : i32
    %dma_wait3A_97 = arith.constant 0 : i32
    %dma_wait3A_98 = tpu.memref_slice %arg6[%dma_wait3A_96, %dma_wait3A_97] : memref<160x128xi32, #tpu.memory_space<vmem>> -> memref<1x128xi32, #tpu.memory_space<vmem>>
    %dma_wait3A_99 = tpu.memref_squeeze %dma_wait3A_98 : memref<1x128xi32, #tpu.memory_space<vmem>> -> memref<128xi32, #tpu.memory_space<vmem>>
    %dma_wait3A_100 = arith.constant 0 : i32
    %dma_wait3A_101 = arith.constant 0 : i32
    %dma_wait3A_102 = tpu.memref_slice %arg2[%dma_wait3A_100, %dma_wait3A_101] : memref<10240x64xf32, #tpu.memory_space<hbm>> -> memref<10240x64xf32, #tpu.memory_space<hbm>>
    tpu.wait_indirect_dma semaphore(%arg16 : memref<!tpu.dma_semaphore, #tpu.memory_space<semaphore_mem>>) src(%dma_wait3A_102 : memref<10240x64xf32, #tpu.memory_space<hbm>>) dst(%arg11 : memref<128x64xf32, #tpu.memory_space<vmem>>)
    %dma_start3A_103 = arith.constant 159 : i32
    %dma_start3A_104 = arith.constant 0 : i32
    %dma_start3A_105 = tpu.memref_slice %arg7[%dma_start3A_103, %dma_start3A_104] : memref<160x128xi32, #tpu.memory_space<vmem>> -> memref<1x128xi32, #tpu.memory_space<vmem>>
    %dma_start3A_106 = tpu.memref_squeeze %dma_start3A_105 : memref<1x128xi32, #tpu.memory_space<vmem>> -> memref<128xi32, #tpu.memory_space<vmem>>
    %dma_start3A_107 = arith.constant 0 : i32
    %dma_start3A_108 = arith.constant 0 : i32
    %dma_start3A_109 = tpu.memref_slice %arg12[%dma_start3A_107, %dma_start3A_108] : memref<10240x64xf32, #tpu.memory_space<vmem_shared>> -> memref<10240x64xf32, #tpu.memory_space<vmem_shared>>
    tpu.enqueue_indirect_dma source(%arg11 : memref<128x64xf32, #tpu.memory_space<vmem>>) target(%dma_start3A_109 : memref<10240x64xf32, #tpu.memory_space<vmem_shared>>) offsets(%dma_start3A_106 : memref<128xi32, #tpu.memory_space<vmem>>) semaphore(%arg20 : memref<!tpu.dma_semaphore, #tpu.memory_space<semaphore_mem>>) {add = true}
    %dma_wait3A_110 = arith.constant 0 : i32
    %dma_wait3A_111 = arith.constant 0 : i32
    %dma_wait3A_112 = tpu.memref_slice %arg7[%dma_wait3A_110, %dma_wait3A_111] : memref<160x128xi32, #tpu.memory_space<vmem>> -> memref<1x128xi32, #tpu.memory_space<vmem>>
    %dma_wait3A_113 = tpu.memref_squeeze %dma_wait3A_112 : memref<1x128xi32, #tpu.memory_space<vmem>> -> memref<128xi32, #tpu.memory_space<vmem>>
    %dma_wait3A_114 = arith.constant 0 : i32
    %dma_wait3A_115 = arith.constant 0 : i32
    %dma_wait3A_116 = tpu.memref_slice %arg12[%dma_wait3A_114, %dma_wait3A_115] : memref<10240x64xf32, #tpu.memory_space<vmem_shared>> -> memref<10240x64xf32, #tpu.memory_space<vmem_shared>>
    tpu.wait_indirect_dma semaphore(%arg17 : memref<!tpu.dma_semaphore, #tpu.memory_space<semaphore_mem>>) src(%arg8 : memref<128x64xf32, #tpu.memory_space<vmem>>) dst(%dma_wait3A_116 : memref<10240x64xf32, #tpu.memory_space<vmem_shared>>)
    %dma_wait3A_117 = arith.constant 0 : i32
    %dma_wait3A_118 = arith.constant 0 : i32
    %dma_wait3A_119 = tpu.memref_slice %arg7[%dma_wait3A_117, %dma_wait3A_118] : memref<160x128xi32, #tpu.memory_space<vmem>> -> memref<1x128xi32, #tpu.memory_space<vmem>>
    %dma_wait3A_120 = tpu.memref_squeeze %dma_wait3A_119 : memref<1x128xi32, #tpu.memory_space<vmem>> -> memref<128xi32, #tpu.memory_space<vmem>>
    %dma_wait3A_121 = arith.constant 0 : i32
    %dma_wait3A_122 = arith.constant 0 : i32
    %dma_wait3A_123 = tpu.memref_slice %arg12[%dma_wait3A_121, %dma_wait3A_122] : memref<10240x64xf32, #tpu.memory_space<vmem_shared>> -> memref<10240x64xf32, #tpu.memory_space<vmem_shared>>
    tpu.wait_indirect_dma semaphore(%arg18 : memref<!tpu.dma_semaphore, #tpu.memory_space<semaphore_mem>>) src(%arg9 : memref<128x64xf32, #tpu.memory_space<vmem>>) dst(%dma_wait3A_123 : memref<10240x64xf32, #tpu.memory_space<vmem_shared>>)
    %dma_wait3A_124 = arith.constant 0 : i32
    %dma_wait3A_125 = arith.constant 0 : i32
    %dma_wait3A_126 = tpu.memref_slice %arg7[%dma_wait3A_124, %dma_wait3A_125] : memref<160x128xi32, #tpu.memory_space<vmem>> -> memref<1x128xi32, #tpu.memory_space<vmem>>
    %dma_wait3A_127 = tpu.memref_squeeze %dma_wait3A_126 : memref<1x128xi32, #tpu.memory_space<vmem>> -> memref<128xi32, #tpu.memory_space<vmem>>
    %dma_wait3A_128 = arith.constant 0 : i32
    %dma_wait3A_129 = arith.constant 0 : i32
    %dma_wait3A_130 = tpu.memref_slice %arg12[%dma_wait3A_128, %dma_wait3A_129] : memref<10240x64xf32, #tpu.memory_space<vmem_shared>> -> memref<10240x64xf32, #tpu.memory_space<vmem_shared>>
    tpu.wait_indirect_dma semaphore(%arg19 : memref<!tpu.dma_semaphore, #tpu.memory_space<semaphore_mem>>) src(%arg10 : memref<128x64xf32, #tpu.memory_space<vmem>>) dst(%dma_wait3A_130 : memref<10240x64xf32, #tpu.memory_space<vmem_shared>>)
    %dma_wait3A_131 = arith.constant 0 : i32
    %dma_wait3A_132 = arith.constant 0 : i32
    %dma_wait3A_133 = tpu.memref_slice %arg7[%dma_wait3A_131, %dma_wait3A_132] : memref<160x128xi32, #tpu.memory_space<vmem>> -> memref<1x128xi32, #tpu.memory_space<vmem>>
    %dma_wait3A_134 = tpu.memref_squeeze %dma_wait3A_133 : memref<1x128xi32, #tpu.memory_space<vmem>> -> memref<128xi32, #tpu.memory_space<vmem>>
    %dma_wait3A_135 = arith.constant 0 : i32
    %dma_wait3A_136 = arith.constant 0 : i32
    %dma_wait3A_137 = tpu.memref_slice %arg12[%dma_wait3A_135, %dma_wait3A_136] : memref<10240x64xf32, #tpu.memory_space<vmem_shared>> -> memref<10240x64xf32, #tpu.memory_space<vmem_shared>>
    tpu.wait_indirect_dma semaphore(%arg20 : memref<!tpu.dma_semaphore, #tpu.memory_space<semaphore_mem>>) src(%arg11 : memref<128x64xf32, #tpu.memory_space<vmem>>) dst(%dma_wait3A_137 : memref<10240x64xf32, #tpu.memory_space<vmem_shared>>)
    %barrier3A_138 = arith.constant 0 : index
    tpu.barrier barrier_id(%barrier3A_138)
    %scan3A_139 = arith.constant 0 : i32
    %scan3A_140 = arith.constant 0 : i32
    %scan3A_141 = arith.constant 5 : i32
    %scan3A_142 = arith.addi %scan3A_140, %scan3A_141 : i32
    %scan3A_143 = arith.constant 1 : i32
    scf.for %scan3A_145 = %scan3A_140 to %scan3A_142 step %scan3A_143  : i32 {
      %mul3A_146 = arith.constant 128 : i32
      %mul3A_147 = arith.muli %scan3A_145, %mul3A_146 : i32
      %add3A_148 = arith.addi %multiple_of3A, %mul3A_147 : i32
      %multiple_of3A_149 = tpu.assume_multiple %add3A_148, 128 : i32
      "tpu.region"() ({
        %run_scoped3A = tpu.sem_alloc : memref<!tpu.dma_semaphore, #tpu.memory_space<semaphore_mem>>
        %dma_start3A_150 = arith.constant 0 : i32
        %dma_start3A_151 = tpu.memref_slice %arg12[%multiple_of3A_149, %dma_start3A_150] : memref<10240x64xf32, #tpu.memory_space<vmem_shared>> -> memref<128x64xf32, #tpu.memory_space<vmem_shared>>
        %dma_start3A_152 = arith.constant 0 : i32
        %dma_start3A_153 = tpu.memref_slice %arg12[%multiple_of3A_149, %dma_start3A_152] : memref<10240x64xf32, #tpu.memory_space<vmem_shared>> -> memref<128x64xf32, #tpu.memory_space<vmem_shared>>
        tpu.enqueue_dma source(%dma_start3A_153 : memref<128x64xf32, #tpu.memory_space<vmem_shared>>) target(%arg8 : memref<128x64xf32, #tpu.memory_space<vmem>>) target_semaphore(%run_scoped3A : memref<!tpu.dma_semaphore, #tpu.memory_space<semaphore_mem>>)
        %dma_wait3A_154 = arith.constant 0 : i32
        %dma_wait3A_155 = tpu.memref_slice %arg12[%multiple_of3A_149, %dma_wait3A_154] : memref<10240x64xf32, #tpu.memory_space<vmem_shared>> -> memref<128x64xf32, #tpu.memory_space<vmem_shared>>
        %dma_wait3A_156 = arith.constant 0 : i32
        %dma_wait3A_157 = tpu.memref_slice %arg12[%multiple_of3A_149, %dma_wait3A_156] : memref<10240x64xf32, #tpu.memory_space<vmem_shared>> -> memref<128x64xf32, #tpu.memory_space<vmem_shared>>
        tpu.wait_dma2 semaphore(%run_scoped3A : memref<!tpu.dma_semaphore, #tpu.memory_space<semaphore_mem>>) src(%dma_wait3A_157 : memref<128x64xf32, #tpu.memory_space<vmem_shared>>) dst(%arg8 : memref<128x64xf32, #tpu.memory_space<vmem>>)
        tpu.yield
      }) : () -> ()
      "tpu.region"() ({
        %run_scoped3A = tpu.sem_alloc : memref<!tpu.dma_semaphore, #tpu.memory_space<semaphore_mem>>
        %dma_start3A_150 = arith.constant 0 : i32
        %dma_start3A_151 = tpu.memref_slice %arg5[%arg0, %multiple_of3A_149, %dma_start3A_150] : memref<2x10240x64xf32, #tpu.memory_space<hbm>> -> memref<1x128x64xf32, #tpu.memory_space<hbm>>
        %dma_start3A_152 = tpu.memref_squeeze %dma_start3A_151 : memref<1x128x64xf32, #tpu.memory_space<hbm>> -> memref<128x64xf32, #tpu.memory_space<hbm>>
        %dma_start3A_153 = arith.constant 0 : i32
        %dma_start3A_154 = tpu.memref_slice %arg5[%arg0, %multiple_of3A_149, %dma_start3A_153] : memref<2x10240x64xf32, #tpu.memory_space<hbm>> -> memref<1x128x64xf32, #tpu.memory_space<hbm>>
        %dma_start3A_155 = tpu.memref_squeeze %dma_start3A_154 : memref<1x128x64xf32, #tpu.memory_space<hbm>> -> memref<128x64xf32, #tpu.memory_space<hbm>>
        tpu.enqueue_dma source(%arg8 : memref<128x64xf32, #tpu.memory_space<vmem>>) target(%dma_start3A_155 : memref<128x64xf32, #tpu.memory_space<hbm>>) target_semaphore(%run_scoped3A : memref<!tpu.dma_semaphore, #tpu.memory_space<semaphore_mem>>)
        %dma_wait3A_156 = arith.constant 0 : i32
        %dma_wait3A_157 = tpu.memref_slice %arg5[%arg0, %multiple_of3A_149, %dma_wait3A_156] : memref<2x10240x64xf32, #tpu.memory_space<hbm>> -> memref<1x128x64xf32, #tpu.memory_space<hbm>>
        %dma_wait3A_158 = tpu.memref_squeeze %dma_wait3A_157 : memref<1x128x64xf32, #tpu.memory_space<hbm>> -> memref<128x64xf32, #tpu.memory_space<hbm>>
        %dma_wait3A_159 = arith.constant 0 : i32
        %dma_wait3A_160 = tpu.memref_slice %arg5[%arg0, %multiple_of3A_149, %dma_wait3A_159] : memref<2x10240x64xf32, #tpu.memory_space<hbm>> -> memref<1x128x64xf32, #tpu.memory_space<hbm>>
        %dma_wait3A_161 = tpu.memref_squeeze %dma_wait3A_160 : memref<1x128x64xf32, #tpu.memory_space<hbm>> -> memref<128x64xf32, #tpu.memory_space<hbm>>
        tpu.wait_dma2 semaphore(%run_scoped3A : memref<!tpu.dma_semaphore, #tpu.memory_space<semaphore_mem>>) src(%arg8 : memref<128x64xf32, #tpu.memory_space<vmem>>) dst(%dma_wait3A_161 : memref<128x64xf32, #tpu.memory_space<hbm>>)
        tpu.yield
      }) : () -> ()
    }
    %scan3A_144 = arith.constant 5 : i32
    return
  }
}

#map = affine_map<(d0, d1) -> (0, 0)>
#map1 = affine_map<(d0, d1) -> (0, 0, 0)>
module attributes {stable_mosaic.version = 14 : i64} {
  func.func @agg_kernel(%arg0: i32, %arg1: i32, %arg2: memref<10240x64xf32, #tpu.memory_space<hbm>>, %arg3: memref<5120x128xi32, #tpu.memory_space<hbm>>, %arg4: memref<5120x128xi32, #tpu.memory_space<hbm>>, %arg5: memref<2x10240x64xf32, #tpu.memory_space<hbm>>, %arg6: memref<160x128xi32, #tpu.memory_space<vmem>>, %arg7: memref<160x128xi32, #tpu.memory_space<vmem>>, %arg8: memref<128x64xf32, #tpu.memory_space<vmem>>, %arg9: memref<128x64xf32, #tpu.memory_space<vmem>>, %arg10: memref<128x64xf32, #tpu.memory_space<vmem>>, %arg11: memref<128x64xf32, #tpu.memory_space<vmem>>, %arg12: memref<10240x64xf32, #tpu.memory_space<vmem_shared>>, %arg13: memref<!tpu.dma_semaphore, #tpu.memory_space<semaphore_mem>>, %arg14: memref<!tpu.dma_semaphore, #tpu.memory_space<semaphore_mem>>, %arg15: memref<!tpu.dma_semaphore, #tpu.memory_space<semaphore_mem>>, %arg16: memref<!tpu.dma_semaphore, #tpu.memory_space<semaphore_mem>>, %arg17: memref<!tpu.dma_semaphore, #tpu.memory_space<semaphore_mem>>, %arg18: memref<!tpu.dma_semaphore, #tpu.memory_space<semaphore_mem>>, %arg19: memref<!tpu.dma_semaphore, #tpu.memory_space<semaphore_mem>>, %arg20: memref<!tpu.dma_semaphore, #tpu.memory_space<semaphore_mem>>) attributes {dimension_semantics = [#tpu.dimension_semantics<core_parallel>, #tpu.dimension_semantics<subcore_parallel>], iteration_bounds = array<i64: 2, 16>, scalar_prefetch = 0 : i64, scratch_operands = 15 : i64, tpu.core_type = #tpu.core_type<sc_vector_subcore>, window_params = [{transform_indices = #map}, {transform_indices = #map}, {transform_indices = #map}, {transform_indices = #map1}]} {
    %mul3A = arith.constant 16 : i32
    %mul3A_0 = arith.muli %arg0, %mul3A : i32
    %add3A = arith.addi %mul3A_0, %arg1 : i32
    %scan3A = arith.constant 0 : i32
    %scan3A_1 = arith.constant 0 : i32
    %scan3A_2 = arith.constant 128 : i32
    %scan3A_3 = arith.addi %scan3A_1, %scan3A_2 : i32
    %scan3A_4 = arith.constant 1 : i32
    scf.for %scan3A_145 = %scan3A_1 to %scan3A_3 step %scan3A_4  : i32 {
      %broadcast_in_dim3A = arith.constant 0.000000e+00 : f32
      %broadcast_in_dim3A_146 = vector.broadcast %broadcast_in_dim3A : f32 to vector<16xf32>
      %swap3A = arith.index_cast %scan3A_145 : i32 to index
      %swap3A_147 = arith.constant 0 : index
      %swap3A_148 = tpu.vector_load %arg8[%swap3A, %swap3A_147] {strides = array<i32>} : memref<128x64xf32, #tpu.memory_space<vmem>>, vector<1x16xf32>,
      %swap3A_149 = vector.shape_cast %swap3A_148 : vector<1x16xf32> to vector<16xf32>
      %swap3A_150 = vector.shape_cast %broadcast_in_dim3A_146 : vector<16xf32> to vector<1x16xf32>
      tpu.vector_store %arg8[%swap3A, %swap3A_147], %swap3A_150 {strides = array<i32>} : memref<128x64xf32, #tpu.memory_space<vmem>>, vector<1x16xf32>,
      %broadcast_in_dim3A_151 = arith.constant 0.000000e+00 : f32
      %broadcast_in_dim3A_152 = vector.broadcast %broadcast_in_dim3A_151 : f32 to vector<16xf32>
      %swap3A_153 = arith.index_cast %scan3A_145 : i32 to index
      %swap3A_154 = arith.constant 16 : index
      %swap3A_155 = tpu.vector_load %arg8[%swap3A_153, %swap3A_154] {strides = array<i32>} : memref<128x64xf32, #tpu.memory_space<vmem>>, vector<1x16xf32>,
      %swap3A_156 = vector.shape_cast %swap3A_155 : vector<1x16xf32> to vector<16xf32>
      %swap3A_157 = vector.shape_cast %broadcast_in_dim3A_152 : vector<16xf32> to vector<1x16xf32>
      tpu.vector_store %arg8[%swap3A_153, %swap3A_154], %swap3A_157 {strides = array<i32>} : memref<128x64xf32, #tpu.memory_space<vmem>>, vector<1x16xf32>,
      %broadcast_in_dim3A_158 = arith.constant 0.000000e+00 : f32
      %broadcast_in_dim3A_159 = vector.broadcast %broadcast_in_dim3A_158 : f32 to vector<16xf32>
      %swap3A_160 = arith.index_cast %scan3A_145 : i32 to index
      %swap3A_161 = arith.constant 32 : index
      %swap3A_162 = tpu.vector_load %arg8[%swap3A_160, %swap3A_161] {strides = array<i32>} : memref<128x64xf32, #tpu.memory_space<vmem>>, vector<1x16xf32>,
      %swap3A_163 = vector.shape_cast %swap3A_162 : vector<1x16xf32> to vector<16xf32>
      %swap3A_164 = vector.shape_cast %broadcast_in_dim3A_159 : vector<16xf32> to vector<1x16xf32>
      tpu.vector_store %arg8[%swap3A_160, %swap3A_161], %swap3A_164 {strides = array<i32>} : memref<128x64xf32, #tpu.memory_space<vmem>>, vector<1x16xf32>,
      %broadcast_in_dim3A_165 = arith.constant 0.000000e+00 : f32
      %broadcast_in_dim3A_166 = vector.broadcast %broadcast_in_dim3A_165 : f32 to vector<16xf32>
      %swap3A_167 = arith.index_cast %scan3A_145 : i32 to index
      %swap3A_168 = arith.constant 48 : index
      %swap3A_169 = tpu.vector_load %arg8[%swap3A_167, %swap3A_168] {strides = array<i32>} : memref<128x64xf32, #tpu.memory_space<vmem>>, vector<1x16xf32>,
      %swap3A_170 = vector.shape_cast %swap3A_169 : vector<1x16xf32> to vector<16xf32>
      %swap3A_171 = vector.shape_cast %broadcast_in_dim3A_166 : vector<16xf32> to vector<1x16xf32>
      tpu.vector_store %arg8[%swap3A_167, %swap3A_168], %swap3A_171 {strides = array<i32>} : memref<128x64xf32, #tpu.memory_space<vmem>>, vector<1x16xf32>,
    }
    %scan3A_5 = arith.constant 128 : i32
    %mul3A_6 = arith.constant 640 : i32
    %mul3A_7 = arith.muli %arg1, %mul3A_6 : i32
    %multiple_of3A = tpu.assume_multiple %mul3A_7, 128 : i32
    %add3A_8 = arith.constant 0 : i32
    %add3A_9 = arith.addi %multiple_of3A, %add3A_8 : i32
    "tpu.region"() ({
      %run_scoped3A = tpu.sem_alloc : memref<!tpu.dma_semaphore, #tpu.memory_space<semaphore_mem>>
      %dma_start3A_145 = arith.constant 0 : i32
      %dma_start3A_146 = tpu.memref_slice %arg12[%add3A_9, %dma_start3A_145] : memref<10240x64xf32, #tpu.memory_space<vmem_shared>> -> memref<128x64xf32, #tpu.memory_space<vmem_shared>>
      %dma_start3A_147 = arith.constant 0 : i32
      %dma_start3A_148 = tpu.memref_slice %arg12[%add3A_9, %dma_start3A_147] : memref<10240x64xf32, #tpu.memory_space<vmem_shared>> -> memref<128x64xf32, #tpu.memory_space<vmem_shared>>
      tpu.enqueue_dma source(%arg8 : memref<128x64xf32, #tpu.memory_space<vmem>>) target(%dma_start3A_148 : memref<128x64xf32, #tpu.memory_space<vmem_shared>>) target_semaphore(%run_scoped3A : memref<!tpu.dma_semaphore, #tpu.memory_space<semaphore_mem>>)
      %dma_wait3A_149 = arith.constant 0 : i32
      %dma_wait3A_150 = tpu.memref_slice %arg12[%add3A_9, %dma_wait3A_149] : memref<10240x64xf32, #tpu.memory_space<vmem_shared>> -> memref<128x64xf32, #tpu.memory_space<vmem_shared>>
      %dma_wait3A_151 = arith.constant 0 : i32
      %dma_wait3A_152 = tpu.memref_slice %arg12[%add3A_9, %dma_wait3A_151] : memref<10240x64xf32, #tpu.memory_space<vmem_shared>> -> memref<128x64xf32, #tpu.memory_space<vmem_shared>>
      tpu.wait_dma2 semaphore(%run_scoped3A : memref<!tpu.dma_semaphore, #tpu.memory_space<semaphore_mem>>) src(%arg8 : memref<128x64xf32, #tpu.memory_space<vmem>>) dst(%dma_wait3A_152 : memref<128x64xf32, #tpu.memory_space<vmem_shared>>)
      tpu.yield
    }) : () -> ()
    %add3A_10 = arith.constant 128 : i32
    %add3A_11 = arith.addi %multiple_of3A, %add3A_10 : i32
    "tpu.region"() ({
      %run_scoped3A = tpu.sem_alloc : memref<!tpu.dma_semaphore, #tpu.memory_space<semaphore_mem>>
      %dma_start3A_145 = arith.constant 0 : i32
      %dma_start3A_146 = tpu.memref_slice %arg12[%add3A_11, %dma_start3A_145] : memref<10240x64xf32, #tpu.memory_space<vmem_shared>> -> memref<128x64xf32, #tpu.memory_space<vmem_shared>>
      %dma_start3A_147 = arith.constant 0 : i32
      %dma_start3A_148 = tpu.memref_slice %arg12[%add3A_11, %dma_start3A_147] : memref<10240x64xf32, #tpu.memory_space<vmem_shared>> -> memref<128x64xf32, #tpu.memory_space<vmem_shared>>
      tpu.enqueue_dma source(%arg8 : memref<128x64xf32, #tpu.memory_space<vmem>>) target(%dma_start3A_148 : memref<128x64xf32, #tpu.memory_space<vmem_shared>>) target_semaphore(%run_scoped3A : memref<!tpu.dma_semaphore, #tpu.memory_space<semaphore_mem>>)
      %dma_wait3A_149 = arith.constant 0 : i32
      %dma_wait3A_150 = tpu.memref_slice %arg12[%add3A_11, %dma_wait3A_149] : memref<10240x64xf32, #tpu.memory_space<vmem_shared>> -> memref<128x64xf32, #tpu.memory_space<vmem_shared>>
      %dma_wait3A_151 = arith.constant 0 : i32
      %dma_wait3A_152 = tpu.memref_slice %arg12[%add3A_11, %dma_wait3A_151] : memref<10240x64xf32, #tpu.memory_space<vmem_shared>> -> memref<128x64xf32, #tpu.memory_space<vmem_shared>>
      tpu.wait_dma2 semaphore(%run_scoped3A : memref<!tpu.dma_semaphore, #tpu.memory_space<semaphore_mem>>) src(%arg8 : memref<128x64xf32, #tpu.memory_space<vmem>>) dst(%dma_wait3A_152 : memref<128x64xf32, #tpu.memory_space<vmem_shared>>)
      tpu.yield
    }) : () -> ()
    %add3A_12 = arith.constant 256 : i32
    %add3A_13 = arith.addi %multiple_of3A, %add3A_12 : i32
    "tpu.region"() ({
      %run_scoped3A = tpu.sem_alloc : memref<!tpu.dma_semaphore, #tpu.memory_space<semaphore_mem>>
      %dma_start3A_145 = arith.constant 0 : i32
      %dma_start3A_146 = tpu.memref_slice %arg12[%add3A_13, %dma_start3A_145] : memref<10240x64xf32, #tpu.memory_space<vmem_shared>> -> memref<128x64xf32, #tpu.memory_space<vmem_shared>>
      %dma_start3A_147 = arith.constant 0 : i32
      %dma_start3A_148 = tpu.memref_slice %arg12[%add3A_13, %dma_start3A_147] : memref<10240x64xf32, #tpu.memory_space<vmem_shared>> -> memref<128x64xf32, #tpu.memory_space<vmem_shared>>
      tpu.enqueue_dma source(%arg8 : memref<128x64xf32, #tpu.memory_space<vmem>>) target(%dma_start3A_148 : memref<128x64xf32, #tpu.memory_space<vmem_shared>>) target_semaphore(%run_scoped3A : memref<!tpu.dma_semaphore, #tpu.memory_space<semaphore_mem>>)
      %dma_wait3A_149 = arith.constant 0 : i32
      %dma_wait3A_150 = tpu.memref_slice %arg12[%add3A_13, %dma_wait3A_149] : memref<10240x64xf32, #tpu.memory_space<vmem_shared>> -> memref<128x64xf32, #tpu.memory_space<vmem_shared>>
      %dma_wait3A_151 = arith.constant 0 : i32
      %dma_wait3A_152 = tpu.memref_slice %arg12[%add3A_13, %dma_wait3A_151] : memref<10240x64xf32, #tpu.memory_space<vmem_shared>> -> memref<128x64xf32, #tpu.memory_space<vmem_shared>>
      tpu.wait_dma2 semaphore(%run_scoped3A : memref<!tpu.dma_semaphore, #tpu.memory_space<semaphore_mem>>) src(%arg8 : memref<128x64xf32, #tpu.memory_space<vmem>>) dst(%dma_wait3A_152 : memref<128x64xf32, #tpu.memory_space<vmem_shared>>)
      tpu.yield
    }) : () -> ()
    %add3A_14 = arith.constant 384 : i32
    %add3A_15 = arith.addi %multiple_of3A, %add3A_14 : i32
    "tpu.region"() ({
      %run_scoped3A = tpu.sem_alloc : memref<!tpu.dma_semaphore, #tpu.memory_space<semaphore_mem>>
      %dma_start3A_145 = arith.constant 0 : i32
      %dma_start3A_146 = tpu.memref_slice %arg12[%add3A_15, %dma_start3A_145] : memref<10240x64xf32, #tpu.memory_space<vmem_shared>> -> memref<128x64xf32, #tpu.memory_space<vmem_shared>>
      %dma_start3A_147 = arith.constant 0 : i32
      %dma_start3A_148 = tpu.memref_slice %arg12[%add3A_15, %dma_start3A_147] : memref<10240x64xf32, #tpu.memory_space<vmem_shared>> -> memref<128x64xf32, #tpu.memory_space<vmem_shared>>
      tpu.enqueue_dma source(%arg8 : memref<128x64xf32, #tpu.memory_space<vmem>>) target(%dma_start3A_148 : memref<128x64xf32, #tpu.memory_space<vmem_shared>>) target_semaphore(%run_scoped3A : memref<!tpu.dma_semaphore, #tpu.memory_space<semaphore_mem>>)
      %dma_wait3A_149 = arith.constant 0 : i32
      %dma_wait3A_150 = tpu.memref_slice %arg12[%add3A_15, %dma_wait3A_149] : memref<10240x64xf32, #tpu.memory_space<vmem_shared>> -> memref<128x64xf32, #tpu.memory_space<vmem_shared>>
      %dma_wait3A_151 = arith.constant 0 : i32
      %dma_wait3A_152 = tpu.memref_slice %arg12[%add3A_15, %dma_wait3A_151] : memref<10240x64xf32, #tpu.memory_space<vmem_shared>> -> memref<128x64xf32, #tpu.memory_space<vmem_shared>>
      tpu.wait_dma2 semaphore(%run_scoped3A : memref<!tpu.dma_semaphore, #tpu.memory_space<semaphore_mem>>) src(%arg8 : memref<128x64xf32, #tpu.memory_space<vmem>>) dst(%dma_wait3A_152 : memref<128x64xf32, #tpu.memory_space<vmem_shared>>)
      tpu.yield
    }) : () -> ()
    %add3A_16 = arith.constant 512 : i32
    %add3A_17 = arith.addi %multiple_of3A, %add3A_16 : i32
    "tpu.region"() ({
      %run_scoped3A = tpu.sem_alloc : memref<!tpu.dma_semaphore, #tpu.memory_space<semaphore_mem>>
      %dma_start3A_145 = arith.constant 0 : i32
      %dma_start3A_146 = tpu.memref_slice %arg12[%add3A_17, %dma_start3A_145] : memref<10240x64xf32, #tpu.memory_space<vmem_shared>> -> memref<128x64xf32, #tpu.memory_space<vmem_shared>>
      %dma_start3A_147 = arith.constant 0 : i32
      %dma_start3A_148 = tpu.memref_slice %arg12[%add3A_17, %dma_start3A_147] : memref<10240x64xf32, #tpu.memory_space<vmem_shared>> -> memref<128x64xf32, #tpu.memory_space<vmem_shared>>
      tpu.enqueue_dma source(%arg8 : memref<128x64xf32, #tpu.memory_space<vmem>>) target(%dma_start3A_148 : memref<128x64xf32, #tpu.memory_space<vmem_shared>>) target_semaphore(%run_scoped3A : memref<!tpu.dma_semaphore, #tpu.memory_space<semaphore_mem>>)
      %dma_wait3A_149 = arith.constant 0 : i32
      %dma_wait3A_150 = tpu.memref_slice %arg12[%add3A_17, %dma_wait3A_149] : memref<10240x64xf32, #tpu.memory_space<vmem_shared>> -> memref<128x64xf32, #tpu.memory_space<vmem_shared>>
      %dma_wait3A_151 = arith.constant 0 : i32
      %dma_wait3A_152 = tpu.memref_slice %arg12[%add3A_17, %dma_wait3A_151] : memref<10240x64xf32, #tpu.memory_space<vmem_shared>> -> memref<128x64xf32, #tpu.memory_space<vmem_shared>>
      tpu.wait_dma2 semaphore(%run_scoped3A : memref<!tpu.dma_semaphore, #tpu.memory_space<semaphore_mem>>) src(%arg8 : memref<128x64xf32, #tpu.memory_space<vmem>>) dst(%dma_wait3A_152 : memref<128x64xf32, #tpu.memory_space<vmem_shared>>)
      tpu.yield
    }) : () -> ()
    %barrier3A = arith.constant 0 : index
    tpu.barrier barrier_id(%barrier3A)
    %mul3A_18 = arith.constant 160 : i32
    %mul3A_19 = arith.muli %add3A, %mul3A_18 : i32
    "tpu.region"() ({
      %run_scoped3A = tpu.sem_alloc : memref<!tpu.dma_semaphore, #tpu.memory_space<semaphore_mem>>
      %dma_start3A_145 = arith.constant 0 : i32
      %dma_start3A_146 = tpu.memref_slice %arg3[%mul3A_19, %dma_start3A_145] : memref<5120x128xi32, #tpu.memory_space<hbm>> -> memref<160x128xi32, #tpu.memory_space<hbm>>
      %dma_start3A_147 = arith.constant 0 : i32
      %dma_start3A_148 = tpu.memref_slice %arg3[%mul3A_19, %dma_start3A_147] : memref<5120x128xi32, #tpu.memory_space<hbm>> -> memref<160x128xi32, #tpu.memory_space<hbm>>
      tpu.enqueue_dma source(%dma_start3A_148 : memref<160x128xi32, #tpu.memory_space<hbm>>) target(%arg6 : memref<160x128xi32, #tpu.memory_space<vmem>>) target_semaphore(%run_scoped3A : memref<!tpu.dma_semaphore, #tpu.memory_space<semaphore_mem>>)
      %dma_wait3A_149 = arith.constant 0 : i32
      %dma_wait3A_150 = tpu.memref_slice %arg3[%mul3A_19, %dma_wait3A_149] : memref<5120x128xi32, #tpu.memory_space<hbm>> -> memref<160x128xi32, #tpu.memory_space<hbm>>
      %dma_wait3A_151 = arith.constant 0 : i32
      %dma_wait3A_152 = tpu.memref_slice %arg3[%mul3A_19, %dma_wait3A_151] : memref<5120x128xi32, #tpu.memory_space<hbm>> -> memref<160x128xi32, #tpu.memory_space<hbm>>
      tpu.wait_dma2 semaphore(%run_scoped3A : memref<!tpu.dma_semaphore, #tpu.memory_space<semaphore_mem>>) src(%dma_wait3A_152 : memref<160x128xi32, #tpu.memory_space<hbm>>) dst(%arg6 : memref<160x128xi32, #tpu.memory_space<vmem>>)
      tpu.yield
    }) : () -> ()
    %mul3A_20 = arith.constant 160 : i32
    %mul3A_21 = arith.muli %add3A, %mul3A_20 : i32
    "tpu.region"() ({
      %run_scoped3A = tpu.sem_alloc : memref<!tpu.dma_semaphore, #tpu.memory_space<semaphore_mem>>
      %dma_start3A_145 = arith.constant 0 : i32
      %dma_start3A_146 = tpu.memref_slice %arg4[%mul3A_21, %dma_start3A_145] : memref<5120x128xi32, #tpu.memory_space<hbm>> -> memref<160x128xi32, #tpu.memory_space<hbm>>
      %dma_start3A_147 = arith.constant 0 : i32
      %dma_start3A_148 = tpu.memref_slice %arg4[%mul3A_21, %dma_start3A_147] : memref<5120x128xi32, #tpu.memory_space<hbm>> -> memref<160x128xi32, #tpu.memory_space<hbm>>
      tpu.enqueue_dma source(%dma_start3A_148 : memref<160x128xi32, #tpu.memory_space<hbm>>) target(%arg7 : memref<160x128xi32, #tpu.memory_space<vmem>>) target_semaphore(%run_scoped3A : memref<!tpu.dma_semaphore, #tpu.memory_space<semaphore_mem>>)
      %dma_wait3A_149 = arith.constant 0 : i32
      %dma_wait3A_150 = tpu.memref_slice %arg4[%mul3A_21, %dma_wait3A_149] : memref<5120x128xi32, #tpu.memory_space<hbm>> -> memref<160x128xi32, #tpu.memory_space<hbm>>
      %dma_wait3A_151 = arith.constant 0 : i32
      %dma_wait3A_152 = tpu.memref_slice %arg4[%mul3A_21, %dma_wait3A_151] : memref<5120x128xi32, #tpu.memory_space<hbm>> -> memref<160x128xi32, #tpu.memory_space<hbm>>
      tpu.wait_dma2 semaphore(%run_scoped3A : memref<!tpu.dma_semaphore, #tpu.memory_space<semaphore_mem>>) src(%dma_wait3A_152 : memref<160x128xi32, #tpu.memory_space<hbm>>) dst(%arg7 : memref<160x128xi32, #tpu.memory_space<vmem>>)
      tpu.yield
    }) : () -> ()
    %dma_start3A = arith.constant 0 : i32
    %dma_start3A_22 = arith.constant 0 : i32
    %dma_start3A_23 = tpu.memref_slice %arg6[%dma_start3A, %dma_start3A_22] : memref<160x128xi32, #tpu.memory_space<vmem>> -> memref<1x128xi32, #tpu.memory_space<vmem>>
    %dma_start3A_24 = tpu.memref_squeeze %dma_start3A_23 : memref<1x128xi32, #tpu.memory_space<vmem>> -> memref<128xi32, #tpu.memory_space<vmem>>
    %dma_start3A_25 = arith.constant 0 : i32
    %dma_start3A_26 = arith.constant 0 : i32
    %dma_start3A_27 = tpu.memref_slice %arg2[%dma_start3A_25, %dma_start3A_26] : memref<10240x64xf32, #tpu.memory_space<hbm>> -> memref<10240x64xf32, #tpu.memory_space<hbm>>
    tpu.enqueue_indirect_dma source(%dma_start3A_27 : memref<10240x64xf32, #tpu.memory_space<hbm>>) target(%arg8 : memref<128x64xf32, #tpu.memory_space<vmem>>) offsets(%dma_start3A_24 : memref<128xi32, #tpu.memory_space<vmem>>) semaphore(%arg13 : memref<!tpu.dma_semaphore, #tpu.memory_space<semaphore_mem>>)
    %dma_start3A_28 = arith.constant 1 : i32
    %dma_start3A_29 = arith.constant 0 : i32
    %dma_start3A_30 = tpu.memref_slice %arg6[%dma_start3A_28, %dma_start3A_29] : memref<160x128xi32, #tpu.memory_space<vmem>> -> memref<1x128xi32, #tpu.memory_space<vmem>>
    %dma_start3A_31 = tpu.memref_squeeze %dma_start3A_30 : memref<1x128xi32, #tpu.memory_space<vmem>> -> memref<128xi32, #tpu.memory_space<vmem>>
    %dma_start3A_32 = arith.constant 0 : i32
    %dma_start3A_33 = arith.constant 0 : i32
    %dma_start3A_34 = tpu.memref_slice %arg2[%dma_start3A_32, %dma_start3A_33] : memref<10240x64xf32, #tpu.memory_space<hbm>> -> memref<10240x64xf32, #tpu.memory_space<hbm>>
    tpu.enqueue_indirect_dma source(%dma_start3A_34 : memref<10240x64xf32, #tpu.memory_space<hbm>>) target(%arg9 : memref<128x64xf32, #tpu.memory_space<vmem>>) offsets(%dma_start3A_31 : memref<128xi32, #tpu.memory_space<vmem>>) semaphore(%arg14 : memref<!tpu.dma_semaphore, #tpu.memory_space<semaphore_mem>>)
    %dma_start3A_35 = arith.constant 2 : i32
    %dma_start3A_36 = arith.constant 0 : i32
    %dma_start3A_37 = tpu.memref_slice %arg6[%dma_start3A_35, %dma_start3A_36] : memref<160x128xi32, #tpu.memory_space<vmem>> -> memref<1x128xi32, #tpu.memory_space<vmem>>
    %dma_start3A_38 = tpu.memref_squeeze %dma_start3A_37 : memref<1x128xi32, #tpu.memory_space<vmem>> -> memref<128xi32, #tpu.memory_space<vmem>>
    %dma_start3A_39 = arith.constant 0 : i32
    %dma_start3A_40 = arith.constant 0 : i32
    %dma_start3A_41 = tpu.memref_slice %arg2[%dma_start3A_39, %dma_start3A_40] : memref<10240x64xf32, #tpu.memory_space<hbm>> -> memref<10240x64xf32, #tpu.memory_space<hbm>>
    tpu.enqueue_indirect_dma source(%dma_start3A_41 : memref<10240x64xf32, #tpu.memory_space<hbm>>) target(%arg10 : memref<128x64xf32, #tpu.memory_space<vmem>>) offsets(%dma_start3A_38 : memref<128xi32, #tpu.memory_space<vmem>>) semaphore(%arg15 : memref<!tpu.dma_semaphore, #tpu.memory_space<semaphore_mem>>)
    %dma_start3A_42 = arith.constant 3 : i32
    %dma_start3A_43 = arith.constant 0 : i32
    %dma_start3A_44 = tpu.memref_slice %arg6[%dma_start3A_42, %dma_start3A_43] : memref<160x128xi32, #tpu.memory_space<vmem>> -> memref<1x128xi32, #tpu.memory_space<vmem>>
    %dma_start3A_45 = tpu.memref_squeeze %dma_start3A_44 : memref<1x128xi32, #tpu.memory_space<vmem>> -> memref<128xi32, #tpu.memory_space<vmem>>
    %dma_start3A_46 = arith.constant 0 : i32
    %dma_start3A_47 = arith.constant 0 : i32
    %dma_start3A_48 = tpu.memref_slice %arg2[%dma_start3A_46, %dma_start3A_47] : memref<10240x64xf32, #tpu.memory_space<hbm>> -> memref<10240x64xf32, #tpu.memory_space<hbm>>
    tpu.enqueue_indirect_dma source(%dma_start3A_48 : memref<10240x64xf32, #tpu.memory_space<hbm>>) target(%arg11 : memref<128x64xf32, #tpu.memory_space<vmem>>) offsets(%dma_start3A_45 : memref<128xi32, #tpu.memory_space<vmem>>) semaphore(%arg16 : memref<!tpu.dma_semaphore, #tpu.memory_space<semaphore_mem>>)
    %scan3A_49 = arith.constant 0 : i32
    %scan3A_50 = arith.constant 0 : i32
    %scan3A_51 = arith.constant 39 : i32
    %scan3A_52 = arith.addi %scan3A_50, %scan3A_51 : i32
    %scan3A_53 = arith.constant 1 : i32
    scf.for %scan3A_145 = %scan3A_50 to %scan3A_52 step %scan3A_53  : i32 {
      %dma_wait3A_146 = arith.constant 0 : i32
      %dma_wait3A_147 = arith.constant 0 : i32
      %dma_wait3A_148 = tpu.memref_slice %arg6[%dma_wait3A_146, %dma_wait3A_147] : memref<160x128xi32, #tpu.memory_space<vmem>> -> memref<1x128xi32, #tpu.memory_space<vmem>>
      %dma_wait3A_149 = tpu.memref_squeeze %dma_wait3A_148 : memref<1x128xi32, #tpu.memory_space<vmem>> -> memref<128xi32, #tpu.memory_space<vmem>>
      %dma_wait3A_150 = arith.constant 0 : i32
      %dma_wait3A_151 = arith.constant 0 : i32
      %dma_wait3A_152 = tpu.memref_slice %arg2[%dma_wait3A_150, %dma_wait3A_151] : memref<10240x64xf32, #tpu.memory_space<hbm>> -> memref<10240x64xf32, #tpu.memory_space<hbm>>
      tpu.wait_indirect_dma semaphore(%arg13 : memref<!tpu.dma_semaphore, #tpu.memory_space<semaphore_mem>>) src(%dma_wait3A_152 : memref<10240x64xf32, #tpu.memory_space<hbm>>) dst(%arg8 : memref<128x64xf32, #tpu.memory_space<vmem>>)
      %mul3A_153 = arith.constant 4 : i32
      %mul3A_154 = arith.muli %scan3A_145, %mul3A_153 : i32
      %add3A_155 = arith.constant 0 : i32
      %add3A_156 = arith.addi %mul3A_154, %add3A_155 : i32
      %dma_start3A_157 = arith.constant 0 : i32
      %dma_start3A_158 = tpu.memref_slice %arg7[%add3A_156, %dma_start3A_157] : memref<160x128xi32, #tpu.memory_space<vmem>> -> memref<1x128xi32, #tpu.memory_space<vmem>>
      %dma_start3A_159 = tpu.memref_squeeze %dma_start3A_158 : memref<1x128xi32, #tpu.memory_space<vmem>> -> memref<128xi32, #tpu.memory_space<vmem>>
      %dma_start3A_160 = arith.constant 0 : i32
      %dma_start3A_161 = arith.constant 0 : i32
      %dma_start3A_162 = tpu.memref_slice %arg12[%dma_start3A_160, %dma_start3A_161] : memref<10240x64xf32, #tpu.memory_space<vmem_shared>> -> memref<10240x64xf32, #tpu.memory_space<vmem_shared>>
      tpu.enqueue_indirect_dma source(%arg8 : memref<128x64xf32, #tpu.memory_space<vmem>>) target(%dma_start3A_162 : memref<10240x64xf32, #tpu.memory_space<vmem_shared>>) offsets(%dma_start3A_159 : memref<128xi32, #tpu.memory_space<vmem>>) semaphore(%arg17 : memref<!tpu.dma_semaphore, #tpu.memory_space<semaphore_mem>>) {add = true}
      %dma_wait3A_163 = arith.constant 0 : i32
      %dma_wait3A_164 = arith.constant 0 : i32
      %dma_wait3A_165 = tpu.memref_slice %arg6[%dma_wait3A_163, %dma_wait3A_164] : memref<160x128xi32, #tpu.memory_space<vmem>> -> memref<1x128xi32, #tpu.memory_space<vmem>>
      %dma_wait3A_166 = tpu.memref_squeeze %dma_wait3A_165 : memref<1x128xi32, #tpu.memory_space<vmem>> -> memref<128xi32, #tpu.memory_space<vmem>>
      %dma_wait3A_167 = arith.constant 0 : i32
      %dma_wait3A_168 = arith.constant 0 : i32
      %dma_wait3A_169 = tpu.memref_slice %arg2[%dma_wait3A_167, %dma_wait3A_168] : memref<10240x64xf32, #tpu.memory_space<hbm>> -> memref<10240x64xf32, #tpu.memory_space<hbm>>
      tpu.wait_indirect_dma semaphore(%arg14 : memref<!tpu.dma_semaphore, #tpu.memory_space<semaphore_mem>>) src(%dma_wait3A_169 : memref<10240x64xf32, #tpu.memory_space<hbm>>) dst(%arg9 : memref<128x64xf32, #tpu.memory_space<vmem>>)
      %mul3A_170 = arith.constant 4 : i32
      %mul3A_171 = arith.muli %scan3A_145, %mul3A_170 : i32
      %add3A_172 = arith.constant 1 : i32
      %add3A_173 = arith.addi %mul3A_171, %add3A_172 : i32
      %dma_start3A_174 = arith.constant 0 : i32
      %dma_start3A_175 = tpu.memref_slice %arg7[%add3A_173, %dma_start3A_174] : memref<160x128xi32, #tpu.memory_space<vmem>> -> memref<1x128xi32, #tpu.memory_space<vmem>>
      %dma_start3A_176 = tpu.memref_squeeze %dma_start3A_175 : memref<1x128xi32, #tpu.memory_space<vmem>> -> memref<128xi32, #tpu.memory_space<vmem>>
      %dma_start3A_177 = arith.constant 0 : i32
      %dma_start3A_178 = arith.constant 0 : i32
      %dma_start3A_179 = tpu.memref_slice %arg12[%dma_start3A_177, %dma_start3A_178] : memref<10240x64xf32, #tpu.memory_space<vmem_shared>> -> memref<10240x64xf32, #tpu.memory_space<vmem_shared>>
      tpu.enqueue_indirect_dma source(%arg9 : memref<128x64xf32, #tpu.memory_space<vmem>>) target(%dma_start3A_179 : memref<10240x64xf32, #tpu.memory_space<vmem_shared>>) offsets(%dma_start3A_176 : memref<128xi32, #tpu.memory_space<vmem>>) semaphore(%arg18 : memref<!tpu.dma_semaphore, #tpu.memory_space<semaphore_mem>>) {add = true}
      %dma_wait3A_180 = arith.constant 0 : i32
      %dma_wait3A_181 = arith.constant 0 : i32
      %dma_wait3A_182 = tpu.memref_slice %arg6[%dma_wait3A_180, %dma_wait3A_181] : memref<160x128xi32, #tpu.memory_space<vmem>> -> memref<1x128xi32, #tpu.memory_space<vmem>>
      %dma_wait3A_183 = tpu.memref_squeeze %dma_wait3A_182 : memref<1x128xi32, #tpu.memory_space<vmem>> -> memref<128xi32, #tpu.memory_space<vmem>>
      %dma_wait3A_184 = arith.constant 0 : i32
      %dma_wait3A_185 = arith.constant 0 : i32
      %dma_wait3A_186 = tpu.memref_slice %arg2[%dma_wait3A_184, %dma_wait3A_185] : memref<10240x64xf32, #tpu.memory_space<hbm>> -> memref<10240x64xf32, #tpu.memory_space<hbm>>
      tpu.wait_indirect_dma semaphore(%arg15 : memref<!tpu.dma_semaphore, #tpu.memory_space<semaphore_mem>>) src(%dma_wait3A_186 : memref<10240x64xf32, #tpu.memory_space<hbm>>) dst(%arg10 : memref<128x64xf32, #tpu.memory_space<vmem>>)
      %mul3A_187 = arith.constant 4 : i32
      %mul3A_188 = arith.muli %scan3A_145, %mul3A_187 : i32
      %add3A_189 = arith.constant 2 : i32
      %add3A_190 = arith.addi %mul3A_188, %add3A_189 : i32
      %dma_start3A_191 = arith.constant 0 : i32
      %dma_start3A_192 = tpu.memref_slice %arg7[%add3A_190, %dma_start3A_191] : memref<160x128xi32, #tpu.memory_space<vmem>> -> memref<1x128xi32, #tpu.memory_space<vmem>>
      %dma_start3A_193 = tpu.memref_squeeze %dma_start3A_192 : memref<1x128xi32, #tpu.memory_space<vmem>> -> memref<128xi32, #tpu.memory_space<vmem>>
      %dma_start3A_194 = arith.constant 0 : i32
      %dma_start3A_195 = arith.constant 0 : i32
      %dma_start3A_196 = tpu.memref_slice %arg12[%dma_start3A_194, %dma_start3A_195] : memref<10240x64xf32, #tpu.memory_space<vmem_shared>> -> memref<10240x64xf32, #tpu.memory_space<vmem_shared>>
      tpu.enqueue_indirect_dma source(%arg10 : memref<128x64xf32, #tpu.memory_space<vmem>>) target(%dma_start3A_196 : memref<10240x64xf32, #tpu.memory_space<vmem_shared>>) offsets(%dma_start3A_193 : memref<128xi32, #tpu.memory_space<vmem>>) semaphore(%arg19 : memref<!tpu.dma_semaphore, #tpu.memory_space<semaphore_mem>>) {add = true}
      %dma_wait3A_197 = arith.constant 0 : i32
      %dma_wait3A_198 = arith.constant 0 : i32
      %dma_wait3A_199 = tpu.memref_slice %arg6[%dma_wait3A_197, %dma_wait3A_198] : memref<160x128xi32, #tpu.memory_space<vmem>> -> memref<1x128xi32, #tpu.memory_space<vmem>>
      %dma_wait3A_200 = tpu.memref_squeeze %dma_wait3A_199 : memref<1x128xi32, #tpu.memory_space<vmem>> -> memref<128xi32, #tpu.memory_space<vmem>>
      %dma_wait3A_201 = arith.constant 0 : i32
      %dma_wait3A_202 = arith.constant 0 : i32
      %dma_wait3A_203 = tpu.memref_slice %arg2[%dma_wait3A_201, %dma_wait3A_202] : memref<10240x64xf32, #tpu.memory_space<hbm>> -> memref<10240x64xf32, #tpu.memory_space<hbm>>
      tpu.wait_indirect_dma semaphore(%arg16 : memref<!tpu.dma_semaphore, #tpu.memory_space<semaphore_mem>>) src(%dma_wait3A_203 : memref<10240x64xf32, #tpu.memory_space<hbm>>) dst(%arg11 : memref<128x64xf32, #tpu.memory_space<vmem>>)
      %mul3A_204 = arith.constant 4 : i32
      %mul3A_205 = arith.muli %scan3A_145, %mul3A_204 : i32
      %add3A_206 = arith.constant 3 : i32
      %add3A_207 = arith.addi %mul3A_205, %add3A_206 : i32
      %dma_start3A_208 = arith.constant 0 : i32
      %dma_start3A_209 = tpu.memref_slice %arg7[%add3A_207, %dma_start3A_208] : memref<160x128xi32, #tpu.memory_space<vmem>> -> memref<1x128xi32, #tpu.memory_space<vmem>>
      %dma_start3A_210 = tpu.memref_squeeze %dma_start3A_209 : memref<1x128xi32, #tpu.memory_space<vmem>> -> memref<128xi32, #tpu.memory_space<vmem>>
      %dma_start3A_211 = arith.constant 0 : i32
      %dma_start3A_212 = arith.constant 0 : i32
      %dma_start3A_213 = tpu.memref_slice %arg12[%dma_start3A_211, %dma_start3A_212] : memref<10240x64xf32, #tpu.memory_space<vmem_shared>> -> memref<10240x64xf32, #tpu.memory_space<vmem_shared>>
      tpu.enqueue_indirect_dma source(%arg11 : memref<128x64xf32, #tpu.memory_space<vmem>>) target(%dma_start3A_213 : memref<10240x64xf32, #tpu.memory_space<vmem_shared>>) offsets(%dma_start3A_210 : memref<128xi32, #tpu.memory_space<vmem>>) semaphore(%arg20 : memref<!tpu.dma_semaphore, #tpu.memory_space<semaphore_mem>>) {add = true}
      %dma_wait3A_214 = arith.constant 0 : i32
      %dma_wait3A_215 = arith.constant 0 : i32
      %dma_wait3A_216 = tpu.memref_slice %arg7[%dma_wait3A_214, %dma_wait3A_215] : memref<160x128xi32, #tpu.memory_space<vmem>> -> memref<1x128xi32, #tpu.memory_space<vmem>>
      %dma_wait3A_217 = tpu.memref_squeeze %dma_wait3A_216 : memref<1x128xi32, #tpu.memory_space<vmem>> -> memref<128xi32, #tpu.memory_space<vmem>>
      %dma_wait3A_218 = arith.constant 0 : i32
      %dma_wait3A_219 = arith.constant 0 : i32
      %dma_wait3A_220 = tpu.memref_slice %arg12[%dma_wait3A_218, %dma_wait3A_219] : memref<10240x64xf32, #tpu.memory_space<vmem_shared>> -> memref<10240x64xf32, #tpu.memory_space<vmem_shared>>
      tpu.wait_indirect_dma semaphore(%arg17 : memref<!tpu.dma_semaphore, #tpu.memory_space<semaphore_mem>>) src(%arg8 : memref<128x64xf32, #tpu.memory_space<vmem>>) dst(%dma_wait3A_220 : memref<10240x64xf32, #tpu.memory_space<vmem_shared>>)
      %add3A_221 = arith.constant 1 : i32
      %add3A_222 = arith.addi %scan3A_145, %add3A_221 : i32
      %mul3A_223 = arith.constant 4 : i32
      %mul3A_224 = arith.muli %add3A_222, %mul3A_223 : i32
      %add3A_225 = arith.constant 0 : i32
      %add3A_226 = arith.addi %mul3A_224, %add3A_225 : i32
      %dma_start3A_227 = arith.constant 0 : i32
      %dma_start3A_228 = tpu.memref_slice %arg6[%add3A_226, %dma_start3A_227] : memref<160x128xi32, #tpu.memory_space<vmem>> -> memref<1x128xi32, #tpu.memory_space<vmem>>
      %dma_start3A_229 = tpu.memref_squeeze %dma_start3A_228 : memref<1x128xi32, #tpu.memory_space<vmem>> -> memref<128xi32, #tpu.memory_space<vmem>>
      %dma_start3A_230 = arith.constant 0 : i32
      %dma_start3A_231 = arith.constant 0 : i32
      %dma_start3A_232 = tpu.memref_slice %arg2[%dma_start3A_230, %dma_start3A_231] : memref<10240x64xf32, #tpu.memory_space<hbm>> -> memref<10240x64xf32, #tpu.memory_space<hbm>>
      tpu.enqueue_indirect_dma source(%dma_start3A_232 : memref<10240x64xf32, #tpu.memory_space<hbm>>) target(%arg8 : memref<128x64xf32, #tpu.memory_space<vmem>>) offsets(%dma_start3A_229 : memref<128xi32, #tpu.memory_space<vmem>>) semaphore(%arg13 : memref<!tpu.dma_semaphore, #tpu.memory_space<semaphore_mem>>)
      %dma_wait3A_233 = arith.constant 0 : i32
      %dma_wait3A_234 = arith.constant 0 : i32
      %dma_wait3A_235 = tpu.memref_slice %arg7[%dma_wait3A_233, %dma_wait3A_234] : memref<160x128xi32, #tpu.memory_space<vmem>> -> memref<1x128xi32, #tpu.memory_space<vmem>>
      %dma_wait3A_236 = tpu.memref_squeeze %dma_wait3A_235 : memref<1x128xi32, #tpu.memory_space<vmem>> -> memref<128xi32, #tpu.memory_space<vmem>>
      %dma_wait3A_237 = arith.constant 0 : i32
      %dma_wait3A_238 = arith.constant 0 : i32
      %dma_wait3A_239 = tpu.memref_slice %arg12[%dma_wait3A_237, %dma_wait3A_238] : memref<10240x64xf32, #tpu.memory_space<vmem_shared>> -> memref<10240x64xf32, #tpu.memory_space<vmem_shared>>
      tpu.wait_indirect_dma semaphore(%arg18 : memref<!tpu.dma_semaphore, #tpu.memory_space<semaphore_mem>>) src(%arg9 : memref<128x64xf32, #tpu.memory_space<vmem>>) dst(%dma_wait3A_239 : memref<10240x64xf32, #tpu.memory_space<vmem_shared>>)
      %add3A_240 = arith.constant 1 : i32
      %add3A_241 = arith.addi %scan3A_145, %add3A_240 : i32
      %mul3A_242 = arith.constant 4 : i32
      %mul3A_243 = arith.muli %add3A_241, %mul3A_242 : i32
      %add3A_244 = arith.constant 1 : i32
      %add3A_245 = arith.addi %mul3A_243, %add3A_244 : i32
      %dma_start3A_246 = arith.constant 0 : i32
      %dma_start3A_247 = tpu.memref_slice %arg6[%add3A_245, %dma_start3A_246] : memref<160x128xi32, #tpu.memory_space<vmem>> -> memref<1x128xi32, #tpu.memory_space<vmem>>
      %dma_start3A_248 = tpu.memref_squeeze %dma_start3A_247 : memref<1x128xi32, #tpu.memory_space<vmem>> -> memref<128xi32, #tpu.memory_space<vmem>>
      %dma_start3A_249 = arith.constant 0 : i32
      %dma_start3A_250 = arith.constant 0 : i32
      %dma_start3A_251 = tpu.memref_slice %arg2[%dma_start3A_249, %dma_start3A_250] : memref<10240x64xf32, #tpu.memory_space<hbm>> -> memref<10240x64xf32, #tpu.memory_space<hbm>>
      tpu.enqueue_indirect_dma source(%dma_start3A_251 : memref<10240x64xf32, #tpu.memory_space<hbm>>) target(%arg9 : memref<128x64xf32, #tpu.memory_space<vmem>>) offsets(%dma_start3A_248 : memref<128xi32, #tpu.memory_space<vmem>>) semaphore(%arg14 : memref<!tpu.dma_semaphore, #tpu.memory_space<semaphore_mem>>)
      %dma_wait3A_252 = arith.constant 0 : i32
      %dma_wait3A_253 = arith.constant 0 : i32
      %dma_wait3A_254 = tpu.memref_slice %arg7[%dma_wait3A_252, %dma_wait3A_253] : memref<160x128xi32, #tpu.memory_space<vmem>> -> memref<1x128xi32, #tpu.memory_space<vmem>>
      %dma_wait3A_255 = tpu.memref_squeeze %dma_wait3A_254 : memref<1x128xi32, #tpu.memory_space<vmem>> -> memref<128xi32, #tpu.memory_space<vmem>>
      %dma_wait3A_256 = arith.constant 0 : i32
      %dma_wait3A_257 = arith.constant 0 : i32
      %dma_wait3A_258 = tpu.memref_slice %arg12[%dma_wait3A_256, %dma_wait3A_257] : memref<10240x64xf32, #tpu.memory_space<vmem_shared>> -> memref<10240x64xf32, #tpu.memory_space<vmem_shared>>
      tpu.wait_indirect_dma semaphore(%arg19 : memref<!tpu.dma_semaphore, #tpu.memory_space<semaphore_mem>>) src(%arg10 : memref<128x64xf32, #tpu.memory_space<vmem>>) dst(%dma_wait3A_258 : memref<10240x64xf32, #tpu.memory_space<vmem_shared>>)
      %add3A_259 = arith.constant 1 : i32
      %add3A_260 = arith.addi %scan3A_145, %add3A_259 : i32
      %mul3A_261 = arith.constant 4 : i32
      %mul3A_262 = arith.muli %add3A_260, %mul3A_261 : i32
      %add3A_263 = arith.constant 2 : i32
      %add3A_264 = arith.addi %mul3A_262, %add3A_263 : i32
      %dma_start3A_265 = arith.constant 0 : i32
      %dma_start3A_266 = tpu.memref_slice %arg6[%add3A_264, %dma_start3A_265] : memref<160x128xi32, #tpu.memory_space<vmem>> -> memref<1x128xi32, #tpu.memory_space<vmem>>
      %dma_start3A_267 = tpu.memref_squeeze %dma_start3A_266 : memref<1x128xi32, #tpu.memory_space<vmem>> -> memref<128xi32, #tpu.memory_space<vmem>>
      %dma_start3A_268 = arith.constant 0 : i32
      %dma_start3A_269 = arith.constant 0 : i32
      %dma_start3A_270 = tpu.memref_slice %arg2[%dma_start3A_268, %dma_start3A_269] : memref<10240x64xf32, #tpu.memory_space<hbm>> -> memref<10240x64xf32, #tpu.memory_space<hbm>>
      tpu.enqueue_indirect_dma source(%dma_start3A_270 : memref<10240x64xf32, #tpu.memory_space<hbm>>) target(%arg10 : memref<128x64xf32, #tpu.memory_space<vmem>>) offsets(%dma_start3A_267 : memref<128xi32, #tpu.memory_space<vmem>>) semaphore(%arg15 : memref<!tpu.dma_semaphore, #tpu.memory_space<semaphore_mem>>)
      %dma_wait3A_271 = arith.constant 0 : i32
      %dma_wait3A_272 = arith.constant 0 : i32
      %dma_wait3A_273 = tpu.memref_slice %arg7[%dma_wait3A_271, %dma_wait3A_272] : memref<160x128xi32, #tpu.memory_space<vmem>> -> memref<1x128xi32, #tpu.memory_space<vmem>>
      %dma_wait3A_274 = tpu.memref_squeeze %dma_wait3A_273 : memref<1x128xi32, #tpu.memory_space<vmem>> -> memref<128xi32, #tpu.memory_space<vmem>>
      %dma_wait3A_275 = arith.constant 0 : i32
      %dma_wait3A_276 = arith.constant 0 : i32
      %dma_wait3A_277 = tpu.memref_slice %arg12[%dma_wait3A_275, %dma_wait3A_276] : memref<10240x64xf32, #tpu.memory_space<vmem_shared>> -> memref<10240x64xf32, #tpu.memory_space<vmem_shared>>
      tpu.wait_indirect_dma semaphore(%arg20 : memref<!tpu.dma_semaphore, #tpu.memory_space<semaphore_mem>>) src(%arg11 : memref<128x64xf32, #tpu.memory_space<vmem>>) dst(%dma_wait3A_277 : memref<10240x64xf32, #tpu.memory_space<vmem_shared>>)
      %add3A_278 = arith.constant 1 : i32
      %add3A_279 = arith.addi %scan3A_145, %add3A_278 : i32
      %mul3A_280 = arith.constant 4 : i32
      %mul3A_281 = arith.muli %add3A_279, %mul3A_280 : i32
      %add3A_282 = arith.constant 3 : i32
      %add3A_283 = arith.addi %mul3A_281, %add3A_282 : i32
      %dma_start3A_284 = arith.constant 0 : i32
      %dma_start3A_285 = tpu.memref_slice %arg6[%add3A_283, %dma_start3A_284] : memref<160x128xi32, #tpu.memory_space<vmem>> -> memref<1x128xi32, #tpu.memory_space<vmem>>
      %dma_start3A_286 = tpu.memref_squeeze %dma_start3A_285 : memref<1x128xi32, #tpu.memory_space<vmem>> -> memref<128xi32, #tpu.memory_space<vmem>>
      %dma_start3A_287 = arith.constant 0 : i32
      %dma_start3A_288 = arith.constant 0 : i32
      %dma_start3A_289 = tpu.memref_slice %arg2[%dma_start3A_287, %dma_start3A_288] : memref<10240x64xf32, #tpu.memory_space<hbm>> -> memref<10240x64xf32, #tpu.memory_space<hbm>>
      tpu.enqueue_indirect_dma source(%dma_start3A_289 : memref<10240x64xf32, #tpu.memory_space<hbm>>) target(%arg11 : memref<128x64xf32, #tpu.memory_space<vmem>>) offsets(%dma_start3A_286 : memref<128xi32, #tpu.memory_space<vmem>>) semaphore(%arg16 : memref<!tpu.dma_semaphore, #tpu.memory_space<semaphore_mem>>)
    }
    %scan3A_54 = arith.constant 39 : i32
    %dma_wait3A = arith.constant 0 : i32
    %dma_wait3A_55 = arith.constant 0 : i32
    %dma_wait3A_56 = tpu.memref_slice %arg6[%dma_wait3A, %dma_wait3A_55] : memref<160x128xi32, #tpu.memory_space<vmem>> -> memref<1x128xi32, #tpu.memory_space<vmem>>
    %dma_wait3A_57 = tpu.memref_squeeze %dma_wait3A_56 : memref<1x128xi32, #tpu.memory_space<vmem>> -> memref<128xi32, #tpu.memory_space<vmem>>
    %dma_wait3A_58 = arith.constant 0 : i32
    %dma_wait3A_59 = arith.constant 0 : i32
    %dma_wait3A_60 = tpu.memref_slice %arg2[%dma_wait3A_58, %dma_wait3A_59] : memref<10240x64xf32, #tpu.memory_space<hbm>> -> memref<10240x64xf32, #tpu.memory_space<hbm>>
    tpu.wait_indirect_dma semaphore(%arg13 : memref<!tpu.dma_semaphore, #tpu.memory_space<semaphore_mem>>) src(%dma_wait3A_60 : memref<10240x64xf32, #tpu.memory_space<hbm>>) dst(%arg8 : memref<128x64xf32, #tpu.memory_space<vmem>>)
    %dma_start3A_61 = arith.constant 156 : i32
    %dma_start3A_62 = arith.constant 0 : i32
    %dma_start3A_63 = tpu.memref_slice %arg7[%dma_start3A_61, %dma_start3A_62] : memref<160x128xi32, #tpu.memory_space<vmem>> -> memref<1x128xi32, #tpu.memory_space<vmem>>
    %dma_start3A_64 = tpu.memref_squeeze %dma_start3A_63 : memref<1x128xi32, #tpu.memory_space<vmem>> -> memref<128xi32, #tpu.memory_space<vmem>>
    %dma_start3A_65 = arith.constant 0 : i32
    %dma_start3A_66 = arith.constant 0 : i32
    %dma_start3A_67 = tpu.memref_slice %arg12[%dma_start3A_65, %dma_start3A_66] : memref<10240x64xf32, #tpu.memory_space<vmem_shared>> -> memref<10240x64xf32, #tpu.memory_space<vmem_shared>>
    tpu.enqueue_indirect_dma source(%arg8 : memref<128x64xf32, #tpu.memory_space<vmem>>) target(%dma_start3A_67 : memref<10240x64xf32, #tpu.memory_space<vmem_shared>>) offsets(%dma_start3A_64 : memref<128xi32, #tpu.memory_space<vmem>>) semaphore(%arg17 : memref<!tpu.dma_semaphore, #tpu.memory_space<semaphore_mem>>) {add = true}
    %dma_wait3A_68 = arith.constant 0 : i32
    %dma_wait3A_69 = arith.constant 0 : i32
    %dma_wait3A_70 = tpu.memref_slice %arg6[%dma_wait3A_68, %dma_wait3A_69] : memref<160x128xi32, #tpu.memory_space<vmem>> -> memref<1x128xi32, #tpu.memory_space<vmem>>
    %dma_wait3A_71 = tpu.memref_squeeze %dma_wait3A_70 : memref<1x128xi32, #tpu.memory_space<vmem>> -> memref<128xi32, #tpu.memory_space<vmem>>
    %dma_wait3A_72 = arith.constant 0 : i32
    %dma_wait3A_73 = arith.constant 0 : i32
    %dma_wait3A_74 = tpu.memref_slice %arg2[%dma_wait3A_72, %dma_wait3A_73] : memref<10240x64xf32, #tpu.memory_space<hbm>> -> memref<10240x64xf32, #tpu.memory_space<hbm>>
    tpu.wait_indirect_dma semaphore(%arg14 : memref<!tpu.dma_semaphore, #tpu.memory_space<semaphore_mem>>) src(%dma_wait3A_74 : memref<10240x64xf32, #tpu.memory_space<hbm>>) dst(%arg9 : memref<128x64xf32, #tpu.memory_space<vmem>>)
    %dma_start3A_75 = arith.constant 157 : i32
    %dma_start3A_76 = arith.constant 0 : i32
    %dma_start3A_77 = tpu.memref_slice %arg7[%dma_start3A_75, %dma_start3A_76] : memref<160x128xi32, #tpu.memory_space<vmem>> -> memref<1x128xi32, #tpu.memory_space<vmem>>
    %dma_start3A_78 = tpu.memref_squeeze %dma_start3A_77 : memref<1x128xi32, #tpu.memory_space<vmem>> -> memref<128xi32, #tpu.memory_space<vmem>>
    %dma_start3A_79 = arith.constant 0 : i32
    %dma_start3A_80 = arith.constant 0 : i32
    %dma_start3A_81 = tpu.memref_slice %arg12[%dma_start3A_79, %dma_start3A_80] : memref<10240x64xf32, #tpu.memory_space<vmem_shared>> -> memref<10240x64xf32, #tpu.memory_space<vmem_shared>>
    tpu.enqueue_indirect_dma source(%arg9 : memref<128x64xf32, #tpu.memory_space<vmem>>) target(%dma_start3A_81 : memref<10240x64xf32, #tpu.memory_space<vmem_shared>>) offsets(%dma_start3A_78 : memref<128xi32, #tpu.memory_space<vmem>>) semaphore(%arg18 : memref<!tpu.dma_semaphore, #tpu.memory_space<semaphore_mem>>) {add = true}
    %dma_wait3A_82 = arith.constant 0 : i32
    %dma_wait3A_83 = arith.constant 0 : i32
    %dma_wait3A_84 = tpu.memref_slice %arg6[%dma_wait3A_82, %dma_wait3A_83] : memref<160x128xi32, #tpu.memory_space<vmem>> -> memref<1x128xi32, #tpu.memory_space<vmem>>
    %dma_wait3A_85 = tpu.memref_squeeze %dma_wait3A_84 : memref<1x128xi32, #tpu.memory_space<vmem>> -> memref<128xi32, #tpu.memory_space<vmem>>
    %dma_wait3A_86 = arith.constant 0 : i32
    %dma_wait3A_87 = arith.constant 0 : i32
    %dma_wait3A_88 = tpu.memref_slice %arg2[%dma_wait3A_86, %dma_wait3A_87] : memref<10240x64xf32, #tpu.memory_space<hbm>> -> memref<10240x64xf32, #tpu.memory_space<hbm>>
    tpu.wait_indirect_dma semaphore(%arg15 : memref<!tpu.dma_semaphore, #tpu.memory_space<semaphore_mem>>) src(%dma_wait3A_88 : memref<10240x64xf32, #tpu.memory_space<hbm>>) dst(%arg10 : memref<128x64xf32, #tpu.memory_space<vmem>>)
    %dma_start3A_89 = arith.constant 158 : i32
    %dma_start3A_90 = arith.constant 0 : i32
    %dma_start3A_91 = tpu.memref_slice %arg7[%dma_start3A_89, %dma_start3A_90] : memref<160x128xi32, #tpu.memory_space<vmem>> -> memref<1x128xi32, #tpu.memory_space<vmem>>
    %dma_start3A_92 = tpu.memref_squeeze %dma_start3A_91 : memref<1x128xi32, #tpu.memory_space<vmem>> -> memref<128xi32, #tpu.memory_space<vmem>>
    %dma_start3A_93 = arith.constant 0 : i32
    %dma_start3A_94 = arith.constant 0 : i32
    %dma_start3A_95 = tpu.memref_slice %arg12[%dma_start3A_93, %dma_start3A_94] : memref<10240x64xf32, #tpu.memory_space<vmem_shared>> -> memref<10240x64xf32, #tpu.memory_space<vmem_shared>>
    tpu.enqueue_indirect_dma source(%arg10 : memref<128x64xf32, #tpu.memory_space<vmem>>) target(%dma_start3A_95 : memref<10240x64xf32, #tpu.memory_space<vmem_shared>>) offsets(%dma_start3A_92 : memref<128xi32, #tpu.memory_space<vmem>>) semaphore(%arg19 : memref<!tpu.dma_semaphore, #tpu.memory_space<semaphore_mem>>) {add = true}
    %dma_wait3A_96 = arith.constant 0 : i32
    %dma_wait3A_97 = arith.constant 0 : i32
    %dma_wait3A_98 = tpu.memref_slice %arg6[%dma_wait3A_96, %dma_wait3A_97] : memref<160x128xi32, #tpu.memory_space<vmem>> -> memref<1x128xi32, #tpu.memory_space<vmem>>
    %dma_wait3A_99 = tpu.memref_squeeze %dma_wait3A_98 : memref<1x128xi32, #tpu.memory_space<vmem>> -> memref<128xi32, #tpu.memory_space<vmem>>
    %dma_wait3A_100 = arith.constant 0 : i32
    %dma_wait3A_101 = arith.constant 0 : i32
    %dma_wait3A_102 = tpu.memref_slice %arg2[%dma_wait3A_100, %dma_wait3A_101] : memref<10240x64xf32, #tpu.memory_space<hbm>> -> memref<10240x64xf32, #tpu.memory_space<hbm>>
    tpu.wait_indirect_dma semaphore(%arg16 : memref<!tpu.dma_semaphore, #tpu.memory_space<semaphore_mem>>) src(%dma_wait3A_102 : memref<10240x64xf32, #tpu.memory_space<hbm>>) dst(%arg11 : memref<128x64xf32, #tpu.memory_space<vmem>>)
    %dma_start3A_103 = arith.constant 159 : i32
    %dma_start3A_104 = arith.constant 0 : i32
    %dma_start3A_105 = tpu.memref_slice %arg7[%dma_start3A_103, %dma_start3A_104] : memref<160x128xi32, #tpu.memory_space<vmem>> -> memref<1x128xi32, #tpu.memory_space<vmem>>
    %dma_start3A_106 = tpu.memref_squeeze %dma_start3A_105 : memref<1x128xi32, #tpu.memory_space<vmem>> -> memref<128xi32, #tpu.memory_space<vmem>>
    %dma_start3A_107 = arith.constant 0 : i32
    %dma_start3A_108 = arith.constant 0 : i32
    %dma_start3A_109 = tpu.memref_slice %arg12[%dma_start3A_107, %dma_start3A_108] : memref<10240x64xf32, #tpu.memory_space<vmem_shared>> -> memref<10240x64xf32, #tpu.memory_space<vmem_shared>>
    tpu.enqueue_indirect_dma source(%arg11 : memref<128x64xf32, #tpu.memory_space<vmem>>) target(%dma_start3A_109 : memref<10240x64xf32, #tpu.memory_space<vmem_shared>>) offsets(%dma_start3A_106 : memref<128xi32, #tpu.memory_space<vmem>>) semaphore(%arg20 : memref<!tpu.dma_semaphore, #tpu.memory_space<semaphore_mem>>) {add = true}
    %dma_wait3A_110 = arith.constant 0 : i32
    %dma_wait3A_111 = arith.constant 0 : i32
    %dma_wait3A_112 = tpu.memref_slice %arg7[%dma_wait3A_110, %dma_wait3A_111] : memref<160x128xi32, #tpu.memory_space<vmem>> -> memref<1x128xi32, #tpu.memory_space<vmem>>
    %dma_wait3A_113 = tpu.memref_squeeze %dma_wait3A_112 : memref<1x128xi32, #tpu.memory_space<vmem>> -> memref<128xi32, #tpu.memory_space<vmem>>
    %dma_wait3A_114 = arith.constant 0 : i32
    %dma_wait3A_115 = arith.constant 0 : i32
    %dma_wait3A_116 = tpu.memref_slice %arg12[%dma_wait3A_114, %dma_wait3A_115] : memref<10240x64xf32, #tpu.memory_space<vmem_shared>> -> memref<10240x64xf32, #tpu.memory_space<vmem_shared>>
    tpu.wait_indirect_dma semaphore(%arg17 : memref<!tpu.dma_semaphore, #tpu.memory_space<semaphore_mem>>) src(%arg8 : memref<128x64xf32, #tpu.memory_space<vmem>>) dst(%dma_wait3A_116 : memref<10240x64xf32, #tpu.memory_space<vmem_shared>>)
    %dma_wait3A_117 = arith.constant 0 : i32
    %dma_wait3A_118 = arith.constant 0 : i32
    %dma_wait3A_119 = tpu.memref_slice %arg7[%dma_wait3A_117, %dma_wait3A_118] : memref<160x128xi32, #tpu.memory_space<vmem>> -> memref<1x128xi32, #tpu.memory_space<vmem>>
    %dma_wait3A_120 = tpu.memref_squeeze %dma_wait3A_119 : memref<1x128xi32, #tpu.memory_space<vmem>> -> memref<128xi32, #tpu.memory_space<vmem>>
    %dma_wait3A_121 = arith.constant 0 : i32
    %dma_wait3A_122 = arith.constant 0 : i32
    %dma_wait3A_123 = tpu.memref_slice %arg12[%dma_wait3A_121, %dma_wait3A_122] : memref<10240x64xf32, #tpu.memory_space<vmem_shared>> -> memref<10240x64xf32, #tpu.memory_space<vmem_shared>>
    tpu.wait_indirect_dma semaphore(%arg18 : memref<!tpu.dma_semaphore, #tpu.memory_space<semaphore_mem>>) src(%arg9 : memref<128x64xf32, #tpu.memory_space<vmem>>) dst(%dma_wait3A_123 : memref<10240x64xf32, #tpu.memory_space<vmem_shared>>)
    %dma_wait3A_124 = arith.constant 0 : i32
    %dma_wait3A_125 = arith.constant 0 : i32
    %dma_wait3A_126 = tpu.memref_slice %arg7[%dma_wait3A_124, %dma_wait3A_125] : memref<160x128xi32, #tpu.memory_space<vmem>> -> memref<1x128xi32, #tpu.memory_space<vmem>>
    %dma_wait3A_127 = tpu.memref_squeeze %dma_wait3A_126 : memref<1x128xi32, #tpu.memory_space<vmem>> -> memref<128xi32, #tpu.memory_space<vmem>>
    %dma_wait3A_128 = arith.constant 0 : i32
    %dma_wait3A_129 = arith.constant 0 : i32
    %dma_wait3A_130 = tpu.memref_slice %arg12[%dma_wait3A_128, %dma_wait3A_129] : memref<10240x64xf32, #tpu.memory_space<vmem_shared>> -> memref<10240x64xf32, #tpu.memory_space<vmem_shared>>
    tpu.wait_indirect_dma semaphore(%arg19 : memref<!tpu.dma_semaphore, #tpu.memory_space<semaphore_mem>>) src(%arg10 : memref<128x64xf32, #tpu.memory_space<vmem>>) dst(%dma_wait3A_130 : memref<10240x64xf32, #tpu.memory_space<vmem_shared>>)
    %dma_wait3A_131 = arith.constant 0 : i32
    %dma_wait3A_132 = arith.constant 0 : i32
    %dma_wait3A_133 = tpu.memref_slice %arg7[%dma_wait3A_131, %dma_wait3A_132] : memref<160x128xi32, #tpu.memory_space<vmem>> -> memref<1x128xi32, #tpu.memory_space<vmem>>
    %dma_wait3A_134 = tpu.memref_squeeze %dma_wait3A_133 : memref<1x128xi32, #tpu.memory_space<vmem>> -> memref<128xi32, #tpu.memory_space<vmem>>
    %dma_wait3A_135 = arith.constant 0 : i32
    %dma_wait3A_136 = arith.constant 0 : i32
    %dma_wait3A_137 = tpu.memref_slice %arg12[%dma_wait3A_135, %dma_wait3A_136] : memref<10240x64xf32, #tpu.memory_space<vmem_shared>> -> memref<10240x64xf32, #tpu.memory_space<vmem_shared>>
    tpu.wait_indirect_dma semaphore(%arg20 : memref<!tpu.dma_semaphore, #tpu.memory_space<semaphore_mem>>) src(%arg11 : memref<128x64xf32, #tpu.memory_space<vmem>>) dst(%dma_wait3A_137 : memref<10240x64xf32, #tpu.memory_space<vmem_shared>>)
    %barrier3A_138 = arith.constant 0 : index
    tpu.barrier barrier_id(%barrier3A_138)
    %scan3A_139 = arith.constant 0 : i32
    %scan3A_140 = arith.constant 0 : i32
    %scan3A_141 = arith.constant 5 : i32
    %scan3A_142 = arith.addi %scan3A_140, %scan3A_141 : i32
    %scan3A_143 = arith.constant 1 : i32
    scf.for %scan3A_145 = %scan3A_140 to %scan3A_142 step %scan3A_143  : i32 {
      %mul3A_146 = arith.constant 128 : i32
      %mul3A_147 = arith.muli %scan3A_145, %mul3A_146 : i32
      %add3A_148 = arith.addi %multiple_of3A, %mul3A_147 : i32
      %multiple_of3A_149 = tpu.assume_multiple %add3A_148, 128 : i32
      "tpu.region"() ({
        %run_scoped3A = tpu.sem_alloc : memref<!tpu.dma_semaphore, #tpu.memory_space<semaphore_mem>>
        %dma_start3A_150 = arith.constant 0 : i32
        %dma_start3A_151 = tpu.memref_slice %arg12[%multiple_of3A_149, %dma_start3A_150] : memref<10240x64xf32, #tpu.memory_space<vmem_shared>> -> memref<128x64xf32, #tpu.memory_space<vmem_shared>>
        %dma_start3A_152 = arith.constant 0 : i32
        %dma_start3A_153 = tpu.memref_slice %arg12[%multiple_of3A_149, %dma_start3A_152] : memref<10240x64xf32, #tpu.memory_space<vmem_shared>> -> memref<128x64xf32, #tpu.memory_space<vmem_shared>>
        tpu.enqueue_dma source(%dma_start3A_153 : memref<128x64xf32, #tpu.memory_space<vmem_shared>>) target(%arg8 : memref<128x64xf32, #tpu.memory_space<vmem>>) target_semaphore(%run_scoped3A : memref<!tpu.dma_semaphore, #tpu.memory_space<semaphore_mem>>)
        %dma_wait3A_154 = arith.constant 0 : i32
        %dma_wait3A_155 = tpu.memref_slice %arg12[%multiple_of3A_149, %dma_wait3A_154] : memref<10240x64xf32, #tpu.memory_space<vmem_shared>> -> memref<128x64xf32, #tpu.memory_space<vmem_shared>>
        %dma_wait3A_156 = arith.constant 0 : i32
        %dma_wait3A_157 = tpu.memref_slice %arg12[%multiple_of3A_149, %dma_wait3A_156] : memref<10240x64xf32, #tpu.memory_space<vmem_shared>> -> memref<128x64xf32, #tpu.memory_space<vmem_shared>>
        tpu.wait_dma2 semaphore(%run_scoped3A : memref<!tpu.dma_semaphore, #tpu.memory_space<semaphore_mem>>) src(%dma_wait3A_157 : memref<128x64xf32, #tpu.memory_space<vmem_shared>>) dst(%arg8 : memref<128x64xf32, #tpu.memory_space<vmem>>)
        tpu.yield
      }) : () -> ()
      "tpu.region"() ({
        %run_scoped3A = tpu.sem_alloc : memref<!tpu.dma_semaphore, #tpu.memory_space<semaphore_mem>>
        %dma_start3A_150 = arith.constant 0 : i32
        %dma_start3A_151 = tpu.memref_slice %arg5[%arg0, %multiple_of3A_149, %dma_start3A_150] : memref<2x10240x64xf32, #tpu.memory_space<hbm>> -> memref<1x128x64xf32, #tpu.memory_space<hbm>>
        %dma_start3A_152 = tpu.memref_squeeze %dma_start3A_151 : memref<1x128x64xf32, #tpu.memory_space<hbm>> -> memref<128x64xf32, #tpu.memory_space<hbm>>
        %dma_start3A_153 = arith.constant 0 : i32
        %dma_start3A_154 = tpu.memref_slice %arg5[%arg0, %multiple_of3A_149, %dma_start3A_153] : memref<2x10240x64xf32, #tpu.memory_space<hbm>> -> memref<1x128x64xf32, #tpu.memory_space<hbm>>
        %dma_start3A_155 = tpu.memref_squeeze %dma_start3A_154 : memref<1x128x64xf32, #tpu.memory_space<hbm>> -> memref<128x64xf32, #tpu.memory_space<hbm>>
        tpu.enqueue_dma source(%arg8 : memref<128x64xf32, #tpu.memory_space<vmem>>) target(%dma_start3A_155 : memref<128x64xf32, #tpu.memory_space<hbm>>) target_semaphore(%run_scoped3A : memref<!tpu.dma_semaphore, #tpu.memory_space<semaphore_mem>>)
        %dma_wait3A_156 = arith.constant 0 : i32
        %dma_wait3A_157 = tpu.memref_slice %arg5[%arg0, %multiple_of3A_149, %dma_wait3A_156] : memref<2x10240x64xf32, #tpu.memory_space<hbm>> -> memref<1x128x64xf32, #tpu.memory_space<hbm>>
        %dma_wait3A_158 = tpu.memref_squeeze %dma_wait3A_157 : memref<1x128x64xf32, #tpu.memory_space<hbm>> -> memref<128x64xf32, #tpu.memory_space<hbm>>
        %dma_wait3A_159 = arith.constant 0 : i32
        %dma_wait3A_160 = tpu.memref_slice %arg5[%arg0, %multiple_of3A_149, %dma_wait3A_159] : memref<2x10240x64xf32, #tpu.memory_space<hbm>> -> memref<1x128x64xf32, #tpu.memory_space<hbm>>
        %dma_wait3A_161 = tpu.memref_squeeze %dma_wait3A_160 : memref<1x128x64xf32, #tpu.memory_space<hbm>> -> memref<128x64xf32, #tpu.memory_space<hbm>>
        tpu.wait_dma2 semaphore(%run_scoped3A : memref<!tpu.dma_semaphore, #tpu.memory_space<semaphore_mem>>) src(%arg8 : memref<128x64xf32, #tpu.memory_space<vmem>>) dst(%dma_wait3A_161 : memref<128x64xf32, #tpu.memory_space<hbm>>)
        tpu.yield
      }) : () -> ()
    }
    %scan3A_144 = arith.constant 5 : i32
    return
  }
}

#map = affine_map<(d0, d1) -> (0, 0)>
module attributes {stable_mosaic.version = 14 : i64} {
  func.func @deg_kernel(%arg0: i32, %arg1: i32, %arg2: memref<5120x128xi32, #tpu.memory_space<hbm>>, %arg3: memref<2x10240xf32, #tpu.memory_space<hbm>>, %arg4: memref<160x128xi32, #tpu.memory_space<vmem>>, %arg5: memref<128xf32, #tpu.memory_space<vmem>>, %arg6: memref<128xf32, #tpu.memory_space<vmem>>, %arg7: memref<640xf32, #tpu.memory_space<vmem>>, %arg8: memref<10240xf32, #tpu.memory_space<vmem_shared>>) attributes {dimension_semantics = [#tpu.dimension_semantics<core_parallel>, #tpu.dimension_semantics<subcore_parallel>], iteration_bounds = array<i64: 2, 16>, scalar_prefetch = 0 : i64, scratch_operands = 5 : i64, tpu.core_type = #tpu.core_type<sc_vector_subcore>, window_params = [{transform_indices = #map}, {transform_indices = #map}]} {
    %mul3A = arith.constant 16 : i32
    %mul3A_0 = arith.muli %arg0, %mul3A : i32
    %add3A = arith.addi %mul3A_0, %arg1 : i32
    %broadcast_in_dim3A = arith.constant 1.000000e+00 : f32
    %broadcast_in_dim3A_1 = vector.broadcast %broadcast_in_dim3A : f32 to vector<16xf32>
    %swap3A = arith.constant 0 : index
    %swap3A_2 = tpu.vector_load %arg5[%swap3A] {strides = array<i32>} : memref<128xf32, #tpu.memory_space<vmem>>, vector<16xf32>,
    %swap3A_3 = vector.shape_cast %swap3A_2 : vector<16xf32> to vector<16xf32>
    %swap3A_4 = vector.shape_cast %broadcast_in_dim3A_1 : vector<16xf32> to vector<16xf32>
    tpu.vector_store %arg5[%swap3A], %swap3A_4 {strides = array<i32>} : memref<128xf32, #tpu.memory_space<vmem>>, vector<16xf32>,
    %broadcast_in_dim3A_5 = arith.constant 0.000000e+00 : f32
    %broadcast_in_dim3A_6 = vector.broadcast %broadcast_in_dim3A_5 : f32 to vector<16xf32>
    %swap3A_7 = arith.constant 0 : index
    %swap3A_8 = tpu.vector_load %arg6[%swap3A_7] {strides = array<i32>} : memref<128xf32, #tpu.memory_space<vmem>>, vector<16xf32>,
    %swap3A_9 = vector.shape_cast %swap3A_8 : vector<16xf32> to vector<16xf32>
    %swap3A_10 = vector.shape_cast %broadcast_in_dim3A_6 : vector<16xf32> to vector<16xf32>
    tpu.vector_store %arg6[%swap3A_7], %swap3A_10 {strides = array<i32>} : memref<128xf32, #tpu.memory_space<vmem>>, vector<16xf32>,
    %broadcast_in_dim3A_11 = arith.constant 1.000000e+00 : f32
    %broadcast_in_dim3A_12 = vector.broadcast %broadcast_in_dim3A_11 : f32 to vector<16xf32>
    %swap3A_13 = arith.constant 16 : index
    %swap3A_14 = tpu.vector_load %arg5[%swap3A_13] {strides = array<i32>} : memref<128xf32, #tpu.memory_space<vmem>>, vector<16xf32>,
    %swap3A_15 = vector.shape_cast %swap3A_14 : vector<16xf32> to vector<16xf32>
    %swap3A_16 = vector.shape_cast %broadcast_in_dim3A_12 : vector<16xf32> to vector<16xf32>
    tpu.vector_store %arg5[%swap3A_13], %swap3A_16 {strides = array<i32>} : memref<128xf32, #tpu.memory_space<vmem>>, vector<16xf32>,
    %broadcast_in_dim3A_17 = arith.constant 0.000000e+00 : f32
    %broadcast_in_dim3A_18 = vector.broadcast %broadcast_in_dim3A_17 : f32 to vector<16xf32>
    %swap3A_19 = arith.constant 16 : index
    %swap3A_20 = tpu.vector_load %arg6[%swap3A_19] {strides = array<i32>} : memref<128xf32, #tpu.memory_space<vmem>>, vector<16xf32>,
    %swap3A_21 = vector.shape_cast %swap3A_20 : vector<16xf32> to vector<16xf32>
    %swap3A_22 = vector.shape_cast %broadcast_in_dim3A_18 : vector<16xf32> to vector<16xf32>
    tpu.vector_store %arg6[%swap3A_19], %swap3A_22 {strides = array<i32>} : memref<128xf32, #tpu.memory_space<vmem>>, vector<16xf32>,
    %broadcast_in_dim3A_23 = arith.constant 1.000000e+00 : f32
    %broadcast_in_dim3A_24 = vector.broadcast %broadcast_in_dim3A_23 : f32 to vector<16xf32>
    %swap3A_25 = arith.constant 32 : index
    %swap3A_26 = tpu.vector_load %arg5[%swap3A_25] {strides = array<i32>} : memref<128xf32, #tpu.memory_space<vmem>>, vector<16xf32>,
    %swap3A_27 = vector.shape_cast %swap3A_26 : vector<16xf32> to vector<16xf32>
    %swap3A_28 = vector.shape_cast %broadcast_in_dim3A_24 : vector<16xf32> to vector<16xf32>
    tpu.vector_store %arg5[%swap3A_25], %swap3A_28 {strides = array<i32>} : memref<128xf32, #tpu.memory_space<vmem>>, vector<16xf32>,
    %broadcast_in_dim3A_29 = arith.constant 0.000000e+00 : f32
    %broadcast_in_dim3A_30 = vector.broadcast %broadcast_in_dim3A_29 : f32 to vector<16xf32>
    %swap3A_31 = arith.constant 32 : index
    %swap3A_32 = tpu.vector_load %arg6[%swap3A_31] {strides = array<i32>} : memref<128xf32, #tpu.memory_space<vmem>>, vector<16xf32>,
    %swap3A_33 = vector.shape_cast %swap3A_32 : vector<16xf32> to vector<16xf32>
    %swap3A_34 = vector.shape_cast %broadcast_in_dim3A_30 : vector<16xf32> to vector<16xf32>
    tpu.vector_store %arg6[%swap3A_31], %swap3A_34 {strides = array<i32>} : memref<128xf32, #tpu.memory_space<vmem>>, vector<16xf32>,
    %broadcast_in_dim3A_35 = arith.constant 1.000000e+00 : f32
    %broadcast_in_dim3A_36 = vector.broadcast %broadcast_in_dim3A_35 : f32 to vector<16xf32>
    %swap3A_37 = arith.constant 48 : index
    %swap3A_38 = tpu.vector_load %arg5[%swap3A_37] {strides = array<i32>} : memref<128xf32, #tpu.memory_space<vmem>>, vector<16xf32>,
    %swap3A_39 = vector.shape_cast %swap3A_38 : vector<16xf32> to vector<16xf32>
    %swap3A_40 = vector.shape_cast %broadcast_in_dim3A_36 : vector<16xf32> to vector<16xf32>
    tpu.vector_store %arg5[%swap3A_37], %swap3A_40 {strides = array<i32>} : memref<128xf32, #tpu.memory_space<vmem>>, vector<16xf32>,
    %broadcast_in_dim3A_41 = arith.constant 0.000000e+00 : f32
    %broadcast_in_dim3A_42 = vector.broadcast %broadcast_in_dim3A_41 : f32 to vector<16xf32>
    %swap3A_43 = arith.constant 48 : index
    %swap3A_44 = tpu.vector_load %arg6[%swap3A_43] {strides = array<i32>} : memref<128xf32, #tpu.memory_space<vmem>>, vector<16xf32>,
    %swap3A_45 = vector.shape_cast %swap3A_44 : vector<16xf32> to vector<16xf32>
    %swap3A_46 = vector.shape_cast %broadcast_in_dim3A_42 : vector<16xf32> to vector<16xf32>
    tpu.vector_store %arg6[%swap3A_43], %swap3A_46 {strides = array<i32>} : memref<128xf32, #tpu.memory_space<vmem>>, vector<16xf32>,
    %broadcast_in_dim3A_47 = arith.constant 1.000000e+00 : f32
    %broadcast_in_dim3A_48 = vector.broadcast %broadcast_in_dim3A_47 : f32 to vector<16xf32>
    %swap3A_49 = arith.constant 64 : index
    %swap3A_50 = tpu.vector_load %arg5[%swap3A_49] {strides = array<i32>} : memref<128xf32, #tpu.memory_space<vmem>>, vector<16xf32>,
    %swap3A_51 = vector.shape_cast %swap3A_50 : vector<16xf32> to vector<16xf32>
    %swap3A_52 = vector.shape_cast %broadcast_in_dim3A_48 : vector<16xf32> to vector<16xf32>
    tpu.vector_store %arg5[%swap3A_49], %swap3A_52 {strides = array<i32>} : memref<128xf32, #tpu.memory_space<vmem>>, vector<16xf32>,
    %broadcast_in_dim3A_53 = arith.constant 0.000000e+00 : f32
    %broadcast_in_dim3A_54 = vector.broadcast %broadcast_in_dim3A_53 : f32 to vector<16xf32>
    %swap3A_55 = arith.constant 64 : index
    %swap3A_56 = tpu.vector_load %arg6[%swap3A_55] {strides = array<i32>} : memref<128xf32, #tpu.memory_space<vmem>>, vector<16xf32>,
    %swap3A_57 = vector.shape_cast %swap3A_56 : vector<16xf32> to vector<16xf32>
    %swap3A_58 = vector.shape_cast %broadcast_in_dim3A_54 : vector<16xf32> to vector<16xf32>
    tpu.vector_store %arg6[%swap3A_55], %swap3A_58 {strides = array<i32>} : memref<128xf32, #tpu.memory_space<vmem>>, vector<16xf32>,
    %broadcast_in_dim3A_59 = arith.constant 1.000000e+00 : f32
    %broadcast_in_dim3A_60 = vector.broadcast %broadcast_in_dim3A_59 : f32 to vector<16xf32>
    %swap3A_61 = arith.constant 80 : index
    %swap3A_62 = tpu.vector_load %arg5[%swap3A_61] {strides = array<i32>} : memref<128xf32, #tpu.memory_space<vmem>>, vector<16xf32>,
    %swap3A_63 = vector.shape_cast %swap3A_62 : vector<16xf32> to vector<16xf32>
    %swap3A_64 = vector.shape_cast %broadcast_in_dim3A_60 : vector<16xf32> to vector<16xf32>
    tpu.vector_store %arg5[%swap3A_61], %swap3A_64 {strides = array<i32>} : memref<128xf32, #tpu.memory_space<vmem>>, vector<16xf32>,
    %broadcast_in_dim3A_65 = arith.constant 0.000000e+00 : f32
    %broadcast_in_dim3A_66 = vector.broadcast %broadcast_in_dim3A_65 : f32 to vector<16xf32>
    %swap3A_67 = arith.constant 80 : index
    %swap3A_68 = tpu.vector_load %arg6[%swap3A_67] {strides = array<i32>} : memref<128xf32, #tpu.memory_space<vmem>>, vector<16xf32>,
    %swap3A_69 = vector.shape_cast %swap3A_68 : vector<16xf32> to vector<16xf32>
    %swap3A_70 = vector.shape_cast %broadcast_in_dim3A_66 : vector<16xf32> to vector<16xf32>
    tpu.vector_store %arg6[%swap3A_67], %swap3A_70 {strides = array<i32>} : memref<128xf32, #tpu.memory_space<vmem>>, vector<16xf32>,
    %broadcast_in_dim3A_71 = arith.constant 1.000000e+00 : f32
    %broadcast_in_dim3A_72 = vector.broadcast %broadcast_in_dim3A_71 : f32 to vector<16xf32>
    %swap3A_73 = arith.constant 96 : index
    %swap3A_74 = tpu.vector_load %arg5[%swap3A_73] {strides = array<i32>} : memref<128xf32, #tpu.memory_space<vmem>>, vector<16xf32>,
    %swap3A_75 = vector.shape_cast %swap3A_74 : vector<16xf32> to vector<16xf32>
    %swap3A_76 = vector.shape_cast %broadcast_in_dim3A_72 : vector<16xf32> to vector<16xf32>
    tpu.vector_store %arg5[%swap3A_73], %swap3A_76 {strides = array<i32>} : memref<128xf32, #tpu.memory_space<vmem>>, vector<16xf32>,
    %broadcast_in_dim3A_77 = arith.constant 0.000000e+00 : f32
    %broadcast_in_dim3A_78 = vector.broadcast %broadcast_in_dim3A_77 : f32 to vector<16xf32>
    %swap3A_79 = arith.constant 96 : index
    %swap3A_80 = tpu.vector_load %arg6[%swap3A_79] {strides = array<i32>} : memref<128xf32, #tpu.memory_space<vmem>>, vector<16xf32>,
    %swap3A_81 = vector.shape_cast %swap3A_80 : vector<16xf32> to vector<16xf32>
    %swap3A_82 = vector.shape_cast %broadcast_in_dim3A_78 : vector<16xf32> to vector<16xf32>
    tpu.vector_store %arg6[%swap3A_79], %swap3A_82 {strides = array<i32>} : memref<128xf32, #tpu.memory_space<vmem>>, vector<16xf32>,
    %broadcast_in_dim3A_83 = arith.constant 1.000000e+00 : f32
    %broadcast_in_dim3A_84 = vector.broadcast %broadcast_in_dim3A_83 : f32 to vector<16xf32>
    %swap3A_85 = arith.constant 112 : index
    %swap3A_86 = tpu.vector_load %arg5[%swap3A_85] {strides = array<i32>} : memref<128xf32, #tpu.memory_space<vmem>>, vector<16xf32>,
    %swap3A_87 = vector.shape_cast %swap3A_86 : vector<16xf32> to vector<16xf32>
    %swap3A_88 = vector.shape_cast %broadcast_in_dim3A_84 : vector<16xf32> to vector<16xf32>
    tpu.vector_store %arg5[%swap3A_85], %swap3A_88 {strides = array<i32>} : memref<128xf32, #tpu.memory_space<vmem>>, vector<16xf32>,
    %broadcast_in_dim3A_89 = arith.constant 0.000000e+00 : f32
    %broadcast_in_dim3A_90 = vector.broadcast %broadcast_in_dim3A_89 : f32 to vector<16xf32>
    %swap3A_91 = arith.constant 112 : index
    %swap3A_92 = tpu.vector_load %arg6[%swap3A_91] {strides = array<i32>} : memref<128xf32, #tpu.memory_space<vmem>>, vector<16xf32>,
    %swap3A_93 = vector.shape_cast %swap3A_92 : vector<16xf32> to vector<16xf32>
    %swap3A_94 = vector.shape_cast %broadcast_in_dim3A_90 : vector<16xf32> to vector<16xf32>
    tpu.vector_store %arg6[%swap3A_91], %swap3A_94 {strides = array<i32>} : memref<128xf32, #tpu.memory_space<vmem>>, vector<16xf32>,
    %mul3A_95 = arith.constant 640 : i32
    %mul3A_96 = arith.muli %arg1, %mul3A_95 : i32
    %multiple_of3A = tpu.assume_multiple %mul3A_96, 128 : i32
    %add3A_97 = arith.constant 0 : i32
    %add3A_98 = arith.addi %multiple_of3A, %add3A_97 : i32
    "tpu.region"() ({
      %run_scoped3A = tpu.sem_alloc : memref<!tpu.dma_semaphore, #tpu.memory_space<semaphore_mem>>
      %dma_start3A = tpu.memref_slice %arg8[%add3A_98] : memref<10240xf32, #tpu.memory_space<vmem_shared>> -> memref<128xf32, #tpu.memory_space<vmem_shared>>
      %dma_start3A_115 = tpu.memref_slice %arg8[%add3A_98] : memref<10240xf32, #tpu.memory_space<vmem_shared>> -> memref<128xf32, #tpu.memory_space<vmem_shared>>
      tpu.enqueue_dma source(%arg6 : memref<128xf32, #tpu.memory_space<vmem>>) target(%dma_start3A_115 : memref<128xf32, #tpu.memory_space<vmem_shared>>) target_semaphore(%run_scoped3A : memref<!tpu.dma_semaphore, #tpu.memory_space<semaphore_mem>>)
      %dma_wait3A = tpu.memref_slice %arg8[%add3A_98] : memref<10240xf32, #tpu.memory_space<vmem_shared>> -> memref<128xf32, #tpu.memory_space<vmem_shared>>
      %dma_wait3A_116 = tpu.memref_slice %arg8[%add3A_98] : memref<10240xf32, #tpu.memory_space<vmem_shared>> -> memref<128xf32, #tpu.memory_space<vmem_shared>>
      tpu.wait_dma2 semaphore(%run_scoped3A : memref<!tpu.dma_semaphore, #tpu.memory_space<semaphore_mem>>) src(%arg6 : memref<128xf32, #tpu.memory_space<vmem>>) dst(%dma_wait3A_116 : memref<128xf32, #tpu.memory_space<vmem_shared>>)
      tpu.yield
    }) : () -> ()
    %add3A_99 = arith.constant 128 : i32
    %add3A_100 = arith.addi %multiple_of3A, %add3A_99 : i32
    "tpu.region"() ({
      %run_scoped3A = tpu.sem_alloc : memref<!tpu.dma_semaphore, #tpu.memory_space<semaphore_mem>>
      %dma_start3A = tpu.memref_slice %arg8[%add3A_100] : memref<10240xf32, #tpu.memory_space<vmem_shared>> -> memref<128xf32, #tpu.memory_space<vmem_shared>>
      %dma_start3A_115 = tpu.memref_slice %arg8[%add3A_100] : memref<10240xf32, #tpu.memory_space<vmem_shared>> -> memref<128xf32, #tpu.memory_space<vmem_shared>>
      tpu.enqueue_dma source(%arg6 : memref<128xf32, #tpu.memory_space<vmem>>) target(%dma_start3A_115 : memref<128xf32, #tpu.memory_space<vmem_shared>>) target_semaphore(%run_scoped3A : memref<!tpu.dma_semaphore, #tpu.memory_space<semaphore_mem>>)
      %dma_wait3A = tpu.memref_slice %arg8[%add3A_100] : memref<10240xf32, #tpu.memory_space<vmem_shared>> -> memref<128xf32, #tpu.memory_space<vmem_shared>>
      %dma_wait3A_116 = tpu.memref_slice %arg8[%add3A_100] : memref<10240xf32, #tpu.memory_space<vmem_shared>> -> memref<128xf32, #tpu.memory_space<vmem_shared>>
      tpu.wait_dma2 semaphore(%run_scoped3A : memref<!tpu.dma_semaphore, #tpu.memory_space<semaphore_mem>>) src(%arg6 : memref<128xf32, #tpu.memory_space<vmem>>) dst(%dma_wait3A_116 : memref<128xf32, #tpu.memory_space<vmem_shared>>)
      tpu.yield
    }) : () -> ()
    %add3A_101 = arith.constant 256 : i32
    %add3A_102 = arith.addi %multiple_of3A, %add3A_101 : i32
    "tpu.region"() ({
      %run_scoped3A = tpu.sem_alloc : memref<!tpu.dma_semaphore, #tpu.memory_space<semaphore_mem>>
      %dma_start3A = tpu.memref_slice %arg8[%add3A_102] : memref<10240xf32, #tpu.memory_space<vmem_shared>> -> memref<128xf32, #tpu.memory_space<vmem_shared>>
      %dma_start3A_115 = tpu.memref_slice %arg8[%add3A_102] : memref<10240xf32, #tpu.memory_space<vmem_shared>> -> memref<128xf32, #tpu.memory_space<vmem_shared>>
      tpu.enqueue_dma source(%arg6 : memref<128xf32, #tpu.memory_space<vmem>>) target(%dma_start3A_115 : memref<128xf32, #tpu.memory_space<vmem_shared>>) target_semaphore(%run_scoped3A : memref<!tpu.dma_semaphore, #tpu.memory_space<semaphore_mem>>)
      %dma_wait3A = tpu.memref_slice %arg8[%add3A_102] : memref<10240xf32, #tpu.memory_space<vmem_shared>> -> memref<128xf32, #tpu.memory_space<vmem_shared>>
      %dma_wait3A_116 = tpu.memref_slice %arg8[%add3A_102] : memref<10240xf32, #tpu.memory_space<vmem_shared>> -> memref<128xf32, #tpu.memory_space<vmem_shared>>
      tpu.wait_dma2 semaphore(%run_scoped3A : memref<!tpu.dma_semaphore, #tpu.memory_space<semaphore_mem>>) src(%arg6 : memref<128xf32, #tpu.memory_space<vmem>>) dst(%dma_wait3A_116 : memref<128xf32, #tpu.memory_space<vmem_shared>>)
      tpu.yield
    }) : () -> ()
    %add3A_103 = arith.constant 384 : i32
    %add3A_104 = arith.addi %multiple_of3A, %add3A_103 : i32
    "tpu.region"() ({
      %run_scoped3A = tpu.sem_alloc : memref<!tpu.dma_semaphore, #tpu.memory_space<semaphore_mem>>
      %dma_start3A = tpu.memref_slice %arg8[%add3A_104] : memref<10240xf32, #tpu.memory_space<vmem_shared>> -> memref<128xf32, #tpu.memory_space<vmem_shared>>
      %dma_start3A_115 = tpu.memref_slice %arg8[%add3A_104] : memref<10240xf32, #tpu.memory_space<vmem_shared>> -> memref<128xf32, #tpu.memory_space<vmem_shared>>
      tpu.enqueue_dma source(%arg6 : memref<128xf32, #tpu.memory_space<vmem>>) target(%dma_start3A_115 : memref<128xf32, #tpu.memory_space<vmem_shared>>) target_semaphore(%run_scoped3A : memref<!tpu.dma_semaphore, #tpu.memory_space<semaphore_mem>>)
      %dma_wait3A = tpu.memref_slice %arg8[%add3A_104] : memref<10240xf32, #tpu.memory_space<vmem_shared>> -> memref<128xf32, #tpu.memory_space<vmem_shared>>
      %dma_wait3A_116 = tpu.memref_slice %arg8[%add3A_104] : memref<10240xf32, #tpu.memory_space<vmem_shared>> -> memref<128xf32, #tpu.memory_space<vmem_shared>>
      tpu.wait_dma2 semaphore(%run_scoped3A : memref<!tpu.dma_semaphore, #tpu.memory_space<semaphore_mem>>) src(%arg6 : memref<128xf32, #tpu.memory_space<vmem>>) dst(%dma_wait3A_116 : memref<128xf32, #tpu.memory_space<vmem_shared>>)
      tpu.yield
    }) : () -> ()
    %add3A_105 = arith.constant 512 : i32
    %add3A_106 = arith.addi %multiple_of3A, %add3A_105 : i32
    "tpu.region"() ({
      %run_scoped3A = tpu.sem_alloc : memref<!tpu.dma_semaphore, #tpu.memory_space<semaphore_mem>>
      %dma_start3A = tpu.memref_slice %arg8[%add3A_106] : memref<10240xf32, #tpu.memory_space<vmem_shared>> -> memref<128xf32, #tpu.memory_space<vmem_shared>>
      %dma_start3A_115 = tpu.memref_slice %arg8[%add3A_106] : memref<10240xf32, #tpu.memory_space<vmem_shared>> -> memref<128xf32, #tpu.memory_space<vmem_shared>>
      tpu.enqueue_dma source(%arg6 : memref<128xf32, #tpu.memory_space<vmem>>) target(%dma_start3A_115 : memref<128xf32, #tpu.memory_space<vmem_shared>>) target_semaphore(%run_scoped3A : memref<!tpu.dma_semaphore, #tpu.memory_space<semaphore_mem>>)
      %dma_wait3A = tpu.memref_slice %arg8[%add3A_106] : memref<10240xf32, #tpu.memory_space<vmem_shared>> -> memref<128xf32, #tpu.memory_space<vmem_shared>>
      %dma_wait3A_116 = tpu.memref_slice %arg8[%add3A_106] : memref<10240xf32, #tpu.memory_space<vmem_shared>> -> memref<128xf32, #tpu.memory_space<vmem_shared>>
      tpu.wait_dma2 semaphore(%run_scoped3A : memref<!tpu.dma_semaphore, #tpu.memory_space<semaphore_mem>>) src(%arg6 : memref<128xf32, #tpu.memory_space<vmem>>) dst(%dma_wait3A_116 : memref<128xf32, #tpu.memory_space<vmem_shared>>)
      tpu.yield
    }) : () -> ()
    %barrier3A = arith.constant 0 : index
    tpu.barrier barrier_id(%barrier3A)
    %mul3A_107 = arith.constant 160 : i32
    %mul3A_108 = arith.muli %add3A, %mul3A_107 : i32
    "tpu.region"() ({
      %run_scoped3A = tpu.sem_alloc : memref<!tpu.dma_semaphore, #tpu.memory_space<semaphore_mem>>
      %dma_start3A = arith.constant 0 : i32
      %dma_start3A_115 = tpu.memref_slice %arg2[%mul3A_108, %dma_start3A] : memref<5120x128xi32, #tpu.memory_space<hbm>> -> memref<160x128xi32, #tpu.memory_space<hbm>>
      %dma_start3A_116 = arith.constant 0 : i32
      %dma_start3A_117 = tpu.memref_slice %arg2[%mul3A_108, %dma_start3A_116] : memref<5120x128xi32, #tpu.memory_space<hbm>> -> memref<160x128xi32, #tpu.memory_space<hbm>>
      tpu.enqueue_dma source(%dma_start3A_117 : memref<160x128xi32, #tpu.memory_space<hbm>>) target(%arg4 : memref<160x128xi32, #tpu.memory_space<vmem>>) target_semaphore(%run_scoped3A : memref<!tpu.dma_semaphore, #tpu.memory_space<semaphore_mem>>)
      %dma_wait3A = arith.constant 0 : i32
      %dma_wait3A_118 = tpu.memref_slice %arg2[%mul3A_108, %dma_wait3A] : memref<5120x128xi32, #tpu.memory_space<hbm>> -> memref<160x128xi32, #tpu.memory_space<hbm>>
      %dma_wait3A_119 = arith.constant 0 : i32
      %dma_wait3A_120 = tpu.memref_slice %arg2[%mul3A_108, %dma_wait3A_119] : memref<5120x128xi32, #tpu.memory_space<hbm>> -> memref<160x128xi32, #tpu.memory_space<hbm>>
      tpu.wait_dma2 semaphore(%run_scoped3A : memref<!tpu.dma_semaphore, #tpu.memory_space<semaphore_mem>>) src(%dma_wait3A_120 : memref<160x128xi32, #tpu.memory_space<hbm>>) dst(%arg4 : memref<160x128xi32, #tpu.memory_space<vmem>>)
      tpu.yield
    }) : () -> ()
    %scan3A = arith.constant 0 : i32
    %scan3A_109 = arith.constant 0 : i32
    %scan3A_110 = arith.constant 160 : i32
    %scan3A_111 = arith.addi %scan3A_109, %scan3A_110 : i32
    %scan3A_112 = arith.constant 1 : i32
    scf.for %scan3A_115 = %scan3A_109 to %scan3A_111 step %scan3A_112  : i32 {
      "tpu.region"() ({
        %run_scoped3A = tpu.sem_alloc : memref<!tpu.dma_semaphore, #tpu.memory_space<semaphore_mem>>
        %dma_start3A = arith.constant 0 : i32
        %dma_start3A_116 = tpu.memref_slice %arg4[%scan3A_115, %dma_start3A] : memref<160x128xi32, #tpu.memory_space<vmem>> -> memref<1x128xi32, #tpu.memory_space<vmem>>
        %dma_start3A_117 = tpu.memref_squeeze %dma_start3A_116 : memref<1x128xi32, #tpu.memory_space<vmem>> -> memref<128xi32, #tpu.memory_space<vmem>>
        %dma_start3A_118 = arith.constant 0 : i32
        %dma_start3A_119 = tpu.memref_slice %arg8[%dma_start3A_118] : memref<10240xf32, #tpu.memory_space<vmem_shared>> -> memref<10240xf32, #tpu.memory_space<vmem_shared>>
        tpu.enqueue_indirect_dma source(%arg5 : memref<128xf32, #tpu.memory_space<vmem>>) target(%dma_start3A_119 : memref<10240xf32, #tpu.memory_space<vmem_shared>>) offsets(%dma_start3A_117 : memref<128xi32, #tpu.memory_space<vmem>>) semaphore(%run_scoped3A : memref<!tpu.dma_semaphore, #tpu.memory_space<semaphore_mem>>) {add = true}
        %dma_wait3A = arith.constant 0 : i32
        %dma_wait3A_120 = tpu.memref_slice %arg4[%scan3A_115, %dma_wait3A] : memref<160x128xi32, #tpu.memory_space<vmem>> -> memref<1x128xi32, #tpu.memory_space<vmem>>
        %dma_wait3A_121 = tpu.memref_squeeze %dma_wait3A_120 : memref<1x128xi32, #tpu.memory_space<vmem>> -> memref<128xi32, #tpu.memory_space<vmem>>
        %dma_wait3A_122 = arith.constant 0 : i32
        %dma_wait3A_123 = tpu.memref_slice %arg8[%dma_wait3A_122] : memref<10240xf32, #tpu.memory_space<vmem_shared>> -> memref<10240xf32, #tpu.memory_space<vmem_shared>>
        tpu.wait_indirect_dma semaphore(%run_scoped3A : memref<!tpu.dma_semaphore, #tpu.memory_space<semaphore_mem>>) src(%arg5 : memref<128xf32, #tpu.memory_space<vmem>>) dst(%dma_wait3A_123 : memref<10240xf32, #tpu.memory_space<vmem_shared>>)
        tpu.yield
      }) : () -> ()
    }
    %scan3A_113 = arith.constant 160 : i32
    %barrier3A_114 = arith.constant 0 : index
    tpu.barrier barrier_id(%barrier3A_114)
    "tpu.region"() ({
      %run_scoped3A = tpu.sem_alloc : memref<!tpu.dma_semaphore, #tpu.memory_space<semaphore_mem>>
      %dma_start3A = tpu.memref_slice %arg8[%multiple_of3A] : memref<10240xf32, #tpu.memory_space<vmem_shared>> -> memref<640xf32, #tpu.memory_space<vmem_shared>>
      %dma_start3A_115 = tpu.memref_slice %arg8[%multiple_of3A] : memref<10240xf32, #tpu.memory_space<vmem_shared>> -> memref<640xf32, #tpu.memory_space<vmem_shared>>
      tpu.enqueue_dma source(%dma_start3A_115 : memref<640xf32, #tpu.memory_space<vmem_shared>>) target(%arg7 : memref<640xf32, #tpu.memory_space<vmem>>) target_semaphore(%run_scoped3A : memref<!tpu.dma_semaphore, #tpu.memory_space<semaphore_mem>>)
      %dma_wait3A = tpu.memref_slice %arg8[%multiple_of3A] : memref<10240xf32, #tpu.memory_space<vmem_shared>> -> memref<640xf32, #tpu.memory_space<vmem_shared>>
      %dma_wait3A_116 = tpu.memref_slice %arg8[%multiple_of3A] : memref<10240xf32, #tpu.memory_space<vmem_shared>> -> memref<640xf32, #tpu.memory_space<vmem_shared>>
      tpu.wait_dma2 semaphore(%run_scoped3A : memref<!tpu.dma_semaphore, #tpu.memory_space<semaphore_mem>>) src(%dma_wait3A_116 : memref<640xf32, #tpu.memory_space<vmem_shared>>) dst(%arg7 : memref<640xf32, #tpu.memory_space<vmem>>)
      tpu.yield
    }) : () -> ()
    "tpu.region"() ({
      %run_scoped3A = tpu.sem_alloc : memref<!tpu.dma_semaphore, #tpu.memory_space<semaphore_mem>>
      %dma_start3A = tpu.memref_slice %arg3[%arg0, %multiple_of3A] : memref<2x10240xf32, #tpu.memory_space<hbm>> -> memref<1x640xf32, #tpu.memory_space<hbm>>
      %dma_start3A_115 = tpu.memref_squeeze %dma_start3A : memref<1x640xf32, #tpu.memory_space<hbm>> -> memref<640xf32, #tpu.memory_space<hbm>>
      %dma_start3A_116 = tpu.memref_slice %arg3[%arg0, %multiple_of3A] : memref<2x10240xf32, #tpu.memory_space<hbm>> -> memref<1x640xf32, #tpu.memory_space<hbm>>
      %dma_start3A_117 = tpu.memref_squeeze %dma_start3A_116 : memref<1x640xf32, #tpu.memory_space<hbm>> -> memref<640xf32, #tpu.memory_space<hbm>>
      tpu.enqueue_dma source(%arg7 : memref<640xf32, #tpu.memory_space<vmem>>) target(%dma_start3A_117 : memref<640xf32, #tpu.memory_space<hbm>>) target_semaphore(%run_scoped3A : memref<!tpu.dma_semaphore, #tpu.memory_space<semaphore_mem>>)
      %dma_wait3A = tpu.memref_slice %arg3[%arg0, %multiple_of3A] : memref<2x10240xf32, #tpu.memory_space<hbm>> -> memref<1x640xf32, #tpu.memory_space<hbm>>
      %dma_wait3A_118 = tpu.memref_squeeze %dma_wait3A : memref<1x640xf32, #tpu.memory_space<hbm>> -> memref<640xf32, #tpu.memory_space<hbm>>
      %dma_wait3A_119 = tpu.memref_slice %arg3[%arg0, %multiple_of3A] : memref<2x10240xf32, #tpu.memory_space<hbm>> -> memref<1x640xf32, #tpu.memory_space<hbm>>
      %dma_wait3A_120 = tpu.memref_squeeze %dma_wait3A_119 : memref<1x640xf32, #tpu.memory_space<hbm>> -> memref<640xf32, #tpu.memory_space<hbm>>
      tpu.wait_dma2 semaphore(%run_scoped3A : memref<!tpu.dma_semaphore, #tpu.memory_space<semaphore_mem>>) src(%arg7 : memref<640xf32, #tpu.memory_space<vmem>>) dst(%dma_wait3A_120 : memref<640xf32, #tpu.memory_space<hbm>>)
      tpu.yield
    }) : () -> ()
    return
  }
}

#map = affine_map<(d0, d1) -> (0, 0)>
#map1 = affine_map<(d0, d1) -> (0, 0, 0)>
module attributes {stable_mosaic.version = 14 : i64} {
  func.func @agg_kernel(%arg0: i32, %arg1: i32, %arg2: memref<10240x64xf32, #tpu.memory_space<hbm>>, %arg3: memref<5120x128xi32, #tpu.memory_space<hbm>>, %arg4: memref<5120x128xi32, #tpu.memory_space<hbm>>, %arg5: memref<2x10240x64xf32, #tpu.memory_space<hbm>>, %arg6: memref<160x128xi32, #tpu.memory_space<vmem>>, %arg7: memref<160x128xi32, #tpu.memory_space<vmem>>, %arg8: memref<128x64xf32, #tpu.memory_space<vmem>>, %arg9: memref<128x64xf32, #tpu.memory_space<vmem>>, %arg10: memref<128x64xf32, #tpu.memory_space<vmem>>, %arg11: memref<128x64xf32, #tpu.memory_space<vmem>>, %arg12: memref<10240x64xf32, #tpu.memory_space<vmem_shared>>, %arg13: memref<!tpu.dma_semaphore, #tpu.memory_space<semaphore_mem>>, %arg14: memref<!tpu.dma_semaphore, #tpu.memory_space<semaphore_mem>>, %arg15: memref<!tpu.dma_semaphore, #tpu.memory_space<semaphore_mem>>, %arg16: memref<!tpu.dma_semaphore, #tpu.memory_space<semaphore_mem>>, %arg17: memref<!tpu.dma_semaphore, #tpu.memory_space<semaphore_mem>>, %arg18: memref<!tpu.dma_semaphore, #tpu.memory_space<semaphore_mem>>, %arg19: memref<!tpu.dma_semaphore, #tpu.memory_space<semaphore_mem>>, %arg20: memref<!tpu.dma_semaphore, #tpu.memory_space<semaphore_mem>>) attributes {dimension_semantics = [#tpu.dimension_semantics<core_parallel>, #tpu.dimension_semantics<subcore_parallel>], iteration_bounds = array<i64: 2, 16>, scalar_prefetch = 0 : i64, scratch_operands = 15 : i64, tpu.core_type = #tpu.core_type<sc_vector_subcore>, window_params = [{transform_indices = #map}, {transform_indices = #map}, {transform_indices = #map}, {transform_indices = #map1}]} {
    %mul3A = arith.constant 16 : i32
    %mul3A_0 = arith.muli %arg0, %mul3A : i32
    %add3A = arith.addi %mul3A_0, %arg1 : i32
    %scan3A = arith.constant 0 : i32
    %scan3A_1 = arith.constant 0 : i32
    %scan3A_2 = arith.constant 128 : i32
    %scan3A_3 = arith.addi %scan3A_1, %scan3A_2 : i32
    %scan3A_4 = arith.constant 1 : i32
    scf.for %scan3A_145 = %scan3A_1 to %scan3A_3 step %scan3A_4  : i32 {
      %broadcast_in_dim3A = arith.constant 0.000000e+00 : f32
      %broadcast_in_dim3A_146 = vector.broadcast %broadcast_in_dim3A : f32 to vector<16xf32>
      %swap3A = arith.index_cast %scan3A_145 : i32 to index
      %swap3A_147 = arith.constant 0 : index
      %swap3A_148 = tpu.vector_load %arg8[%swap3A, %swap3A_147] {strides = array<i32>} : memref<128x64xf32, #tpu.memory_space<vmem>>, vector<1x16xf32>,
      %swap3A_149 = vector.shape_cast %swap3A_148 : vector<1x16xf32> to vector<16xf32>
      %swap3A_150 = vector.shape_cast %broadcast_in_dim3A_146 : vector<16xf32> to vector<1x16xf32>
      tpu.vector_store %arg8[%swap3A, %swap3A_147], %swap3A_150 {strides = array<i32>} : memref<128x64xf32, #tpu.memory_space<vmem>>, vector<1x16xf32>,
      %broadcast_in_dim3A_151 = arith.constant 0.000000e+00 : f32
      %broadcast_in_dim3A_152 = vector.broadcast %broadcast_in_dim3A_151 : f32 to vector<16xf32>
      %swap3A_153 = arith.index_cast %scan3A_145 : i32 to index
      %swap3A_154 = arith.constant 16 : index
      %swap3A_155 = tpu.vector_load %arg8[%swap3A_153, %swap3A_154] {strides = array<i32>} : memref<128x64xf32, #tpu.memory_space<vmem>>, vector<1x16xf32>,
      %swap3A_156 = vector.shape_cast %swap3A_155 : vector<1x16xf32> to vector<16xf32>
      %swap3A_157 = vector.shape_cast %broadcast_in_dim3A_152 : vector<16xf32> to vector<1x16xf32>
      tpu.vector_store %arg8[%swap3A_153, %swap3A_154], %swap3A_157 {strides = array<i32>} : memref<128x64xf32, #tpu.memory_space<vmem>>, vector<1x16xf32>,
      %broadcast_in_dim3A_158 = arith.constant 0.000000e+00 : f32
      %broadcast_in_dim3A_159 = vector.broadcast %broadcast_in_dim3A_158 : f32 to vector<16xf32>
      %swap3A_160 = arith.index_cast %scan3A_145 : i32 to index
      %swap3A_161 = arith.constant 32 : index
      %swap3A_162 = tpu.vector_load %arg8[%swap3A_160, %swap3A_161] {strides = array<i32>} : memref<128x64xf32, #tpu.memory_space<vmem>>, vector<1x16xf32>,
      %swap3A_163 = vector.shape_cast %swap3A_162 : vector<1x16xf32> to vector<16xf32>
      %swap3A_164 = vector.shape_cast %broadcast_in_dim3A_159 : vector<16xf32> to vector<1x16xf32>
      tpu.vector_store %arg8[%swap3A_160, %swap3A_161], %swap3A_164 {strides = array<i32>} : memref<128x64xf32, #tpu.memory_space<vmem>>, vector<1x16xf32>,
      %broadcast_in_dim3A_165 = arith.constant 0.000000e+00 : f32
      %broadcast_in_dim3A_166 = vector.broadcast %broadcast_in_dim3A_165 : f32 to vector<16xf32>
      %swap3A_167 = arith.index_cast %scan3A_145 : i32 to index
      %swap3A_168 = arith.constant 48 : index
      %swap3A_169 = tpu.vector_load %arg8[%swap3A_167, %swap3A_168] {strides = array<i32>} : memref<128x64xf32, #tpu.memory_space<vmem>>, vector<1x16xf32>,
      %swap3A_170 = vector.shape_cast %swap3A_169 : vector<1x16xf32> to vector<16xf32>
      %swap3A_171 = vector.shape_cast %broadcast_in_dim3A_166 : vector<16xf32> to vector<1x16xf32>
      tpu.vector_store %arg8[%swap3A_167, %swap3A_168], %swap3A_171 {strides = array<i32>} : memref<128x64xf32, #tpu.memory_space<vmem>>, vector<1x16xf32>,
    }
    %scan3A_5 = arith.constant 128 : i32
    %mul3A_6 = arith.constant 640 : i32
    %mul3A_7 = arith.muli %arg1, %mul3A_6 : i32
    %multiple_of3A = tpu.assume_multiple %mul3A_7, 128 : i32
    %add3A_8 = arith.constant 0 : i32
    %add3A_9 = arith.addi %multiple_of3A, %add3A_8 : i32
    "tpu.region"() ({
      %run_scoped3A = tpu.sem_alloc : memref<!tpu.dma_semaphore, #tpu.memory_space<semaphore_mem>>
      %dma_start3A_145 = arith.constant 0 : i32
      %dma_start3A_146 = tpu.memref_slice %arg12[%add3A_9, %dma_start3A_145] : memref<10240x64xf32, #tpu.memory_space<vmem_shared>> -> memref<128x64xf32, #tpu.memory_space<vmem_shared>>
      %dma_start3A_147 = arith.constant 0 : i32
      %dma_start3A_148 = tpu.memref_slice %arg12[%add3A_9, %dma_start3A_147] : memref<10240x64xf32, #tpu.memory_space<vmem_shared>> -> memref<128x64xf32, #tpu.memory_space<vmem_shared>>
      tpu.enqueue_dma source(%arg8 : memref<128x64xf32, #tpu.memory_space<vmem>>) target(%dma_start3A_148 : memref<128x64xf32, #tpu.memory_space<vmem_shared>>) target_semaphore(%run_scoped3A : memref<!tpu.dma_semaphore, #tpu.memory_space<semaphore_mem>>)
      %dma_wait3A_149 = arith.constant 0 : i32
      %dma_wait3A_150 = tpu.memref_slice %arg12[%add3A_9, %dma_wait3A_149] : memref<10240x64xf32, #tpu.memory_space<vmem_shared>> -> memref<128x64xf32, #tpu.memory_space<vmem_shared>>
      %dma_wait3A_151 = arith.constant 0 : i32
      %dma_wait3A_152 = tpu.memref_slice %arg12[%add3A_9, %dma_wait3A_151] : memref<10240x64xf32, #tpu.memory_space<vmem_shared>> -> memref<128x64xf32, #tpu.memory_space<vmem_shared>>
      tpu.wait_dma2 semaphore(%run_scoped3A : memref<!tpu.dma_semaphore, #tpu.memory_space<semaphore_mem>>) src(%arg8 : memref<128x64xf32, #tpu.memory_space<vmem>>) dst(%dma_wait3A_152 : memref<128x64xf32, #tpu.memory_space<vmem_shared>>)
      tpu.yield
    }) : () -> ()
    %add3A_10 = arith.constant 128 : i32
    %add3A_11 = arith.addi %multiple_of3A, %add3A_10 : i32
    "tpu.region"() ({
      %run_scoped3A = tpu.sem_alloc : memref<!tpu.dma_semaphore, #tpu.memory_space<semaphore_mem>>
      %dma_start3A_145 = arith.constant 0 : i32
      %dma_start3A_146 = tpu.memref_slice %arg12[%add3A_11, %dma_start3A_145] : memref<10240x64xf32, #tpu.memory_space<vmem_shared>> -> memref<128x64xf32, #tpu.memory_space<vmem_shared>>
      %dma_start3A_147 = arith.constant 0 : i32
      %dma_start3A_148 = tpu.memref_slice %arg12[%add3A_11, %dma_start3A_147] : memref<10240x64xf32, #tpu.memory_space<vmem_shared>> -> memref<128x64xf32, #tpu.memory_space<vmem_shared>>
      tpu.enqueue_dma source(%arg8 : memref<128x64xf32, #tpu.memory_space<vmem>>) target(%dma_start3A_148 : memref<128x64xf32, #tpu.memory_space<vmem_shared>>) target_semaphore(%run_scoped3A : memref<!tpu.dma_semaphore, #tpu.memory_space<semaphore_mem>>)
      %dma_wait3A_149 = arith.constant 0 : i32
      %dma_wait3A_150 = tpu.memref_slice %arg12[%add3A_11, %dma_wait3A_149] : memref<10240x64xf32, #tpu.memory_space<vmem_shared>> -> memref<128x64xf32, #tpu.memory_space<vmem_shared>>
      %dma_wait3A_151 = arith.constant 0 : i32
      %dma_wait3A_152 = tpu.memref_slice %arg12[%add3A_11, %dma_wait3A_151] : memref<10240x64xf32, #tpu.memory_space<vmem_shared>> -> memref<128x64xf32, #tpu.memory_space<vmem_shared>>
      tpu.wait_dma2 semaphore(%run_scoped3A : memref<!tpu.dma_semaphore, #tpu.memory_space<semaphore_mem>>) src(%arg8 : memref<128x64xf32, #tpu.memory_space<vmem>>) dst(%dma_wait3A_152 : memref<128x64xf32, #tpu.memory_space<vmem_shared>>)
      tpu.yield
    }) : () -> ()
    %add3A_12 = arith.constant 256 : i32
    %add3A_13 = arith.addi %multiple_of3A, %add3A_12 : i32
    "tpu.region"() ({
      %run_scoped3A = tpu.sem_alloc : memref<!tpu.dma_semaphore, #tpu.memory_space<semaphore_mem>>
      %dma_start3A_145 = arith.constant 0 : i32
      %dma_start3A_146 = tpu.memref_slice %arg12[%add3A_13, %dma_start3A_145] : memref<10240x64xf32, #tpu.memory_space<vmem_shared>> -> memref<128x64xf32, #tpu.memory_space<vmem_shared>>
      %dma_start3A_147 = arith.constant 0 : i32
      %dma_start3A_148 = tpu.memref_slice %arg12[%add3A_13, %dma_start3A_147] : memref<10240x64xf32, #tpu.memory_space<vmem_shared>> -> memref<128x64xf32, #tpu.memory_space<vmem_shared>>
      tpu.enqueue_dma source(%arg8 : memref<128x64xf32, #tpu.memory_space<vmem>>) target(%dma_start3A_148 : memref<128x64xf32, #tpu.memory_space<vmem_shared>>) target_semaphore(%run_scoped3A : memref<!tpu.dma_semaphore, #tpu.memory_space<semaphore_mem>>)
      %dma_wait3A_149 = arith.constant 0 : i32
      %dma_wait3A_150 = tpu.memref_slice %arg12[%add3A_13, %dma_wait3A_149] : memref<10240x64xf32, #tpu.memory_space<vmem_shared>> -> memref<128x64xf32, #tpu.memory_space<vmem_shared>>
      %dma_wait3A_151 = arith.constant 0 : i32
      %dma_wait3A_152 = tpu.memref_slice %arg12[%add3A_13, %dma_wait3A_151] : memref<10240x64xf32, #tpu.memory_space<vmem_shared>> -> memref<128x64xf32, #tpu.memory_space<vmem_shared>>
      tpu.wait_dma2 semaphore(%run_scoped3A : memref<!tpu.dma_semaphore, #tpu.memory_space<semaphore_mem>>) src(%arg8 : memref<128x64xf32, #tpu.memory_space<vmem>>) dst(%dma_wait3A_152 : memref<128x64xf32, #tpu.memory_space<vmem_shared>>)
      tpu.yield
    }) : () -> ()
    %add3A_14 = arith.constant 384 : i32
    %add3A_15 = arith.addi %multiple_of3A, %add3A_14 : i32
    "tpu.region"() ({
      %run_scoped3A = tpu.sem_alloc : memref<!tpu.dma_semaphore, #tpu.memory_space<semaphore_mem>>
      %dma_start3A_145 = arith.constant 0 : i32
      %dma_start3A_146 = tpu.memref_slice %arg12[%add3A_15, %dma_start3A_145] : memref<10240x64xf32, #tpu.memory_space<vmem_shared>> -> memref<128x64xf32, #tpu.memory_space<vmem_shared>>
      %dma_start3A_147 = arith.constant 0 : i32
      %dma_start3A_148 = tpu.memref_slice %arg12[%add3A_15, %dma_start3A_147] : memref<10240x64xf32, #tpu.memory_space<vmem_shared>> -> memref<128x64xf32, #tpu.memory_space<vmem_shared>>
      tpu.enqueue_dma source(%arg8 : memref<128x64xf32, #tpu.memory_space<vmem>>) target(%dma_start3A_148 : memref<128x64xf32, #tpu.memory_space<vmem_shared>>) target_semaphore(%run_scoped3A : memref<!tpu.dma_semaphore, #tpu.memory_space<semaphore_mem>>)
      %dma_wait3A_149 = arith.constant 0 : i32
      %dma_wait3A_150 = tpu.memref_slice %arg12[%add3A_15, %dma_wait3A_149] : memref<10240x64xf32, #tpu.memory_space<vmem_shared>> -> memref<128x64xf32, #tpu.memory_space<vmem_shared>>
      %dma_wait3A_151 = arith.constant 0 : i32
      %dma_wait3A_152 = tpu.memref_slice %arg12[%add3A_15, %dma_wait3A_151] : memref<10240x64xf32, #tpu.memory_space<vmem_shared>> -> memref<128x64xf32, #tpu.memory_space<vmem_shared>>
      tpu.wait_dma2 semaphore(%run_scoped3A : memref<!tpu.dma_semaphore, #tpu.memory_space<semaphore_mem>>) src(%arg8 : memref<128x64xf32, #tpu.memory_space<vmem>>) dst(%dma_wait3A_152 : memref<128x64xf32, #tpu.memory_space<vmem_shared>>)
      tpu.yield
    }) : () -> ()
    %add3A_16 = arith.constant 512 : i32
    %add3A_17 = arith.addi %multiple_of3A, %add3A_16 : i32
    "tpu.region"() ({
      %run_scoped3A = tpu.sem_alloc : memref<!tpu.dma_semaphore, #tpu.memory_space<semaphore_mem>>
      %dma_start3A_145 = arith.constant 0 : i32
      %dma_start3A_146 = tpu.memref_slice %arg12[%add3A_17, %dma_start3A_145] : memref<10240x64xf32, #tpu.memory_space<vmem_shared>> -> memref<128x64xf32, #tpu.memory_space<vmem_shared>>
      %dma_start3A_147 = arith.constant 0 : i32
      %dma_start3A_148 = tpu.memref_slice %arg12[%add3A_17, %dma_start3A_147] : memref<10240x64xf32, #tpu.memory_space<vmem_shared>> -> memref<128x64xf32, #tpu.memory_space<vmem_shared>>
      tpu.enqueue_dma source(%arg8 : memref<128x64xf32, #tpu.memory_space<vmem>>) target(%dma_start3A_148 : memref<128x64xf32, #tpu.memory_space<vmem_shared>>) target_semaphore(%run_scoped3A : memref<!tpu.dma_semaphore, #tpu.memory_space<semaphore_mem>>)
      %dma_wait3A_149 = arith.constant 0 : i32
      %dma_wait3A_150 = tpu.memref_slice %arg12[%add3A_17, %dma_wait3A_149] : memref<10240x64xf32, #tpu.memory_space<vmem_shared>> -> memref<128x64xf32, #tpu.memory_space<vmem_shared>>
      %dma_wait3A_151 = arith.constant 0 : i32
      %dma_wait3A_152 = tpu.memref_slice %arg12[%add3A_17, %dma_wait3A_151] : memref<10240x64xf32, #tpu.memory_space<vmem_shared>> -> memref<128x64xf32, #tpu.memory_space<vmem_shared>>
      tpu.wait_dma2 semaphore(%run_scoped3A : memref<!tpu.dma_semaphore, #tpu.memory_space<semaphore_mem>>) src(%arg8 : memref<128x64xf32, #tpu.memory_space<vmem>>) dst(%dma_wait3A_152 : memref<128x64xf32, #tpu.memory_space<vmem_shared>>)
      tpu.yield
    }) : () -> ()
    %barrier3A = arith.constant 0 : index
    tpu.barrier barrier_id(%barrier3A)
    %mul3A_18 = arith.constant 160 : i32
    %mul3A_19 = arith.muli %add3A, %mul3A_18 : i32
    "tpu.region"() ({
      %run_scoped3A = tpu.sem_alloc : memref<!tpu.dma_semaphore, #tpu.memory_space<semaphore_mem>>
      %dma_start3A_145 = arith.constant 0 : i32
      %dma_start3A_146 = tpu.memref_slice %arg3[%mul3A_19, %dma_start3A_145] : memref<5120x128xi32, #tpu.memory_space<hbm>> -> memref<160x128xi32, #tpu.memory_space<hbm>>
      %dma_start3A_147 = arith.constant 0 : i32
      %dma_start3A_148 = tpu.memref_slice %arg3[%mul3A_19, %dma_start3A_147] : memref<5120x128xi32, #tpu.memory_space<hbm>> -> memref<160x128xi32, #tpu.memory_space<hbm>>
      tpu.enqueue_dma source(%dma_start3A_148 : memref<160x128xi32, #tpu.memory_space<hbm>>) target(%arg6 : memref<160x128xi32, #tpu.memory_space<vmem>>) target_semaphore(%run_scoped3A : memref<!tpu.dma_semaphore, #tpu.memory_space<semaphore_mem>>)
      %dma_wait3A_149 = arith.constant 0 : i32
      %dma_wait3A_150 = tpu.memref_slice %arg3[%mul3A_19, %dma_wait3A_149] : memref<5120x128xi32, #tpu.memory_space<hbm>> -> memref<160x128xi32, #tpu.memory_space<hbm>>
      %dma_wait3A_151 = arith.constant 0 : i32
      %dma_wait3A_152 = tpu.memref_slice %arg3[%mul3A_19, %dma_wait3A_151] : memref<5120x128xi32, #tpu.memory_space<hbm>> -> memref<160x128xi32, #tpu.memory_space<hbm>>
      tpu.wait_dma2 semaphore(%run_scoped3A : memref<!tpu.dma_semaphore, #tpu.memory_space<semaphore_mem>>) src(%dma_wait3A_152 : memref<160x128xi32, #tpu.memory_space<hbm>>) dst(%arg6 : memref<160x128xi32, #tpu.memory_space<vmem>>)
      tpu.yield
    }) : () -> ()
    %mul3A_20 = arith.constant 160 : i32
    %mul3A_21 = arith.muli %add3A, %mul3A_20 : i32
    "tpu.region"() ({
      %run_scoped3A = tpu.sem_alloc : memref<!tpu.dma_semaphore, #tpu.memory_space<semaphore_mem>>
      %dma_start3A_145 = arith.constant 0 : i32
      %dma_start3A_146 = tpu.memref_slice %arg4[%mul3A_21, %dma_start3A_145] : memref<5120x128xi32, #tpu.memory_space<hbm>> -> memref<160x128xi32, #tpu.memory_space<hbm>>
      %dma_start3A_147 = arith.constant 0 : i32
      %dma_start3A_148 = tpu.memref_slice %arg4[%mul3A_21, %dma_start3A_147] : memref<5120x128xi32, #tpu.memory_space<hbm>> -> memref<160x128xi32, #tpu.memory_space<hbm>>
      tpu.enqueue_dma source(%dma_start3A_148 : memref<160x128xi32, #tpu.memory_space<hbm>>) target(%arg7 : memref<160x128xi32, #tpu.memory_space<vmem>>) target_semaphore(%run_scoped3A : memref<!tpu.dma_semaphore, #tpu.memory_space<semaphore_mem>>)
      %dma_wait3A_149 = arith.constant 0 : i32
      %dma_wait3A_150 = tpu.memref_slice %arg4[%mul3A_21, %dma_wait3A_149] : memref<5120x128xi32, #tpu.memory_space<hbm>> -> memref<160x128xi32, #tpu.memory_space<hbm>>
      %dma_wait3A_151 = arith.constant 0 : i32
      %dma_wait3A_152 = tpu.memref_slice %arg4[%mul3A_21, %dma_wait3A_151] : memref<5120x128xi32, #tpu.memory_space<hbm>> -> memref<160x128xi32, #tpu.memory_space<hbm>>
      tpu.wait_dma2 semaphore(%run_scoped3A : memref<!tpu.dma_semaphore, #tpu.memory_space<semaphore_mem>>) src(%dma_wait3A_152 : memref<160x128xi32, #tpu.memory_space<hbm>>) dst(%arg7 : memref<160x128xi32, #tpu.memory_space<vmem>>)
      tpu.yield
    }) : () -> ()
    %dma_start3A = arith.constant 0 : i32
    %dma_start3A_22 = arith.constant 0 : i32
    %dma_start3A_23 = tpu.memref_slice %arg6[%dma_start3A, %dma_start3A_22] : memref<160x128xi32, #tpu.memory_space<vmem>> -> memref<1x128xi32, #tpu.memory_space<vmem>>
    %dma_start3A_24 = tpu.memref_squeeze %dma_start3A_23 : memref<1x128xi32, #tpu.memory_space<vmem>> -> memref<128xi32, #tpu.memory_space<vmem>>
    %dma_start3A_25 = arith.constant 0 : i32
    %dma_start3A_26 = arith.constant 0 : i32
    %dma_start3A_27 = tpu.memref_slice %arg2[%dma_start3A_25, %dma_start3A_26] : memref<10240x64xf32, #tpu.memory_space<hbm>> -> memref<10240x64xf32, #tpu.memory_space<hbm>>
    tpu.enqueue_indirect_dma source(%dma_start3A_27 : memref<10240x64xf32, #tpu.memory_space<hbm>>) target(%arg8 : memref<128x64xf32, #tpu.memory_space<vmem>>) offsets(%dma_start3A_24 : memref<128xi32, #tpu.memory_space<vmem>>) semaphore(%arg13 : memref<!tpu.dma_semaphore, #tpu.memory_space<semaphore_mem>>)
    %dma_start3A_28 = arith.constant 1 : i32
    %dma_start3A_29 = arith.constant 0 : i32
    %dma_start3A_30 = tpu.memref_slice %arg6[%dma_start3A_28, %dma_start3A_29] : memref<160x128xi32, #tpu.memory_space<vmem>> -> memref<1x128xi32, #tpu.memory_space<vmem>>
    %dma_start3A_31 = tpu.memref_squeeze %dma_start3A_30 : memref<1x128xi32, #tpu.memory_space<vmem>> -> memref<128xi32, #tpu.memory_space<vmem>>
    %dma_start3A_32 = arith.constant 0 : i32
    %dma_start3A_33 = arith.constant 0 : i32
    %dma_start3A_34 = tpu.memref_slice %arg2[%dma_start3A_32, %dma_start3A_33] : memref<10240x64xf32, #tpu.memory_space<hbm>> -> memref<10240x64xf32, #tpu.memory_space<hbm>>
    tpu.enqueue_indirect_dma source(%dma_start3A_34 : memref<10240x64xf32, #tpu.memory_space<hbm>>) target(%arg9 : memref<128x64xf32, #tpu.memory_space<vmem>>) offsets(%dma_start3A_31 : memref<128xi32, #tpu.memory_space<vmem>>) semaphore(%arg14 : memref<!tpu.dma_semaphore, #tpu.memory_space<semaphore_mem>>)
    %dma_start3A_35 = arith.constant 2 : i32
    %dma_start3A_36 = arith.constant 0 : i32
    %dma_start3A_37 = tpu.memref_slice %arg6[%dma_start3A_35, %dma_start3A_36] : memref<160x128xi32, #tpu.memory_space<vmem>> -> memref<1x128xi32, #tpu.memory_space<vmem>>
    %dma_start3A_38 = tpu.memref_squeeze %dma_start3A_37 : memref<1x128xi32, #tpu.memory_space<vmem>> -> memref<128xi32, #tpu.memory_space<vmem>>
    %dma_start3A_39 = arith.constant 0 : i32
    %dma_start3A_40 = arith.constant 0 : i32
    %dma_start3A_41 = tpu.memref_slice %arg2[%dma_start3A_39, %dma_start3A_40] : memref<10240x64xf32, #tpu.memory_space<hbm>> -> memref<10240x64xf32, #tpu.memory_space<hbm>>
    tpu.enqueue_indirect_dma source(%dma_start3A_41 : memref<10240x64xf32, #tpu.memory_space<hbm>>) target(%arg10 : memref<128x64xf32, #tpu.memory_space<vmem>>) offsets(%dma_start3A_38 : memref<128xi32, #tpu.memory_space<vmem>>) semaphore(%arg15 : memref<!tpu.dma_semaphore, #tpu.memory_space<semaphore_mem>>)
    %dma_start3A_42 = arith.constant 3 : i32
    %dma_start3A_43 = arith.constant 0 : i32
    %dma_start3A_44 = tpu.memref_slice %arg6[%dma_start3A_42, %dma_start3A_43] : memref<160x128xi32, #tpu.memory_space<vmem>> -> memref<1x128xi32, #tpu.memory_space<vmem>>
    %dma_start3A_45 = tpu.memref_squeeze %dma_start3A_44 : memref<1x128xi32, #tpu.memory_space<vmem>> -> memref<128xi32, #tpu.memory_space<vmem>>
    %dma_start3A_46 = arith.constant 0 : i32
    %dma_start3A_47 = arith.constant 0 : i32
    %dma_start3A_48 = tpu.memref_slice %arg2[%dma_start3A_46, %dma_start3A_47] : memref<10240x64xf32, #tpu.memory_space<hbm>> -> memref<10240x64xf32, #tpu.memory_space<hbm>>
    tpu.enqueue_indirect_dma source(%dma_start3A_48 : memref<10240x64xf32, #tpu.memory_space<hbm>>) target(%arg11 : memref<128x64xf32, #tpu.memory_space<vmem>>) offsets(%dma_start3A_45 : memref<128xi32, #tpu.memory_space<vmem>>) semaphore(%arg16 : memref<!tpu.dma_semaphore, #tpu.memory_space<semaphore_mem>>)
    %scan3A_49 = arith.constant 0 : i32
    %scan3A_50 = arith.constant 0 : i32
    %scan3A_51 = arith.constant 39 : i32
    %scan3A_52 = arith.addi %scan3A_50, %scan3A_51 : i32
    %scan3A_53 = arith.constant 1 : i32
    scf.for %scan3A_145 = %scan3A_50 to %scan3A_52 step %scan3A_53  : i32 {
      %dma_wait3A_146 = arith.constant 0 : i32
      %dma_wait3A_147 = arith.constant 0 : i32
      %dma_wait3A_148 = tpu.memref_slice %arg6[%dma_wait3A_146, %dma_wait3A_147] : memref<160x128xi32, #tpu.memory_space<vmem>> -> memref<1x128xi32, #tpu.memory_space<vmem>>
      %dma_wait3A_149 = tpu.memref_squeeze %dma_wait3A_148 : memref<1x128xi32, #tpu.memory_space<vmem>> -> memref<128xi32, #tpu.memory_space<vmem>>
      %dma_wait3A_150 = arith.constant 0 : i32
      %dma_wait3A_151 = arith.constant 0 : i32
      %dma_wait3A_152 = tpu.memref_slice %arg2[%dma_wait3A_150, %dma_wait3A_151] : memref<10240x64xf32, #tpu.memory_space<hbm>> -> memref<10240x64xf32, #tpu.memory_space<hbm>>
      tpu.wait_indirect_dma semaphore(%arg13 : memref<!tpu.dma_semaphore, #tpu.memory_space<semaphore_mem>>) src(%dma_wait3A_152 : memref<10240x64xf32, #tpu.memory_space<hbm>>) dst(%arg8 : memref<128x64xf32, #tpu.memory_space<vmem>>)
      %mul3A_153 = arith.constant 4 : i32
      %mul3A_154 = arith.muli %scan3A_145, %mul3A_153 : i32
      %add3A_155 = arith.constant 0 : i32
      %add3A_156 = arith.addi %mul3A_154, %add3A_155 : i32
      %dma_start3A_157 = arith.constant 0 : i32
      %dma_start3A_158 = tpu.memref_slice %arg7[%add3A_156, %dma_start3A_157] : memref<160x128xi32, #tpu.memory_space<vmem>> -> memref<1x128xi32, #tpu.memory_space<vmem>>
      %dma_start3A_159 = tpu.memref_squeeze %dma_start3A_158 : memref<1x128xi32, #tpu.memory_space<vmem>> -> memref<128xi32, #tpu.memory_space<vmem>>
      %dma_start3A_160 = arith.constant 0 : i32
      %dma_start3A_161 = arith.constant 0 : i32
      %dma_start3A_162 = tpu.memref_slice %arg12[%dma_start3A_160, %dma_start3A_161] : memref<10240x64xf32, #tpu.memory_space<vmem_shared>> -> memref<10240x64xf32, #tpu.memory_space<vmem_shared>>
      tpu.enqueue_indirect_dma source(%arg8 : memref<128x64xf32, #tpu.memory_space<vmem>>) target(%dma_start3A_162 : memref<10240x64xf32, #tpu.memory_space<vmem_shared>>) offsets(%dma_start3A_159 : memref<128xi32, #tpu.memory_space<vmem>>) semaphore(%arg17 : memref<!tpu.dma_semaphore, #tpu.memory_space<semaphore_mem>>) {add = true}
      %dma_wait3A_163 = arith.constant 0 : i32
      %dma_wait3A_164 = arith.constant 0 : i32
      %dma_wait3A_165 = tpu.memref_slice %arg6[%dma_wait3A_163, %dma_wait3A_164] : memref<160x128xi32, #tpu.memory_space<vmem>> -> memref<1x128xi32, #tpu.memory_space<vmem>>
      %dma_wait3A_166 = tpu.memref_squeeze %dma_wait3A_165 : memref<1x128xi32, #tpu.memory_space<vmem>> -> memref<128xi32, #tpu.memory_space<vmem>>
      %dma_wait3A_167 = arith.constant 0 : i32
      %dma_wait3A_168 = arith.constant 0 : i32
      %dma_wait3A_169 = tpu.memref_slice %arg2[%dma_wait3A_167, %dma_wait3A_168] : memref<10240x64xf32, #tpu.memory_space<hbm>> -> memref<10240x64xf32, #tpu.memory_space<hbm>>
      tpu.wait_indirect_dma semaphore(%arg14 : memref<!tpu.dma_semaphore, #tpu.memory_space<semaphore_mem>>) src(%dma_wait3A_169 : memref<10240x64xf32, #tpu.memory_space<hbm>>) dst(%arg9 : memref<128x64xf32, #tpu.memory_space<vmem>>)
      %mul3A_170 = arith.constant 4 : i32
      %mul3A_171 = arith.muli %scan3A_145, %mul3A_170 : i32
      %add3A_172 = arith.constant 1 : i32
      %add3A_173 = arith.addi %mul3A_171, %add3A_172 : i32
      %dma_start3A_174 = arith.constant 0 : i32
      %dma_start3A_175 = tpu.memref_slice %arg7[%add3A_173, %dma_start3A_174] : memref<160x128xi32, #tpu.memory_space<vmem>> -> memref<1x128xi32, #tpu.memory_space<vmem>>
      %dma_start3A_176 = tpu.memref_squeeze %dma_start3A_175 : memref<1x128xi32, #tpu.memory_space<vmem>> -> memref<128xi32, #tpu.memory_space<vmem>>
      %dma_start3A_177 = arith.constant 0 : i32
      %dma_start3A_178 = arith.constant 0 : i32
      %dma_start3A_179 = tpu.memref_slice %arg12[%dma_start3A_177, %dma_start3A_178] : memref<10240x64xf32, #tpu.memory_space<vmem_shared>> -> memref<10240x64xf32, #tpu.memory_space<vmem_shared>>
      tpu.enqueue_indirect_dma source(%arg9 : memref<128x64xf32, #tpu.memory_space<vmem>>) target(%dma_start3A_179 : memref<10240x64xf32, #tpu.memory_space<vmem_shared>>) offsets(%dma_start3A_176 : memref<128xi32, #tpu.memory_space<vmem>>) semaphore(%arg18 : memref<!tpu.dma_semaphore, #tpu.memory_space<semaphore_mem>>) {add = true}
      %dma_wait3A_180 = arith.constant 0 : i32
      %dma_wait3A_181 = arith.constant 0 : i32
      %dma_wait3A_182 = tpu.memref_slice %arg6[%dma_wait3A_180, %dma_wait3A_181] : memref<160x128xi32, #tpu.memory_space<vmem>> -> memref<1x128xi32, #tpu.memory_space<vmem>>
      %dma_wait3A_183 = tpu.memref_squeeze %dma_wait3A_182 : memref<1x128xi32, #tpu.memory_space<vmem>> -> memref<128xi32, #tpu.memory_space<vmem>>
      %dma_wait3A_184 = arith.constant 0 : i32
      %dma_wait3A_185 = arith.constant 0 : i32
      %dma_wait3A_186 = tpu.memref_slice %arg2[%dma_wait3A_184, %dma_wait3A_185] : memref<10240x64xf32, #tpu.memory_space<hbm>> -> memref<10240x64xf32, #tpu.memory_space<hbm>>
      tpu.wait_indirect_dma semaphore(%arg15 : memref<!tpu.dma_semaphore, #tpu.memory_space<semaphore_mem>>) src(%dma_wait3A_186 : memref<10240x64xf32, #tpu.memory_space<hbm>>) dst(%arg10 : memref<128x64xf32, #tpu.memory_space<vmem>>)
      %mul3A_187 = arith.constant 4 : i32
      %mul3A_188 = arith.muli %scan3A_145, %mul3A_187 : i32
      %add3A_189 = arith.constant 2 : i32
      %add3A_190 = arith.addi %mul3A_188, %add3A_189 : i32
      %dma_start3A_191 = arith.constant 0 : i32
      %dma_start3A_192 = tpu.memref_slice %arg7[%add3A_190, %dma_start3A_191] : memref<160x128xi32, #tpu.memory_space<vmem>> -> memref<1x128xi32, #tpu.memory_space<vmem>>
      %dma_start3A_193 = tpu.memref_squeeze %dma_start3A_192 : memref<1x128xi32, #tpu.memory_space<vmem>> -> memref<128xi32, #tpu.memory_space<vmem>>
      %dma_start3A_194 = arith.constant 0 : i32
      %dma_start3A_195 = arith.constant 0 : i32
      %dma_start3A_196 = tpu.memref_slice %arg12[%dma_start3A_194, %dma_start3A_195] : memref<10240x64xf32, #tpu.memory_space<vmem_shared>> -> memref<10240x64xf32, #tpu.memory_space<vmem_shared>>
      tpu.enqueue_indirect_dma source(%arg10 : memref<128x64xf32, #tpu.memory_space<vmem>>) target(%dma_start3A_196 : memref<10240x64xf32, #tpu.memory_space<vmem_shared>>) offsets(%dma_start3A_193 : memref<128xi32, #tpu.memory_space<vmem>>) semaphore(%arg19 : memref<!tpu.dma_semaphore, #tpu.memory_space<semaphore_mem>>) {add = true}
      %dma_wait3A_197 = arith.constant 0 : i32
      %dma_wait3A_198 = arith.constant 0 : i32
      %dma_wait3A_199 = tpu.memref_slice %arg6[%dma_wait3A_197, %dma_wait3A_198] : memref<160x128xi32, #tpu.memory_space<vmem>> -> memref<1x128xi32, #tpu.memory_space<vmem>>
      %dma_wait3A_200 = tpu.memref_squeeze %dma_wait3A_199 : memref<1x128xi32, #tpu.memory_space<vmem>> -> memref<128xi32, #tpu.memory_space<vmem>>
      %dma_wait3A_201 = arith.constant 0 : i32
      %dma_wait3A_202 = arith.constant 0 : i32
      %dma_wait3A_203 = tpu.memref_slice %arg2[%dma_wait3A_201, %dma_wait3A_202] : memref<10240x64xf32, #tpu.memory_space<hbm>> -> memref<10240x64xf32, #tpu.memory_space<hbm>>
      tpu.wait_indirect_dma semaphore(%arg16 : memref<!tpu.dma_semaphore, #tpu.memory_space<semaphore_mem>>) src(%dma_wait3A_203 : memref<10240x64xf32, #tpu.memory_space<hbm>>) dst(%arg11 : memref<128x64xf32, #tpu.memory_space<vmem>>)
      %mul3A_204 = arith.constant 4 : i32
      %mul3A_205 = arith.muli %scan3A_145, %mul3A_204 : i32
      %add3A_206 = arith.constant 3 : i32
      %add3A_207 = arith.addi %mul3A_205, %add3A_206 : i32
      %dma_start3A_208 = arith.constant 0 : i32
      %dma_start3A_209 = tpu.memref_slice %arg7[%add3A_207, %dma_start3A_208] : memref<160x128xi32, #tpu.memory_space<vmem>> -> memref<1x128xi32, #tpu.memory_space<vmem>>
      %dma_start3A_210 = tpu.memref_squeeze %dma_start3A_209 : memref<1x128xi32, #tpu.memory_space<vmem>> -> memref<128xi32, #tpu.memory_space<vmem>>
      %dma_start3A_211 = arith.constant 0 : i32
      %dma_start3A_212 = arith.constant 0 : i32
      %dma_start3A_213 = tpu.memref_slice %arg12[%dma_start3A_211, %dma_start3A_212] : memref<10240x64xf32, #tpu.memory_space<vmem_shared>> -> memref<10240x64xf32, #tpu.memory_space<vmem_shared>>
      tpu.enqueue_indirect_dma source(%arg11 : memref<128x64xf32, #tpu.memory_space<vmem>>) target(%dma_start3A_213 : memref<10240x64xf32, #tpu.memory_space<vmem_shared>>) offsets(%dma_start3A_210 : memref<128xi32, #tpu.memory_space<vmem>>) semaphore(%arg20 : memref<!tpu.dma_semaphore, #tpu.memory_space<semaphore_mem>>) {add = true}
      %dma_wait3A_214 = arith.constant 0 : i32
      %dma_wait3A_215 = arith.constant 0 : i32
      %dma_wait3A_216 = tpu.memref_slice %arg7[%dma_wait3A_214, %dma_wait3A_215] : memref<160x128xi32, #tpu.memory_space<vmem>> -> memref<1x128xi32, #tpu.memory_space<vmem>>
      %dma_wait3A_217 = tpu.memref_squeeze %dma_wait3A_216 : memref<1x128xi32, #tpu.memory_space<vmem>> -> memref<128xi32, #tpu.memory_space<vmem>>
      %dma_wait3A_218 = arith.constant 0 : i32
      %dma_wait3A_219 = arith.constant 0 : i32
      %dma_wait3A_220 = tpu.memref_slice %arg12[%dma_wait3A_218, %dma_wait3A_219] : memref<10240x64xf32, #tpu.memory_space<vmem_shared>> -> memref<10240x64xf32, #tpu.memory_space<vmem_shared>>
      tpu.wait_indirect_dma semaphore(%arg17 : memref<!tpu.dma_semaphore, #tpu.memory_space<semaphore_mem>>) src(%arg8 : memref<128x64xf32, #tpu.memory_space<vmem>>) dst(%dma_wait3A_220 : memref<10240x64xf32, #tpu.memory_space<vmem_shared>>)
      %add3A_221 = arith.constant 1 : i32
      %add3A_222 = arith.addi %scan3A_145, %add3A_221 : i32
      %mul3A_223 = arith.constant 4 : i32
      %mul3A_224 = arith.muli %add3A_222, %mul3A_223 : i32
      %add3A_225 = arith.constant 0 : i32
      %add3A_226 = arith.addi %mul3A_224, %add3A_225 : i32
      %dma_start3A_227 = arith.constant 0 : i32
      %dma_start3A_228 = tpu.memref_slice %arg6[%add3A_226, %dma_start3A_227] : memref<160x128xi32, #tpu.memory_space<vmem>> -> memref<1x128xi32, #tpu.memory_space<vmem>>
      %dma_start3A_229 = tpu.memref_squeeze %dma_start3A_228 : memref<1x128xi32, #tpu.memory_space<vmem>> -> memref<128xi32, #tpu.memory_space<vmem>>
      %dma_start3A_230 = arith.constant 0 : i32
      %dma_start3A_231 = arith.constant 0 : i32
      %dma_start3A_232 = tpu.memref_slice %arg2[%dma_start3A_230, %dma_start3A_231] : memref<10240x64xf32, #tpu.memory_space<hbm>> -> memref<10240x64xf32, #tpu.memory_space<hbm>>
      tpu.enqueue_indirect_dma source(%dma_start3A_232 : memref<10240x64xf32, #tpu.memory_space<hbm>>) target(%arg8 : memref<128x64xf32, #tpu.memory_space<vmem>>) offsets(%dma_start3A_229 : memref<128xi32, #tpu.memory_space<vmem>>) semaphore(%arg13 : memref<!tpu.dma_semaphore, #tpu.memory_space<semaphore_mem>>)
      %dma_wait3A_233 = arith.constant 0 : i32
      %dma_wait3A_234 = arith.constant 0 : i32
      %dma_wait3A_235 = tpu.memref_slice %arg7[%dma_wait3A_233, %dma_wait3A_234] : memref<160x128xi32, #tpu.memory_space<vmem>> -> memref<1x128xi32, #tpu.memory_space<vmem>>
      %dma_wait3A_236 = tpu.memref_squeeze %dma_wait3A_235 : memref<1x128xi32, #tpu.memory_space<vmem>> -> memref<128xi32, #tpu.memory_space<vmem>>
      %dma_wait3A_237 = arith.constant 0 : i32
      %dma_wait3A_238 = arith.constant 0 : i32
      %dma_wait3A_239 = tpu.memref_slice %arg12[%dma_wait3A_237, %dma_wait3A_238] : memref<10240x64xf32, #tpu.memory_space<vmem_shared>> -> memref<10240x64xf32, #tpu.memory_space<vmem_shared>>
      tpu.wait_indirect_dma semaphore(%arg18 : memref<!tpu.dma_semaphore, #tpu.memory_space<semaphore_mem>>) src(%arg9 : memref<128x64xf32, #tpu.memory_space<vmem>>) dst(%dma_wait3A_239 : memref<10240x64xf32, #tpu.memory_space<vmem_shared>>)
      %add3A_240 = arith.constant 1 : i32
      %add3A_241 = arith.addi %scan3A_145, %add3A_240 : i32
      %mul3A_242 = arith.constant 4 : i32
      %mul3A_243 = arith.muli %add3A_241, %mul3A_242 : i32
      %add3A_244 = arith.constant 1 : i32
      %add3A_245 = arith.addi %mul3A_243, %add3A_244 : i32
      %dma_start3A_246 = arith.constant 0 : i32
      %dma_start3A_247 = tpu.memref_slice %arg6[%add3A_245, %dma_start3A_246] : memref<160x128xi32, #tpu.memory_space<vmem>> -> memref<1x128xi32, #tpu.memory_space<vmem>>
      %dma_start3A_248 = tpu.memref_squeeze %dma_start3A_247 : memref<1x128xi32, #tpu.memory_space<vmem>> -> memref<128xi32, #tpu.memory_space<vmem>>
      %dma_start3A_249 = arith.constant 0 : i32
      %dma_start3A_250 = arith.constant 0 : i32
      %dma_start3A_251 = tpu.memref_slice %arg2[%dma_start3A_249, %dma_start3A_250] : memref<10240x64xf32, #tpu.memory_space<hbm>> -> memref<10240x64xf32, #tpu.memory_space<hbm>>
      tpu.enqueue_indirect_dma source(%dma_start3A_251 : memref<10240x64xf32, #tpu.memory_space<hbm>>) target(%arg9 : memref<128x64xf32, #tpu.memory_space<vmem>>) offsets(%dma_start3A_248 : memref<128xi32, #tpu.memory_space<vmem>>) semaphore(%arg14 : memref<!tpu.dma_semaphore, #tpu.memory_space<semaphore_mem>>)
      %dma_wait3A_252 = arith.constant 0 : i32
      %dma_wait3A_253 = arith.constant 0 : i32
      %dma_wait3A_254 = tpu.memref_slice %arg7[%dma_wait3A_252, %dma_wait3A_253] : memref<160x128xi32, #tpu.memory_space<vmem>> -> memref<1x128xi32, #tpu.memory_space<vmem>>
      %dma_wait3A_255 = tpu.memref_squeeze %dma_wait3A_254 : memref<1x128xi32, #tpu.memory_space<vmem>> -> memref<128xi32, #tpu.memory_space<vmem>>
      %dma_wait3A_256 = arith.constant 0 : i32
      %dma_wait3A_257 = arith.constant 0 : i32
      %dma_wait3A_258 = tpu.memref_slice %arg12[%dma_wait3A_256, %dma_wait3A_257] : memref<10240x64xf32, #tpu.memory_space<vmem_shared>> -> memref<10240x64xf32, #tpu.memory_space<vmem_shared>>
      tpu.wait_indirect_dma semaphore(%arg19 : memref<!tpu.dma_semaphore, #tpu.memory_space<semaphore_mem>>) src(%arg10 : memref<128x64xf32, #tpu.memory_space<vmem>>) dst(%dma_wait3A_258 : memref<10240x64xf32, #tpu.memory_space<vmem_shared>>)
      %add3A_259 = arith.constant 1 : i32
      %add3A_260 = arith.addi %scan3A_145, %add3A_259 : i32
      %mul3A_261 = arith.constant 4 : i32
      %mul3A_262 = arith.muli %add3A_260, %mul3A_261 : i32
      %add3A_263 = arith.constant 2 : i32
      %add3A_264 = arith.addi %mul3A_262, %add3A_263 : i32
      %dma_start3A_265 = arith.constant 0 : i32
      %dma_start3A_266 = tpu.memref_slice %arg6[%add3A_264, %dma_start3A_265] : memref<160x128xi32, #tpu.memory_space<vmem>> -> memref<1x128xi32, #tpu.memory_space<vmem>>
      %dma_start3A_267 = tpu.memref_squeeze %dma_start3A_266 : memref<1x128xi32, #tpu.memory_space<vmem>> -> memref<128xi32, #tpu.memory_space<vmem>>
      %dma_start3A_268 = arith.constant 0 : i32
      %dma_start3A_269 = arith.constant 0 : i32
      %dma_start3A_270 = tpu.memref_slice %arg2[%dma_start3A_268, %dma_start3A_269] : memref<10240x64xf32, #tpu.memory_space<hbm>> -> memref<10240x64xf32, #tpu.memory_space<hbm>>
      tpu.enqueue_indirect_dma source(%dma_start3A_270 : memref<10240x64xf32, #tpu.memory_space<hbm>>) target(%arg10 : memref<128x64xf32, #tpu.memory_space<vmem>>) offsets(%dma_start3A_267 : memref<128xi32, #tpu.memory_space<vmem>>) semaphore(%arg15 : memref<!tpu.dma_semaphore, #tpu.memory_space<semaphore_mem>>)
      %dma_wait3A_271 = arith.constant 0 : i32
      %dma_wait3A_272 = arith.constant 0 : i32
      %dma_wait3A_273 = tpu.memref_slice %arg7[%dma_wait3A_271, %dma_wait3A_272] : memref<160x128xi32, #tpu.memory_space<vmem>> -> memref<1x128xi32, #tpu.memory_space<vmem>>
      %dma_wait3A_274 = tpu.memref_squeeze %dma_wait3A_273 : memref<1x128xi32, #tpu.memory_space<vmem>> -> memref<128xi32, #tpu.memory_space<vmem>>
      %dma_wait3A_275 = arith.constant 0 : i32
      %dma_wait3A_276 = arith.constant 0 : i32
      %dma_wait3A_277 = tpu.memref_slice %arg12[%dma_wait3A_275, %dma_wait3A_276] : memref<10240x64xf32, #tpu.memory_space<vmem_shared>> -> memref<10240x64xf32, #tpu.memory_space<vmem_shared>>
      tpu.wait_indirect_dma semaphore(%arg20 : memref<!tpu.dma_semaphore, #tpu.memory_space<semaphore_mem>>) src(%arg11 : memref<128x64xf32, #tpu.memory_space<vmem>>) dst(%dma_wait3A_277 : memref<10240x64xf32, #tpu.memory_space<vmem_shared>>)
      %add3A_278 = arith.constant 1 : i32
      %add3A_279 = arith.addi %scan3A_145, %add3A_278 : i32
      %mul3A_280 = arith.constant 4 : i32
      %mul3A_281 = arith.muli %add3A_279, %mul3A_280 : i32
      %add3A_282 = arith.constant 3 : i32
      %add3A_283 = arith.addi %mul3A_281, %add3A_282 : i32
      %dma_start3A_284 = arith.constant 0 : i32
      %dma_start3A_285 = tpu.memref_slice %arg6[%add3A_283, %dma_start3A_284] : memref<160x128xi32, #tpu.memory_space<vmem>> -> memref<1x128xi32, #tpu.memory_space<vmem>>
      %dma_start3A_286 = tpu.memref_squeeze %dma_start3A_285 : memref<1x128xi32, #tpu.memory_space<vmem>> -> memref<128xi32, #tpu.memory_space<vmem>>
      %dma_start3A_287 = arith.constant 0 : i32
      %dma_start3A_288 = arith.constant 0 : i32
      %dma_start3A_289 = tpu.memref_slice %arg2[%dma_start3A_287, %dma_start3A_288] : memref<10240x64xf32, #tpu.memory_space<hbm>> -> memref<10240x64xf32, #tpu.memory_space<hbm>>
      tpu.enqueue_indirect_dma source(%dma_start3A_289 : memref<10240x64xf32, #tpu.memory_space<hbm>>) target(%arg11 : memref<128x64xf32, #tpu.memory_space<vmem>>) offsets(%dma_start3A_286 : memref<128xi32, #tpu.memory_space<vmem>>) semaphore(%arg16 : memref<!tpu.dma_semaphore, #tpu.memory_space<semaphore_mem>>)
    }
    %scan3A_54 = arith.constant 39 : i32
    %dma_wait3A = arith.constant 0 : i32
    %dma_wait3A_55 = arith.constant 0 : i32
    %dma_wait3A_56 = tpu.memref_slice %arg6[%dma_wait3A, %dma_wait3A_55] : memref<160x128xi32, #tpu.memory_space<vmem>> -> memref<1x128xi32, #tpu.memory_space<vmem>>
    %dma_wait3A_57 = tpu.memref_squeeze %dma_wait3A_56 : memref<1x128xi32, #tpu.memory_space<vmem>> -> memref<128xi32, #tpu.memory_space<vmem>>
    %dma_wait3A_58 = arith.constant 0 : i32
    %dma_wait3A_59 = arith.constant 0 : i32
    %dma_wait3A_60 = tpu.memref_slice %arg2[%dma_wait3A_58, %dma_wait3A_59] : memref<10240x64xf32, #tpu.memory_space<hbm>> -> memref<10240x64xf32, #tpu.memory_space<hbm>>
    tpu.wait_indirect_dma semaphore(%arg13 : memref<!tpu.dma_semaphore, #tpu.memory_space<semaphore_mem>>) src(%dma_wait3A_60 : memref<10240x64xf32, #tpu.memory_space<hbm>>) dst(%arg8 : memref<128x64xf32, #tpu.memory_space<vmem>>)
    %dma_start3A_61 = arith.constant 156 : i32
    %dma_start3A_62 = arith.constant 0 : i32
    %dma_start3A_63 = tpu.memref_slice %arg7[%dma_start3A_61, %dma_start3A_62] : memref<160x128xi32, #tpu.memory_space<vmem>> -> memref<1x128xi32, #tpu.memory_space<vmem>>
    %dma_start3A_64 = tpu.memref_squeeze %dma_start3A_63 : memref<1x128xi32, #tpu.memory_space<vmem>> -> memref<128xi32, #tpu.memory_space<vmem>>
    %dma_start3A_65 = arith.constant 0 : i32
    %dma_start3A_66 = arith.constant 0 : i32
    %dma_start3A_67 = tpu.memref_slice %arg12[%dma_start3A_65, %dma_start3A_66] : memref<10240x64xf32, #tpu.memory_space<vmem_shared>> -> memref<10240x64xf32, #tpu.memory_space<vmem_shared>>
    tpu.enqueue_indirect_dma source(%arg8 : memref<128x64xf32, #tpu.memory_space<vmem>>) target(%dma_start3A_67 : memref<10240x64xf32, #tpu.memory_space<vmem_shared>>) offsets(%dma_start3A_64 : memref<128xi32, #tpu.memory_space<vmem>>) semaphore(%arg17 : memref<!tpu.dma_semaphore, #tpu.memory_space<semaphore_mem>>) {add = true}
    %dma_wait3A_68 = arith.constant 0 : i32
    %dma_wait3A_69 = arith.constant 0 : i32
    %dma_wait3A_70 = tpu.memref_slice %arg6[%dma_wait3A_68, %dma_wait3A_69] : memref<160x128xi32, #tpu.memory_space<vmem>> -> memref<1x128xi32, #tpu.memory_space<vmem>>
    %dma_wait3A_71 = tpu.memref_squeeze %dma_wait3A_70 : memref<1x128xi32, #tpu.memory_space<vmem>> -> memref<128xi32, #tpu.memory_space<vmem>>
    %dma_wait3A_72 = arith.constant 0 : i32
    %dma_wait3A_73 = arith.constant 0 : i32
    %dma_wait3A_74 = tpu.memref_slice %arg2[%dma_wait3A_72, %dma_wait3A_73] : memref<10240x64xf32, #tpu.memory_space<hbm>> -> memref<10240x64xf32, #tpu.memory_space<hbm>>
    tpu.wait_indirect_dma semaphore(%arg14 : memref<!tpu.dma_semaphore, #tpu.memory_space<semaphore_mem>>) src(%dma_wait3A_74 : memref<10240x64xf32, #tpu.memory_space<hbm>>) dst(%arg9 : memref<128x64xf32, #tpu.memory_space<vmem>>)
    %dma_start3A_75 = arith.constant 157 : i32
    %dma_start3A_76 = arith.constant 0 : i32
    %dma_start3A_77 = tpu.memref_slice %arg7[%dma_start3A_75, %dma_start3A_76] : memref<160x128xi32, #tpu.memory_space<vmem>> -> memref<1x128xi32, #tpu.memory_space<vmem>>
    %dma_start3A_78 = tpu.memref_squeeze %dma_start3A_77 : memref<1x128xi32, #tpu.memory_space<vmem>> -> memref<128xi32, #tpu.memory_space<vmem>>
    %dma_start3A_79 = arith.constant 0 : i32
    %dma_start3A_80 = arith.constant 0 : i32
    %dma_start3A_81 = tpu.memref_slice %arg12[%dma_start3A_79, %dma_start3A_80] : memref<10240x64xf32, #tpu.memory_space<vmem_shared>> -> memref<10240x64xf32, #tpu.memory_space<vmem_shared>>
    tpu.enqueue_indirect_dma source(%arg9 : memref<128x64xf32, #tpu.memory_space<vmem>>) target(%dma_start3A_81 : memref<10240x64xf32, #tpu.memory_space<vmem_shared>>) offsets(%dma_start3A_78 : memref<128xi32, #tpu.memory_space<vmem>>) semaphore(%arg18 : memref<!tpu.dma_semaphore, #tpu.memory_space<semaphore_mem>>) {add = true}
    %dma_wait3A_82 = arith.constant 0 : i32
    %dma_wait3A_83 = arith.constant 0 : i32
    %dma_wait3A_84 = tpu.memref_slice %arg6[%dma_wait3A_82, %dma_wait3A_83] : memref<160x128xi32, #tpu.memory_space<vmem>> -> memref<1x128xi32, #tpu.memory_space<vmem>>
    %dma_wait3A_85 = tpu.memref_squeeze %dma_wait3A_84 : memref<1x128xi32, #tpu.memory_space<vmem>> -> memref<128xi32, #tpu.memory_space<vmem>>
    %dma_wait3A_86 = arith.constant 0 : i32
    %dma_wait3A_87 = arith.constant 0 : i32
    %dma_wait3A_88 = tpu.memref_slice %arg2[%dma_wait3A_86, %dma_wait3A_87] : memref<10240x64xf32, #tpu.memory_space<hbm>> -> memref<10240x64xf32, #tpu.memory_space<hbm>>
    tpu.wait_indirect_dma semaphore(%arg15 : memref<!tpu.dma_semaphore, #tpu.memory_space<semaphore_mem>>) src(%dma_wait3A_88 : memref<10240x64xf32, #tpu.memory_space<hbm>>) dst(%arg10 : memref<128x64xf32, #tpu.memory_space<vmem>>)
    %dma_start3A_89 = arith.constant 158 : i32
    %dma_start3A_90 = arith.constant 0 : i32
    %dma_start3A_91 = tpu.memref_slice %arg7[%dma_start3A_89, %dma_start3A_90] : memref<160x128xi32, #tpu.memory_space<vmem>> -> memref<1x128xi32, #tpu.memory_space<vmem>>
    %dma_start3A_92 = tpu.memref_squeeze %dma_start3A_91 : memref<1x128xi32, #tpu.memory_space<vmem>> -> memref<128xi32, #tpu.memory_space<vmem>>
    %dma_start3A_93 = arith.constant 0 : i32
    %dma_start3A_94 = arith.constant 0 : i32
    %dma_start3A_95 = tpu.memref_slice %arg12[%dma_start3A_93, %dma_start3A_94] : memref<10240x64xf32, #tpu.memory_space<vmem_shared>> -> memref<10240x64xf32, #tpu.memory_space<vmem_shared>>
    tpu.enqueue_indirect_dma source(%arg10 : memref<128x64xf32, #tpu.memory_space<vmem>>) target(%dma_start3A_95 : memref<10240x64xf32, #tpu.memory_space<vmem_shared>>) offsets(%dma_start3A_92 : memref<128xi32, #tpu.memory_space<vmem>>) semaphore(%arg19 : memref<!tpu.dma_semaphore, #tpu.memory_space<semaphore_mem>>) {add = true}
    %dma_wait3A_96 = arith.constant 0 : i32
    %dma_wait3A_97 = arith.constant 0 : i32
    %dma_wait3A_98 = tpu.memref_slice %arg6[%dma_wait3A_96, %dma_wait3A_97] : memref<160x128xi32, #tpu.memory_space<vmem>> -> memref<1x128xi32, #tpu.memory_space<vmem>>
    %dma_wait3A_99 = tpu.memref_squeeze %dma_wait3A_98 : memref<1x128xi32, #tpu.memory_space<vmem>> -> memref<128xi32, #tpu.memory_space<vmem>>
    %dma_wait3A_100 = arith.constant 0 : i32
    %dma_wait3A_101 = arith.constant 0 : i32
    %dma_wait3A_102 = tpu.memref_slice %arg2[%dma_wait3A_100, %dma_wait3A_101] : memref<10240x64xf32, #tpu.memory_space<hbm>> -> memref<10240x64xf32, #tpu.memory_space<hbm>>
    tpu.wait_indirect_dma semaphore(%arg16 : memref<!tpu.dma_semaphore, #tpu.memory_space<semaphore_mem>>) src(%dma_wait3A_102 : memref<10240x64xf32, #tpu.memory_space<hbm>>) dst(%arg11 : memref<128x64xf32, #tpu.memory_space<vmem>>)
    %dma_start3A_103 = arith.constant 159 : i32
    %dma_start3A_104 = arith.constant 0 : i32
    %dma_start3A_105 = tpu.memref_slice %arg7[%dma_start3A_103, %dma_start3A_104] : memref<160x128xi32, #tpu.memory_space<vmem>> -> memref<1x128xi32, #tpu.memory_space<vmem>>
    %dma_start3A_106 = tpu.memref_squeeze %dma_start3A_105 : memref<1x128xi32, #tpu.memory_space<vmem>> -> memref<128xi32, #tpu.memory_space<vmem>>
    %dma_start3A_107 = arith.constant 0 : i32
    %dma_start3A_108 = arith.constant 0 : i32
    %dma_start3A_109 = tpu.memref_slice %arg12[%dma_start3A_107, %dma_start3A_108] : memref<10240x64xf32, #tpu.memory_space<vmem_shared>> -> memref<10240x64xf32, #tpu.memory_space<vmem_shared>>
    tpu.enqueue_indirect_dma source(%arg11 : memref<128x64xf32, #tpu.memory_space<vmem>>) target(%dma_start3A_109 : memref<10240x64xf32, #tpu.memory_space<vmem_shared>>) offsets(%dma_start3A_106 : memref<128xi32, #tpu.memory_space<vmem>>) semaphore(%arg20 : memref<!tpu.dma_semaphore, #tpu.memory_space<semaphore_mem>>) {add = true}
    %dma_wait3A_110 = arith.constant 0 : i32
    %dma_wait3A_111 = arith.constant 0 : i32
    %dma_wait3A_112 = tpu.memref_slice %arg7[%dma_wait3A_110, %dma_wait3A_111] : memref<160x128xi32, #tpu.memory_space<vmem>> -> memref<1x128xi32, #tpu.memory_space<vmem>>
    %dma_wait3A_113 = tpu.memref_squeeze %dma_wait3A_112 : memref<1x128xi32, #tpu.memory_space<vmem>> -> memref<128xi32, #tpu.memory_space<vmem>>
    %dma_wait3A_114 = arith.constant 0 : i32
    %dma_wait3A_115 = arith.constant 0 : i32
    %dma_wait3A_116 = tpu.memref_slice %arg12[%dma_wait3A_114, %dma_wait3A_115] : memref<10240x64xf32, #tpu.memory_space<vmem_shared>> -> memref<10240x64xf32, #tpu.memory_space<vmem_shared>>
    tpu.wait_indirect_dma semaphore(%arg17 : memref<!tpu.dma_semaphore, #tpu.memory_space<semaphore_mem>>) src(%arg8 : memref<128x64xf32, #tpu.memory_space<vmem>>) dst(%dma_wait3A_116 : memref<10240x64xf32, #tpu.memory_space<vmem_shared>>)
    %dma_wait3A_117 = arith.constant 0 : i32
    %dma_wait3A_118 = arith.constant 0 : i32
    %dma_wait3A_119 = tpu.memref_slice %arg7[%dma_wait3A_117, %dma_wait3A_118] : memref<160x128xi32, #tpu.memory_space<vmem>> -> memref<1x128xi32, #tpu.memory_space<vmem>>
    %dma_wait3A_120 = tpu.memref_squeeze %dma_wait3A_119 : memref<1x128xi32, #tpu.memory_space<vmem>> -> memref<128xi32, #tpu.memory_space<vmem>>
    %dma_wait3A_121 = arith.constant 0 : i32
    %dma_wait3A_122 = arith.constant 0 : i32
    %dma_wait3A_123 = tpu.memref_slice %arg12[%dma_wait3A_121, %dma_wait3A_122] : memref<10240x64xf32, #tpu.memory_space<vmem_shared>> -> memref<10240x64xf32, #tpu.memory_space<vmem_shared>>
    tpu.wait_indirect_dma semaphore(%arg18 : memref<!tpu.dma_semaphore, #tpu.memory_space<semaphore_mem>>) src(%arg9 : memref<128x64xf32, #tpu.memory_space<vmem>>) dst(%dma_wait3A_123 : memref<10240x64xf32, #tpu.memory_space<vmem_shared>>)
    %dma_wait3A_124 = arith.constant 0 : i32
    %dma_wait3A_125 = arith.constant 0 : i32
    %dma_wait3A_126 = tpu.memref_slice %arg7[%dma_wait3A_124, %dma_wait3A_125] : memref<160x128xi32, #tpu.memory_space<vmem>> -> memref<1x128xi32, #tpu.memory_space<vmem>>
    %dma_wait3A_127 = tpu.memref_squeeze %dma_wait3A_126 : memref<1x128xi32, #tpu.memory_space<vmem>> -> memref<128xi32, #tpu.memory_space<vmem>>
    %dma_wait3A_128 = arith.constant 0 : i32
    %dma_wait3A_129 = arith.constant 0 : i32
    %dma_wait3A_130 = tpu.memref_slice %arg12[%dma_wait3A_128, %dma_wait3A_129] : memref<10240x64xf32, #tpu.memory_space<vmem_shared>> -> memref<10240x64xf32, #tpu.memory_space<vmem_shared>>
    tpu.wait_indirect_dma semaphore(%arg19 : memref<!tpu.dma_semaphore, #tpu.memory_space<semaphore_mem>>) src(%arg10 : memref<128x64xf32, #tpu.memory_space<vmem>>) dst(%dma_wait3A_130 : memref<10240x64xf32, #tpu.memory_space<vmem_shared>>)
    %dma_wait3A_131 = arith.constant 0 : i32
    %dma_wait3A_132 = arith.constant 0 : i32
    %dma_wait3A_133 = tpu.memref_slice %arg7[%dma_wait3A_131, %dma_wait3A_132] : memref<160x128xi32, #tpu.memory_space<vmem>> -> memref<1x128xi32, #tpu.memory_space<vmem>>
    %dma_wait3A_134 = tpu.memref_squeeze %dma_wait3A_133 : memref<1x128xi32, #tpu.memory_space<vmem>> -> memref<128xi32, #tpu.memory_space<vmem>>
    %dma_wait3A_135 = arith.constant 0 : i32
    %dma_wait3A_136 = arith.constant 0 : i32
    %dma_wait3A_137 = tpu.memref_slice %arg12[%dma_wait3A_135, %dma_wait3A_136] : memref<10240x64xf32, #tpu.memory_space<vmem_shared>> -> memref<10240x64xf32, #tpu.memory_space<vmem_shared>>
    tpu.wait_indirect_dma semaphore(%arg20 : memref<!tpu.dma_semaphore, #tpu.memory_space<semaphore_mem>>) src(%arg11 : memref<128x64xf32, #tpu.memory_space<vmem>>) dst(%dma_wait3A_137 : memref<10240x64xf32, #tpu.memory_space<vmem_shared>>)
    %barrier3A_138 = arith.constant 0 : index
    tpu.barrier barrier_id(%barrier3A_138)
    %scan3A_139 = arith.constant 0 : i32
    %scan3A_140 = arith.constant 0 : i32
    %scan3A_141 = arith.constant 5 : i32
    %scan3A_142 = arith.addi %scan3A_140, %scan3A_141 : i32
    %scan3A_143 = arith.constant 1 : i32
    scf.for %scan3A_145 = %scan3A_140 to %scan3A_142 step %scan3A_143  : i32 {
      %mul3A_146 = arith.constant 128 : i32
      %mul3A_147 = arith.muli %scan3A_145, %mul3A_146 : i32
      %add3A_148 = arith.addi %multiple_of3A, %mul3A_147 : i32
      %multiple_of3A_149 = tpu.assume_multiple %add3A_148, 128 : i32
      "tpu.region"() ({
        %run_scoped3A = tpu.sem_alloc : memref<!tpu.dma_semaphore, #tpu.memory_space<semaphore_mem>>
        %dma_start3A_150 = arith.constant 0 : i32
        %dma_start3A_151 = tpu.memref_slice %arg12[%multiple_of3A_149, %dma_start3A_150] : memref<10240x64xf32, #tpu.memory_space<vmem_shared>> -> memref<128x64xf32, #tpu.memory_space<vmem_shared>>
        %dma_start3A_152 = arith.constant 0 : i32
        %dma_start3A_153 = tpu.memref_slice %arg12[%multiple_of3A_149, %dma_start3A_152] : memref<10240x64xf32, #tpu.memory_space<vmem_shared>> -> memref<128x64xf32, #tpu.memory_space<vmem_shared>>
        tpu.enqueue_dma source(%dma_start3A_153 : memref<128x64xf32, #tpu.memory_space<vmem_shared>>) target(%arg8 : memref<128x64xf32, #tpu.memory_space<vmem>>) target_semaphore(%run_scoped3A : memref<!tpu.dma_semaphore, #tpu.memory_space<semaphore_mem>>)
        %dma_wait3A_154 = arith.constant 0 : i32
        %dma_wait3A_155 = tpu.memref_slice %arg12[%multiple_of3A_149, %dma_wait3A_154] : memref<10240x64xf32, #tpu.memory_space<vmem_shared>> -> memref<128x64xf32, #tpu.memory_space<vmem_shared>>
        %dma_wait3A_156 = arith.constant 0 : i32
        %dma_wait3A_157 = tpu.memref_slice %arg12[%multiple_of3A_149, %dma_wait3A_156] : memref<10240x64xf32, #tpu.memory_space<vmem_shared>> -> memref<128x64xf32, #tpu.memory_space<vmem_shared>>
        tpu.wait_dma2 semaphore(%run_scoped3A : memref<!tpu.dma_semaphore, #tpu.memory_space<semaphore_mem>>) src(%dma_wait3A_157 : memref<128x64xf32, #tpu.memory_space<vmem_shared>>) dst(%arg8 : memref<128x64xf32, #tpu.memory_space<vmem>>)
        tpu.yield
      }) : () -> ()
      "tpu.region"() ({
        %run_scoped3A = tpu.sem_alloc : memref<!tpu.dma_semaphore, #tpu.memory_space<semaphore_mem>>
        %dma_start3A_150 = arith.constant 0 : i32
        %dma_start3A_151 = tpu.memref_slice %arg5[%arg0, %multiple_of3A_149, %dma_start3A_150] : memref<2x10240x64xf32, #tpu.memory_space<hbm>> -> memref<1x128x64xf32, #tpu.memory_space<hbm>>
        %dma_start3A_152 = tpu.memref_squeeze %dma_start3A_151 : memref<1x128x64xf32, #tpu.memory_space<hbm>> -> memref<128x64xf32, #tpu.memory_space<hbm>>
        %dma_start3A_153 = arith.constant 0 : i32
        %dma_start3A_154 = tpu.memref_slice %arg5[%arg0, %multiple_of3A_149, %dma_start3A_153] : memref<2x10240x64xf32, #tpu.memory_space<hbm>> -> memref<1x128x64xf32, #tpu.memory_space<hbm>>
        %dma_start3A_155 = tpu.memref_squeeze %dma_start3A_154 : memref<1x128x64xf32, #tpu.memory_space<hbm>> -> memref<128x64xf32, #tpu.memory_space<hbm>>
        tpu.enqueue_dma source(%arg8 : memref<128x64xf32, #tpu.memory_space<vmem>>) target(%dma_start3A_155 : memref<128x64xf32, #tpu.memory_space<hbm>>) target_semaphore(%run_scoped3A : memref<!tpu.dma_semaphore, #tpu.memory_space<semaphore_mem>>)
        %dma_wait3A_156 = arith.constant 0 : i32
        %dma_wait3A_157 = tpu.memref_slice %arg5[%arg0, %multiple_of3A_149, %dma_wait3A_156] : memref<2x10240x64xf32, #tpu.memory_space<hbm>> -> memref<1x128x64xf32, #tpu.memory_space<hbm>>
        %dma_wait3A_158 = tpu.memref_squeeze %dma_wait3A_157 : memref<1x128x64xf32, #tpu.memory_space<hbm>> -> memref<128x64xf32, #tpu.memory_space<hbm>>
        %dma_wait3A_159 = arith.constant 0 : i32
        %dma_wait3A_160 = tpu.memref_slice %arg5[%arg0, %multiple_of3A_149, %dma_wait3A_159] : memref<2x10240x64xf32, #tpu.memory_space<hbm>> -> memref<1x128x64xf32, #tpu.memory_space<hbm>>
        %dma_wait3A_161 = tpu.memref_squeeze %dma_wait3A_160 : memref<1x128x64xf32, #tpu.memory_space<hbm>> -> memref<128x64xf32, #tpu.memory_space<hbm>>
        tpu.wait_dma2 semaphore(%run_scoped3A : memref<!tpu.dma_semaphore, #tpu.memory_space<semaphore_mem>>) src(%arg8 : memref<128x64xf32, #tpu.memory_space<vmem>>) dst(%dma_wait3A_161 : memref<128x64xf32, #tpu.memory_space<hbm>>)
        tpu.yield
      }) : () -> ()
    }
    %scan3A_144 = arith.constant 5 : i32
    return
  }
}

module attributes {stable_mosaic.version = 14 : i64} {
  func.func @body(%arg0: i32, %arg1: memref<256x128xf32, #tpu.memory_space<vmem>>, %arg2: memref<128x64xf32, #tpu.memory_space<vmem>>, %arg3: memref<256x1xf32, #tpu.memory_space<vmem>>, %arg4: memref<256x1xf32, #tpu.memory_space<vmem>>, %arg5: memref<256x1xf32, #tpu.memory_space<vmem>>, %arg6: memref<256x64xf32, #tpu.memory_space<vmem>>) attributes {dimension_semantics = [#tpu.dimension_semantics<arbitrary>], iteration_bounds = array<i64: 40>, scalar_prefetch = 0 : i64, scratch_operands = 0 : i64, tpu.core_type = #tpu.core_type<tc>, window_params = [{transform_indices = @transform_0, window_bounds = array<i64: 256, 128>}, {pipeline_mode = #tpu.pipeline_mode<synchronous>, transform_indices = @transform_1, window_bounds = array<i64: 128, 64>}, {transform_indices = @transform_2, window_bounds = array<i64: 256, 1>}, {transform_indices = @transform_3, window_bounds = array<i64: 256, 1>}, {transform_indices = @transform_4, window_bounds = array<i64: 256, 1>}, {transform_indices = @transform_5, window_bounds = array<i64: 256, 64>}]} {
    %get3A = arith.constant 0 : index
    %get3A_0 = arith.constant 0 : index
    %get3A_1 = vector.load %arg3[%get3A, %get3A_0] : memref<256x1xf32, #tpu.memory_space<vmem>>, vector<256x1xf32>
    %get3A_2 = arith.constant 0 : index
    %get3A_3 = arith.constant 0 : index
    %get3A_4 = vector.load %arg4[%get3A_2, %get3A_3] : memref<256x1xf32, #tpu.memory_space<vmem>>, vector<256x1xf32>
    %add3A = arith.addf %get3A_1, %get3A_4 : vector<256x1xf32>
    %add3A_5 = arith.constant 1.000000e+00 : f32
    %add3A_6 = vector.broadcast %add3A_5 : f32 to vector<256x1xf32>
    %add3A_7 = arith.addf %add3A, %add3A_6 : vector<256x1xf32>
    %iota3A = tpu.iota {dimensions = array<i32: 0>} : vector<256x1xi32>
    %mul3A = arith.constant 256 : i32
    %mul3A_8 = arith.muli %arg0, %mul3A : i32
    %add3A_9 = vector.broadcast %mul3A_8 : i32 to vector<256x1xi32>
    %add3A_10 = arith.addi %iota3A, %add3A_9 : vector<256x1xi32>
    %lt3A = arith.constant 10000 : i32
    %lt3A_11 = vector.broadcast %lt3A : i32 to vector<256x1xi32>
    %lt3A_12 = arith.cmpi slt, %add3A_10, %lt3A_11 : vector<256x1xi32>
    %rsqrt3A = math.rsqrt %add3A_7 : vector<256x1xf32>
    %jit3A = arith.constant 0.000000e+00 : f32
    %broadcast_in_dim3A = vector.broadcast %jit3A : f32 to vector<256x1xf32>
    %select_n3A = arith.select %lt3A_12, %rsqrt3A, %broadcast_in_dim3A : vector<256x1xi1>, vector<256x1xf32>
    %swap3A = arith.constant 0 : index
    %swap3A_13 = arith.constant 0 : index
    %swap3A_14 = vector.load %arg5[%swap3A, %swap3A_13] : memref<256x1xf32, #tpu.memory_space<vmem>>, vector<256x1xf32>
    tpu.vector_store %arg5[%swap3A, %swap3A_13], %select_n3A {strides = array<i32>} : memref<256x1xf32, #tpu.memory_space<vmem>>, vector<256x1xf32>,
    %get3A_15 = arith.constant 0 : index
    %get3A_16 = arith.constant 0 : index
    %get3A_17 = vector.load %arg1[%get3A_15, %get3A_16] : memref<256x128xf32, #tpu.memory_space<vmem>>, vector<256x128xf32>
    %get3A_18 = arith.constant 0 : index
    %get3A_19 = arith.constant 0 : index
    %get3A_20 = vector.load %arg2[%get3A_18, %get3A_19] : memref<128x64xf32, #tpu.memory_space<vmem>>, vector<128x64xf32>
    %dot_general3A = arith.constant dense<0.000000e+00> : vector<256x64xf32>
    %dot_general3A_21 = tpu.matmul %get3A_17, %get3A_20, %dot_general3A {dimension_numbers = #tpu.dot_dimension_numbers<[1], [0], [0], [1], [0, 0, 1, 1], [], []>, transpose_lhs_hint = false} : vector<256x128xf32>, vector<128x64xf32>, vector<256x64xf32> -> vector<256x64xf32>
    %mul3A_22 = vector.broadcast %select_n3A : vector<256x1xf32> to vector<256x64xf32>
    %mul3A_23 = arith.mulf %mul3A_22, %dot_general3A_21 : vector<256x64xf32>
    %swap3A_24 = arith.constant 0 : index
    %swap3A_25 = arith.constant 0 : index
    %swap3A_26 = vector.load %arg6[%swap3A_24, %swap3A_25] : memref<256x64xf32, #tpu.memory_space<vmem>>, vector<256x64xf32>
    tpu.vector_store %arg6[%swap3A_24, %swap3A_25], %mul3A_23 {strides = array<i32>} : memref<256x64xf32, #tpu.memory_space<vmem>>, vector<256x64xf32>,
    return
  }
  func.func @transform_0(%arg0: i32) -> (i32, i32) {
    %c0_i32 = arith.constant 0 : i32
    %c0_i32_0 = arith.constant 0 : i32
    return %arg0, %c0_i32 : i32, i32
  }
  func.func @transform_1(%arg0: i32) -> (i32, i32) {
    %c0_i32 = arith.constant 0 : i32
    %c0_i32_0 = arith.constant 0 : i32
    %c0_i32_1 = arith.constant 0 : i32
    return %c0_i32, %c0_i32_0 : i32, i32
  }
  func.func @transform_2(%arg0: i32) -> (i32, i32) {
    %c0_i32 = arith.constant 0 : i32
    %c0_i32_0 = arith.constant 0 : i32
    return %arg0, %c0_i32 : i32, i32
  }
  func.func @transform_3(%arg0: i32) -> (i32, i32) {
    %c0_i32 = arith.constant 0 : i32
    %c0_i32_0 = arith.constant 0 : i32
    return %arg0, %c0_i32 : i32, i32
  }
  func.func @transform_4(%arg0: i32) -> (i32, i32) {
    %c0_i32 = arith.constant 0 : i32
    %c0_i32_0 = arith.constant 0 : i32
    return %arg0, %c0_i32 : i32, i32
  }
  func.func @transform_5(%arg0: i32) -> (i32, i32) {
    %c0_i32 = arith.constant 0 : i32
    %c0_i32_0 = arith.constant 0 : i32
    return %arg0, %c0_i32 : i32, i32
  }
}

module attributes {stable_mosaic.version = 14 : i64} {
  func.func @body(%arg0: i32, %arg1: memref<256x64xf32, #tpu.memory_space<vmem>>, %arg2: memref<256x64xf32, #tpu.memory_space<vmem>>, %arg3: memref<256x64xf32, #tpu.memory_space<vmem>>, %arg4: memref<256x1xf32, #tpu.memory_space<vmem>>, %arg5: memref<1x64xf32, #tpu.memory_space<vmem>>, %arg6: memref<64x64xf32, #tpu.memory_space<vmem>>, %arg7: memref<256x64xf32, #tpu.memory_space<vmem>>) attributes {dimension_semantics = [#tpu.dimension_semantics<arbitrary>], iteration_bounds = array<i64: 40>, scalar_prefetch = 0 : i64, scratch_operands = 0 : i64, tpu.core_type = #tpu.core_type<tc>, window_params = [{transform_indices = @transform_0, window_bounds = array<i64: 256, 64>}, {transform_indices = @transform_1, window_bounds = array<i64: 256, 64>}, {transform_indices = @transform_2, window_bounds = array<i64: 256, 64>}, {transform_indices = @transform_3, window_bounds = array<i64: 256, 1>}, {pipeline_mode = #tpu.pipeline_mode<synchronous>, transform_indices = @transform_4, window_bounds = array<i64: 1, 64>}, {pipeline_mode = #tpu.pipeline_mode<synchronous>, transform_indices = @transform_5, window_bounds = array<i64: 64, 64>}, {transform_indices = @transform_6, window_bounds = array<i64: 256, 64>}]} {
    %get3A = arith.constant 0 : index
    %get3A_0 = arith.constant 0 : index
    %get3A_1 = vector.load %arg4[%get3A, %get3A_0] : memref<256x1xf32, #tpu.memory_space<vmem>>, vector<256x1xf32>
    %get3A_2 = arith.constant 0 : index
    %get3A_3 = arith.constant 0 : index
    %get3A_4 = vector.load %arg1[%get3A_2, %get3A_3] : memref<256x64xf32, #tpu.memory_space<vmem>>, vector<256x64xf32>
    %get3A_5 = arith.constant 0 : index
    %get3A_6 = arith.constant 0 : index
    %get3A_7 = vector.load %arg2[%get3A_5, %get3A_6] : memref<256x64xf32, #tpu.memory_space<vmem>>, vector<256x64xf32>
    %add3A = arith.addf %get3A_4, %get3A_7 : vector<256x64xf32>
    %get3A_8 = arith.constant 0 : index
    %get3A_9 = arith.constant 0 : index
    %get3A_10 = vector.load %arg3[%get3A_8, %get3A_9] : memref<256x64xf32, #tpu.memory_space<vmem>>, vector<256x64xf32>
    %add3A_11 = arith.addf %add3A, %get3A_10 : vector<256x64xf32>
    %mul3A = vector.broadcast %get3A_1 : vector<256x1xf32> to vector<256x64xf32>
    %mul3A_12 = arith.mulf %add3A_11, %mul3A : vector<256x64xf32>
    %get3A_13 = arith.constant 0 : index
    %get3A_14 = arith.constant 0 : index
    %get3A_15 = vector.load %arg5[%get3A_13, %get3A_14] : memref<1x64xf32, #tpu.memory_space<vmem>>, vector<1x64xf32>
    %add3A_16 = vector.broadcast %get3A_15 : vector<1x64xf32> to vector<256x64xf32>
    %add3A_17 = arith.addf %mul3A_12, %add3A_16 : vector<256x64xf32>
    %max3A = arith.constant 0.000000e+00 : f32
    %max3A_18 = vector.broadcast %max3A : f32 to vector<256x64xf32>
    %max3A_19 = arith.maximumf %add3A_17, %max3A_18 : vector<256x64xf32>
    %get3A_20 = arith.constant 0 : index
    %get3A_21 = arith.constant 0 : index
    %get3A_22 = vector.load %arg6[%get3A_20, %get3A_21] : memref<64x64xf32, #tpu.memory_space<vmem>>, vector<64x64xf32>
    %dot_general3A = arith.constant dense<0.000000e+00> : vector<256x64xf32>
    %dot_general3A_23 = tpu.matmul %max3A_19, %get3A_22, %dot_general3A {dimension_numbers = #tpu.dot_dimension_numbers<[1], [0], [0], [1], [0, 0, 1, 1], [], []>, transpose_lhs_hint = false} : vector<256x64xf32>, vector<64x64xf32>, vector<256x64xf32> -> vector<256x64xf32>
    %mul3A_24 = vector.broadcast %get3A_1 : vector<256x1xf32> to vector<256x64xf32>
    %mul3A_25 = arith.mulf %mul3A_24, %dot_general3A_23 : vector<256x64xf32>
    %swap3A = arith.constant 0 : index
    %swap3A_26 = arith.constant 0 : index
    %swap3A_27 = vector.load %arg7[%swap3A, %swap3A_26] : memref<256x64xf32, #tpu.memory_space<vmem>>, vector<256x64xf32>
    tpu.vector_store %arg7[%swap3A, %swap3A_26], %mul3A_25 {strides = array<i32>} : memref<256x64xf32, #tpu.memory_space<vmem>>, vector<256x64xf32>,
    return
  }
  func.func @transform_0(%arg0: i32) -> (i32, i32) {
    %c0_i32 = arith.constant 0 : i32
    %c0_i32_0 = arith.constant 0 : i32
    return %arg0, %c0_i32 : i32, i32
  }
  func.func @transform_1(%arg0: i32) -> (i32, i32) {
    %c0_i32 = arith.constant 0 : i32
    %c0_i32_0 = arith.constant 0 : i32
    return %arg0, %c0_i32 : i32, i32
  }
  func.func @transform_2(%arg0: i32) -> (i32, i32) {
    %c0_i32 = arith.constant 0 : i32
    %c0_i32_0 = arith.constant 0 : i32
    return %arg0, %c0_i32 : i32, i32
  }
  func.func @transform_3(%arg0: i32) -> (i32, i32) {
    %c0_i32 = arith.constant 0 : i32
    %c0_i32_0 = arith.constant 0 : i32
    return %arg0, %c0_i32 : i32, i32
  }
  func.func @transform_4(%arg0: i32) -> (i32, i32) {
    %c0_i32 = arith.constant 0 : i32
    %c0_i32_0 = arith.constant 0 : i32
    %c0_i32_1 = arith.constant 0 : i32
    return %c0_i32, %c0_i32_0 : i32, i32
  }
  func.func @transform_5(%arg0: i32) -> (i32, i32) {
    %c0_i32 = arith.constant 0 : i32
    %c0_i32_0 = arith.constant 0 : i32
    %c0_i32_1 = arith.constant 0 : i32
    return %c0_i32, %c0_i32_0 : i32, i32
  }
  func.func @transform_6(%arg0: i32) -> (i32, i32) {
    %c0_i32 = arith.constant 0 : i32
    %c0_i32_0 = arith.constant 0 : i32
    return %arg0, %c0_i32 : i32, i32
  }
}

module attributes {stable_mosaic.version = 14 : i64} {
  func.func @body(%arg0: i32, %arg1: memref<256x64xf32, #tpu.memory_space<vmem>>, %arg2: memref<256x64xf32, #tpu.memory_space<vmem>>, %arg3: memref<256x64xf32, #tpu.memory_space<vmem>>, %arg4: memref<256x1xf32, #tpu.memory_space<vmem>>, %arg5: memref<1x64xf32, #tpu.memory_space<vmem>>, %arg6: memref<64x32xf32, #tpu.memory_space<vmem>>, %arg7: memref<1x32xf32, #tpu.memory_space<vmem>>, %arg8: memref<32x1xf32, #tpu.memory_space<vmem>>, %arg9: memref<1x1xf32, #tpu.memory_space<vmem>>, %arg10: memref<256x1xf32, #tpu.memory_space<vmem>>) attributes {dimension_semantics = [#tpu.dimension_semantics<arbitrary>], iteration_bounds = array<i64: 40>, scalar_prefetch = 0 : i64, scratch_operands = 0 : i64, tpu.core_type = #tpu.core_type<tc>, window_params = [{transform_indices = @transform_0, window_bounds = array<i64: 256, 64>}, {transform_indices = @transform_1, window_bounds = array<i64: 256, 64>}, {transform_indices = @transform_2, window_bounds = array<i64: 256, 64>}, {transform_indices = @transform_3, window_bounds = array<i64: 256, 1>}, {pipeline_mode = #tpu.pipeline_mode<synchronous>, transform_indices = @transform_4, window_bounds = array<i64: 1, 64>}, {pipeline_mode = #tpu.pipeline_mode<synchronous>, transform_indices = @transform_5, window_bounds = array<i64: 64, 32>}, {pipeline_mode = #tpu.pipeline_mode<synchronous>, transform_indices = @transform_6, window_bounds = array<i64: 1, 32>}, {pipeline_mode = #tpu.pipeline_mode<synchronous>, transform_indices = @transform_7, window_bounds = array<i64: 32, 1>}, {pipeline_mode = #tpu.pipeline_mode<synchronous>, transform_indices = @transform_8, window_bounds = array<i64: 1, 1>}, {transform_indices = @transform_9, window_bounds = array<i64: 256, 1>}]} {
    %get3A = arith.constant 0 : index
    %get3A_0 = arith.constant 0 : index
    %get3A_1 = vector.load %arg4[%get3A, %get3A_0] : memref<256x1xf32, #tpu.memory_space<vmem>>, vector<256x1xf32>
    %get3A_2 = arith.constant 0 : index
    %get3A_3 = arith.constant 0 : index
    %get3A_4 = vector.load %arg1[%get3A_2, %get3A_3] : memref<256x64xf32, #tpu.memory_space<vmem>>, vector<256x64xf32>
    %get3A_5 = arith.constant 0 : index
    %get3A_6 = arith.constant 0 : index
    %get3A_7 = vector.load %arg2[%get3A_5, %get3A_6] : memref<256x64xf32, #tpu.memory_space<vmem>>, vector<256x64xf32>
    %add3A = arith.addf %get3A_4, %get3A_7 : vector<256x64xf32>
    %get3A_8 = arith.constant 0 : index
    %get3A_9 = arith.constant 0 : index
    %get3A_10 = vector.load %arg3[%get3A_8, %get3A_9] : memref<256x64xf32, #tpu.memory_space<vmem>>, vector<256x64xf32>
    %add3A_11 = arith.addf %add3A, %get3A_10 : vector<256x64xf32>
    %mul3A = vector.broadcast %get3A_1 : vector<256x1xf32> to vector<256x64xf32>
    %mul3A_12 = arith.mulf %add3A_11, %mul3A : vector<256x64xf32>
    %get3A_13 = arith.constant 0 : index
    %get3A_14 = arith.constant 0 : index
    %get3A_15 = vector.load %arg5[%get3A_13, %get3A_14] : memref<1x64xf32, #tpu.memory_space<vmem>>, vector<1x64xf32>
    %add3A_16 = vector.broadcast %get3A_15 : vector<1x64xf32> to vector<256x64xf32>
    %add3A_17 = arith.addf %mul3A_12, %add3A_16 : vector<256x64xf32>
    %max3A = arith.constant 0.000000e+00 : f32
    %max3A_18 = vector.broadcast %max3A : f32 to vector<256x64xf32>
    %max3A_19 = arith.maximumf %add3A_17, %max3A_18 : vector<256x64xf32>
    %get3A_20 = arith.constant 0 : index
    %get3A_21 = arith.constant 0 : index
    %get3A_22 = vector.load %arg6[%get3A_20, %get3A_21] : memref<64x32xf32, #tpu.memory_space<vmem>>, vector<64x32xf32>
    %dot_general3A = arith.constant dense<0.000000e+00> : vector<256x32xf32>
    %dot_general3A_23 = tpu.matmul %max3A_19, %get3A_22, %dot_general3A {dimension_numbers = #tpu.dot_dimension_numbers<[1], [0], [0], [1], [0, 0, 1, 1], [], []>, transpose_lhs_hint = false} : vector<256x64xf32>, vector<64x32xf32>, vector<256x32xf32> -> vector<256x32xf32>
    %get3A_24 = arith.constant 0 : index
    %get3A_25 = arith.constant 0 : index
    %get3A_26 = vector.load %arg7[%get3A_24, %get3A_25] : memref<1x32xf32, #tpu.memory_space<vmem>>, vector<1x32xf32>
    %add3A_27 = vector.broadcast %get3A_26 : vector<1x32xf32> to vector<256x32xf32>
    %add3A_28 = arith.addf %dot_general3A_23, %add3A_27 : vector<256x32xf32>
    %max3A_29 = arith.constant 0.000000e+00 : f32
    %max3A_30 = vector.broadcast %max3A_29 : f32 to vector<256x32xf32>
    %max3A_31 = arith.maximumf %add3A_28, %max3A_30 : vector<256x32xf32>
    %get3A_32 = arith.constant 0 : index
    %get3A_33 = arith.constant 0 : index
    %get3A_34 = vector.load %arg8[%get3A_32, %get3A_33] : memref<32x1xf32, #tpu.memory_space<vmem>>, vector<32x1xf32>
    %dot_general3A_35 = arith.constant dense<0.000000e+00> : vector<256x1xf32>
    %dot_general3A_36 = tpu.matmul %max3A_31, %get3A_34, %dot_general3A_35 {dimension_numbers = #tpu.dot_dimension_numbers<[1], [0], [0], [1], [0, 0, 1, 1], [], []>, transpose_lhs_hint = false} : vector<256x32xf32>, vector<32x1xf32>, vector<256x1xf32> -> vector<256x1xf32>
    %get3A_37 = arith.constant 0 : index
    %get3A_38 = arith.constant 0 : index
    %get3A_39 = vector.load %arg9[%get3A_37, %get3A_38] : memref<1x1xf32, #tpu.memory_space<vmem>>, vector<1x1xf32>
    %add3A_40 = vector.broadcast %get3A_39 : vector<1x1xf32> to vector<256x1xf32>
    %add3A_41 = arith.addf %dot_general3A_36, %add3A_40 : vector<256x1xf32>
    %swap3A = arith.constant 0 : index
    %swap3A_42 = arith.constant 0 : index
    %swap3A_43 = vector.load %arg10[%swap3A, %swap3A_42] : memref<256x1xf32, #tpu.memory_space<vmem>>, vector<256x1xf32>
    tpu.vector_store %arg10[%swap3A, %swap3A_42], %add3A_41 {strides = array<i32>} : memref<256x1xf32, #tpu.memory_space<vmem>>, vector<256x1xf32>,
    return
  }
  func.func @transform_0(%arg0: i32) -> (i32, i32) {
    %c0_i32 = arith.constant 0 : i32
    %c0_i32_0 = arith.constant 0 : i32
    return %arg0, %c0_i32 : i32, i32
  }
  func.func @transform_1(%arg0: i32) -> (i32, i32) {
    %c0_i32 = arith.constant 0 : i32
    %c0_i32_0 = arith.constant 0 : i32
    return %arg0, %c0_i32 : i32, i32
  }
  func.func @transform_2(%arg0: i32) -> (i32, i32) {
    %c0_i32 = arith.constant 0 : i32
    %c0_i32_0 = arith.constant 0 : i32
    return %arg0, %c0_i32 : i32, i32
  }
  func.func @transform_3(%arg0: i32) -> (i32, i32) {
    %c0_i32 = arith.constant 0 : i32
    %c0_i32_0 = arith.constant 0 : i32
    return %arg0, %c0_i32 : i32, i32
  }
  func.func @transform_4(%arg0: i32) -> (i32, i32) {
    %c0_i32 = arith.constant 0 : i32
    %c0_i32_0 = arith.constant 0 : i32
    %c0_i32_1 = arith.constant 0 : i32
    return %c0_i32, %c0_i32_0 : i32, i32
  }
  func.func @transform_5(%arg0: i32) -> (i32, i32) {
    %c0_i32 = arith.constant 0 : i32
    %c0_i32_0 = arith.constant 0 : i32
    %c0_i32_1 = arith.constant 0 : i32
    return %c0_i32, %c0_i32_0 : i32, i32
  }
  func.func @transform_6(%arg0: i32) -> (i32, i32) {
    %c0_i32 = arith.constant 0 : i32
    %c0_i32_0 = arith.constant 0 : i32
    %c0_i32_1 = arith.constant 0 : i32
    return %c0_i32, %c0_i32_0 : i32, i32
  }
  func.func @transform_7(%arg0: i32) -> (i32, i32) {
    %c0_i32 = arith.constant 0 : i32
    %c0_i32_0 = arith.constant 0 : i32
    %c0_i32_1 = arith.constant 0 : i32
    return %c0_i32, %c0_i32_0 : i32, i32
  }
  func.func @transform_8(%arg0: i32) -> (i32, i32) {
    %c0_i32 = arith.constant 0 : i32
    %c0_i32_0 = arith.constant 0 : i32
    %c0_i32_1 = arith.constant 0 : i32
    return %c0_i32, %c0_i32_0 : i32, i32
  }
  func.func @transform_9(%arg0: i32) -> (i32, i32) {
    %c0_i32 = arith.constant 0 : i32
    %c0_i32_0 = arith.constant 0 : i32
    return %arg0, %c0_i32 : i32, i32
  }
}

</mosaic_0001>

<sc_bundles>
// kernel: kernel.10.cloned.1.call-start
scs
__scs_entry_jumppad:
0x0: {  	(pc) =	sbr.rel $0x88, $3  }
0x1: {  	(tag) =	ssettag $0x0;
	lr =	simm.s32 $0x1  }
0x2: {  	[smem:$0x3F95] =	sst lr;
	_ =	strace $0xD0000000  }
0x3: {  	_ = 	snop  }
0x4: {  	_ = 	snop  }
0x5: {  	_ = 	snop  }
0x6: {  	_ = 	snop  }
0x7: {  	_ = 	snop  }
__scs_overlays_trampoline_lowered:
0x8: {  	[smem:$0x3FA4] =	sst s0  }
0x9: {  	[smem:$0x3FA5] =	sst s1  }
0xa: {  	[smem:$0x3FA6] =	sst s2  }
0xb: {  	[smem:$0x3FA7] =	sst s3  }
0xc: {  	[smem:$0x3FA8] =	sst s4  }
0xd: {  	[smem:$0x3FA9] =	sst s5  }
0xe: {  	[smem:$0x3FAA] =	sst s6  }
0xf: {  	[smem:$0x3FAB] =	sst s7  }
0x10: {  	[smem:$0x3FAC] =	sst s8  }
0x11: {  	[smem:$0x3FAD] =	sst s9;
	s0 =	simm.s32 @!p0 $0x0  }
0x12: {  	s1 =	sld [smem:$0x3F93];
	s0 =	simm.s32 @p0 $0x1  }
0x13: {  	[smem:$0x3FAE] =	sst s0;
	s0 =	simm.s32 @!p1 $0x0  }
0x14: {  	s2 =	sld [smem:$0x3F92];
	s0 =	simm.s32 @p1 $0x1  }
0x15: {  	[smem:$0x3FAF] =	sst s0;
	s0 =	simm.s32 @!p2 $0x0  }
0x16: {  	s3 =	sld [smem:$0x3FDB];
	s0 =	simm.s32 @p2 $0x1  }
0x17: {  	s4 =	simm.s32 $0x1BF5;
	[smem:$0x3FB1] =	sst s0  }
0x18: {  	s0 =	sld [smem:$0x3F94];
	_ =	swait.ge [sflag:s4], $0x0  }
0x19: {  	s7 =	sld [smem:$0x3F95]  }
0x1a: {  	s8 =	sadd.s32 $0xFFFFE003, lr  }
0x1b: {  	s9 =	sadd.s32 $0xFFFFFEF7, lr;
	s5 =	simm.s32 $0xFFFFFFFF;
	p2 =	slt.u32 s8, $0xFFFFF086  }
0x1c: {  	p1 =	slt.u32 s9, $0xF7A;
	s5 =	simm.s32 @!p2 $0x0  }
0x1d: {  	s5 =	simm.s32 @p1 $0x1;
	p0 =	seq.s32 s7, s2  }
0x1e: {  	s7 =	smul.u32 @!p0 $0xF7A, s2;
	p2 =	seq.s32 @!p0 s5, $0x0  }
0x1f: {  	s9 =	smul.u32 $0xF7A, s1;
	s8 =	simm.s32 @!p0 $0x1BF5;
	p2 =	por !p2, p0  }
0x20: {  	[sflag:s8] =	ssyncset.s32 @!p0 $0xFFFFF086;
	s6 =	sadd.s32 @!p0 s3, s7;
	s7 =	simm.s32 @!p0 $0x108  }
0x21: {  	s3 =	sadd.s32 s3, s9;
	s6 =	sadd.s32 @!p0 $0x88, s6;
	s7 =	simm.s32 @p2 $0x1082  }
0x22: {  	[simem:s7], [sflag:s8] =	dma.local @!p0 [hbm:s6], $0xF7A  }
0x23: {  	s9 =	sor.u32 $0xD0000000, s2;
	s6 =	simm.s32 $0x108;
	_ =	swait.ge @!p0 [sflag:s8], $0x0  }
0x24: {  	s3 =	sadd.s32 $0x88, s3;
	s6 =	simm.s32 @!p1 $0x1082;
	[sflag:s4] =	ssyncset.s32 $0xFFFFF086  }
0x25: {  	[simem:s6], [sflag:s4] =	dma.local [hbm:s3], $0xF7A  }
0x26: {  	[smem:$0x3F95] =	sst s1;
	(tag) =	ssettag s2;
	_ =	strace s9  }
0x27: {  	s1 =	sld [smem:$0x3FA5]  }
0x28: {  	s2 =	sld [smem:$0x3FA6]  }
0x29: {  	s4 =	sld [smem:$0x3FA8]  }
0x2a: {  	p0 =	seq.s32 s5, $0x0;
	s5 =	sld [smem:$0x3FA9]  }
0x2b: {  	s6 =	sld [smem:$0x3FAA]  }
0x2c: {  	s7 =	sld [smem:$0x3FAB]  }
0x2d: {  	s3 =	simm.s32 $0x108;
	s8 =	sld [smem:$0x3FAC]  }
0x2e: {  	s3 =	simm.s32 @!p0 $0x1082;
	s9 =	sld [smem:$0x3FAD]  }
0x2f: {  	lr =	sadd.s32 s0, s3;
	s0 =	sld [smem:$0x3FA4]  }
0x30: {  	s3 =	sld [smem:$0x3FA7]  }
0x31: {  	[smem:$0x3FB0] =	sst s10  }
0x32: {  	s10 =	sld [smem:$0x3FAE];
	_ =	sdelay $0x3  }
0x33: {  	p0 =	seq.s32 s10, $0x1;
	s10 =	sld [smem:$0x3FB0];
	_ =	sdelay $0x3  }
0x34: {  	[smem:$0x3FB0] =	sst s10  }
0x35: {  	s10 =	sld [smem:$0x3FAF];
	_ =	sdelay $0x3  }
0x36: {  	p1 =	seq.s32 s10, $0x1;
	s10 =	sld [smem:$0x3FB0];
	_ =	sdelay $0x3  }
0x37: {  	[smem:$0x3FB0] =	sst s10  }
0x38: {  	s10 =	sld [smem:$0x3FB1]  }
0x39: {  	_ = 	snop;
	(pc) =	sbr.ind lr, $3  }
0x3a: {  	_ = 	snop  }
0x3b: {  	_ = 	snop  }
0x3c: {  	p2 =	seq.s32 s10, $0x1;
	s10 =	sld [smem:$0x3FB0]  }
0x3d: {  	_ =	shalt  }
0x3e: {  	_ =	shalt  }
0x3f: {  	_ =	shalt  }
0x40: {  	_ =	shalt  }
0x41: {  	_ =	shalt  }
0x42: {  	_ =	shalt  }
0x43: {  	_ =	shalt  }
0x44: {  	_ =	shalt  }
0x45: {  	_ =	shalt  }
0x46: {  	_ =	shalt  }
0x47: {  	_ =	shalt  }
0x48: {  	_ =	shalt  }
0x49: {  	_ =	shalt  }
0x4a: {  	_ =	shalt  }
0x4b: {  	_ =	shalt  }
0x4c: {  	_ =	shalt  }
0x4d: {  	_ =	shalt  }
0x4e: {  	_ =	shalt  }
0x4f: {  	_ =	shalt  }
0x50: {  	_ =	shalt  }
0x51: {  	_ =	shalt  }
0x52: {  	_ =	shalt  }
0x53: {  	_ =	shalt  }
0x54: {  	_ =	shalt  }
0x55: {  	_ =	shalt  }
0x56: {  	_ =	shalt  }
0x57: {  	_ =	shalt  }
0x58: {  	_ =	shalt  }
0x59: {  	_ =	shalt  }
0x5a: {  	_ =	shalt  }
0x5b: {  	_ =	shalt  }
0x5c: {  	_ =	shalt  }
0x5d: {  	_ =	shalt  }
0x5e: {  	_ =	shalt  }
0x5f: {  	_ =	shalt  }
0x60: {  	_ =	shalt  }
0x61: {  	_ =	shalt  }
0x62: {  	_ =	shalt  }
0x63: {  	_ =	shalt  }
0x64: {  	_ =	shalt  }
0x65: {  	_ =	shalt  }
0x66: {  	_ =	shalt  }
0x67: {  	_ =	shalt  }
0x68: {  	_ =	shalt  }
0x69: {  	_ =	shalt  }
0x6a: {  	_ =	shalt  }
0x6b: {  	_ =	shalt  }
0x6c: {  	_ =	shalt  }
0x6d: {  	_ =	shalt  }
0x6e: {  	_ =	shalt  }
0x6f: {  	_ =	shalt  }
0x70: {  	_ =	shalt  }
0x71: {  	_ =	shalt  }
0x72: {  	_ =	shalt  }
0x73: {  	_ =	shalt  }
0x74: {  	_ =	shalt  }
0x75: {  	_ =	shalt  }
0x76: {  	_ =	shalt  }
0x77: {  	_ =	shalt  }
0x78: {  	_ =	shalt  }
0x79: {  	_ =	shalt  }
0x7a: {  	_ =	shalt  }
0x7b: {  	_ =	shalt  }
0x7c: {  	_ =	shalt  }
0x7d: {  	_ =	shalt  }
0x7e: {  	_ =	shalt  }
0x7f: {  	_ =	shalt  }
0x80: {  	_ =	shalt  }
0x81: {  	_ =	shalt  }
0x82: {  	_ =	shalt  }
0x83: {  	_ =	shalt  }
0x84: {  	_ =	shalt  }
0x85: {  	_ =	shalt  }
0x86: {  	_ =	shalt  }
0x87: {  	_ =	shalt  }
.Lfunc_end0:
.L_simem_size_0:
called_computation_lowered:
.L_overlay_start_0:
0x88: {  	s2 =	sld [smem:$0x3FD9]  }
0x89: {  	s3 =	sld [smem:$0x3FFE];
	_ =	sdelay $0x1  }
0x8a: {  	s1 =	srdreg.scid  }
0x8b: {  	s0 =	sand.u32 $0x1, s1  }
0x8c: {  	s16 =	sshll.u32 s0, $0xA;
	s2 =	sadd.s32 s3, s2  }
0x8d: {  	s2 =	sadd.s32 s2, s16  }
0x8e: {  	[smem:$0x3FBC] =	sst s2  }
0x8f: {  	_ = 	snop  }
0x90: {  	(tm) =	ssettm $0x1  }
0x91: {  	s17 =	sld [smem:$0x3FFB];
	_ =	sdelay $0x3  }
0x92: {  	_ =	strace s17  }
0x93: {  	s2 =	sld [smem:$0x3FFC];
	_ =	sdelay $0x3  }
0x94: {  	_ =	strace s2  }
0x95: {  	s2 =	sld [smem:$0x3FFD];
	_ =	sdelay $0x3  }
0x96: {  	_ =	strace s2  }
0x97: {  	_ =	strace $0x8FFFFFFF  }
0x98: {  	s18 =	sld [smem:$0x3FDB];
	_ =	sdelay $0x1  }
0x99: {  	s19 =	simm.s32 $_scs_section_size  }
0x9a: {  	s4 =	simm.s32 $_size__tile_overlayer_lowered;
	s5 =	simm.s32 $_tile_overlayer_lowered  }
0x9b: {  	s22 =	simm.s32 $0x1BFF;
	s21 =	sshll.u32 s5, $0x1;
	s2 =	sadd.s32 s19, s18  }
0x9c: {  	s6 =	simm.s32 $0x0;
	s20 =	sshll.u32 s4, $0x1;
	s4 =	sadd.s32 s21, s2  }
0x9d: {  	[timem:s6], [sflag:s22] =	dma.local [hbm:s4], s20  }
0x9e: {  	_ =	swait.ge [sflag:s22], s20  }
0x9f: {  	s3 =	ssub.s32 $0x0, s20;
	[sflag:s22] =	ssyncset.done $0x0  }
0xa0: {  	[sflag:s22] =	ssyncadd.s32 s3;
	_ =	sdelay $0x1  }
0xa1: {  	s23 =	simm.s32 $0x1B8B  }
0xa2: {  	_ =	swait.ge [sflag:s23], $0x1  }
0xa3: {  	[sflag:s23] =	ssyncset.done $0x0  }
0xa4: {  	s25 =	simm.s32 $0x1B8E;
	s24 =	sld [smem:$0x3FFE];
	[sflag:s23] =	ssyncadd.s32 $0xFFFFFFFF  }
0xa5: {  	s26 =	simm.s32 $execute0_lowered;
	[smem:$0x3FD2] =	sst s25  }
0xa6: {  	s4 =	sshll.u32 s26, $0x1;
	_ =	strace $0x80000046;
	[dreg:$0x1] =	wrdreg $0xFFFFFFFF  }
0xa7: {  	s28 =	simm.s32 $_size_execute0_lowered;
	s2 =	sadd.s32 s2, s4;
	[dreg:$0x0] =	wrdreg $0x0  }
0xa8: {  	s4 =	sshll.u32 s28, $0x1;
	[dreg:$0x2] =	wrdreg s2  }
0xa9: {  	[dreg:$0x3] =	wrdreg s4  }
0xaa: {  	[dreg:$0x4] =	wrdreg $0xC0  }
0xab: {  	_ =	task [dreg:s6], $0x5FFFF  }
0xac: {  	[dreg:$0x1] =	wrdreg $0xFFFFFFFF  }
0xad: {  	[dreg:$0x0] =	wrdreg $0x60  }
0xae: {  	[dreg:$0x2] =	wrdreg s24  }
0xaf: {  	[dreg:$0x3] =	wrdreg $0x53800  }
0xb0: {  	[dreg:$0x4] =	wrdreg $0x9  }
0xb1: {  	_ =	task.clear_ibuf [dreg:s6], $0x5FFFF;
	_ =	strace $0x90000046  }
0xb2: {  	s29 =	simm.s32 $0x9;
	_ =	strace $0x80000048  }
0xb3: {  	_ =	swait.ge [sflag:s29], $0x1  }
0xb4: {  	[sflag:s29] =	ssyncadd.s32 $0xFFFFFFFF  }
0xb5: {  	_ =	strace $0x90000048  }
0xb6: {  	_ =	sfence  }
0xb7: {  	s30 =	sld [smem:$0x0];
	_ =	sdelay $0x2  }
0xb8: {  	s31 =	sshll.u32 s1, $0xD;
	s1 =	sshrl.u32 s1, $0x2  }
0xb9: {  	s3 =	sand.u32 $0x4000, s31;
	s1 =	sadd.s32 s1, s30  }
0xba: {  	s0 =	sor.u32 s3, s0;
	s1 =	sshll.u32 s1, $0x11  }
0xbb: {  	s0 =	sor.u32 s1, s0  }
0xbc: {  	s0 =	sadd.s32 $0x8F2B, s0  }
0xbd: {  	[sflag:s0] =	ssyncadd.remote.s32 $0x1  }
0xbe: {  	_ =	sfence.sel $0xFFFF  }
0xbf: {  	[dreg:$0x0] =	wrdreg $0xFFFFFFFF;
	(pc) =	sbr.abs _section_cstart, $3  }
0xc0: {  	[dreg:$0x1] =	wrdreg $0xFFFFFFFF  }
0xc1: {  	_ =	task.clear_ibuf [dreg:s6], $0x2FFFF;
	_ =	strace $0x9FFFFFFF  }
0xc2: {  	(tm) =	ssettm $0x7FFFFFFF  }
0xc3: {  	_ =	shalt  }
tec
execute0_lowered:
.L_overlay_start_1:
0x0: {  	(tag) =	ssettag $0x1  }
0x1: {  	s0 =	srdreg.scid;
	s5 =	rddreg [dreg:$0x0]  }
0x2: {  	s2 =	rddreg [dreg:$0x1];
	s3 =	simm.s32 $0x0;
	s13 =	simm.s32 $0x1  }
0x3: {  	s14 =	simm.s32 $0x80;
	s15 =	simm.s32 $0x5000;
	s16 =	simm.s32 $0x5100  }
0x4: {  	s17 =	simm.s32 $0x100;
	s18 =	simm.s32 $0x0;
	s4 =	sand.u32 $0x1, s0  }
0x5: {  	s0 =	stileid.u32;
	[smem:$0x7FF] =	sst s3;
	s1 =	sshll.u32 s4, $0x4  }
0x6: {  	s7 =	smul.u32 $0x500, s0;
	s8 =	sshll.u32 s4, $0x7;
	s29 =	ssub.s32 $0x2, s4  }
0x7: {  	s9 =	smul.u32 $0xA00, s0;
	s1 =	sor.u32 s0, s1;
	s31 =	sshrl.u32 s29, $0x1  }
0x8: {  	s6 =	smul.u32 $0xA00, s1;
	s1 =	rddreg [dreg:$0x2];
	_ =	strace $0x80000047  }
0x9: {  	s28 =	sor.u32 s8, s7;
	s30 =	sshrl.u32 s9, $0x2;
	s12 =	ssub.s32 s29, s31  }
0xa: {  	s4 =	sadd.s32 s30, s2;
	s10 =	sadd.s32 s6, s5;
	s6 =	sshrl.u32 s28, $0x3  }
0xb: {  	s7 =	sadd.s32 $0x180, s4;
	s8 =	sadd.s32 $0x200, s4;
	s11 =	sadd.s32 s6, s5  }
0xc: {  	s5 =	sadd.s32 $0x80, s4;
	s6 =	sadd.s32 $0x100, s4;
	s9 =	sadd.s32 $0x3A00, s10  }
0xd: {  	v0 =	vimm.f32 $1.000000000e+00;
	v1 =	vimm.f32 $0.0e+00;
	s10 =	sadd.s32 $0x3FA00, s11;
	s11 =	smax.u32 s12, $0x1;
	s12 =	simm.s32 $0x5080  }
.LBB2_1:
0xe: {  	[tilespmem:$0x5000] =	vst v0  }
0xf: {  	[tilespmem:$0x5080] =	vst v1  }
0x10: {  	[tilespmem:$0x5010] =	vst v0  }
0x11: {  	[tilespmem:$0x5090] =	vst v1  }
0x12: {  	[tilespmem:$0x5020] =	vst v0  }
0x13: {  	[tilespmem:$0x50A0] =	vst v1  }
0x14: {  	[tilespmem:$0x5030] =	vst v0  }
0x15: {  	[tilespmem:$0x50B0] =	vst v1  }
0x16: {  	[tilespmem:$0x5040] =	vst v0  }
0x17: {  	[tilespmem:$0x50C0] =	vst v1  }
0x18: {  	[tilespmem:$0x5050] =	vst v0  }
0x19: {  	[tilespmem:$0x50D0] =	vst v1  }
0x1a: {  	[tilespmem:$0x5060] =	vst v0  }
0x1b: {  	[tilespmem:$0x50E0] =	vst v1  }
0x1c: {  	[tilespmem:$0x5070] =	vst v0  }
0x1d: {  	[tilespmem:$0x50F0] =	vst v1  }
0x1e: {  	[spmem:s4] =	stream.linear.scatter [tilespmem:s12], [sflag:$0x1], $0x80, $0x38;
	[tilespmem:$0x5600] =	vst v63  }
0x1f: {  	_ =	swait.ge [sflag:s13], $0x80  }
0x20: {  	[sflag:s13] =	ssyncset.done $0x0  }
0x21: {  	[sflag:s13] =	ssyncadd.s32 $0xFFFFFF80  }
0x22: {  	[spmem:s5] =	stream.linear.scatter [tilespmem:s12], [sflag:$0x1], $0x80, $0x38;
	[tilespmem:$0x5600] =	vst v63  }
0x23: {  	_ =	swait.ge [sflag:s13], $0x80  }
0x24: {  	[sflag:s13] =	ssyncset.done $0x0  }
0x25: {  	[sflag:s13] =	ssyncadd.s32 $0xFFFFFF80  }
0x26: {  	[spmem:s6] =	stream.linear.scatter [tilespmem:s12], [sflag:$0x1], $0x80, $0x38;
	[tilespmem:$0x5600] =	vst v63  }
0x27: {  	_ =	swait.ge [sflag:s13], $0x80  }
0x28: {  	[sflag:s13] =	ssyncset.done $0x0  }
0x29: {  	[sflag:s13] =	ssyncadd.s32 $0xFFFFFF80  }
0x2a: {  	[spmem:s7] =	stream.linear.scatter [tilespmem:s12], [sflag:$0x1], $0x80, $0x38;
	[tilespmem:$0x5600] =	vst v63  }
0x2b: {  	_ =	swait.ge [sflag:s13], $0x80  }
0x2c: {  	[sflag:s13] =	ssyncset.done $0x0  }
0x2d: {  	[sflag:s13] =	ssyncadd.s32 $0xFFFFFF80  }
0x2e: {  	[spmem:s8] =	stream.linear.scatter [tilespmem:s12], [sflag:$0x1], $0x80, $0x38;
	[tilespmem:$0x5600] =	vst v63  }
0x2f: {  	_ =	swait.ge [sflag:s13], $0x80  }
0x30: {  	[sflag:s13] =	ssyncset.done $0x0  }
0x31: {  	[sflag:s13] =	ssyncadd.s32 $0xFFFFFF80  }
0x32: {  	[bflag:$0x0] =	sbarrier.arrive $0xFFFF  }
0x33: {  	[tilespmem:s3], [sflag:$0x1] =	stream.linear.gather [hbm4b:s9+s3], $0x5000, $0x38;
	[tilespmem:$0x5600] =	vst v63  }
0x34: {  	_ =	swait.ge [sflag:s13], $0x5000  }
0x35: {  	[sflag:s13] =	ssyncset.done $0x0  }
0x36: {  	s19 =	simm.s32 $0x0;
	[sflag:s13] =	ssyncadd.s32 $0xFFFFB000  }
0x37: {  	[spmem:s2] =	stream.indirect.scatter.add.f32 [tilespmem:s15], [sflag:$0x1], $0x1, s19, s14, $0xb8;
	[tilespmem:$0x5600] =	vst v63  }
0x38: {  	_ =	swait.ge [sflag:s13], $0x80  }
0x39: {  	s19 =	simm.s32 $0x200;
	[sflag:s13] =	ssyncset.done $0x0  }
.LBB2_2:
0x3a: {  	s20 =	sshra.s32 s19, $0x2;
	[sflag:s13] =	ssyncadd.s32 $0xFFFFFF80;
	p0 =	sne.s32 s19, $0x13E00  }
0x3b: {  	[spmem:s2] =	stream.indirect.scatter.add.f32 [tilespmem:s15], [sflag:$0x1], $0x1, s20, s14, $0xb8;
	[tilespmem:$0x5600] =	vst v63  }
.Ltmp0:
0x3c: {  	_ = 	snop;
	(pc) =	sbr.rel @p0 .LBB2_2-.Ltmp0, $4  }
0x3d: {  	_ = 	snop  }
0x3e: {  	s19 =	sadd.s32 $0x200, s19  }
0x3f: {  	_ =	swait.ge [sflag:s13], $0x80  }
0x40: {  	[sflag:s13] =	ssyncset.done $0x0  }
0x41: {  	[sflag:s13] =	ssyncadd.s32 $0xFFFFFF80  }
0x42: {  	[bflag:$0x0] =	sbarrier.arrive $0xFFFF  }
0x43: {  	[tilespmem:s16], [sflag:$0x1] =	stream.linear.gather [spmem:s4], $0x280, $0x38;
	[tilespmem:$0x5600] =	vst v63  }
0x44: {  	s18 =	sadd.s32 $0x1, s18;
	_ =	swait.ge [sflag:s13], $0x280  }
0x45: {  	p0 =	sne.s32 s18, s11;
	[sflag:s13] =	ssyncset.done $0x0  }
.Ltmp1:
0x46: {  	[sflag:s13] =	ssyncadd.s32 $0xFFFFFD80;
	(pc) =	sbr.rel @p0 .LBB2_1-.Ltmp1, $4  }
0x47: {  	[hbm4b:s10+s14] =	stream.strided.scatter [tilespmem:s16], [sflag:$0x1], $0x280, s17, s14, $0x38;
	[tilespmem:$0x5600] =	vst v63  }
0x48: {  	_ =	swait.ge [sflag:s13], $0x280  }
0x49: {  	[sflag:s13] =	ssyncset.done $0x0  }
0x4a: {  	[sflag:s13] =	ssyncadd.s32 $0xFFFFFD80  }
0x4b: {  	_ =	sfence.sel $0x180000  }
0x4c: {  	[bflag:$0x0] =	sbarrier.arrive $0xFFFF  }
0x4d: {  	p0 =	sne.s32 s0, $0x0;
	_ =	strace $0x90000047  }
0x4e: {  	s0 =	sadd.s32 @!p0 $0x100000, s1;
	[bflag:$0x2] =	sbarrier.arrive $0xFFFF  }
0x4f: {  	[sflag:s0] =	ssyncadd.tile.s32 @!p0 $0x1;
	_ =	shalt  }
.Lfunc_end2:
_tile_overlayer_lowered:
.L_overlay_start_2:
0x50: {  	(tag) =	ssettag $0x2  }
0x51: {  	s0 =	rddreg [dreg:$0x0];
	s2 =	stileid.u32  }
0x52: {  	s1 =	rddreg [dreg:$0x1];
	p0 =	sne.s32 s2, $0x0  }
0x53: {  	s3 =	rddreg [dreg:$0x2];
	[bflag:$0x3] =	sbarrier.arrive $0xFFFF;
	s2 =	simm.s32 @!p0 $0x1C01  }
0x54: {  	[timem:s3], [sflag:s2] =	dma.local @!p0 [hbm:s0], s1  }
0x55: {  	s0 =	simm.s32 @!p0 $0x1  }
0x56: {  	_ =	swait.ge @!p0 [sflag:s0], s1  }
0x57: {  	s1 =	ssub.s32 @!p0 $0x0, s1;
	[sflag:s0] =	ssyncset.done @!p0 $0x0  }
0x58: {  	[sflag:s0] =	ssyncadd.s32 @!p0 s1  }
0x59: {  	[bflag:$0x3] =	sbarrier.arrive $0xFFFF  }
0x5a: {  	_ =	shalt  }

// kernel: kernel.13.cloned.1.call-start
scs
__scs_entry_jumppad:
0x0: {  	(pc) =	sbr.rel $0x88, $3  }
0x1: {  	(tag) =	ssettag $0x0;
	lr =	simm.s32 $0x1  }
0x2: {  	[smem:$0x3F95] =	sst lr;
	_ =	strace $0xD0000000  }
0x3: {  	_ = 	snop  }
0x4: {  	_ = 	snop  }
0x5: {  	_ = 	snop  }
0x6: {  	_ = 	snop  }
0x7: {  	_ = 	snop  }
__scs_overlays_trampoline_lowered:
0x8: {  	[smem:$0x3FA4] =	sst s0  }
0x9: {  	[smem:$0x3FA5] =	sst s1  }
0xa: {  	[smem:$0x3FA6] =	sst s2  }
0xb: {  	[smem:$0x3FA7] =	sst s3  }
0xc: {  	[smem:$0x3FA8] =	sst s4  }
0xd: {  	[smem:$0x3FA9] =	sst s5  }
0xe: {  	[smem:$0x3FAA] =	sst s6  }
0xf: {  	[smem:$0x3FAB] =	sst s7  }
0x10: {  	[smem:$0x3FAC] =	sst s8  }
0x11: {  	[smem:$0x3FAD] =	sst s9;
	s0 =	simm.s32 @!p0 $0x0  }
0x12: {  	s1 =	sld [smem:$0x3F93];
	s0 =	simm.s32 @p0 $0x1  }
0x13: {  	[smem:$0x3FAE] =	sst s0;
	s0 =	simm.s32 @!p1 $0x0  }
0x14: {  	s2 =	sld [smem:$0x3F92];
	s0 =	simm.s32 @p1 $0x1  }
0x15: {  	[smem:$0x3FAF] =	sst s0;
	s0 =	simm.s32 @!p2 $0x0  }
0x16: {  	s3 =	sld [smem:$0x3FDB];
	s0 =	simm.s32 @p2 $0x1  }
0x17: {  	s4 =	simm.s32 $0x1BF5;
	[smem:$0x3FB1] =	sst s0  }
0x18: {  	s0 =	sld [smem:$0x3F94];
	_ =	swait.ge [sflag:s4], $0x0  }
0x19: {  	s7 =	sld [smem:$0x3F95]  }
0x1a: {  	s8 =	sadd.s32 $0xFFFFE003, lr  }
0x1b: {  	s9 =	sadd.s32 $0xFFFFFEF7, lr;
	s5 =	simm.s32 $0xFFFFFFFF;
	p2 =	slt.u32 s8, $0xFFFFF086  }
0x1c: {  	p1 =	slt.u32 s9, $0xF7A;
	s5 =	simm.s32 @!p2 $0x0  }
0x1d: {  	s5 =	simm.s32 @p1 $0x1;
	p0 =	seq.s32 s7, s2  }
0x1e: {  	s7 =	smul.u32 @!p0 $0xF7A, s2;
	p2 =	seq.s32 @!p0 s5, $0x0  }
0x1f: {  	s9 =	smul.u32 $0xF7A, s1;
	s8 =	simm.s32 @!p0 $0x1BF5;
	p2 =	por !p2, p0  }
0x20: {  	[sflag:s8] =	ssyncset.s32 @!p0 $0xFFFFF086;
	s6 =	sadd.s32 @!p0 s3, s7;
	s7 =	simm.s32 @!p0 $0x108  }
0x21: {  	s3 =	sadd.s32 s3, s9;
	s6 =	sadd.s32 @!p0 $0x88, s6;
	s7 =	simm.s32 @p2 $0x1082  }
0x22: {  	[simem:s7], [sflag:s8] =	dma.local @!p0 [hbm:s6], $0xF7A  }
0x23: {  	s9 =	sor.u32 $0xD0000000, s2;
	s6 =	simm.s32 $0x108;
	_ =	swait.ge @!p0 [sflag:s8], $0x0  }
0x24: {  	s3 =	sadd.s32 $0x88, s3;
	s6 =	simm.s32 @!p1 $0x1082;
	[sflag:s4] =	ssyncset.s32 $0xFFFFF086  }
0x25: {  	[simem:s6], [sflag:s4] =	dma.local [hbm:s3], $0xF7A  }
0x26: {  	[smem:$0x3F95] =	sst s1;
	(tag) =	ssettag s2;
	_ =	strace s9  }
0x27: {  	s1 =	sld [smem:$0x3FA5]  }
0x28: {  	s2 =	sld [smem:$0x3FA6]  }
0x29: {  	s4 =	sld [smem:$0x3FA8]  }
0x2a: {  	p0 =	seq.s32 s5, $0x0;
	s5 =	sld [smem:$0x3FA9]  }
0x2b: {  	s6 =	sld [smem:$0x3FAA]  }
0x2c: {  	s7 =	sld [smem:$0x3FAB]  }
0x2d: {  	s3 =	simm.s32 $0x108;
	s8 =	sld [smem:$0x3FAC]  }
0x2e: {  	s3 =	simm.s32 @!p0 $0x1082;
	s9 =	sld [smem:$0x3FAD]  }
0x2f: {  	lr =	sadd.s32 s0, s3;
	s0 =	sld [smem:$0x3FA4]  }
0x30: {  	s3 =	sld [smem:$0x3FA7]  }
0x31: {  	[smem:$0x3FB0] =	sst s10  }
0x32: {  	s10 =	sld [smem:$0x3FAE];
	_ =	sdelay $0x3  }
0x33: {  	p0 =	seq.s32 s10, $0x1;
	s10 =	sld [smem:$0x3FB0];
	_ =	sdelay $0x3  }
0x34: {  	[smem:$0x3FB0] =	sst s10  }
0x35: {  	s10 =	sld [smem:$0x3FAF];
	_ =	sdelay $0x3  }
0x36: {  	p1 =	seq.s32 s10, $0x1;
	s10 =	sld [smem:$0x3FB0];
	_ =	sdelay $0x3  }
0x37: {  	[smem:$0x3FB0] =	sst s10  }
0x38: {  	s10 =	sld [smem:$0x3FB1]  }
0x39: {  	_ = 	snop;
	(pc) =	sbr.ind lr, $3  }
0x3a: {  	_ = 	snop  }
0x3b: {  	_ = 	snop  }
0x3c: {  	p2 =	seq.s32 s10, $0x1;
	s10 =	sld [smem:$0x3FB0]  }
0x3d: {  	_ =	shalt  }
0x3e: {  	_ =	shalt  }
0x3f: {  	_ =	shalt  }
0x40: {  	_ =	shalt  }
0x41: {  	_ =	shalt  }
0x42: {  	_ =	shalt  }
0x43: {  	_ =	shalt  }
0x44: {  	_ =	shalt  }
0x45: {  	_ =	shalt  }
0x46: {  	_ =	shalt  }
0x47: {  	_ =	shalt  }
0x48: {  	_ =	shalt  }
0x49: {  	_ =	shalt  }
0x4a: {  	_ =	shalt  }
0x4b: {  	_ =	shalt  }
0x4c: {  	_ =	shalt  }
0x4d: {  	_ =	shalt  }
0x4e: {  	_ =	shalt  }
0x4f: {  	_ =	shalt  }
0x50: {  	_ =	shalt  }
0x51: {  	_ =	shalt  }
0x52: {  	_ =	shalt  }
0x53: {  	_ =	shalt  }
0x54: {  	_ =	shalt  }
0x55: {  	_ =	shalt  }
0x56: {  	_ =	shalt  }
0x57: {  	_ =	shalt  }
0x58: {  	_ =	shalt  }
0x59: {  	_ =	shalt  }
0x5a: {  	_ =	shalt  }
0x5b: {  	_ =	shalt  }
0x5c: {  	_ =	shalt  }
0x5d: {  	_ =	shalt  }
0x5e: {  	_ =	shalt  }
0x5f: {  	_ =	shalt  }
0x60: {  	_ =	shalt  }
0x61: {  	_ =	shalt  }
0x62: {  	_ =	shalt  }
0x63: {  	_ =	shalt  }
0x64: {  	_ =	shalt  }
0x65: {  	_ =	shalt  }
0x66: {  	_ =	shalt  }
0x67: {  	_ =	shalt  }
0x68: {  	_ =	shalt  }
0x69: {  	_ =	shalt  }
0x6a: {  	_ =	shalt  }
0x6b: {  	_ =	shalt  }
0x6c: {  	_ =	shalt  }
0x6d: {  	_ =	shalt  }
0x6e: {  	_ =	shalt  }
0x6f: {  	_ =	shalt  }
0x70: {  	_ =	shalt  }
0x71: {  	_ =	shalt  }
0x72: {  	_ =	shalt  }
0x73: {  	_ =	shalt  }
0x74: {  	_ =	shalt  }
0x75: {  	_ =	shalt  }
0x76: {  	_ =	shalt  }
0x77: {  	_ =	shalt  }
0x78: {  	_ =	shalt  }
0x79: {  	_ =	shalt  }
0x7a: {  	_ =	shalt  }
0x7b: {  	_ =	shalt  }
0x7c: {  	_ =	shalt  }
0x7d: {  	_ =	shalt  }
0x7e: {  	_ =	shalt  }
0x7f: {  	_ =	shalt  }
0x80: {  	_ =	shalt  }
0x81: {  	_ =	shalt  }
0x82: {  	_ =	shalt  }
0x83: {  	_ =	shalt  }
0x84: {  	_ =	shalt  }
0x85: {  	_ =	shalt  }
0x86: {  	_ =	shalt  }
0x87: {  	_ =	shalt  }
.Lfunc_end0:
.L_simem_size_0:
called_computation.1_lowered:
.L_overlay_start_0:
0x88: {  	s2 =	sld [smem:$0x3FD9]  }
0x89: {  	s3 =	sld [smem:$0x3FFE];
	_ =	sdelay $0x1  }
0x8a: {  	s1 =	srdreg.scid  }
0x8b: {  	s0 =	sand.u32 $0x1, s1  }
0x8c: {  	s16 =	sshll.u32 s0, $0xA;
	s2 =	sadd.s32 s3, s2  }
0x8d: {  	s2 =	sadd.s32 s2, s16  }
0x8e: {  	[smem:$0x3FBC] =	sst s2  }
0x8f: {  	_ = 	snop  }
0x90: {  	(tm) =	ssettm $0x1  }
0x91: {  	s17 =	sld [smem:$0x3FFB];
	_ =	sdelay $0x3  }
0x92: {  	_ =	strace s17  }
0x93: {  	s2 =	sld [smem:$0x3FFC];
	_ =	sdelay $0x3  }
0x94: {  	_ =	strace s2  }
0x95: {  	s2 =	sld [smem:$0x3FFD];
	_ =	sdelay $0x3  }
0x96: {  	_ =	strace s2  }
0x97: {  	_ =	strace $0x8FFFFFFF  }
0x98: {  	s18 =	sld [smem:$0x3FDB];
	_ =	sdelay $0x1  }
0x99: {  	s19 =	simm.s32 $_scs_section_size  }
0x9a: {  	s4 =	simm.s32 $_size__tile_overlayer_lowered;
	s5 =	simm.s32 $_tile_overlayer_lowered  }
0x9b: {  	s22 =	simm.s32 $0x1BFF;
	s21 =	sshll.u32 s5, $0x1;
	s2 =	sadd.s32 s19, s18  }
0x9c: {  	s6 =	simm.s32 $0x0;
	s20 =	sshll.u32 s4, $0x1;
	s4 =	sadd.s32 s21, s2  }
0x9d: {  	[timem:s6], [sflag:s22] =	dma.local [hbm:s4], s20  }
0x9e: {  	_ =	swait.ge [sflag:s22], s20  }
0x9f: {  	s3 =	ssub.s32 $0x0, s20;
	[sflag:s22] =	ssyncset.done $0x0  }
0xa0: {  	[sflag:s22] =	ssyncadd.s32 s3;
	_ =	sdelay $0x1  }
0xa1: {  	s23 =	simm.s32 $0x1B8B  }
0xa2: {  	_ =	swait.ge [sflag:s23], $0x1  }
0xa3: {  	[sflag:s23] =	ssyncset.done $0x0  }
0xa4: {  	s25 =	simm.s32 $0x1B8E;
	s24 =	sld [smem:$0x3FFE];
	[sflag:s23] =	ssyncadd.s32 $0xFFFFFFFF  }
0xa5: {  	s26 =	simm.s32 $execute0_lowered;
	[smem:$0x3FD2] =	sst s25  }
0xa6: {  	s4 =	sshll.u32 s26, $0x1;
	_ =	strace $0x80000049;
	[dreg:$0x1] =	wrdreg $0xFFFFFFFF  }
0xa7: {  	s28 =	simm.s32 $_size_execute0_lowered;
	s2 =	sadd.s32 s2, s4;
	[dreg:$0x0] =	wrdreg $0x0  }
0xa8: {  	s4 =	sshll.u32 s28, $0x1;
	[dreg:$0x2] =	wrdreg s2  }
0xa9: {  	[dreg:$0x3] =	wrdreg s4  }
0xaa: {  	[dreg:$0x4] =	wrdreg $0xC0  }
0xab: {  	_ =	task [dreg:s6], $0x5FFFF  }
0xac: {  	[dreg:$0x1] =	wrdreg $0xFFFFFFFF  }
0xad: {  	[dreg:$0x0] =	wrdreg $0x60  }
0xae: {  	[dreg:$0x2] =	wrdreg s24  }
0xaf: {  	[dreg:$0x3] =	wrdreg $0x120000  }
0xb0: {  	[dreg:$0x4] =	wrdreg $0x9  }
0xb1: {  	_ =	task.clear_ibuf [dreg:s6], $0x5FFFF;
	_ =	strace $0x90000049  }
0xb2: {  	s29 =	simm.s32 $0x9;
	_ =	strace $0x8000004B  }
0xb3: {  	_ =	swait.ge [sflag:s29], $0x1  }
0xb4: {  	[sflag:s29] =	ssyncadd.s32 $0xFFFFFFFF  }
0xb5: {  	_ =	strace $0x9000004B  }
0xb6: {  	_ =	sfence  }
0xb7: {  	s30 =	sld [smem:$0x0];
	_ =	sdelay $0x2  }
0xb8: {  	s31 =	sshll.u32 s1, $0xD;
	s1 =	sshrl.u32 s1, $0x2  }
0xb9: {  	s3 =	sand.u32 $0x4000, s31;
	s1 =	sadd.s32 s1, s30  }
0xba: {  	s0 =	sor.u32 s3, s0;
	s1 =	sshll.u32 s1, $0x11  }
0xbb: {  	s0 =	sor.u32 s1, s0  }
0xbc: {  	s0 =	sadd.s32 $0x8F2B, s0  }
0xbd: {  	[sflag:s0] =	ssyncadd.remote.s32 $0x1  }
0xbe: {  	_ =	sfence.sel $0xFFFF  }
0xbf: {  	[dreg:$0x0] =	wrdreg $0xFFFFFFFF;
	(pc) =	sbr.abs _section_cstart, $3  }
0xc0: {  	[dreg:$0x1] =	wrdreg $0xFFFFFFFF  }
0xc1: {  	_ =	task.clear_ibuf [dreg:s6], $0x2FFFF;
	_ =	strace $0x9FFFFFFF  }
0xc2: {  	(tm) =	ssettm $0x7FFFFFFF  }
0xc3: {  	_ =	shalt  }
tec
execute0_lowered:
.L_overlay_start_1:
0x0: {  	(tag) =	ssettag $0x1  }
0x1: {  	s0 =	srdreg.scid;
	s1 =	rddreg [dreg:$0x0]  }
0x2: {  	s2 =	rddreg [dreg:$0x1];
	s9 =	stileid.u32  }
0x3: {  	s3 =	simm.s32 $0x0;
	s28 =	simm.s32 $0xC000;
	s30 =	simm.s32 $0xE000  }
0x4: {  	s29 =	simm.s32 $0x3;
	s31 =	simm.s32 $0x4;
	s6 =	smul.u32 $0x28000, s9  }
0x5: {  	s0 =	sand.u32 $0x1, s0;
	[smem:$0x7FF] =	sst s3;
	s13 =	smul.u32 $0xA000, s9  }
0x6: {  	s4 =	sshll.u32 s0, $0x4;
	_ =	strace $0x8000004A;
	s12 =	ssub.s32 $0x2, s0  }
0x7: {  	s0 =	smul.u32 $0xA0000, s0;
	s4 =	sor.u32 s9, s4;
	s8 =	sshrl.u32 s12, $0x1  }
0x8: {  	s6 =	sshrl.u32 s6, $0x2;
	s20 =	sadd.s32 $0x2000, s13;
	s10 =	sadd.s32 s13, s2  }
0x9: {  	s23 =	sadd.s32 $0x4000, s13;
	s24 =	sadd.s32 $0x6000, s13;
	s9 =	simm.s32 $0x8  }
0xa: {  	s5 =	smul.u32 $0xA00, s4;
	s4 =	sadd.s32 $0x3A00, s1;
	s8 =	ssub.s32 s12, s8  }
0xb: {  	s19 =	sadd.s32 s0, s13;
	[dreg:$0x9] =	wrdreg s10;
	s21 =	sadd.s32 s0, s20  }
0xc: {  	s25 =	sadd.s32 s0, s24;
	s10 =	simm.s32 $0x0;
	s8 =	smax.u32 s8, $0x1  }
0xd: {  	s22 =	sshrl.u32 s21, $0x3;
	s7 =	sadd.s32 s5, s1;
	s5 =	sadd.s32 s6, s2  }
0xe: {  	s26 =	sshrl.u32 s25, $0x3;
	[dreg:$0xa] =	wrdreg s8;
	s14 =	sadd.s32 $0x2000, s5  }
0xf: {  	s25 =	simm.s32 $0x2;
	s15 =	sadd.s32 $0x4000, s5;
	[dreg:$0x3] =	wrdreg s14  }
0x10: {  	s1 =	sadd.s32 $0x67A00, s1;
	s16 =	sadd.s32 $0x6000, s5;
	[dreg:$0x4] =	wrdreg s15  }
0x11: {  	s6 =	sadd.s32 $0x8000, s13;
	s17 =	sadd.s32 $0x8000, s5;
	[dreg:$0x5] =	wrdreg s16  }
0x12: {  	s8 =	simm.s32 $0x7;
	s18 =	sadd.s32 $0x2BA00, s7;
	[dreg:$0x6] =	wrdreg s17  }
0x13: {  	s7 =	sadd.s32 $0x17A00, s7;
	s21 =	sadd.s32 s6, s2;
	[dreg:$0x7] =	wrdreg s18  }
0x14: {  	[dreg:$0x8] =	wrdreg s7;
	s7 =	sshrl.u32 s19, $0x3;
	s15 =	sadd.s32 s20, s2  }
0x15: {  	s16 =	sadd.s32 s1, s22;
	s17 =	sadd.s32 s23, s2;
	s19 =	sadd.s32 s24, s2  }
0x16: {  	s20 =	sadd.s32 s1, s26;
	s24 =	simm.s32 $0x9;
	s26 =	simm.s32 $0x80  }
0x17: {  	s14 =	sadd.s32 s1, s7;
	s7 =	sadd.s32 s0, s23;
	s0 =	sadd.s32 s0, s6  }
0x18: {  	s23 =	simm.s32 $0xA000;
	s7 =	sshrl.u32 s7, $0x3;
	s0 =	sshrl.u32 s0, $0x3  }
0x19: {  	s6 =	simm.s32 $0x5;
	s18 =	sadd.s32 s1, s7;
	s22 =	sadd.s32 s1, s0  }
0x1a: {  	v0 =	vimm.f32 $0.0e+00;
	s0 =	simm.s32 $0x10000;
	s1 =	simm.s32 $0x1;
	s7 =	simm.s32 $0x6  }
.LBB2_1:
0x1b: {  	s12 =	simm.s32 $0x100;
	s11 =	simm.s32 $0x0  }
.LBB2_2:
0x1c: {  	p0 =	sne.s32 s12, $0x7F00;
	[tilespmem:s11+$0xA030] =	vst v0;
	s13 =	smov.u32 s12;
	s12 =	sadd.s32 $0x100, s12  }
.Ltmp0:
0x1d: {  	[tilespmem:s11+$0xA020] =	vst v0;
	(pc) =	sbr.rel @p0 .LBB2_2-.Ltmp0, $3  }
0x1e: {  	[tilespmem:s11+$0xA000] =	vst v0  }
0x1f: {  	[tilespmem:s11+$0xA010] =	vst v0;
	_ =	sdelay $0x1  }
0x20: {  	s11 =	sshra.s32 s13, $0x2  }
0x21: {  	[tilespmem:s11+$0xA030] =	vst v0  }
0x22: {  	[tilespmem:s11+$0xA020] =	vst v0  }
0x23: {  	[tilespmem:s11+$0xA000] =	vst v0  }
0x24: {  	[tilespmem:s11+$0xA010] =	vst v0  }
0x25: {  	[spmem:s5] =	stream.linear.scatter [tilespmem:s23], [sflag:$0x9], $0x2000, $0x38;
	[tilespmem:$0x1C000] =	vst v63  }
0x26: {  	_ =	swait.ge [sflag:s24], $0x2000  }
0x27: {  	[sflag:s24] =	ssyncset.done $0x0  }
0x28: {  	s13 =	rddreg [dreg:$0x3];
	[sflag:s24] =	ssyncadd.s32 $0xFFFFE000  }
0x29: {  	[spmem:s13] =	stream.linear.scatter [tilespmem:s23], [sflag:$0x9], $0x2000, $0x38;
	[tilespmem:$0x1C000] =	vst v63  }
0x2a: {  	_ =	swait.ge [sflag:s24], $0x2000  }
0x2b: {  	[sflag:s24] =	ssyncset.done $0x0  }
0x2c: {  	s12 =	rddreg [dreg:$0x4];
	[sflag:s24] =	ssyncadd.s32 $0xFFFFE000  }
0x2d: {  	[spmem:s12] =	stream.linear.scatter [tilespmem:s23], [sflag:$0x9], $0x2000, $0x38;
	[tilespmem:$0x1C000] =	vst v63  }
0x2e: {  	_ =	swait.ge [sflag:s24], $0x2000  }
0x2f: {  	[sflag:s24] =	ssyncset.done $0x0  }
0x30: {  	s13 =	rddreg [dreg:$0x5];
	[sflag:s24] =	ssyncadd.s32 $0xFFFFE000  }
0x31: {  	[spmem:s13] =	stream.linear.scatter [tilespmem:s23], [sflag:$0x9], $0x2000, $0x38;
	[tilespmem:$0x1C000] =	vst v63  }
0x32: {  	_ =	swait.ge [sflag:s24], $0x2000  }
0x33: {  	[sflag:s24] =	ssyncset.done $0x0  }
0x34: {  	s12 =	rddreg [dreg:$0x6];
	[sflag:s24] =	ssyncadd.s32 $0xFFFFE000  }
0x35: {  	[spmem:s12] =	stream.linear.scatter [tilespmem:s23], [sflag:$0x9], $0x2000, $0x38;
	[tilespmem:$0x1C000] =	vst v63  }
0x36: {  	_ =	swait.ge [sflag:s24], $0x2000  }
0x37: {  	[sflag:s24] =	ssyncset.done $0x0  }
0x38: {  	[sflag:s24] =	ssyncadd.s32 $0xFFFFE000  }
0x39: {  	[bflag:$0x0] =	sbarrier.arrive $0xFFFF  }
0x3a: {  	s11 =	simm.s32 $0x0;
	s12 =	rddreg [dreg:$0x7]  }
0x3b: {  	[tilespmem:s11], [sflag:$0x9] =	stream.linear.gather [hbm4b:s12+s11], $0x5000, $0x38;
	[tilespmem:$0x1C000] =	vst v63  }
0x3c: {  	_ =	swait.ge [sflag:s24], $0x5000  }
0x3d: {  	[sflag:s24] =	ssyncset.done $0x0  }
0x3e: {  	s13 =	simm.s32 $0x5000;
	s12 =	rddreg [dreg:$0x8];
	[sflag:s24] =	ssyncadd.s32 $0xFFFFB000  }
0x3f: {  	[tilespmem:s13], [sflag:$0x9] =	stream.linear.gather [hbm4b:s12+s11], $0x5000, $0x38;
	[tilespmem:$0x1C000] =	vst v63  }
0x40: {  	_ =	swait.ge [sflag:s24], $0x5000  }
0x41: {  	[sflag:s24] =	ssyncset.done $0x0  }
0x42: {  	[sflag:s24] =	ssyncadd.s32 $0xFFFFB000  }
0x43: {  	[tilespmem:s23], [sflag:$0x1] =	stream.indirect.gather [hbm4b:s4+s26], $0x40, s11, s26, $0xb8;
	[tilespmem:$0x1C000] =	vst v63  }
0x44: {  	_ = 	snop  }
0x45: {  	[tilespmem:s28], [sflag:$0x2] =	stream.indirect.gather [hbm4b:s4+s26], $0x40, s26, s26, $0xb8;
	[tilespmem:$0x1C000] =	vst v63  }
0x46: {  	s13 =	simm.s32 $0x100  }
0x47: {  	[tilespmem:s30], [sflag:$0x3] =	stream.indirect.gather [hbm4b:s4+s26], $0x40, s13, s26, $0xb8;
	[tilespmem:$0x1C000] =	vst v63  }
0x48: {  	s12 =	simm.s32 $0x180  }
0x49: {  	[tilespmem:s0], [sflag:$0x4] =	stream.indirect.gather [hbm4b:s4+s26], $0x40, s12, s26, $0xb8;
	[tilespmem:$0x1C000] =	vst v63  }
0x4a: {  	_ =	swait.ge [sflag:s1], $0x2000  }
0x4b: {  	[sflag:s1] =	ssyncset.done $0x0  }
0x4c: {  	s13 =	simm.s32 $0x5000;
	[sflag:s1] =	ssyncadd.s32 $0xFFFFE000  }
0x4d: {  	[spmem:s2] =	stream.indirect.scatter.add.f32 [tilespmem:s23], [sflag:$0x5], $0x40, s13, s26, $0xb8;
	[tilespmem:$0x1C000] =	vst v63  }
0x4e: {  	_ =	swait.ge [sflag:s25], $0x2000  }
0x4f: {  	[sflag:s25] =	ssyncset.done $0x0  }
0x50: {  	s12 =	simm.s32 $0x5080;
	[sflag:s25] =	ssyncadd.s32 $0xFFFFE000  }
0x51: {  	[spmem:s2] =	stream.indirect.scatter.add.f32 [tilespmem:s28], [sflag:$0x6], $0x40, s12, s26, $0xb8;
	[tilespmem:$0x1C000] =	vst v63  }
0x52: {  	_ =	swait.ge [sflag:s29], $0x2000  }
0x53: {  	[sflag:s29] =	ssyncset.done $0x0  }
0x54: {  	s13 =	simm.s32 $0x5100;
	[sflag:s29] =	ssyncadd.s32 $0xFFFFE000  }
0x55: {  	[spmem:s2] =	stream.indirect.scatter.add.f32 [tilespmem:s30], [sflag:$0x7], $0x40, s13, s26, $0xb8;
	[tilespmem:$0x1C000] =	vst v63  }
0x56: {  	_ =	swait.ge [sflag:s31], $0x2000  }
0x57: {  	[sflag:s31] =	ssyncset.done $0x0  }
0x58: {  	s12 =	simm.s32 $0x5180;
	[sflag:s31] =	ssyncadd.s32 $0xFFFFE000  }
0x59: {  	[spmem:s2] =	stream.indirect.scatter.add.f32 [tilespmem:s0], [sflag:$0x8], $0x40, s12, s26, $0xb8;
	[tilespmem:$0x1C000] =	vst v63  }
0x5a: {  	_ =	swait.ge [sflag:s6], $0x2000  }
0x5b: {  	[sflag:s6] =	ssyncset.done $0x0  }
0x5c: {  	s13 =	simm.s32 $0x200;
	[sflag:s6] =	ssyncadd.s32 $0xFFFFE000  }
0x5d: {  	[tilespmem:s23], [sflag:$0x1] =	stream.indirect.gather [hbm4b:s4+s26], $0x40, s13, s26, $0xb8;
	[tilespmem:$0x1C000] =	vst v63  }
0x5e: {  	_ =	swait.ge [sflag:s7], $0x2000  }
0x5f: {  	[sflag:s7] =	ssyncset.done $0x0  }
0x60: {  	s12 =	simm.s32 $0x280;
	[sflag:s7] =	ssyncadd.s32 $0xFFFFE000  }
0x61: {  	[tilespmem:s28], [sflag:$0x2] =	stream.indirect.gather [hbm4b:s4+s26], $0x40, s12, s26, $0xb8;
	[tilespmem:$0x1C000] =	vst v63  }
0x62: {  	_ =	swait.ge [sflag:s8], $0x2000  }
0x63: {  	[sflag:s8] =	ssyncset.done $0x0  }
0x64: {  	s13 =	simm.s32 $0x300;
	[sflag:s8] =	ssyncadd.s32 $0xFFFFE000  }
0x65: {  	[tilespmem:s30], [sflag:$0x3] =	stream.indirect.gather [hbm4b:s4+s26], $0x40, s13, s26, $0xb8;
	[tilespmem:$0x1C000] =	vst v63  }
0x66: {  	_ =	swait.ge [sflag:s9], $0x2000  }
0x67: {  	[sflag:s9] =	ssyncset.done $0x0  }
0x68: {  	s11 =	simm.s32 $0x800;
	s12 =	simm.s32 $0x380;
	[sflag:s9] =	ssyncadd.s32 $0xFFFFE000  }
.LBB2_4:
0x69: {  	[tilespmem:s0], [sflag:$0x4] =	stream.indirect.gather [hbm4b:s4+s26], $0x40, s12, s26, $0xb8;
	[tilespmem:$0x1C000] =	vst v63  }
0x6a: {  	s12 =	smov.u32 s11  }
0x6b: {  	p0 =	sne.s32 s11, $0x13000;
	s11 =	sadd.s32 $0x800, s11;
	_ =	swait.ge [sflag:s1], $0x2000  }
0x6c: {  	s12 =	sshra.s32 s12, $0x2;
	[sflag:s1] =	ssyncset.done $0x0  }
0x6d: {  	s13 =	sadd.s32 $0x5000, s12;
	[sflag:s1] =	ssyncadd.s32 $0xFFFFE000  }
0x6e: {  	[spmem:s2] =	stream.indirect.scatter.add.f32 [tilespmem:s23], [sflag:$0x5], $0x40, s13, s26, $0xb8;
	[tilespmem:$0x1C000] =	vst v63  }
0x6f: {  	_ =	swait.ge [sflag:s25], $0x2000  }
0x70: {  	[sflag:s25] =	ssyncset.done $0x0  }
0x71: {  	s13 =	sadd.s32 $0x5080, s12;
	[sflag:s25] =	ssyncadd.s32 $0xFFFFE000  }
0x72: {  	[spmem:s2] =	stream.indirect.scatter.add.f32 [tilespmem:s28], [sflag:$0x6], $0x40, s13, s26, $0xb8;
	[tilespmem:$0x1C000] =	vst v63  }
0x73: {  	_ =	swait.ge [sflag:s29], $0x2000  }
0x74: {  	[sflag:s29] =	ssyncset.done $0x0  }
0x75: {  	s13 =	sadd.s32 $0x5100, s12;
	[sflag:s29] =	ssyncadd.s32 $0xFFFFE000  }
0x76: {  	[spmem:s2] =	stream.indirect.scatter.add.f32 [tilespmem:s30], [sflag:$0x7], $0x40, s13, s26, $0xb8;
	[tilespmem:$0x1C000] =	vst v63  }
0x77: {  	_ =	swait.ge [sflag:s31], $0x2000  }
0x78: {  	[sflag:s31] =	ssyncset.done $0x0  }
0x79: {  	s13 =	sadd.s32 $0x5180, s12;
	[sflag:s31] =	ssyncadd.s32 $0xFFFFE000  }
0x7a: {  	[spmem:s2] =	stream.indirect.scatter.add.f32 [tilespmem:s0], [sflag:$0x8], $0x40, s13, s26, $0xb8;
	[tilespmem:$0x1C000] =	vst v63  }
0x7b: {  	_ =	swait.ge [sflag:s6], $0x2000  }
0x7c: {  	[sflag:s6] =	ssyncset.done $0x0  }
0x7d: {  	s13 =	sadd.s32 $0x200, s12;
	[sflag:s6] =	ssyncadd.s32 $0xFFFFE000  }
0x7e: {  	[tilespmem:s23], [sflag:$0x1] =	stream.indirect.gather [hbm4b:s4+s26], $0x40, s13, s26, $0xb8;
	[tilespmem:$0x1C000] =	vst v63  }
0x7f: {  	_ =	swait.ge [sflag:s7], $0x2000  }
0x80: {  	[sflag:s7] =	ssyncset.done $0x0  }
0x81: {  	s13 =	sadd.s32 $0x280, s12;
	[sflag:s7] =	ssyncadd.s32 $0xFFFFE000  }
0x82: {  	[tilespmem:s28], [sflag:$0x2] =	stream.indirect.gather [hbm4b:s4+s26], $0x40, s13, s26, $0xb8;
	[tilespmem:$0x1C000] =	vst v63  }
0x83: {  	_ =	swait.ge [sflag:s8], $0x2000  }
0x84: {  	[sflag:s8] =	ssyncset.done $0x0  }
.Ltmp1:
0x85: {  	s13 =	sadd.s32 $0x300, s12;
	[sflag:s8] =	ssyncadd.s32 $0xFFFFE000;
	(pc) =	sbr.rel @p0 .LBB2_4-.Ltmp1, $4  }
0x86: {  	[tilespmem:s30], [sflag:$0x3] =	stream.indirect.gather [hbm4b:s4+s26], $0x40, s13, s26, $0xb8;
	[tilespmem:$0x1C000] =	vst v63  }
0x87: {  	_ =	swait.ge [sflag:s9], $0x2000  }
0x88: {  	[sflag:s9] =	ssyncset.done $0x0  }
0x89: {  	s12 =	sadd.s32 $0x380, s12;
	[sflag:s9] =	ssyncadd.s32 $0xFFFFE000  }
0x8a: {  	[tilespmem:s0], [sflag:$0x4] =	stream.indirect.gather [hbm4b:s4+s26], $0x40, s12, s26, $0xb8;
	[tilespmem:$0x1C000] =	vst v63  }
0x8b: {  	_ =	swait.ge [sflag:s1], $0x2000  }
0x8c: {  	[sflag:s1] =	ssyncset.done $0x0  }
0x8d: {  	s11 =	simm.s32 $0x9E00;
	[sflag:s1] =	ssyncadd.s32 $0xFFFFE000  }
0x8e: {  	[spmem:s2] =	stream.indirect.scatter.add.f32 [tilespmem:s23], [sflag:$0x5], $0x40, s11, s26, $0xb8;
	[tilespmem:$0x1C000] =	vst v63  }
0x8f: {  	_ =	swait.ge [sflag:s25], $0x2000  }
0x90: {  	[sflag:s25] =	ssyncset.done $0x0  }
0x91: {  	s13 =	simm.s32 $0x9E80;
	[sflag:s25] =	ssyncadd.s32 $0xFFFFE000  }
0x92: {  	[spmem:s2] =	stream.indirect.scatter.add.f32 [tilespmem:s28], [sflag:$0x6], $0x40, s13, s26, $0xb8;
	[tilespmem:$0x1C000] =	vst v63  }
0x93: {  	_ =	swait.ge [sflag:s29], $0x2000  }
0x94: {  	[sflag:s29] =	ssyncset.done $0x0  }
0x95: {  	s12 =	simm.s32 $0x9F00;
	[sflag:s29] =	ssyncadd.s32 $0xFFFFE000  }
0x96: {  	[spmem:s2] =	stream.indirect.scatter.add.f32 [tilespmem:s30], [sflag:$0x7], $0x40, s12, s26, $0xb8;
	[tilespmem:$0x1C000] =	vst v63  }
0x97: {  	_ =	swait.ge [sflag:s31], $0x2000  }
0x98: {  	[sflag:s31] =	ssyncset.done $0x0  }
0x99: {  	s13 =	simm.s32 $0x9F80;
	[sflag:s31] =	ssyncadd.s32 $0xFFFFE000  }
0x9a: {  	[spmem:s2] =	stream.indirect.scatter.add.f32 [tilespmem:s0], [sflag:$0x8], $0x40, s13, s26, $0xb8;
	[tilespmem:$0x1C000] =	vst v63  }
0x9b: {  	_ =	swait.ge [sflag:s6], $0x2000  }
0x9c: {  	[sflag:s6] =	ssyncset.done $0x0  }
0x9d: {  	[sflag:s6] =	ssyncadd.s32 $0xFFFFE000  }
0x9e: {  	_ =	swait.ge [sflag:s7], $0x2000  }
0x9f: {  	[sflag:s7] =	ssyncset.done $0x0  }
0xa0: {  	[sflag:s7] =	ssyncadd.s32 $0xFFFFE000  }
0xa1: {  	_ =	swait.ge [sflag:s8], $0x2000  }
0xa2: {  	[sflag:s8] =	ssyncset.done $0x0  }
0xa3: {  	[sflag:s8] =	ssyncadd.s32 $0xFFFFE000  }
0xa4: {  	_ =	swait.ge [sflag:s9], $0x2000  }
0xa5: {  	[sflag:s9] =	ssyncset.done $0x0  }
0xa6: {  	[sflag:s9] =	ssyncadd.s32 $0xFFFFE000  }
0xa7: {  	[bflag:$0x0] =	sbarrier.arrive $0xFFFF  }
0xa8: {  	s12 =	rddreg [dreg:$0x9]  }
0xa9: {  	[tilespmem:s23], [sflag:$0x9] =	stream.linear.gather [spmem:s12], $0x2000, $0x38;
	[tilespmem:$0x1C000] =	vst v63  }
0xaa: {  	_ =	swait.ge [sflag:s24], $0x2000  }
0xab: {  	[sflag:s24] =	ssyncset.done $0x0  }
0xac: {  	[sflag:s24] =	ssyncadd.s32 $0xFFFFE000  }
0xad: {  	[hbm4b:s14+s3] =	stream.linear.scatter [tilespmem:s23], [sflag:$0x9], $0x2000, $0x38;
	[tilespmem:$0x1C000] =	vst v63  }
0xae: {  	_ =	swait.ge [sflag:s24], $0x2000  }
0xaf: {  	[sflag:s24] =	ssyncset.done $0x0  }
0xb0: {  	[sflag:s24] =	ssyncadd.s32 $0xFFFFE000  }
0xb1: {  	[tilespmem:s23], [sflag:$0x9] =	stream.linear.gather [spmem:s15], $0x2000, $0x38;
	[tilespmem:$0x1C000] =	vst v63  }
0xb2: {  	_ =	swait.ge [sflag:s24], $0x2000  }
0xb3: {  	[sflag:s24] =	ssyncset.done $0x0  }
0xb4: {  	[sflag:s24] =	ssyncadd.s32 $0xFFFFE000  }
0xb5: {  	[hbm4b:s16+s3] =	stream.linear.scatter [tilespmem:s23], [sflag:$0x9], $0x2000, $0x38;
	[tilespmem:$0x1C000] =	vst v63  }
0xb6: {  	_ =	swait.ge [sflag:s24], $0x2000  }
0xb7: {  	[sflag:s24] =	ssyncset.done $0x0  }
0xb8: {  	[sflag:s24] =	ssyncadd.s32 $0xFFFFE000  }
0xb9: {  	[tilespmem:s23], [sflag:$0x9] =	stream.linear.gather [spmem:s17], $0x2000, $0x38;
	[tilespmem:$0x1C000] =	vst v63  }
0xba: {  	_ =	swait.ge [sflag:s24], $0x2000  }
0xbb: {  	[sflag:s24] =	ssyncset.done $0x0  }
0xbc: {  	[sflag:s24] =	ssyncadd.s32 $0xFFFFE000  }
0xbd: {  	[hbm4b:s18+s3] =	stream.linear.scatter [tilespmem:s23], [sflag:$0x9], $0x2000, $0x38;
	[tilespmem:$0x1C000] =	vst v63  }
0xbe: {  	_ =	swait.ge [sflag:s24], $0x2000  }
0xbf: {  	[sflag:s24] =	ssyncset.done $0x0  }
0xc0: {  	[sflag:s24] =	ssyncadd.s32 $0xFFFFE000  }
0xc1: {  	[tilespmem:s23], [sflag:$0x9] =	stream.linear.gather [spmem:s19], $0x2000, $0x38;
	[tilespmem:$0x1C000] =	vst v63  }
0xc2: {  	_ =	swait.ge [sflag:s24], $0x2000  }
0xc3: {  	[sflag:s24] =	ssyncset.done $0x0  }
0xc4: {  	[sflag:s24] =	ssyncadd.s32 $0xFFFFE000  }
0xc5: {  	[hbm4b:s20+s3] =	stream.linear.scatter [tilespmem:s23], [sflag:$0x9], $0x2000, $0x38;
	[tilespmem:$0x1C000] =	vst v63  }
0xc6: {  	_ =	swait.ge [sflag:s24], $0x2000  }
0xc7: {  	[sflag:s24] =	ssyncset.done $0x0  }
0xc8: {  	[sflag:s24] =	ssyncadd.s32 $0xFFFFE000  }
0xc9: {  	[tilespmem:s23], [sflag:$0x9] =	stream.linear.gather [spmem:s21], $0x2000, $0x38;
	[tilespmem:$0x1C000] =	vst v63  }
0xca: {  	_ =	swait.ge [sflag:s24], $0x2000  }
0xcb: {  	[sflag:s24] =	ssyncset.done $0x0  }
0xcc: {  	[sflag:s24] =	ssyncadd.s32 $0xFFFFE000  }
0xcd: {  	[hbm4b:s22+s3] =	stream.linear.scatter [tilespmem:s23], [sflag:$0x9], $0x2000, $0x38;
	[tilespmem:$0x1C000] =	vst v63  }
0xce: {  	_ =	swait.ge [sflag:s24], $0x2000  }
0xcf: {  	s10 =	sadd.s32 $0x1, s10;
	s13 =	rddreg [dreg:$0xa]  }
0xd0: {  	p0 =	sne.s32 s10, s13  }
.Ltmp2:
0xd1: {  	_ = 	snop;
	(pc) =	sbr.rel @p0 .LBB2_1-.Ltmp2, $3  }
0xd2: {  	_ =	sdelay $0x1  }
0xd3: {  	[sflag:s24] =	ssyncset.done $0x0  }
0xd4: {  	[sflag:s24] =	ssyncadd.s32 $0xFFFFE000  }
0xd5: {  	_ =	sfence.sel $0x180000  }
0xd6: {  	[bflag:$0x0] =	sbarrier.arrive $0xFFFF  }
0xd7: {  	_ =	strace $0x9000004A  }
0xd8: {  	s0 =	stileid.u32;
	[bflag:$0x2] =	sbarrier.arrive $0xFFFF  }
0xd9: {  	p0 =	sne.s32 s0, $0x0;
	s0 =	rddreg [dreg:$0x2]  }
0xda: {  	s0 =	sadd.s32 @!p0 $0x100000, s0  }
0xdb: {  	[sflag:s0] =	ssyncadd.tile.s32 @!p0 $0x1;
	_ =	shalt  }
.Lfunc_end2:
_tile_overlayer_lowered:
.L_overlay_start_2:
0xdc: {  	(tag) =	ssettag $0x2  }
0xdd: {  	s0 =	rddreg [dreg:$0x0];
	s2 =	stileid.u32  }
0xde: {  	s1 =	rddreg [dreg:$0x1];
	p0 =	sne.s32 s2, $0x0  }
0xdf: {  	s3 =	rddreg [dreg:$0x2];
	[bflag:$0x3] =	sbarrier.arrive $0xFFFF;
	s2 =	simm.s32 @!p0 $0x1C09  }
0xe0: {  	[timem:s3], [sflag:s2] =	dma.local @!p0 [hbm:s0], s1  }
0xe1: {  	s0 =	simm.s32 @!p0 $0x9  }
0xe2: {  	_ =	swait.ge @!p0 [sflag:s0], s1  }
0xe3: {  	s1 =	ssub.s32 @!p0 $0x0, s1;
	[sflag:s0] =	ssyncset.done @!p0 $0x0  }
0xe4: {  	[sflag:s0] =	ssyncadd.s32 @!p0 s1  }
0xe5: {  	[bflag:$0x3] =	sbarrier.arrive $0xFFFF  }
0xe6: {  	_ =	shalt  }

// kernel: kernel.16.cloned.1.call-start
scs
__scs_entry_jumppad:
0x0: {  	(pc) =	sbr.rel $0x88, $3  }
0x1: {  	(tag) =	ssettag $0x0;
	lr =	simm.s32 $0x1  }
0x2: {  	[smem:$0x3F95] =	sst lr;
	_ =	strace $0xD0000000  }
0x3: {  	_ = 	snop  }
0x4: {  	_ = 	snop  }
0x5: {  	_ = 	snop  }
0x6: {  	_ = 	snop  }
0x7: {  	_ = 	snop  }
__scs_overlays_trampoline_lowered:
0x8: {  	[smem:$0x3FA4] =	sst s0  }
0x9: {  	[smem:$0x3FA5] =	sst s1  }
0xa: {  	[smem:$0x3FA6] =	sst s2  }
0xb: {  	[smem:$0x3FA7] =	sst s3  }
0xc: {  	[smem:$0x3FA8] =	sst s4  }
0xd: {  	[smem:$0x3FA9] =	sst s5  }
0xe: {  	[smem:$0x3FAA] =	sst s6  }
0xf: {  	[smem:$0x3FAB] =	sst s7  }
0x10: {  	[smem:$0x3FAC] =	sst s8  }
0x11: {  	[smem:$0x3FAD] =	sst s9;
	s0 =	simm.s32 @!p0 $0x0  }
0x12: {  	s1 =	sld [smem:$0x3F93];
	s0 =	simm.s32 @p0 $0x1  }
0x13: {  	[smem:$0x3FAE] =	sst s0;
	s0 =	simm.s32 @!p1 $0x0  }
0x14: {  	s2 =	sld [smem:$0x3F92];
	s0 =	simm.s32 @p1 $0x1  }
0x15: {  	[smem:$0x3FAF] =	sst s0;
	s0 =	simm.s32 @!p2 $0x0  }
0x16: {  	s3 =	sld [smem:$0x3FDB];
	s0 =	simm.s32 @p2 $0x1  }
0x17: {  	s4 =	simm.s32 $0x1BF5;
	[smem:$0x3FB1] =	sst s0  }
0x18: {  	s0 =	sld [smem:$0x3F94];
	_ =	swait.ge [sflag:s4], $0x0  }
0x19: {  	s7 =	sld [smem:$0x3F95]  }
0x1a: {  	s8 =	sadd.s32 $0xFFFFE003, lr  }
0x1b: {  	s9 =	sadd.s32 $0xFFFFFEF7, lr;
	s5 =	simm.s32 $0xFFFFFFFF;
	p2 =	slt.u32 s8, $0xFFFFF086  }
0x1c: {  	p1 =	slt.u32 s9, $0xF7A;
	s5 =	simm.s32 @!p2 $0x0  }
0x1d: {  	s5 =	simm.s32 @p1 $0x1;
	p0 =	seq.s32 s7, s2  }
0x1e: {  	s7 =	smul.u32 @!p0 $0xF7A, s2;
	p2 =	seq.s32 @!p0 s5, $0x0  }
0x1f: {  	s9 =	smul.u32 $0xF7A, s1;
	s8 =	simm.s32 @!p0 $0x1BF5;
	p2 =	por !p2, p0  }
0x20: {  	[sflag:s8] =	ssyncset.s32 @!p0 $0xFFFFF086;
	s6 =	sadd.s32 @!p0 s3, s7;
	s7 =	simm.s32 @!p0 $0x108  }
0x21: {  	s3 =	sadd.s32 s3, s9;
	s6 =	sadd.s32 @!p0 $0x88, s6;
	s7 =	simm.s32 @p2 $0x1082  }
0x22: {  	[simem:s7], [sflag:s8] =	dma.local @!p0 [hbm:s6], $0xF7A  }
0x23: {  	s9 =	sor.u32 $0xD0000000, s2;
	s6 =	simm.s32 $0x108;
	_ =	swait.ge @!p0 [sflag:s8], $0x0  }
0x24: {  	s3 =	sadd.s32 $0x88, s3;
	s6 =	simm.s32 @!p1 $0x1082;
	[sflag:s4] =	ssyncset.s32 $0xFFFFF086  }
0x25: {  	[simem:s6], [sflag:s4] =	dma.local [hbm:s3], $0xF7A  }
0x26: {  	[smem:$0x3F95] =	sst s1;
	(tag) =	ssettag s2;
	_ =	strace s9  }
0x27: {  	s1 =	sld [smem:$0x3FA5]  }
0x28: {  	s2 =	sld [smem:$0x3FA6]  }
0x29: {  	s4 =	sld [smem:$0x3FA8]  }
0x2a: {  	p0 =	seq.s32 s5, $0x0;
	s5 =	sld [smem:$0x3FA9]  }
0x2b: {  	s6 =	sld [smem:$0x3FAA]  }
0x2c: {  	s7 =	sld [smem:$0x3FAB]  }
0x2d: {  	s3 =	simm.s32 $0x108;
	s8 =	sld [smem:$0x3FAC]  }
0x2e: {  	s3 =	simm.s32 @!p0 $0x1082;
	s9 =	sld [smem:$0x3FAD]  }
0x2f: {  	lr =	sadd.s32 s0, s3;
	s0 =	sld [smem:$0x3FA4]  }
0x30: {  	s3 =	sld [smem:$0x3FA7]  }
0x31: {  	[smem:$0x3FB0] =	sst s10  }
0x32: {  	s10 =	sld [smem:$0x3FAE];
	_ =	sdelay $0x3  }
0x33: {  	p0 =	seq.s32 s10, $0x1;
	s10 =	sld [smem:$0x3FB0];
	_ =	sdelay $0x3  }
0x34: {  	[smem:$0x3FB0] =	sst s10  }
0x35: {  	s10 =	sld [smem:$0x3FAF];
	_ =	sdelay $0x3  }
0x36: {  	p1 =	seq.s32 s10, $0x1;
	s10 =	sld [smem:$0x3FB0];
	_ =	sdelay $0x3  }
0x37: {  	[smem:$0x3FB0] =	sst s10  }
0x38: {  	s10 =	sld [smem:$0x3FB1]  }
0x39: {  	_ = 	snop;
	(pc) =	sbr.ind lr, $3  }
0x3a: {  	_ = 	snop  }
0x3b: {  	_ = 	snop  }
0x3c: {  	p2 =	seq.s32 s10, $0x1;
	s10 =	sld [smem:$0x3FB0]  }
0x3d: {  	_ =	shalt  }
0x3e: {  	_ =	shalt  }
0x3f: {  	_ =	shalt  }
0x40: {  	_ =	shalt  }
0x41: {  	_ =	shalt  }
0x42: {  	_ =	shalt  }
0x43: {  	_ =	shalt  }
0x44: {  	_ =	shalt  }
0x45: {  	_ =	shalt  }
0x46: {  	_ =	shalt  }
0x47: {  	_ =	shalt  }
0x48: {  	_ =	shalt  }
0x49: {  	_ =	shalt  }
0x4a: {  	_ =	shalt  }
0x4b: {  	_ =	shalt  }
0x4c: {  	_ =	shalt  }
0x4d: {  	_ =	shalt  }
0x4e: {  	_ =	shalt  }
0x4f: {  	_ =	shalt  }
0x50: {  	_ =	shalt  }
0x51: {  	_ =	shalt  }
0x52: {  	_ =	shalt  }
0x53: {  	_ =	shalt  }
0x54: {  	_ =	shalt  }
0x55: {  	_ =	shalt  }
0x56: {  	_ =	shalt  }
0x57: {  	_ =	shalt  }
0x58: {  	_ =	shalt  }
0x59: {  	_ =	shalt  }
0x5a: {  	_ =	shalt  }
0x5b: {  	_ =	shalt  }
0x5c: {  	_ =	shalt  }
0x5d: {  	_ =	shalt  }
0x5e: {  	_ =	shalt  }
0x5f: {  	_ =	shalt  }
0x60: {  	_ =	shalt  }
0x61: {  	_ =	shalt  }
0x62: {  	_ =	shalt  }
0x63: {  	_ =	shalt  }
0x64: {  	_ =	shalt  }
0x65: {  	_ =	shalt  }
0x66: {  	_ =	shalt  }
0x67: {  	_ =	shalt  }
0x68: {  	_ =	shalt  }
0x69: {  	_ =	shalt  }
0x6a: {  	_ =	shalt  }
0x6b: {  	_ =	shalt  }
0x6c: {  	_ =	shalt  }
0x6d: {  	_ =	shalt  }
0x6e: {  	_ =	shalt  }
0x6f: {  	_ =	shalt  }
0x70: {  	_ =	shalt  }
0x71: {  	_ =	shalt  }
0x72: {  	_ =	shalt  }
0x73: {  	_ =	shalt  }
0x74: {  	_ =	shalt  }
0x75: {  	_ =	shalt  }
0x76: {  	_ =	shalt  }
0x77: {  	_ =	shalt  }
0x78: {  	_ =	shalt  }
0x79: {  	_ =	shalt  }
0x7a: {  	_ =	shalt  }
0x7b: {  	_ =	shalt  }
0x7c: {  	_ =	shalt  }
0x7d: {  	_ =	shalt  }
0x7e: {  	_ =	shalt  }
0x7f: {  	_ =	shalt  }
0x80: {  	_ =	shalt  }
0x81: {  	_ =	shalt  }
0x82: {  	_ =	shalt  }
0x83: {  	_ =	shalt  }
0x84: {  	_ =	shalt  }
0x85: {  	_ =	shalt  }
0x86: {  	_ =	shalt  }
0x87: {  	_ =	shalt  }
.Lfunc_end0:
.L_simem_size_0:
called_computation.2_lowered:
.L_overlay_start_0:
0x88: {  	s2 =	sld [smem:$0x3FD9]  }
0x89: {  	s3 =	sld [smem:$0x3FFE];
	_ =	sdelay $0x1  }
0x8a: {  	s1 =	srdreg.scid  }
0x8b: {  	s0 =	sand.u32 $0x1, s1  }
0x8c: {  	s16 =	sshll.u32 s0, $0xA;
	s2 =	sadd.s32 s3, s2  }
0x8d: {  	s2 =	sadd.s32 s2, s16  }
0x8e: {  	[smem:$0x3FBC] =	sst s2  }
0x8f: {  	_ = 	snop  }
0x90: {  	(tm) =	ssettm $0x1  }
0x91: {  	s17 =	sld [smem:$0x3FFB];
	_ =	sdelay $0x3  }
0x92: {  	_ =	strace s17  }
0x93: {  	s2 =	sld [smem:$0x3FFC];
	_ =	sdelay $0x3  }
0x94: {  	_ =	strace s2  }
0x95: {  	s2 =	sld [smem:$0x3FFD];
	_ =	sdelay $0x3  }
0x96: {  	_ =	strace s2  }
0x97: {  	_ =	strace $0x8FFFFFFF  }
0x98: {  	s18 =	sld [smem:$0x3FDB];
	_ =	sdelay $0x1  }
0x99: {  	s19 =	simm.s32 $_scs_section_size  }
0x9a: {  	s4 =	simm.s32 $_size__tile_overlayer_lowered;
	s5 =	simm.s32 $_tile_overlayer_lowered  }
0x9b: {  	s22 =	simm.s32 $0x1BFF;
	s21 =	sshll.u32 s5, $0x1;
	s2 =	sadd.s32 s19, s18  }
0x9c: {  	s6 =	simm.s32 $0x0;
	s20 =	sshll.u32 s4, $0x1;
	s4 =	sadd.s32 s21, s2  }
0x9d: {  	[timem:s6], [sflag:s22] =	dma.local [hbm:s4], s20  }
0x9e: {  	_ =	swait.ge [sflag:s22], s20  }
0x9f: {  	s3 =	ssub.s32 $0x0, s20;
	[sflag:s22] =	ssyncset.done $0x0  }
0xa0: {  	[sflag:s22] =	ssyncadd.s32 s3;
	_ =	sdelay $0x1  }
0xa1: {  	s23 =	simm.s32 $0x1B8B  }
0xa2: {  	_ =	swait.ge [sflag:s23], $0x1  }
0xa3: {  	[sflag:s23] =	ssyncset.done $0x0  }
0xa4: {  	s25 =	simm.s32 $0x1B8E;
	s24 =	sld [smem:$0x3FFE];
	[sflag:s23] =	ssyncadd.s32 $0xFFFFFFFF  }
0xa5: {  	s26 =	simm.s32 $execute0_lowered;
	[smem:$0x3FD2] =	sst s25  }
0xa6: {  	s4 =	sshll.u32 s26, $0x1;
	_ =	strace $0x8000004C;
	[dreg:$0x1] =	wrdreg $0xFFFFFFFF  }
0xa7: {  	s28 =	simm.s32 $_size_execute0_lowered;
	s2 =	sadd.s32 s2, s4;
	[dreg:$0x0] =	wrdreg $0x0  }
0xa8: {  	s4 =	sshll.u32 s28, $0x1;
	[dreg:$0x2] =	wrdreg s2  }
0xa9: {  	[dreg:$0x3] =	wrdreg s4  }
0xaa: {  	[dreg:$0x4] =	wrdreg $0xC0  }
0xab: {  	_ =	task [dreg:s6], $0x5FFFF  }
0xac: {  	[dreg:$0x1] =	wrdreg $0xFFFFFFFF  }
0xad: {  	[dreg:$0x0] =	wrdreg $0x60  }
0xae: {  	[dreg:$0x2] =	wrdreg s24  }
0xaf: {  	[dreg:$0x3] =	wrdreg $0x120000  }
0xb0: {  	[dreg:$0x4] =	wrdreg $0x9  }
0xb1: {  	_ =	task.clear_ibuf [dreg:s6], $0x5FFFF;
	_ =	strace $0x9000004C  }
0xb2: {  	s29 =	simm.s32 $0x9;
	_ =	strace $0x8000004E  }
0xb3: {  	_ =	swait.ge [sflag:s29], $0x1  }
0xb4: {  	[sflag:s29] =	ssyncadd.s32 $0xFFFFFFFF  }
0xb5: {  	_ =	strace $0x9000004E  }
0xb6: {  	_ =	sfence  }
0xb7: {  	s30 =	sld [smem:$0x0];
	_ =	sdelay $0x2  }
0xb8: {  	s31 =	sshll.u32 s1, $0xD;
	s1 =	sshrl.u32 s1, $0x2  }
0xb9: {  	s3 =	sand.u32 $0x4000, s31;
	s1 =	sadd.s32 s1, s30  }
0xba: {  	s0 =	sor.u32 s3, s0;
	s1 =	sshll.u32 s1, $0x11  }
0xbb: {  	s0 =	sor.u32 s1, s0  }
0xbc: {  	s0 =	sadd.s32 $0x8F2B, s0  }
0xbd: {  	[sflag:s0] =	ssyncadd.remote.s32 $0x1  }
0xbe: {  	_ =	sfence.sel $0xFFFF  }
0xbf: {  	[dreg:$0x0] =	wrdreg $0xFFFFFFFF;
	(pc) =	sbr.abs _section_cstart, $3  }
0xc0: {  	[dreg:$0x1] =	wrdreg $0xFFFFFFFF  }
0xc1: {  	_ =	task.clear_ibuf [dreg:s6], $0x2FFFF;
	_ =	strace $0x9FFFFFFF  }
0xc2: {  	(tm) =	ssettm $0x7FFFFFFF  }
0xc3: {  	_ =	shalt  }
tec
execute0_lowered:
.L_overlay_start_1:
0x0: {  	(tag) =	ssettag $0x1  }
0x1: {  	s0 =	srdreg.scid;
	s1 =	rddreg [dreg:$0x0]  }
0x2: {  	s2 =	rddreg [dreg:$0x1];
	s9 =	stileid.u32  }
0x3: {  	s3 =	simm.s32 $0x0;
	s28 =	simm.s32 $0xC000;
	s30 =	simm.s32 $0xE000  }
0x4: {  	s29 =	simm.s32 $0x3;
	s31 =	simm.s32 $0x4;
	s6 =	smul.u32 $0x28000, s9  }
0x5: {  	s0 =	sand.u32 $0x1, s0;
	[smem:$0x7FF] =	sst s3;
	s13 =	smul.u32 $0xA000, s9  }
0x6: {  	s4 =	sshll.u32 s0, $0x4;
	_ =	strace $0x8000004D;
	s12 =	ssub.s32 $0x2, s0  }
0x7: {  	s0 =	smul.u32 $0xA0000, s0;
	s4 =	sor.u32 s9, s4;
	s8 =	sshrl.u32 s12, $0x1  }
0x8: {  	s6 =	sshrl.u32 s6, $0x2;
	s20 =	sadd.s32 $0x2000, s13;
	s10 =	sadd.s32 s13, s2  }
0x9: {  	s23 =	sadd.s32 $0x4000, s13;
	s24 =	sadd.s32 $0x6000, s13;
	s9 =	simm.s32 $0x8  }
0xa: {  	s5 =	smul.u32 $0xA00, s4;
	s4 =	sadd.s32 $0x3A00, s1;
	s8 =	ssub.s32 s12, s8  }
0xb: {  	s19 =	sadd.s32 s0, s13;
	[dreg:$0x9] =	wrdreg s10;
	s21 =	sadd.s32 s0, s20  }
0xc: {  	s25 =	sadd.s32 s0, s24;
	s10 =	simm.s32 $0x0;
	s8 =	smax.u32 s8, $0x1  }
0xd: {  	s22 =	sshrl.u32 s21, $0x3;
	s7 =	sadd.s32 s5, s1;
	s5 =	sadd.s32 s6, s2  }
0xe: {  	s26 =	sshrl.u32 s25, $0x3;
	[dreg:$0xa] =	wrdreg s8;
	s14 =	sadd.s32 $0x2000, s5  }
0xf: {  	s25 =	simm.s32 $0x2;
	s15 =	sadd.s32 $0x4000, s5;
	[dreg:$0x3] =	wrdreg s14  }
0x10: {  	s1 =	sadd.s32 $0x67A00, s1;
	s16 =	sadd.s32 $0x6000, s5;
	[dreg:$0x4] =	wrdreg s15  }
0x11: {  	s6 =	sadd.s32 $0x8000, s13;
	s17 =	sadd.s32 $0x8000, s5;
	[dreg:$0x5] =	wrdreg s16  }
0x12: {  	s8 =	simm.s32 $0x7;
	s18 =	sadd.s32 $0x2BA00, s7;
	[dreg:$0x6] =	wrdreg s17  }
0x13: {  	s7 =	sadd.s32 $0x17A00, s7;
	s21 =	sadd.s32 s6, s2;
	[dreg:$0x7] =	wrdreg s18  }
0x14: {  	[dreg:$0x8] =	wrdreg s7;
	s7 =	sshrl.u32 s19, $0x3;
	s15 =	sadd.s32 s20, s2  }
0x15: {  	s16 =	sadd.s32 s1, s22;
	s17 =	sadd.s32 s23, s2;
	s19 =	sadd.s32 s24, s2  }
0x16: {  	s20 =	sadd.s32 s1, s26;
	s24 =	simm.s32 $0x9;
	s26 =	simm.s32 $0x80  }
0x17: {  	s14 =	sadd.s32 s1, s7;
	s7 =	sadd.s32 s0, s23;
	s0 =	sadd.s32 s0, s6  }
0x18: {  	s23 =	simm.s32 $0xA000;
	s7 =	sshrl.u32 s7, $0x3;
	s0 =	sshrl.u32 s0, $0x3  }
0x19: {  	s6 =	simm.s32 $0x5;
	s18 =	sadd.s32 s1, s7;
	s22 =	sadd.s32 s1, s0  }
0x1a: {  	v0 =	vimm.f32 $0.0e+00;
	s0 =	simm.s32 $0x10000;
	s1 =	simm.s32 $0x1;
	s7 =	simm.s32 $0x6  }
.LBB2_1:
0x1b: {  	s12 =	simm.s32 $0x100;
	s11 =	simm.s32 $0x0  }
.LBB2_2:
0x1c: {  	p0 =	sne.s32 s12, $0x7F00;
	[tilespmem:s11+$0xA030] =	vst v0;
	s13 =	smov.u32 s12;
	s12 =	sadd.s32 $0x100, s12  }
.Ltmp0:
0x1d: {  	[tilespmem:s11+$0xA020] =	vst v0;
	(pc) =	sbr.rel @p0 .LBB2_2-.Ltmp0, $3  }
0x1e: {  	[tilespmem:s11+$0xA000] =	vst v0  }
0x1f: {  	[tilespmem:s11+$0xA010] =	vst v0;
	_ =	sdelay $0x1  }
0x20: {  	s11 =	sshra.s32 s13, $0x2  }
0x21: {  	[tilespmem:s11+$0xA030] =	vst v0  }
0x22: {  	[tilespmem:s11+$0xA020] =	vst v0  }
0x23: {  	[tilespmem:s11+$0xA000] =	vst v0  }
0x24: {  	[tilespmem:s11+$0xA010] =	vst v0  }
0x25: {  	[spmem:s5] =	stream.linear.scatter [tilespmem:s23], [sflag:$0x9], $0x2000, $0x38;
	[tilespmem:$0x1C000] =	vst v63  }
0x26: {  	_ =	swait.ge [sflag:s24], $0x2000  }
0x27: {  	[sflag:s24] =	ssyncset.done $0x0  }
0x28: {  	s13 =	rddreg [dreg:$0x3];
	[sflag:s24] =	ssyncadd.s32 $0xFFFFE000  }
0x29: {  	[spmem:s13] =	stream.linear.scatter [tilespmem:s23], [sflag:$0x9], $0x2000, $0x38;
	[tilespmem:$0x1C000] =	vst v63  }
0x2a: {  	_ =	swait.ge [sflag:s24], $0x2000  }
0x2b: {  	[sflag:s24] =	ssyncset.done $0x0  }
0x2c: {  	s12 =	rddreg [dreg:$0x4];
	[sflag:s24] =	ssyncadd.s32 $0xFFFFE000  }
0x2d: {  	[spmem:s12] =	stream.linear.scatter [tilespmem:s23], [sflag:$0x9], $0x2000, $0x38;
	[tilespmem:$0x1C000] =	vst v63  }
0x2e: {  	_ =	swait.ge [sflag:s24], $0x2000  }
0x2f: {  	[sflag:s24] =	ssyncset.done $0x0  }
0x30: {  	s13 =	rddreg [dreg:$0x5];
	[sflag:s24] =	ssyncadd.s32 $0xFFFFE000  }
0x31: {  	[spmem:s13] =	stream.linear.scatter [tilespmem:s23], [sflag:$0x9], $0x2000, $0x38;
	[tilespmem:$0x1C000] =	vst v63  }
0x32: {  	_ =	swait.ge [sflag:s24], $0x2000  }
0x33: {  	[sflag:s24] =	ssyncset.done $0x0  }
0x34: {  	s12 =	rddreg [dreg:$0x6];
	[sflag:s24] =	ssyncadd.s32 $0xFFFFE000  }
0x35: {  	[spmem:s12] =	stream.linear.scatter [tilespmem:s23], [sflag:$0x9], $0x2000, $0x38;
	[tilespmem:$0x1C000] =	vst v63  }
0x36: {  	_ =	swait.ge [sflag:s24], $0x2000  }
0x37: {  	[sflag:s24] =	ssyncset.done $0x0  }
0x38: {  	[sflag:s24] =	ssyncadd.s32 $0xFFFFE000  }
0x39: {  	[bflag:$0x0] =	sbarrier.arrive $0xFFFF  }
0x3a: {  	s11 =	simm.s32 $0x0;
	s12 =	rddreg [dreg:$0x7]  }
0x3b: {  	[tilespmem:s11], [sflag:$0x9] =	stream.linear.gather [hbm4b:s12+s11], $0x5000, $0x38;
	[tilespmem:$0x1C000] =	vst v63  }
0x3c: {  	_ =	swait.ge [sflag:s24], $0x5000  }
0x3d: {  	[sflag:s24] =	ssyncset.done $0x0  }
0x3e: {  	s13 =	simm.s32 $0x5000;
	s12 =	rddreg [dreg:$0x8];
	[sflag:s24] =	ssyncadd.s32 $0xFFFFB000  }
0x3f: {  	[tilespmem:s13], [sflag:$0x9] =	stream.linear.gather [hbm4b:s12+s11], $0x5000, $0x38;
	[tilespmem:$0x1C000] =	vst v63  }
0x40: {  	_ =	swait.ge [sflag:s24], $0x5000  }
0x41: {  	[sflag:s24] =	ssyncset.done $0x0  }
0x42: {  	[sflag:s24] =	ssyncadd.s32 $0xFFFFB000  }
0x43: {  	[tilespmem:s23], [sflag:$0x1] =	stream.indirect.gather [hbm4b:s4+s26], $0x40, s11, s26, $0xb8;
	[tilespmem:$0x1C000] =	vst v63  }
0x44: {  	_ = 	snop  }
0x45: {  	[tilespmem:s28], [sflag:$0x2] =	stream.indirect.gather [hbm4b:s4+s26], $0x40, s26, s26, $0xb8;
	[tilespmem:$0x1C000] =	vst v63  }
0x46: {  	s13 =	simm.s32 $0x100  }
0x47: {  	[tilespmem:s30], [sflag:$0x3] =	stream.indirect.gather [hbm4b:s4+s26], $0x40, s13, s26, $0xb8;
	[tilespmem:$0x1C000] =	vst v63  }
0x48: {  	s12 =	simm.s32 $0x180  }
0x49: {  	[tilespmem:s0], [sflag:$0x4] =	stream.indirect.gather [hbm4b:s4+s26], $0x40, s12, s26, $0xb8;
	[tilespmem:$0x1C000] =	vst v63  }
0x4a: {  	_ =	swait.ge [sflag:s1], $0x2000  }
0x4b: {  	[sflag:s1] =	ssyncset.done $0x0  }
0x4c: {  	s13 =	simm.s32 $0x5000;
	[sflag:s1] =	ssyncadd.s32 $0xFFFFE000  }
0x4d: {  	[spmem:s2] =	stream.indirect.scatter.add.f32 [tilespmem:s23], [sflag:$0x5], $0x40, s13, s26, $0xb8;
	[tilespmem:$0x1C000] =	vst v63  }
0x4e: {  	_ =	swait.ge [sflag:s25], $0x2000  }
0x4f: {  	[sflag:s25] =	ssyncset.done $0x0  }
0x50: {  	s12 =	simm.s32 $0x5080;
	[sflag:s25] =	ssyncadd.s32 $0xFFFFE000  }
0x51: {  	[spmem:s2] =	stream.indirect.scatter.add.f32 [tilespmem:s28], [sflag:$0x6], $0x40, s12, s26, $0xb8;
	[tilespmem:$0x1C000] =	vst v63  }
0x52: {  	_ =	swait.ge [sflag:s29], $0x2000  }
0x53: {  	[sflag:s29] =	ssyncset.done $0x0  }
0x54: {  	s13 =	simm.s32 $0x5100;
	[sflag:s29] =	ssyncadd.s32 $0xFFFFE000  }
0x55: {  	[spmem:s2] =	stream.indirect.scatter.add.f32 [tilespmem:s30], [sflag:$0x7], $0x40, s13, s26, $0xb8;
	[tilespmem:$0x1C000] =	vst v63  }
0x56: {  	_ =	swait.ge [sflag:s31], $0x2000  }
0x57: {  	[sflag:s31] =	ssyncset.done $0x0  }
0x58: {  	s12 =	simm.s32 $0x5180;
	[sflag:s31] =	ssyncadd.s32 $0xFFFFE000  }
0x59: {  	[spmem:s2] =	stream.indirect.scatter.add.f32 [tilespmem:s0], [sflag:$0x8], $0x40, s12, s26, $0xb8;
	[tilespmem:$0x1C000] =	vst v63  }
0x5a: {  	_ =	swait.ge [sflag:s6], $0x2000  }
0x5b: {  	[sflag:s6] =	ssyncset.done $0x0  }
0x5c: {  	s13 =	simm.s32 $0x200;
	[sflag:s6] =	ssyncadd.s32 $0xFFFFE000  }
0x5d: {  	[tilespmem:s23], [sflag:$0x1] =	stream.indirect.gather [hbm4b:s4+s26], $0x40, s13, s26, $0xb8;
	[tilespmem:$0x1C000] =	vst v63  }
0x5e: {  	_ =	swait.ge [sflag:s7], $0x2000  }
0x5f: {  	[sflag:s7] =	ssyncset.done $0x0  }
0x60: {  	s12 =	simm.s32 $0x280;
	[sflag:s7] =	ssyncadd.s32 $0xFFFFE000  }
0x61: {  	[tilespmem:s28], [sflag:$0x2] =	stream.indirect.gather [hbm4b:s4+s26], $0x40, s12, s26, $0xb8;
	[tilespmem:$0x1C000] =	vst v63  }
0x62: {  	_ =	swait.ge [sflag:s8], $0x2000  }
0x63: {  	[sflag:s8] =	ssyncset.done $0x0  }
0x64: {  	s13 =	simm.s32 $0x300;
	[sflag:s8] =	ssyncadd.s32 $0xFFFFE000  }
0x65: {  	[tilespmem:s30], [sflag:$0x3] =	stream.indirect.gather [hbm4b:s4+s26], $0x40, s13, s26, $0xb8;
	[tilespmem:$0x1C000] =	vst v63  }
0x66: {  	_ =	swait.ge [sflag:s9], $0x2000  }
0x67: {  	[sflag:s9] =	ssyncset.done $0x0  }
0x68: {  	s11 =	simm.s32 $0x800;
	s12 =	simm.s32 $0x380;
	[sflag:s9] =	ssyncadd.s32 $0xFFFFE000  }
.LBB2_4:
0x69: {  	[tilespmem:s0], [sflag:$0x4] =	stream.indirect.gather [hbm4b:s4+s26], $0x40, s12, s26, $0xb8;
	[tilespmem:$0x1C000] =	vst v63  }
0x6a: {  	s12 =	smov.u32 s11  }
0x6b: {  	p0 =	sne.s32 s11, $0x13000;
	s11 =	sadd.s32 $0x800, s11;
	_ =	swait.ge [sflag:s1], $0x2000  }
0x6c: {  	s12 =	sshra.s32 s12, $0x2;
	[sflag:s1] =	ssyncset.done $0x0  }
0x6d: {  	s13 =	sadd.s32 $0x5000, s12;
	[sflag:s1] =	ssyncadd.s32 $0xFFFFE000  }
0x6e: {  	[spmem:s2] =	stream.indirect.scatter.add.f32 [tilespmem:s23], [sflag:$0x5], $0x40, s13, s26, $0xb8;
	[tilespmem:$0x1C000] =	vst v63  }
0x6f: {  	_ =	swait.ge [sflag:s25], $0x2000  }
0x70: {  	[sflag:s25] =	ssyncset.done $0x0  }
0x71: {  	s13 =	sadd.s32 $0x5080, s12;
	[sflag:s25] =	ssyncadd.s32 $0xFFFFE000  }
0x72: {  	[spmem:s2] =	stream.indirect.scatter.add.f32 [tilespmem:s28], [sflag:$0x6], $0x40, s13, s26, $0xb8;
	[tilespmem:$0x1C000] =	vst v63  }
0x73: {  	_ =	swait.ge [sflag:s29], $0x2000  }
0x74: {  	[sflag:s29] =	ssyncset.done $0x0  }
0x75: {  	s13 =	sadd.s32 $0x5100, s12;
	[sflag:s29] =	ssyncadd.s32 $0xFFFFE000  }
0x76: {  	[spmem:s2] =	stream.indirect.scatter.add.f32 [tilespmem:s30], [sflag:$0x7], $0x40, s13, s26, $0xb8;
	[tilespmem:$0x1C000] =	vst v63  }
0x77: {  	_ =	swait.ge [sflag:s31], $0x2000  }
0x78: {  	[sflag:s31] =	ssyncset.done $0x0  }
0x79: {  	s13 =	sadd.s32 $0x5180, s12;
	[sflag:s31] =	ssyncadd.s32 $0xFFFFE000  }
0x7a: {  	[spmem:s2] =	stream.indirect.scatter.add.f32 [tilespmem:s0], [sflag:$0x8], $0x40, s13, s26, $0xb8;
	[tilespmem:$0x1C000] =	vst v63  }
0x7b: {  	_ =	swait.ge [sflag:s6], $0x2000  }
0x7c: {  	[sflag:s6] =	ssyncset.done $0x0  }
0x7d: {  	s13 =	sadd.s32 $0x200, s12;
	[sflag:s6] =	ssyncadd.s32 $0xFFFFE000  }
0x7e: {  	[tilespmem:s23], [sflag:$0x1] =	stream.indirect.gather [hbm4b:s4+s26], $0x40, s13, s26, $0xb8;
	[tilespmem:$0x1C000] =	vst v63  }
0x7f: {  	_ =	swait.ge [sflag:s7], $0x2000  }
0x80: {  	[sflag:s7] =	ssyncset.done $0x0  }
0x81: {  	s13 =	sadd.s32 $0x280, s12;
	[sflag:s7] =	ssyncadd.s32 $0xFFFFE000  }
0x82: {  	[tilespmem:s28], [sflag:$0x2] =	stream.indirect.gather [hbm4b:s4+s26], $0x40, s13, s26, $0xb8;
	[tilespmem:$0x1C000] =	vst v63  }
0x83: {  	_ =	swait.ge [sflag:s8], $0x2000  }
0x84: {  	[sflag:s8] =	ssyncset.done $0x0  }
.Ltmp1:
0x85: {  	s13 =	sadd.s32 $0x300, s12;
	[sflag:s8] =	ssyncadd.s32 $0xFFFFE000;
	(pc) =	sbr.rel @p0 .LBB2_4-.Ltmp1, $4  }
0x86: {  	[tilespmem:s30], [sflag:$0x3] =	stream.indirect.gather [hbm4b:s4+s26], $0x40, s13, s26, $0xb8;
	[tilespmem:$0x1C000] =	vst v63  }
0x87: {  	_ =	swait.ge [sflag:s9], $0x2000  }
0x88: {  	[sflag:s9] =	ssyncset.done $0x0  }
0x89: {  	s12 =	sadd.s32 $0x380, s12;
	[sflag:s9] =	ssyncadd.s32 $0xFFFFE000  }
0x8a: {  	[tilespmem:s0], [sflag:$0x4] =	stream.indirect.gather [hbm4b:s4+s26], $0x40, s12, s26, $0xb8;
	[tilespmem:$0x1C000] =	vst v63  }
0x8b: {  	_ =	swait.ge [sflag:s1], $0x2000  }
0x8c: {  	[sflag:s1] =	ssyncset.done $0x0  }
0x8d: {  	s11 =	simm.s32 $0x9E00;
	[sflag:s1] =	ssyncadd.s32 $0xFFFFE000  }
0x8e: {  	[spmem:s2] =	stream.indirect.scatter.add.f32 [tilespmem:s23], [sflag:$0x5], $0x40, s11, s26, $0xb8;
	[tilespmem:$0x1C000] =	vst v63  }
0x8f: {  	_ =	swait.ge [sflag:s25], $0x2000  }
0x90: {  	[sflag:s25] =	ssyncset.done $0x0  }
0x91: {  	s13 =	simm.s32 $0x9E80;
	[sflag:s25] =	ssyncadd.s32 $0xFFFFE000  }
0x92: {  	[spmem:s2] =	stream.indirect.scatter.add.f32 [tilespmem:s28], [sflag:$0x6], $0x40, s13, s26, $0xb8;
	[tilespmem:$0x1C000] =	vst v63  }
0x93: {  	_ =	swait.ge [sflag:s29], $0x2000  }
0x94: {  	[sflag:s29] =	ssyncset.done $0x0  }
0x95: {  	s12 =	simm.s32 $0x9F00;
	[sflag:s29] =	ssyncadd.s32 $0xFFFFE000  }
0x96: {  	[spmem:s2] =	stream.indirect.scatter.add.f32 [tilespmem:s30], [sflag:$0x7], $0x40, s12, s26, $0xb8;
	[tilespmem:$0x1C000] =	vst v63  }
0x97: {  	_ =	swait.ge [sflag:s31], $0x2000  }
0x98: {  	[sflag:s31] =	ssyncset.done $0x0  }
0x99: {  	s13 =	simm.s32 $0x9F80;
	[sflag:s31] =	ssyncadd.s32 $0xFFFFE000  }
0x9a: {  	[spmem:s2] =	stream.indirect.scatter.add.f32 [tilespmem:s0], [sflag:$0x8], $0x40, s13, s26, $0xb8;
	[tilespmem:$0x1C000] =	vst v63  }
0x9b: {  	_ =	swait.ge [sflag:s6], $0x2000  }
0x9c: {  	[sflag:s6] =	ssyncset.done $0x0  }
0x9d: {  	[sflag:s6] =	ssyncadd.s32 $0xFFFFE000  }
0x9e: {  	_ =	swait.ge [sflag:s7], $0x2000  }
0x9f: {  	[sflag:s7] =	ssyncset.done $0x0  }
0xa0: {  	[sflag:s7] =	ssyncadd.s32 $0xFFFFE000  }
0xa1: {  	_ =	swait.ge [sflag:s8], $0x2000  }
0xa2: {  	[sflag:s8] =	ssyncset.done $0x0  }
0xa3: {  	[sflag:s8] =	ssyncadd.s32 $0xFFFFE000  }
0xa4: {  	_ =	swait.ge [sflag:s9], $0x2000  }
0xa5: {  	[sflag:s9] =	ssyncset.done $0x0  }
0xa6: {  	[sflag:s9] =	ssyncadd.s32 $0xFFFFE000  }
0xa7: {  	[bflag:$0x0] =	sbarrier.arrive $0xFFFF  }
0xa8: {  	s12 =	rddreg [dreg:$0x9]  }
0xa9: {  	[tilespmem:s23], [sflag:$0x9] =	stream.linear.gather [spmem:s12], $0x2000, $0x38;
	[tilespmem:$0x1C000] =	vst v63  }
0xaa: {  	_ =	swait.ge [sflag:s24], $0x2000  }
0xab: {  	[sflag:s24] =	ssyncset.done $0x0  }
0xac: {  	[sflag:s24] =	ssyncadd.s32 $0xFFFFE000  }
0xad: {  	[hbm4b:s14+s3] =	stream.linear.scatter [tilespmem:s23], [sflag:$0x9], $0x2000, $0x38;
	[tilespmem:$0x1C000] =	vst v63  }
0xae: {  	_ =	swait.ge [sflag:s24], $0x2000  }
0xaf: {  	[sflag:s24] =	ssyncset.done $0x0  }
0xb0: {  	[sflag:s24] =	ssyncadd.s32 $0xFFFFE000  }
0xb1: {  	[tilespmem:s23], [sflag:$0x9] =	stream.linear.gather [spmem:s15], $0x2000, $0x38;
	[tilespmem:$0x1C000] =	vst v63  }
0xb2: {  	_ =	swait.ge [sflag:s24], $0x2000  }
0xb3: {  	[sflag:s24] =	ssyncset.done $0x0  }
0xb4: {  	[sflag:s24] =	ssyncadd.s32 $0xFFFFE000  }
0xb5: {  	[hbm4b:s16+s3] =	stream.linear.scatter [tilespmem:s23], [sflag:$0x9], $0x2000, $0x38;
	[tilespmem:$0x1C000] =	vst v63  }
0xb6: {  	_ =	swait.ge [sflag:s24], $0x2000  }
0xb7: {  	[sflag:s24] =	ssyncset.done $0x0  }
0xb8: {  	[sflag:s24] =	ssyncadd.s32 $0xFFFFE000  }
0xb9: {  	[tilespmem:s23], [sflag:$0x9] =	stream.linear.gather [spmem:s17], $0x2000, $0x38;
	[tilespmem:$0x1C000] =	vst v63  }
0xba: {  	_ =	swait.ge [sflag:s24], $0x2000  }
0xbb: {  	[sflag:s24] =	ssyncset.done $0x0  }
0xbc: {  	[sflag:s24] =	ssyncadd.s32 $0xFFFFE000  }
0xbd: {  	[hbm4b:s18+s3] =	stream.linear.scatter [tilespmem:s23], [sflag:$0x9], $0x2000, $0x38;
	[tilespmem:$0x1C000] =	vst v63  }
0xbe: {  	_ =	swait.ge [sflag:s24], $0x2000  }
0xbf: {  	[sflag:s24] =	ssyncset.done $0x0  }
0xc0: {  	[sflag:s24] =	ssyncadd.s32 $0xFFFFE000  }
0xc1: {  	[tilespmem:s23], [sflag:$0x9] =	stream.linear.gather [spmem:s19], $0x2000, $0x38;
	[tilespmem:$0x1C000] =	vst v63  }
0xc2: {  	_ =	swait.ge [sflag:s24], $0x2000  }
0xc3: {  	[sflag:s24] =	ssyncset.done $0x0  }
0xc4: {  	[sflag:s24] =	ssyncadd.s32 $0xFFFFE000  }
0xc5: {  	[hbm4b:s20+s3] =	stream.linear.scatter [tilespmem:s23], [sflag:$0x9], $0x2000, $0x38;
	[tilespmem:$0x1C000] =	vst v63  }
0xc6: {  	_ =	swait.ge [sflag:s24], $0x2000  }
0xc7: {  	[sflag:s24] =	ssyncset.done $0x0  }
0xc8: {  	[sflag:s24] =	ssyncadd.s32 $0xFFFFE000  }
0xc9: {  	[tilespmem:s23], [sflag:$0x9] =	stream.linear.gather [spmem:s21], $0x2000, $0x38;
	[tilespmem:$0x1C000] =	vst v63  }
0xca: {  	_ =	swait.ge [sflag:s24], $0x2000  }
0xcb: {  	[sflag:s24] =	ssyncset.done $0x0  }
0xcc: {  	[sflag:s24] =	ssyncadd.s32 $0xFFFFE000  }
0xcd: {  	[hbm4b:s22+s3] =	stream.linear.scatter [tilespmem:s23], [sflag:$0x9], $0x2000, $0x38;
	[tilespmem:$0x1C000] =	vst v63  }
0xce: {  	_ =	swait.ge [sflag:s24], $0x2000  }
0xcf: {  	s10 =	sadd.s32 $0x1, s10;
	s13 =	rddreg [dreg:$0xa]  }
0xd0: {  	p0 =	sne.s32 s10, s13  }
.Ltmp2:
0xd1: {  	_ = 	snop;
	(pc) =	sbr.rel @p0 .LBB2_1-.Ltmp2, $3  }
0xd2: {  	_ =	sdelay $0x1  }
0xd3: {  	[sflag:s24] =	ssyncset.done $0x0  }
0xd4: {  	[sflag:s24] =	ssyncadd.s32 $0xFFFFE000  }
0xd5: {  	_ =	sfence.sel $0x180000  }
0xd6: {  	[bflag:$0x0] =	sbarrier.arrive $0xFFFF  }
0xd7: {  	_ =	strace $0x9000004D  }
0xd8: {  	s0 =	stileid.u32;
	[bflag:$0x2] =	sbarrier.arrive $0xFFFF  }
0xd9: {  	p0 =	sne.s32 s0, $0x0;
	s0 =	rddreg [dreg:$0x2]  }
0xda: {  	s0 =	sadd.s32 @!p0 $0x100000, s0  }
0xdb: {  	[sflag:s0] =	ssyncadd.tile.s32 @!p0 $0x1;
	_ =	shalt  }
.Lfunc_end2:
_tile_overlayer_lowered:
.L_overlay_start_2:
0xdc: {  	(tag) =	ssettag $0x2  }
0xdd: {  	s0 =	rddreg [dreg:$0x0];
	s2 =	stileid.u32  }
0xde: {  	s1 =	rddreg [dreg:$0x1];
	p0 =	sne.s32 s2, $0x0  }
0xdf: {  	s3 =	rddreg [dreg:$0x2];
	[bflag:$0x3] =	sbarrier.arrive $0xFFFF;
	s2 =	simm.s32 @!p0 $0x1C09  }
0xe0: {  	[timem:s3], [sflag:s2] =	dma.local @!p0 [hbm:s0], s1  }
0xe1: {  	s0 =	simm.s32 @!p0 $0x9  }
0xe2: {  	_ =	swait.ge @!p0 [sflag:s0], s1  }
0xe3: {  	s1 =	ssub.s32 @!p0 $0x0, s1;
	[sflag:s0] =	ssyncset.done @!p0 $0x0  }
0xe4: {  	[sflag:s0] =	ssyncadd.s32 @!p0 s1  }
0xe5: {  	[bflag:$0x3] =	sbarrier.arrive $0xFFFF  }
0xe6: {  	_ =	shalt  }

// kernel: kernel.19.cloned.1.call-start
scs
__scs_entry_jumppad:
0x0: {  	(pc) =	sbr.rel $0x88, $3  }
0x1: {  	(tag) =	ssettag $0x0;
	lr =	simm.s32 $0x1  }
0x2: {  	[smem:$0x3F95] =	sst lr;
	_ =	strace $0xD0000000  }
0x3: {  	_ = 	snop  }
0x4: {  	_ = 	snop  }
0x5: {  	_ = 	snop  }
0x6: {  	_ = 	snop  }
0x7: {  	_ = 	snop  }
__scs_overlays_trampoline_lowered:
0x8: {  	[smem:$0x3FA4] =	sst s0  }
0x9: {  	[smem:$0x3FA5] =	sst s1  }
0xa: {  	[smem:$0x3FA6] =	sst s2  }
0xb: {  	[smem:$0x3FA7] =	sst s3  }
0xc: {  	[smem:$0x3FA8] =	sst s4  }
0xd: {  	[smem:$0x3FA9] =	sst s5  }
0xe: {  	[smem:$0x3FAA] =	sst s6  }
0xf: {  	[smem:$0x3FAB] =	sst s7  }
0x10: {  	[smem:$0x3FAC] =	sst s8  }
0x11: {  	[smem:$0x3FAD] =	sst s9;
	s0 =	simm.s32 @!p0 $0x0  }
0x12: {  	s1 =	sld [smem:$0x3F93];
	s0 =	simm.s32 @p0 $0x1  }
0x13: {  	[smem:$0x3FAE] =	sst s0;
	s0 =	simm.s32 @!p1 $0x0  }
0x14: {  	s2 =	sld [smem:$0x3F92];
	s0 =	simm.s32 @p1 $0x1  }
0x15: {  	[smem:$0x3FAF] =	sst s0;
	s0 =	simm.s32 @!p2 $0x0  }
0x16: {  	s3 =	sld [smem:$0x3FDB];
	s0 =	simm.s32 @p2 $0x1  }
0x17: {  	s4 =	simm.s32 $0x1BF5;
	[smem:$0x3FB1] =	sst s0  }
0x18: {  	s0 =	sld [smem:$0x3F94];
	_ =	swait.ge [sflag:s4], $0x0  }
0x19: {  	s7 =	sld [smem:$0x3F95]  }
0x1a: {  	s8 =	sadd.s32 $0xFFFFE003, lr  }
0x1b: {  	s9 =	sadd.s32 $0xFFFFFEF7, lr;
	s5 =	simm.s32 $0xFFFFFFFF;
	p2 =	slt.u32 s8, $0xFFFFF086  }
0x1c: {  	p1 =	slt.u32 s9, $0xF7A;
	s5 =	simm.s32 @!p2 $0x0  }
0x1d: {  	s5 =	simm.s32 @p1 $0x1;
	p0 =	seq.s32 s7, s2  }
0x1e: {  	s7 =	smul.u32 @!p0 $0xF7A, s2;
	p2 =	seq.s32 @!p0 s5, $0x0  }
0x1f: {  	s9 =	smul.u32 $0xF7A, s1;
	s8 =	simm.s32 @!p0 $0x1BF5;
	p2 =	por !p2, p0  }
0x20: {  	[sflag:s8] =	ssyncset.s32 @!p0 $0xFFFFF086;
	s6 =	sadd.s32 @!p0 s3, s7;
	s7 =	simm.s32 @!p0 $0x108  }
0x21: {  	s3 =	sadd.s32 s3, s9;
	s6 =	sadd.s32 @!p0 $0x88, s6;
	s7 =	simm.s32 @p2 $0x1082  }
0x22: {  	[simem:s7], [sflag:s8] =	dma.local @!p0 [hbm:s6], $0xF7A  }
0x23: {  	s9 =	sor.u32 $0xD0000000, s2;
	s6 =	simm.s32 $0x108;
	_ =	swait.ge @!p0 [sflag:s8], $0x0  }
0x24: {  	s3 =	sadd.s32 $0x88, s3;
	s6 =	simm.s32 @!p1 $0x1082;
	[sflag:s4] =	ssyncset.s32 $0xFFFFF086  }
0x25: {  	[simem:s6], [sflag:s4] =	dma.local [hbm:s3], $0xF7A  }
0x26: {  	[smem:$0x3F95] =	sst s1;
	(tag) =	ssettag s2;
	_ =	strace s9  }
0x27: {  	s1 =	sld [smem:$0x3FA5]  }
0x28: {  	s2 =	sld [smem:$0x3FA6]  }
0x29: {  	s4 =	sld [smem:$0x3FA8]  }
0x2a: {  	p0 =	seq.s32 s5, $0x0;
	s5 =	sld [smem:$0x3FA9]  }
0x2b: {  	s6 =	sld [smem:$0x3FAA]  }
0x2c: {  	s7 =	sld [smem:$0x3FAB]  }
0x2d: {  	s3 =	simm.s32 $0x108;
	s8 =	sld [smem:$0x3FAC]  }
0x2e: {  	s3 =	simm.s32 @!p0 $0x1082;
	s9 =	sld [smem:$0x3FAD]  }
0x2f: {  	lr =	sadd.s32 s0, s3;
	s0 =	sld [smem:$0x3FA4]  }
0x30: {  	s3 =	sld [smem:$0x3FA7]  }
0x31: {  	[smem:$0x3FB0] =	sst s10  }
0x32: {  	s10 =	sld [smem:$0x3FAE];
	_ =	sdelay $0x3  }
0x33: {  	p0 =	seq.s32 s10, $0x1;
	s10 =	sld [smem:$0x3FB0];
	_ =	sdelay $0x3  }
0x34: {  	[smem:$0x3FB0] =	sst s10  }
0x35: {  	s10 =	sld [smem:$0x3FAF];
	_ =	sdelay $0x3  }
0x36: {  	p1 =	seq.s32 s10, $0x1;
	s10 =	sld [smem:$0x3FB0];
	_ =	sdelay $0x3  }
0x37: {  	[smem:$0x3FB0] =	sst s10  }
0x38: {  	s10 =	sld [smem:$0x3FB1]  }
0x39: {  	_ = 	snop;
	(pc) =	sbr.ind lr, $3  }
0x3a: {  	_ = 	snop  }
0x3b: {  	_ = 	snop  }
0x3c: {  	p2 =	seq.s32 s10, $0x1;
	s10 =	sld [smem:$0x3FB0]  }
0x3d: {  	_ =	shalt  }
0x3e: {  	_ =	shalt  }
0x3f: {  	_ =	shalt  }
0x40: {  	_ =	shalt  }
0x41: {  	_ =	shalt  }
0x42: {  	_ =	shalt  }
0x43: {  	_ =	shalt  }
0x44: {  	_ =	shalt  }
0x45: {  	_ =	shalt  }
0x46: {  	_ =	shalt  }
0x47: {  	_ =	shalt  }
0x48: {  	_ =	shalt  }
0x49: {  	_ =	shalt  }
0x4a: {  	_ =	shalt  }
0x4b: {  	_ =	shalt  }
0x4c: {  	_ =	shalt  }
0x4d: {  	_ =	shalt  }
0x4e: {  	_ =	shalt  }
0x4f: {  	_ =	shalt  }
0x50: {  	_ =	shalt  }
0x51: {  	_ =	shalt  }
0x52: {  	_ =	shalt  }
0x53: {  	_ =	shalt  }
0x54: {  	_ =	shalt  }
0x55: {  	_ =	shalt  }
0x56: {  	_ =	shalt  }
0x57: {  	_ =	shalt  }
0x58: {  	_ =	shalt  }
0x59: {  	_ =	shalt  }
0x5a: {  	_ =	shalt  }
0x5b: {  	_ =	shalt  }
0x5c: {  	_ =	shalt  }
0x5d: {  	_ =	shalt  }
0x5e: {  	_ =	shalt  }
0x5f: {  	_ =	shalt  }
0x60: {  	_ =	shalt  }
0x61: {  	_ =	shalt  }
0x62: {  	_ =	shalt  }
0x63: {  	_ =	shalt  }
0x64: {  	_ =	shalt  }
0x65: {  	_ =	shalt  }
0x66: {  	_ =	shalt  }
0x67: {  	_ =	shalt  }
0x68: {  	_ =	shalt  }
0x69: {  	_ =	shalt  }
0x6a: {  	_ =	shalt  }
0x6b: {  	_ =	shalt  }
0x6c: {  	_ =	shalt  }
0x6d: {  	_ =	shalt  }
0x6e: {  	_ =	shalt  }
0x6f: {  	_ =	shalt  }
0x70: {  	_ =	shalt  }
0x71: {  	_ =	shalt  }
0x72: {  	_ =	shalt  }
0x73: {  	_ =	shalt  }
0x74: {  	_ =	shalt  }
0x75: {  	_ =	shalt  }
0x76: {  	_ =	shalt  }
0x77: {  	_ =	shalt  }
0x78: {  	_ =	shalt  }
0x79: {  	_ =	shalt  }
0x7a: {  	_ =	shalt  }
0x7b: {  	_ =	shalt  }
0x7c: {  	_ =	shalt  }
0x7d: {  	_ =	shalt  }
0x7e: {  	_ =	shalt  }
0x7f: {  	_ =	shalt  }
0x80: {  	_ =	shalt  }
0x81: {  	_ =	shalt  }
0x82: {  	_ =	shalt  }
0x83: {  	_ =	shalt  }
0x84: {  	_ =	shalt  }
0x85: {  	_ =	shalt  }
0x86: {  	_ =	shalt  }
0x87: {  	_ =	shalt  }
.Lfunc_end0:
.L_simem_size_0:
called_computation.3_lowered:
.L_overlay_start_0:
0x88: {  	s2 =	sld [smem:$0x3FD9]  }
0x89: {  	s3 =	sld [smem:$0x3FFE];
	_ =	sdelay $0x1  }
0x8a: {  	s1 =	srdreg.scid  }
0x8b: {  	s0 =	sand.u32 $0x1, s1  }
0x8c: {  	s16 =	sshll.u32 s0, $0xA;
	s2 =	sadd.s32 s3, s2  }
0x8d: {  	s2 =	sadd.s32 s2, s16  }
0x8e: {  	[smem:$0x3FBC] =	sst s2  }
0x8f: {  	_ = 	snop  }
0x90: {  	(tm) =	ssettm $0x1  }
0x91: {  	s17 =	sld [smem:$0x3FFB];
	_ =	sdelay $0x3  }
0x92: {  	_ =	strace s17  }
0x93: {  	s2 =	sld [smem:$0x3FFC];
	_ =	sdelay $0x3  }
0x94: {  	_ =	strace s2  }
0x95: {  	s2 =	sld [smem:$0x3FFD];
	_ =	sdelay $0x3  }
0x96: {  	_ =	strace s2  }
0x97: {  	_ =	strace $0x8FFFFFFF  }
0x98: {  	s18 =	sld [smem:$0x3FDB];
	_ =	sdelay $0x1  }
0x99: {  	s19 =	simm.s32 $_scs_section_size  }
0x9a: {  	s4 =	simm.s32 $_size__tile_overlayer_lowered;
	s5 =	simm.s32 $_tile_overlayer_lowered  }
0x9b: {  	s22 =	simm.s32 $0x1BFF;
	s21 =	sshll.u32 s5, $0x1;
	s2 =	sadd.s32 s19, s18  }
0x9c: {  	s6 =	simm.s32 $0x0;
	s20 =	sshll.u32 s4, $0x1;
	s4 =	sadd.s32 s21, s2  }
0x9d: {  	[timem:s6], [sflag:s22] =	dma.local [hbm:s4], s20  }
0x9e: {  	_ =	swait.ge [sflag:s22], s20  }
0x9f: {  	s3 =	ssub.s32 $0x0, s20;
	[sflag:s22] =	ssyncset.done $0x0  }
0xa0: {  	[sflag:s22] =	ssyncadd.s32 s3;
	_ =	sdelay $0x1  }
0xa1: {  	s23 =	simm.s32 $0x1B8B  }
0xa2: {  	_ =	swait.ge [sflag:s23], $0x1  }
0xa3: {  	[sflag:s23] =	ssyncset.done $0x0  }
0xa4: {  	s25 =	simm.s32 $0x1B8E;
	s24 =	sld [smem:$0x3FFE];
	[sflag:s23] =	ssyncadd.s32 $0xFFFFFFFF  }
0xa5: {  	s26 =	simm.s32 $execute0_lowered;
	[smem:$0x3FD2] =	sst s25  }
0xa6: {  	s4 =	sshll.u32 s26, $0x1;
	_ =	strace $0x8000004F;
	[dreg:$0x1] =	wrdreg $0xFFFFFFFF  }
0xa7: {  	s28 =	simm.s32 $_size_execute0_lowered;
	s2 =	sadd.s32 s2, s4;
	[dreg:$0x0] =	wrdreg $0x0  }
0xa8: {  	s4 =	sshll.u32 s28, $0x1;
	[dreg:$0x2] =	wrdreg s2  }
0xa9: {  	[dreg:$0x3] =	wrdreg s4  }
0xaa: {  	[dreg:$0x4] =	wrdreg $0xC0  }
0xab: {  	_ =	task [dreg:s6], $0x5FFFF  }
0xac: {  	[dreg:$0x1] =	wrdreg $0xFFFFFFFF  }
0xad: {  	[dreg:$0x0] =	wrdreg $0x60  }
0xae: {  	[dreg:$0x2] =	wrdreg s24  }
0xaf: {  	[dreg:$0x3] =	wrdreg $0x120000  }
0xb0: {  	[dreg:$0x4] =	wrdreg $0x9  }
0xb1: {  	_ =	task.clear_ibuf [dreg:s6], $0x5FFFF;
	_ =	strace $0x9000004F  }
0xb2: {  	s29 =	simm.s32 $0x9;
	_ =	strace $0x80000051  }
0xb3: {  	_ =	swait.ge [sflag:s29], $0x1  }
0xb4: {  	[sflag:s29] =	ssyncadd.s32 $0xFFFFFFFF  }
0xb5: {  	_ =	strace $0x90000051  }
0xb6: {  	_ =	sfence  }
0xb7: {  	s30 =	sld [smem:$0x0];
	_ =	sdelay $0x2  }
0xb8: {  	s31 =	sshll.u32 s1, $0xD;
	s1 =	sshrl.u32 s1, $0x2  }
0xb9: {  	s3 =	sand.u32 $0x4000, s31;
	s1 =	sadd.s32 s1, s30  }
0xba: {  	s0 =	sor.u32 s3, s0;
	s1 =	sshll.u32 s1, $0x11  }
0xbb: {  	s0 =	sor.u32 s1, s0  }
0xbc: {  	s0 =	sadd.s32 $0x8F2B, s0  }
0xbd: {  	[sflag:s0] =	ssyncadd.remote.s32 $0x1  }
0xbe: {  	_ =	sfence.sel $0xFFFF  }
0xbf: {  	[dreg:$0x0] =	wrdreg $0xFFFFFFFF;
	(pc) =	sbr.abs _section_cstart, $3  }
0xc0: {  	[dreg:$0x1] =	wrdreg $0xFFFFFFFF  }
0xc1: {  	_ =	task.clear_ibuf [dreg:s6], $0x2FFFF;
	_ =	strace $0x9FFFFFFF  }
0xc2: {  	(tm) =	ssettm $0x7FFFFFFF  }
0xc3: {  	_ =	shalt  }
tec
execute0_lowered:
.L_overlay_start_1:
0x0: {  	(tag) =	ssettag $0x1  }
0x1: {  	s0 =	srdreg.scid;
	s1 =	rddreg [dreg:$0x0]  }
0x2: {  	s2 =	rddreg [dreg:$0x1];
	s9 =	stileid.u32  }
0x3: {  	s3 =	simm.s32 $0x0;
	s28 =	simm.s32 $0xC000;
	s30 =	simm.s32 $0xE000  }
0x4: {  	s29 =	simm.s32 $0x3;
	s31 =	simm.s32 $0x4;
	s6 =	smul.u32 $0x28000, s9  }
0x5: {  	s0 =	sand.u32 $0x1, s0;
	[smem:$0x7FF] =	sst s3;
	s13 =	smul.u32 $0xA000, s9  }
0x6: {  	s4 =	sshll.u32 s0, $0x4;
	_ =	strace $0x80000050;
	s12 =	ssub.s32 $0x2, s0  }
0x7: {  	s0 =	smul.u32 $0xA0000, s0;
	s4 =	sor.u32 s9, s4;
	s8 =	sshrl.u32 s12, $0x1  }
0x8: {  	s6 =	sshrl.u32 s6, $0x2;
	s20 =	sadd.s32 $0x2000, s13;
	s10 =	sadd.s32 s13, s2  }
0x9: {  	s23 =	sadd.s32 $0x4000, s13;
	s24 =	sadd.s32 $0x6000, s13;
	s9 =	simm.s32 $0x8  }
0xa: {  	s5 =	smul.u32 $0xA00, s4;
	s4 =	sadd.s32 $0x3A00, s1;
	s8 =	ssub.s32 s12, s8  }
0xb: {  	s19 =	sadd.s32 s0, s13;
	[dreg:$0x9] =	wrdreg s10;
	s21 =	sadd.s32 s0, s20  }
0xc: {  	s25 =	sadd.s32 s0, s24;
	s10 =	simm.s32 $0x0;
	s8 =	smax.u32 s8, $0x1  }
0xd: {  	s22 =	sshrl.u32 s21, $0x3;
	s7 =	sadd.s32 s5, s1;
	s5 =	sadd.s32 s6, s2  }
0xe: {  	s26 =	sshrl.u32 s25, $0x3;
	[dreg:$0xa] =	wrdreg s8;
	s14 =	sadd.s32 $0x2000, s5  }
0xf: {  	s25 =	simm.s32 $0x2;
	s15 =	sadd.s32 $0x4000, s5;
	[dreg:$0x3] =	wrdreg s14  }
0x10: {  	s1 =	sadd.s32 $0x67A00, s1;
	s16 =	sadd.s32 $0x6000, s5;
	[dreg:$0x4] =	wrdreg s15  }
0x11: {  	s6 =	sadd.s32 $0x8000, s13;
	s17 =	sadd.s32 $0x8000, s5;
	[dreg:$0x5] =	wrdreg s16  }
0x12: {  	s8 =	simm.s32 $0x7;
	s18 =	sadd.s32 $0x2BA00, s7;
	[dreg:$0x6] =	wrdreg s17  }
0x13: {  	s7 =	sadd.s32 $0x17A00, s7;
	s21 =	sadd.s32 s6, s2;
	[dreg:$0x7] =	wrdreg s18  }
0x14: {  	[dreg:$0x8] =	wrdreg s7;
	s7 =	sshrl.u32 s19, $0x3;
	s15 =	sadd.s32 s20, s2  }
0x15: {  	s16 =	sadd.s32 s1, s22;
	s17 =	sadd.s32 s23, s2;
	s19 =	sadd.s32 s24, s2  }
0x16: {  	s20 =	sadd.s32 s1, s26;
	s24 =	simm.s32 $0x9;
	s26 =	simm.s32 $0x80  }
0x17: {  	s14 =	sadd.s32 s1, s7;
	s7 =	sadd.s32 s0, s23;
	s0 =	sadd.s32 s0, s6  }
0x18: {  	s23 =	simm.s32 $0xA000;
	s7 =	sshrl.u32 s7, $0x3;
	s0 =	sshrl.u32 s0, $0x3  }
0x19: {  	s6 =	simm.s32 $0x5;
	s18 =	sadd.s32 s1, s7;
	s22 =	sadd.s32 s1, s0  }
0x1a: {  	v0 =	vimm.f32 $0.0e+00;
	s0 =	simm.s32 $0x10000;
	s1 =	simm.s32 $0x1;
	s7 =	simm.s32 $0x6  }
.LBB2_1:
0x1b: {  	s12 =	simm.s32 $0x100;
	s11 =	simm.s32 $0x0  }
.LBB2_2:
0x1c: {  	p0 =	sne.s32 s12, $0x7F00;
	[tilespmem:s11+$0xA030] =	vst v0;
	s13 =	smov.u32 s12;
	s12 =	sadd.s32 $0x100, s12  }
.Ltmp0:
0x1d: {  	[tilespmem:s11+$0xA020] =	vst v0;
	(pc) =	sbr.rel @p0 .LBB2_2-.Ltmp0, $3  }
0x1e: {  	[tilespmem:s11+$0xA000] =	vst v0  }
0x1f: {  	[tilespmem:s11+$0xA010] =	vst v0;
	_ =	sdelay $0x1  }
0x20: {  	s11 =	sshra.s32 s13, $0x2  }
0x21: {  	[tilespmem:s11+$0xA030] =	vst v0  }
0x22: {  	[tilespmem:s11+$0xA020] =	vst v0  }
0x23: {  	[tilespmem:s11+$0xA000] =	vst v0  }
0x24: {  	[tilespmem:s11+$0xA010] =	vst v0  }
0x25: {  	[spmem:s5] =	stream.linear.scatter [tilespmem:s23], [sflag:$0x9], $0x2000, $0x38;
	[tilespmem:$0x1C000] =	vst v63  }
0x26: {  	_ =	swait.ge [sflag:s24], $0x2000  }
0x27: {  	[sflag:s24] =	ssyncset.done $0x0  }
0x28: {  	s13 =	rddreg [dreg:$0x3];
	[sflag:s24] =	ssyncadd.s32 $0xFFFFE000  }
0x29: {  	[spmem:s13] =	stream.linear.scatter [tilespmem:s23], [sflag:$0x9], $0x2000, $0x38;
	[tilespmem:$0x1C000] =	vst v63  }
0x2a: {  	_ =	swait.ge [sflag:s24], $0x2000  }
0x2b: {  	[sflag:s24] =	ssyncset.done $0x0  }
0x2c: {  	s12 =	rddreg [dreg:$0x4];
	[sflag:s24] =	ssyncadd.s32 $0xFFFFE000  }
0x2d: {  	[spmem:s12] =	stream.linear.scatter [tilespmem:s23], [sflag:$0x9], $0x2000, $0x38;
	[tilespmem:$0x1C000] =	vst v63  }
0x2e: {  	_ =	swait.ge [sflag:s24], $0x2000  }
0x2f: {  	[sflag:s24] =	ssyncset.done $0x0  }
0x30: {  	s13 =	rddreg [dreg:$0x5];
	[sflag:s24] =	ssyncadd.s32 $0xFFFFE000  }
0x31: {  	[spmem:s13] =	stream.linear.scatter [tilespmem:s23], [sflag:$0x9], $0x2000, $0x38;
	[tilespmem:$0x1C000] =	vst v63  }
0x32: {  	_ =	swait.ge [sflag:s24], $0x2000  }
0x33: {  	[sflag:s24] =	ssyncset.done $0x0  }
0x34: {  	s12 =	rddreg [dreg:$0x6];
	[sflag:s24] =	ssyncadd.s32 $0xFFFFE000  }
0x35: {  	[spmem:s12] =	stream.linear.scatter [tilespmem:s23], [sflag:$0x9], $0x2000, $0x38;
	[tilespmem:$0x1C000] =	vst v63  }
0x36: {  	_ =	swait.ge [sflag:s24], $0x2000  }
0x37: {  	[sflag:s24] =	ssyncset.done $0x0  }
0x38: {  	[sflag:s24] =	ssyncadd.s32 $0xFFFFE000  }
0x39: {  	[bflag:$0x0] =	sbarrier.arrive $0xFFFF  }
0x3a: {  	s11 =	simm.s32 $0x0;
	s12 =	rddreg [dreg:$0x7]  }
0x3b: {  	[tilespmem:s11], [sflag:$0x9] =	stream.linear.gather [hbm4b:s12+s11], $0x5000, $0x38;
	[tilespmem:$0x1C000] =	vst v63  }
0x3c: {  	_ =	swait.ge [sflag:s24], $0x5000  }
0x3d: {  	[sflag:s24] =	ssyncset.done $0x0  }
0x3e: {  	s13 =	simm.s32 $0x5000;
	s12 =	rddreg [dreg:$0x8];
	[sflag:s24] =	ssyncadd.s32 $0xFFFFB000  }
0x3f: {  	[tilespmem:s13], [sflag:$0x9] =	stream.linear.gather [hbm4b:s12+s11], $0x5000, $0x38;
	[tilespmem:$0x1C000] =	vst v63  }
0x40: {  	_ =	swait.ge [sflag:s24], $0x5000  }
0x41: {  	[sflag:s24] =	ssyncset.done $0x0  }
0x42: {  	[sflag:s24] =	ssyncadd.s32 $0xFFFFB000  }
0x43: {  	[tilespmem:s23], [sflag:$0x1] =	stream.indirect.gather [hbm4b:s4+s26], $0x40, s11, s26, $0xb8;
	[tilespmem:$0x1C000] =	vst v63  }
0x44: {  	_ = 	snop  }
0x45: {  	[tilespmem:s28], [sflag:$0x2] =	stream.indirect.gather [hbm4b:s4+s26], $0x40, s26, s26, $0xb8;
	[tilespmem:$0x1C000] =	vst v63  }
0x46: {  	s13 =	simm.s32 $0x100  }
0x47: {  	[tilespmem:s30], [sflag:$0x3] =	stream.indirect.gather [hbm4b:s4+s26], $0x40, s13, s26, $0xb8;
	[tilespmem:$0x1C000] =	vst v63  }
0x48: {  	s12 =	simm.s32 $0x180  }
0x49: {  	[tilespmem:s0], [sflag:$0x4] =	stream.indirect.gather [hbm4b:s4+s26], $0x40, s12, s26, $0xb8;
	[tilespmem:$0x1C000] =	vst v63  }
0x4a: {  	_ =	swait.ge [sflag:s1], $0x2000  }
0x4b: {  	[sflag:s1] =	ssyncset.done $0x0  }
0x4c: {  	s13 =	simm.s32 $0x5000;
	[sflag:s1] =	ssyncadd.s32 $0xFFFFE000  }
0x4d: {  	[spmem:s2] =	stream.indirect.scatter.add.f32 [tilespmem:s23], [sflag:$0x5], $0x40, s13, s26, $0xb8;
	[tilespmem:$0x1C000] =	vst v63  }
0x4e: {  	_ =	swait.ge [sflag:s25], $0x2000  }
0x4f: {  	[sflag:s25] =	ssyncset.done $0x0  }
0x50: {  	s12 =	simm.s32 $0x5080;
	[sflag:s25] =	ssyncadd.s32 $0xFFFFE000  }
0x51: {  	[spmem:s2] =	stream.indirect.scatter.add.f32 [tilespmem:s28], [sflag:$0x6], $0x40, s12, s26, $0xb8;
	[tilespmem:$0x1C000] =	vst v63  }
0x52: {  	_ =	swait.ge [sflag:s29], $0x2000  }
0x53: {  	[sflag:s29] =	ssyncset.done $0x0  }
0x54: {  	s13 =	simm.s32 $0x5100;
	[sflag:s29] =	ssyncadd.s32 $0xFFFFE000  }
0x55: {  	[spmem:s2] =	stream.indirect.scatter.add.f32 [tilespmem:s30], [sflag:$0x7], $0x40, s13, s26, $0xb8;
	[tilespmem:$0x1C000] =	vst v63  }
0x56: {  	_ =	swait.ge [sflag:s31], $0x2000  }
0x57: {  	[sflag:s31] =	ssyncset.done $0x0  }
0x58: {  	s12 =	simm.s32 $0x5180;
	[sflag:s31] =	ssyncadd.s32 $0xFFFFE000  }
0x59: {  	[spmem:s2] =	stream.indirect.scatter.add.f32 [tilespmem:s0], [sflag:$0x8], $0x40, s12, s26, $0xb8;
	[tilespmem:$0x1C000] =	vst v63  }
0x5a: {  	_ =	swait.ge [sflag:s6], $0x2000  }
0x5b: {  	[sflag:s6] =	ssyncset.done $0x0  }
0x5c: {  	s13 =	simm.s32 $0x200;
	[sflag:s6] =	ssyncadd.s32 $0xFFFFE000  }
0x5d: {  	[tilespmem:s23], [sflag:$0x1] =	stream.indirect.gather [hbm4b:s4+s26], $0x40, s13, s26, $0xb8;
	[tilespmem:$0x1C000] =	vst v63  }
0x5e: {  	_ =	swait.ge [sflag:s7], $0x2000  }
0x5f: {  	[sflag:s7] =	ssyncset.done $0x0  }
0x60: {  	s12 =	simm.s32 $0x280;
	[sflag:s7] =	ssyncadd.s32 $0xFFFFE000  }
0x61: {  	[tilespmem:s28], [sflag:$0x2] =	stream.indirect.gather [hbm4b:s4+s26], $0x40, s12, s26, $0xb8;
	[tilespmem:$0x1C000] =	vst v63  }
0x62: {  	_ =	swait.ge [sflag:s8], $0x2000  }
0x63: {  	[sflag:s8] =	ssyncset.done $0x0  }
0x64: {  	s13 =	simm.s32 $0x300;
	[sflag:s8] =	ssyncadd.s32 $0xFFFFE000  }
0x65: {  	[tilespmem:s30], [sflag:$0x3] =	stream.indirect.gather [hbm4b:s4+s26], $0x40, s13, s26, $0xb8;
	[tilespmem:$0x1C000] =	vst v63  }
0x66: {  	_ =	swait.ge [sflag:s9], $0x2000  }
0x67: {  	[sflag:s9] =	ssyncset.done $0x0  }
0x68: {  	s11 =	simm.s32 $0x800;
	s12 =	simm.s32 $0x380;
	[sflag:s9] =	ssyncadd.s32 $0xFFFFE000  }
.LBB2_4:
0x69: {  	[tilespmem:s0], [sflag:$0x4] =	stream.indirect.gather [hbm4b:s4+s26], $0x40, s12, s26, $0xb8;
	[tilespmem:$0x1C000] =	vst v63  }
0x6a: {  	s12 =	smov.u32 s11  }
0x6b: {  	p0 =	sne.s32 s11, $0x13000;
	s11 =	sadd.s32 $0x800, s11;
	_ =	swait.ge [sflag:s1], $0x2000  }
0x6c: {  	s12 =	sshra.s32 s12, $0x2;
	[sflag:s1] =	ssyncset.done $0x0  }
0x6d: {  	s13 =	sadd.s32 $0x5000, s12;
	[sflag:s1] =	ssyncadd.s32 $0xFFFFE000  }
0x6e: {  	[spmem:s2] =	stream.indirect.scatter.add.f32 [tilespmem:s23], [sflag:$0x5], $0x40, s13, s26, $0xb8;
	[tilespmem:$0x1C000] =	vst v63  }
0x6f: {  	_ =	swait.ge [sflag:s25], $0x2000  }
0x70: {  	[sflag:s25] =	ssyncset.done $0x0  }
0x71: {  	s13 =	sadd.s32 $0x5080, s12;
	[sflag:s25] =	ssyncadd.s32 $0xFFFFE000  }
0x72: {  	[spmem:s2] =	stream.indirect.scatter.add.f32 [tilespmem:s28], [sflag:$0x6], $0x40, s13, s26, $0xb8;
	[tilespmem:$0x1C000] =	vst v63  }
0x73: {  	_ =	swait.ge [sflag:s29], $0x2000  }
0x74: {  	[sflag:s29] =	ssyncset.done $0x0  }
0x75: {  	s13 =	sadd.s32 $0x5100, s12;
	[sflag:s29] =	ssyncadd.s32 $0xFFFFE000  }
0x76: {  	[spmem:s2] =	stream.indirect.scatter.add.f32 [tilespmem:s30], [sflag:$0x7], $0x40, s13, s26, $0xb8;
	[tilespmem:$0x1C000] =	vst v63  }
0x77: {  	_ =	swait.ge [sflag:s31], $0x2000  }
0x78: {  	[sflag:s31] =	ssyncset.done $0x0  }
0x79: {  	s13 =	sadd.s32 $0x5180, s12;
	[sflag:s31] =	ssyncadd.s32 $0xFFFFE000  }
0x7a: {  	[spmem:s2] =	stream.indirect.scatter.add.f32 [tilespmem:s0], [sflag:$0x8], $0x40, s13, s26, $0xb8;
	[tilespmem:$0x1C000] =	vst v63  }
0x7b: {  	_ =	swait.ge [sflag:s6], $0x2000  }
0x7c: {  	[sflag:s6] =	ssyncset.done $0x0  }
0x7d: {  	s13 =	sadd.s32 $0x200, s12;
	[sflag:s6] =	ssyncadd.s32 $0xFFFFE000  }
0x7e: {  	[tilespmem:s23], [sflag:$0x1] =	stream.indirect.gather [hbm4b:s4+s26], $0x40, s13, s26, $0xb8;
	[tilespmem:$0x1C000] =	vst v63  }
0x7f: {  	_ =	swait.ge [sflag:s7], $0x2000  }
0x80: {  	[sflag:s7] =	ssyncset.done $0x0  }
0x81: {  	s13 =	sadd.s32 $0x280, s12;
	[sflag:s7] =	ssyncadd.s32 $0xFFFFE000  }
0x82: {  	[tilespmem:s28], [sflag:$0x2] =	stream.indirect.gather [hbm4b:s4+s26], $0x40, s13, s26, $0xb8;
	[tilespmem:$0x1C000] =	vst v63  }
0x83: {  	_ =	swait.ge [sflag:s8], $0x2000  }
0x84: {  	[sflag:s8] =	ssyncset.done $0x0  }
.Ltmp1:
0x85: {  	s13 =	sadd.s32 $0x300, s12;
	[sflag:s8] =	ssyncadd.s32 $0xFFFFE000;
	(pc) =	sbr.rel @p0 .LBB2_4-.Ltmp1, $4  }
0x86: {  	[tilespmem:s30], [sflag:$0x3] =	stream.indirect.gather [hbm4b:s4+s26], $0x40, s13, s26, $0xb8;
	[tilespmem:$0x1C000] =	vst v63  }
0x87: {  	_ =	swait.ge [sflag:s9], $0x2000  }
0x88: {  	[sflag:s9] =	ssyncset.done $0x0  }
0x89: {  	s12 =	sadd.s32 $0x380, s12;
	[sflag:s9] =	ssyncadd.s32 $0xFFFFE000  }
0x8a: {  	[tilespmem:s0], [sflag:$0x4] =	stream.indirect.gather [hbm4b:s4+s26], $0x40, s12, s26, $0xb8;
	[tilespmem:$0x1C000] =	vst v63  }
0x8b: {  	_ =	swait.ge [sflag:s1], $0x2000  }
0x8c: {  	[sflag:s1] =	ssyncset.done $0x0  }
0x8d: {  	s11 =	simm.s32 $0x9E00;
	[sflag:s1] =	ssyncadd.s32 $0xFFFFE000  }
0x8e: {  	[spmem:s2] =	stream.indirect.scatter.add.f32 [tilespmem:s23], [sflag:$0x5], $0x40, s11, s26, $0xb8;
	[tilespmem:$0x1C000] =	vst v63  }
0x8f: {  	_ =	swait.ge [sflag:s25], $0x2000  }
0x90: {  	[sflag:s25] =	ssyncset.done $0x0  }
0x91: {  	s13 =	simm.s32 $0x9E80;
	[sflag:s25] =	ssyncadd.s32 $0xFFFFE000  }
0x92: {  	[spmem:s2] =	stream.indirect.scatter.add.f32 [tilespmem:s28], [sflag:$0x6], $0x40, s13, s26, $0xb8;
	[tilespmem:$0x1C000] =	vst v63  }
0x93: {  	_ =	swait.ge [sflag:s29], $0x2000  }
0x94: {  	[sflag:s29] =	ssyncset.done $0x0  }
0x95: {  	s12 =	simm.s32 $0x9F00;
	[sflag:s29] =	ssyncadd.s32 $0xFFFFE000  }
0x96: {  	[spmem:s2] =	stream.indirect.scatter.add.f32 [tilespmem:s30], [sflag:$0x7], $0x40, s12, s26, $0xb8;
	[tilespmem:$0x1C000] =	vst v63  }
0x97: {  	_ =	swait.ge [sflag:s31], $0x2000  }
0x98: {  	[sflag:s31] =	ssyncset.done $0x0  }
0x99: {  	s13 =	simm.s32 $0x9F80;
	[sflag:s31] =	ssyncadd.s32 $0xFFFFE000  }
0x9a: {  	[spmem:s2] =	stream.indirect.scatter.add.f32 [tilespmem:s0], [sflag:$0x8], $0x40, s13, s26, $0xb8;
	[tilespmem:$0x1C000] =	vst v63  }
0x9b: {  	_ =	swait.ge [sflag:s6], $0x2000  }
0x9c: {  	[sflag:s6] =	ssyncset.done $0x0  }
0x9d: {  	[sflag:s6] =	ssyncadd.s32 $0xFFFFE000  }
0x9e: {  	_ =	swait.ge [sflag:s7], $0x2000  }
0x9f: {  	[sflag:s7] =	ssyncset.done $0x0  }
0xa0: {  	[sflag:s7] =	ssyncadd.s32 $0xFFFFE000  }
0xa1: {  	_ =	swait.ge [sflag:s8], $0x2000  }
0xa2: {  	[sflag:s8] =	ssyncset.done $0x0  }
0xa3: {  	[sflag:s8] =	ssyncadd.s32 $0xFFFFE000  }
0xa4: {  	_ =	swait.ge [sflag:s9], $0x2000  }
0xa5: {  	[sflag:s9] =	ssyncset.done $0x0  }
0xa6: {  	[sflag:s9] =	ssyncadd.s32 $0xFFFFE000  }
0xa7: {  	[bflag:$0x0] =	sbarrier.arrive $0xFFFF  }
0xa8: {  	s12 =	rddreg [dreg:$0x9]  }
0xa9: {  	[tilespmem:s23], [sflag:$0x9] =	stream.linear.gather [spmem:s12], $0x2000, $0x38;
	[tilespmem:$0x1C000] =	vst v63  }
0xaa: {  	_ =	swait.ge [sflag:s24], $0x2000  }
0xab: {  	[sflag:s24] =	ssyncset.done $0x0  }
0xac: {  	[sflag:s24] =	ssyncadd.s32 $0xFFFFE000  }
0xad: {  	[hbm4b:s14+s3] =	stream.linear.scatter [tilespmem:s23], [sflag:$0x9], $0x2000, $0x38;
	[tilespmem:$0x1C000] =	vst v63  }
0xae: {  	_ =	swait.ge [sflag:s24], $0x2000  }
0xaf: {  	[sflag:s24] =	ssyncset.done $0x0  }
0xb0: {  	[sflag:s24] =	ssyncadd.s32 $0xFFFFE000  }
0xb1: {  	[tilespmem:s23], [sflag:$0x9] =	stream.linear.gather [spmem:s15], $0x2000, $0x38;
	[tilespmem:$0x1C000] =	vst v63  }
0xb2: {  	_ =	swait.ge [sflag:s24], $0x2000  }
0xb3: {  	[sflag:s24] =	ssyncset.done $0x0  }
0xb4: {  	[sflag:s24] =	ssyncadd.s32 $0xFFFFE000  }
0xb5: {  	[hbm4b:s16+s3] =	stream.linear.scatter [tilespmem:s23], [sflag:$0x9], $0x2000, $0x38;
	[tilespmem:$0x1C000] =	vst v63  }
0xb6: {  	_ =	swait.ge [sflag:s24], $0x2000  }
0xb7: {  	[sflag:s24] =	ssyncset.done $0x0  }
0xb8: {  	[sflag:s24] =	ssyncadd.s32 $0xFFFFE000  }
0xb9: {  	[tilespmem:s23], [sflag:$0x9] =	stream.linear.gather [spmem:s17], $0x2000, $0x38;
	[tilespmem:$0x1C000] =	vst v63  }
0xba: {  	_ =	swait.ge [sflag:s24], $0x2000  }
0xbb: {  	[sflag:s24] =	ssyncset.done $0x0  }
0xbc: {  	[sflag:s24] =	ssyncadd.s32 $0xFFFFE000  }
0xbd: {  	[hbm4b:s18+s3] =	stream.linear.scatter [tilespmem:s23], [sflag:$0x9], $0x2000, $0x38;
	[tilespmem:$0x1C000] =	vst v63  }
0xbe: {  	_ =	swait.ge [sflag:s24], $0x2000  }
0xbf: {  	[sflag:s24] =	ssyncset.done $0x0  }
0xc0: {  	[sflag:s24] =	ssyncadd.s32 $0xFFFFE000  }
0xc1: {  	[tilespmem:s23], [sflag:$0x9] =	stream.linear.gather [spmem:s19], $0x2000, $0x38;
	[tilespmem:$0x1C000] =	vst v63  }
0xc2: {  	_ =	swait.ge [sflag:s24], $0x2000  }
0xc3: {  	[sflag:s24] =	ssyncset.done $0x0  }
0xc4: {  	[sflag:s24] =	ssyncadd.s32 $0xFFFFE000  }
0xc5: {  	[hbm4b:s20+s3] =	stream.linear.scatter [tilespmem:s23], [sflag:$0x9], $0x2000, $0x38;
	[tilespmem:$0x1C000] =	vst v63  }
0xc6: {  	_ =	swait.ge [sflag:s24], $0x2000  }
0xc7: {  	[sflag:s24] =	ssyncset.done $0x0  }
0xc8: {  	[sflag:s24] =	ssyncadd.s32 $0xFFFFE000  }
0xc9: {  	[tilespmem:s23], [sflag:$0x9] =	stream.linear.gather [spmem:s21], $0x2000, $0x38;
	[tilespmem:$0x1C000] =	vst v63  }
0xca: {  	_ =	swait.ge [sflag:s24], $0x2000  }
0xcb: {  	[sflag:s24] =	ssyncset.done $0x0  }
0xcc: {  	[sflag:s24] =	ssyncadd.s32 $0xFFFFE000  }
0xcd: {  	[hbm4b:s22+s3] =	stream.linear.scatter [tilespmem:s23], [sflag:$0x9], $0x2000, $0x38;
	[tilespmem:$0x1C000] =	vst v63  }
0xce: {  	_ =	swait.ge [sflag:s24], $0x2000  }
0xcf: {  	s10 =	sadd.s32 $0x1, s10;
	s13 =	rddreg [dreg:$0xa]  }
0xd0: {  	p0 =	sne.s32 s10, s13  }
.Ltmp2:
0xd1: {  	_ = 	snop;
	(pc) =	sbr.rel @p0 .LBB2_1-.Ltmp2, $3  }
0xd2: {  	_ =	sdelay $0x1  }
0xd3: {  	[sflag:s24] =	ssyncset.done $0x0  }
0xd4: {  	[sflag:s24] =	ssyncadd.s32 $0xFFFFE000  }
0xd5: {  	_ =	sfence.sel $0x180000  }
0xd6: {  	[bflag:$0x0] =	sbarrier.arrive $0xFFFF  }
0xd7: {  	_ =	strace $0x90000050  }
0xd8: {  	s0 =	stileid.u32;
	[bflag:$0x2] =	sbarrier.arrive $0xFFFF  }
0xd9: {  	p0 =	sne.s32 s0, $0x0;
	s0 =	rddreg [dreg:$0x2]  }
0xda: {  	s0 =	sadd.s32 @!p0 $0x100000, s0  }
0xdb: {  	[sflag:s0] =	ssyncadd.tile.s32 @!p0 $0x1;
	_ =	shalt  }
.Lfunc_end2:
_tile_overlayer_lowered:
.L_overlay_start_2:
0xdc: {  	(tag) =	ssettag $0x2  }
0xdd: {  	s0 =	rddreg [dreg:$0x0];
	s2 =	stileid.u32  }
0xde: {  	s1 =	rddreg [dreg:$0x1];
	p0 =	sne.s32 s2, $0x0  }
0xdf: {  	s3 =	rddreg [dreg:$0x2];
	[bflag:$0x3] =	sbarrier.arrive $0xFFFF;
	s2 =	simm.s32 @!p0 $0x1C09  }
0xe0: {  	[timem:s3], [sflag:s2] =	dma.local @!p0 [hbm:s0], s1  }
0xe1: {  	s0 =	simm.s32 @!p0 $0x9  }
0xe2: {  	_ =	swait.ge @!p0 [sflag:s0], s1  }
0xe3: {  	s1 =	ssub.s32 @!p0 $0x0, s1;
	[sflag:s0] =	ssyncset.done @!p0 $0x0  }
0xe4: {  	[sflag:s0] =	ssyncadd.s32 @!p0 s1  }
0xe5: {  	[bflag:$0x3] =	sbarrier.arrive $0xFFFF  }
0xe6: {  	_ =	shalt  }

</sc_bundles>
